<compile_context>
chip_gen: v7x
topology: tpu7x:2x2x1
jax: 0.10.2.dev20260603
libtpu: 0.0.44.dev20260713+nightly
codegen_flags: <defaults>
</compile_context>

<pallas_src>
import functools

import jax
import jax.numpy as jnp
from jax import lax
from jax.experimental import pallas as pl
from jax.experimental.pallas import tpu as pltpu
from jax.experimental.pallas import tpu_sc as plsc

NC = 2
NS = 16
NW = NC * NS
CHUNK = 128
N_ACC = 10112
ROWS_PER_TILE = N_ACC // NS


NBUF = 3


def _sc_scatter_stage(table, src3, dst3, zeros_acc, n, width, n_chunks,
                      do_gather, ones_rows=None):
  mesh = plsc.VectorSubcoreMesh(core_axis_name="c", subcore_axis_name="s",
                                num_cores=NC, num_subcores=NS)
  assert n_chunks % NBUF == 0
  n_groups = n_chunks // NBUF

  scratch = (
      [
          pltpu.VMEM((n_chunks, CHUNK), jnp.int32),
          pltpu.VMEM((n_chunks, CHUNK), jnp.int32),
          pltpu.VMEM((NBUF, CHUNK, width), jnp.float32),
          pltpu.VMEM_SHARED((N_ACC, width), jnp.float32),
          pltpu.VMEM_SHARED((n, width), jnp.float32),
      ]
      + [pltpu.SemaphoreType.DMA] * (2 * NBUF)
  )

  @functools.partial(
      pl.kernel,
      out_type=jax.ShapeDtypeStruct((NC * N_ACC, width), jnp.float32),
      mesh=mesh,
      scratch_types=scratch,
      compiler_params=pltpu.CompilerParams(use_tc_tiling_on_sc=False),
  )
  def body(*refs):
    (table_h, src_h, dst_h, zeros_h, out_h, src_v, dst_v, rows_v, acc_sh,
     tbl_sh) = refs[:10]
    gsem = refs[10:10 + NBUF]
    ssem = refs[10 + NBUF:10 + 2 * NBUF]
    c = lax.axis_index("c")
    s = lax.axis_index("s")
    wid = s * NC + c

    pltpu.sync_copy(src_h.at[wid], src_v)
    pltpu.sync_copy(dst_h.at[wid], dst_v)

    pltpu.sync_copy(zeros_h.at[pl.ds(s * ROWS_PER_TILE, ROWS_PER_TILE)],
                    acc_sh.at[pl.ds(s * ROWS_PER_TILE, ROWS_PER_TILE)])
    if not do_gather:
      pltpu.sync_copy(table_h, rows_v.at[0])
    else:
      tbl_rows = tbl_sh.shape[0] // NS
      pltpu.sync_copy(table_h.at[pl.ds(s * tbl_rows, tbl_rows)],
                      tbl_sh.at[pl.ds(s * tbl_rows, tbl_rows)])
    plsc.subcore_barrier()

    if do_gather:
      for b in range(NBUF):
        pltpu.async_copy(tbl_sh.at[src_v.at[b]], rows_v.at[b], gsem[b])

      def group(g, carry):
        base = g * NBUF
        for b in range(NBUF):
          j = base + b
          pltpu.make_async_copy(tbl_sh.at[src_v.at[j]], rows_v.at[b],
                                gsem[b]).wait()
          pltpu.async_copy(rows_v.at[b], acc_sh.at[dst_v.at[j]], ssem[b],
                           add=True)
          pltpu.make_async_copy(rows_v.at[b], acc_sh.at[dst_v.at[j]],
                                ssem[b]).wait()
          jn = j + NBUF

          @pl.when(jn < n_chunks)
          def _():
            pltpu.async_copy(tbl_sh.at[src_v.at[jn]], rows_v.at[b], gsem[b])

        return carry

      lax.fori_loop(0, n_groups, group, 0)
    else:
      for b in range(NBUF):
        pltpu.async_copy(rows_v.at[0], acc_sh.at[dst_v.at[b]], ssem[b],
                         add=True)

      def group0(g, carry):
        base = g * NBUF
        for b in range(NBUF):
          j = base + b
          pltpu.make_async_copy(rows_v.at[0], acc_sh.at[dst_v.at[j]],
                                ssem[b]).wait()
          jn = j + NBUF

          @pl.when(jn < n_chunks)
          def _():
            pltpu.async_copy(rows_v.at[0], acc_sh.at[dst_v.at[jn]], ssem[b],
                             add=True)

        return carry

      lax.fori_loop(0, n_groups, group0, 0)

    plsc.subcore_barrier()

    base = s * ROWS_PER_TILE
    pltpu.sync_copy(acc_sh.at[pl.ds(base, ROWS_PER_TILE)],
                    out_h.at[pl.ds(c * N_ACC + base, ROWS_PER_TILE)])

  if do_gather:
    return body(table, src3, dst3, zeros_acc)
  else:
    return body(ones_rows, src3, dst3, zeros_acc)


def _split_partials(out2, n):
  return out2[:n], out2[N_ACC:N_ACC + n]



RB = 2000


def _row_specs(shapes):
  specs = []
  for kind, shp in shapes:
    if kind == "row":
      specs.append(pl.BlockSpec((RB, shp), lambda i: (i, 0)))
    else:
      specs.append(pl.BlockSpec(shp, lambda i, r=len(shp): (0,) * r))
  return specs


def _tc_call(fn, in_shapes, out_shapes, n, args, out_dtype=jnp.float32):
  grid = (n // RB,)
  return pl.pallas_call(
      fn,
      grid=grid,
      in_specs=_row_specs(in_shapes),
      out_specs=_row_specs(out_shapes),
      out_shape=[jax.ShapeDtypeStruct((n, k), out_dtype)
                 for _, k in out_shapes],
  )(*args)


def _tc1a(x, W, t1_o):
  t1_o[...] = jnp.dot(x[...], W[...], preferred_element_type=jnp.float32)


def _tc1b(dA, dB, t1, dinv_o, ys1_o):
  deg = dA[:, :1] + dB[:, :1] + 1.0
  dinv = lax.rsqrt(deg)
  dinv_o[...] = dinv
  ys1_o[...] = dinv * t1[...]


def _tc_mid(relu, t_p, Sa, Sb, dinv, Wn, b, t_o, ys_o, h_o=None):
  dv = dinv[...]
  u = dv * (Sa[...] + Sb[...]) + dv * dv * t_p[...] + b[...]
  if relu:
    u = jnp.maximum(u, 0.0)
  if h_o is not None:
    h_o[...] = u
  t = jnp.dot(u, Wn[...], preferred_element_type=jnp.float32)
  t_o[...] = t
  ys_o[...] = dv * t


def _tc4(t3, Sa, Sb, dinv, b, x1_o, ys4_o):
  dv = dinv[...]
  x1 = jnp.maximum(dv * (Sa[...] + Sb[...]) + dv * dv * t3[...] + b[...], 0.0)
  x1_o[...] = x1
  ys4_o[...] = dv * x1


def _tc_last(Sa, Sb, dinv, t, W, b, o):
  dv = dinv[...]
  A = dv * (Sa[...] + Sb[...]) + dv * dv * t[...]
  o[...] = jnp.dot(A, W[...], preferred_element_type=jnp.float32) + b[...]


MB_R = 400


def _tc_hb(Sa, Sb, dinv, t, W, b, o):
  dv = dinv[...]
  A = dv * (Sa[...] + Sb[...]) + dv * dv * t[...]
  h_ = jnp.dot(A, W[...], preferred_element_type=jnp.float32) + b[...]
  o[...] = h_.astype(jnp.bfloat16)


def _adj_kernel(hbi, hTb, o):
  o[...] = jnp.dot(hbi[...], hTb[...], preferred_element_type=jnp.float32)


def kernel(x, edge_index, W_e1, b_e1, W_e2, b_e2, W_a1, b_a1, W_a2, b_a2,
           W_s1, b_s1):
  n = x.shape[0]
  e = edge_index.shape[1]

  n_chunks = -(-e // (NW * CHUNK))
  n_chunks = -(-n_chunks // NBUF) * NBUF
  e_pad = n_chunks * NW * CHUNK
  src = jnp.concatenate(
      [edge_index[0], jnp.zeros((e_pad - e,), jnp.int32)])
  dst = jnp.concatenate(
      [edge_index[1], jnp.full((e_pad - e,), n, jnp.int32)])
  src3 = src.reshape(NW, n_chunks, CHUNK)
  dst3 = dst.reshape(NW, n_chunks, CHUNK)

  zeros64 = jnp.zeros((N_ACC, 64), jnp.float32)
  zeros16 = jnp.zeros((N_ACC, 16), jnp.float32)
  ones16 = jnp.ones((CHUNK, 16), jnp.float32)

  stage = functools.partial(_sc_scatter_stage, n=n, n_chunks=n_chunks)

  b_e1r = b_e1.reshape(1, 64)
  b_e2r = b_e2.reshape(1, 64)
  b_a1r = b_a1.reshape(1, 64)
  t1 = _tc_call(
      _tc1a,
      [("row", 128), ("full", (128, 64))],
      [("row", 64)],
      n, (x, W_e1))[0]

  degp = stage(None, src3, dst3, zeros16, width=16, do_gather=False,
               ones_rows=ones16)
  dA, dB = _split_partials(degp, n)
  dinv, ys1 = _tc_call(
      _tc1b,
      [("row", 16), ("row", 16), ("row", 64)],
      [("row", 1), ("row", 64)],
      n, (dA, dB, t1))

  s1 = stage(ys1, src3, dst3, zeros64, width=64, do_gather=True)
  S1a, S1b = _split_partials(s1, n)

  t2, ys2 = _tc_call(
      functools.partial(_tc_mid, True),
      [("row", 64), ("row", 64), ("row", 64), ("row", 1),
       ("full", (64, 64)), ("full", (1, 64))],
      [("row", 64), ("row", 64)],
      n, (t1, S1a, S1b, dinv, W_e2, b_e1r))

  s2 = stage(ys2, src3, dst3, zeros64, width=64, do_gather=True)
  S2a, S2b = _split_partials(s2, n)

  def _tc3(t2_r, Sa, Sb, dinv, Wn, b, t_o, ys_o, h_o, ys5_o):
    dv = dinv[...]
    h_v = dv * (Sa[...] + Sb[...]) + dv * dv * t2_r[...] + b[...]
    h_o[...] = h_v
    ys5_o[...] = dv * h_v
    t = jnp.dot(h_v, Wn[...], preferred_element_type=jnp.float32)
    t_o[...] = t
    ys_o[...] = dv * t

  t3, ys3, h, ys5 = _tc_call(
      _tc3,
      [("row", 64), ("row", 64), ("row", 64), ("row", 1),
       ("full", (64, 64)), ("full", (1, 64))],
      [("row", 64), ("row", 64), ("row", 64), ("row", 64)],
      n, (t2, S2a, S2b, dinv, W_a1, b_e2r))

  s5 = stage(ys5, src3, dst3, zeros64, width=64, do_gather=True)
  S5a, S5b = _split_partials(s5, n)

  hb = _tc_call(
      _tc_hb,
      [("row", 64), ("row", 64), ("row", 1), ("row", 64),
       ("full", (64, 128)), ("full", (1, 128))],
      [("row", 128)],
      n, (S5a, S5b, dinv, h, W_s1, b_s1.reshape(1, 128)),
      out_dtype=jnp.bfloat16)[0]
  hTb = hb.T

  s3 = stage(ys3, src3, dst3, zeros64, width=64, do_gather=True)
  S3a, S3b = _split_partials(s3, n)

  adj_ = pl.pallas_call(
      _adj_kernel,
      grid=(n // MB_R,),
      in_specs=[
          pl.BlockSpec((MB_R, 128), lambda i: (i, 0)),
          pl.BlockSpec((128, n), lambda i: (0, 0)),
      ],
      out_specs=pl.BlockSpec((MB_R, n), lambda i: (i, 0)),
      out_shape=jax.ShapeDtypeStruct((n, n), jnp.float32),
  )(hb, hTb)

  x1, ys4 = _tc_call(
      _tc4,
      [("row", 64), ("row", 64), ("row", 64), ("row", 1),
       ("full", (1, 64))],
      [("row", 64), ("row", 64)],
      n, (t3, S3a, S3b, dinv, b_a1r))

  s4 = stage(ys4, src3, dst3, zeros64, width=64, do_gather=True)
  S4a, S4b = _split_partials(s4, n)

  x_ = _tc_call(
      _tc_last,
      [("row", 64), ("row", 64), ("row", 1), ("row", 64),
       ("full", (64, 128)), ("full", (1, 128))],
      [("row", 128)],
      n, (S4a, S4b, dinv, x1, W_a2, b_a2.reshape(1, 128)))[0]

  return (x_, adj_)

# --- scband reference (transcript-rebuilt; emitter-appended) ---
"""Pipeline reference for scband-dominant-base-38199439131016 (READ-ONLY COPY).

The authoritative reference and input builder live on the scoring server;
editing this copy changes nothing except your own understanding.
"""

import jax, jax.numpy as jnp
import numpy as np

N = 10000
IN = 128
HID = 64
E = 320000


def setup_inputs(seed: int = 0) -> dict:
    key = jax.random.key(seed)
    ks = jax.random.split(key, 12)
    x = jax.random.normal(ks[0], (N, IN), dtype=jnp.float32)
    edge_index = jax.random.randint(ks[1], (2, E), 0, N, dtype=jnp.int32)
    s = 0.1
    return {
        'x': x,
        'edge_index': edge_index,
        'W_e1': jax.random.normal(ks[2], (IN, HID), dtype=jnp.float32) * s,
        'b_e1': jnp.zeros((HID,), dtype=jnp.float32),
        'W_e2': jax.random.normal(ks[3], (HID, HID), dtype=jnp.float32) * s,
        'b_e2': jnp.zeros((HID,), dtype=jnp.float32),
        'W_a1': jax.random.normal(ks[4], (HID, HID), dtype=jnp.float32) * s,
        'b_a1': jnp.zeros((HID,), dtype=jnp.float32),
        'W_a2': jax.random.normal(ks[5], (HID, IN), dtype=jnp.float32) * s,
        'b_a2': jnp.zeros((IN,), dtype=jnp.float32),
        'W_s1': jax.random.normal(ks[6], (HID, IN), dtype=jnp.float32) * s,
        'b_s1': jnp.zeros((IN,), dtype=jnp.float32),
    }


def _gcn_norm(edge_index, n):
    src = edge_index[0]
    dst = edge_index[1]
    loop = jnp.arange(n, dtype=edge_index.dtype)
    src_f = jnp.concatenate([src, loop])
    dst_f = jnp.concatenate([dst, loop])
    deg = jax.ops.segment_sum(jnp.ones(src_f.shape[0], jnp.float32), dst_f, num_segments=n)
    dinv = jnp.where(deg > 0, 1.0 / jnp.sqrt(deg), 0.0)
    norm = dinv[src_f] * dinv[dst_f]
    return src_f, dst_f, norm


def _gcn_conv(x, W, b, src_f, dst_f, norm, n):
    h = x @ W
    msg = h[src_f] * norm[:, None]
    out = jax.ops.segment_sum(msg, dst_f, num_segments=n)
    return out + b


def reference(x, edge_index, W_e1, b_e1, W_e2, b_e2, W_a1, b_a1, W_a2, b_a2, W_s1, b_s1):
    n = x.shape[0]
    src_f, dst_f, norm = _gcn_norm(edge_index, n)
    # shared encoder: 2 GCN layers, act after all but last
    h = _gcn_conv(x, W_e1, b_e1, src_f, dst_f, norm, n)
    h = jax.nn.relu(h)
    h = _gcn_conv(h, W_e2, b_e2, src_f, dst_f, norm, n)
    # attribute decoder: 2 GCN layers
    x_ = _gcn_conv(h, W_a1, b_a1, src_f, dst_f, norm, n)
    x_ = jax.nn.relu(x_)
    x_ = _gcn_conv(x_, W_a2, b_a2, src_f, dst_f, norm, n)
    # structure decoder: 1 GCN layer (no act)
    h_ = _gcn_conv(h, W_s1, b_s1, src_f, dst_f, norm, n)
    adj_ = h_ @ h_.T
    return (x_, adj_)

if __name__ == "__main__":
    import jax
    _d = setup_inputs()
    print(jax.jit(kernel)(*tuple(_d.values())))

</pallas_src>

<mosaic_0001>
#map = affine_map<(d0, d1) -> (0, 0)>
#map1 = affine_map<(d0, d1) -> (0, 0, 0)>
module attributes {stable_mosaic.version = 14 : i64} {
  func.func @body(%arg0: i32, %arg1: i32, %arg2: memref<10000x64xf32, #tpu.memory_space<hbm>>, %arg3: memref<32x81x128xi32, #tpu.memory_space<hbm>>, %arg4: memref<32x81x128xi32, #tpu.memory_space<hbm>>, %arg5: memref<10112x64xf32, #tpu.memory_space<hbm>>, %arg6: memref<20224x64xf32, #tpu.memory_space<hbm>>, %arg7: memref<81x128xi32, #tpu.memory_space<vmem>>, %arg8: memref<81x128xi32, #tpu.memory_space<vmem>>, %arg9: memref<3x128x64xf32, #tpu.memory_space<vmem>>, %arg10: memref<10112x64xf32, #tpu.memory_space<vmem_shared>>, %arg11: memref<10000x64xf32, #tpu.memory_space<vmem_shared>>, %arg12: memref<!tpu.dma_semaphore, #tpu.memory_space<semaphore_mem>>, %arg13: memref<!tpu.dma_semaphore, #tpu.memory_space<semaphore_mem>>, %arg14: memref<!tpu.dma_semaphore, #tpu.memory_space<semaphore_mem>>, %arg15: memref<!tpu.dma_semaphore, #tpu.memory_space<semaphore_mem>>, %arg16: memref<!tpu.dma_semaphore, #tpu.memory_space<semaphore_mem>>, %arg17: memref<!tpu.dma_semaphore, #tpu.memory_space<semaphore_mem>>) attributes {dimension_semantics = [#tpu.dimension_semantics<core_parallel>, #tpu.dimension_semantics<subcore_parallel>], iteration_bounds = array<i64: 2, 16>, scalar_prefetch = 0 : i64, scratch_operands = 11 : i64, tpu.core_type = #tpu.core_type<sc_vector_subcore>, window_params = [{transform_indices = #map}, {transform_indices = #map1}, {transform_indices = #map1}, {transform_indices = #map}, {transform_indices = #map}]} {
    %mul3A = arith.constant 2 : i32
    %mul3A_0 = arith.muli %arg1, %mul3A : i32
    %add3A = arith.addi %mul3A_0, %arg0 : i32
    "tpu.region"() ({
      %run_scoped3A = tpu.sem_alloc : memref<!tpu.dma_semaphore, #tpu.memory_space<semaphore_mem>>
      %dma_start3A_55 = arith.constant 0 : i32
      %dma_start3A_56 = arith.constant 0 : i32
      %dma_start3A_57 = tpu.memref_slice %arg3[%add3A, %dma_start3A_55, %dma_start3A_56] : memref<32x81x128xi32, #tpu.memory_space<hbm>> -> memref<1x81x128xi32, #tpu.memory_space<hbm>>
      %dma_start3A_58 = tpu.memref_squeeze %dma_start3A_57 : memref<1x81x128xi32, #tpu.memory_space<hbm>> -> memref<81x128xi32, #tpu.memory_space<hbm>>
      %dma_start3A_59 = arith.constant 0 : i32
      %dma_start3A_60 = arith.constant 0 : i32
      %dma_start3A_61 = tpu.memref_slice %arg3[%add3A, %dma_start3A_59, %dma_start3A_60] : memref<32x81x128xi32, #tpu.memory_space<hbm>> -> memref<1x81x128xi32, #tpu.memory_space<hbm>>
      %dma_start3A_62 = tpu.memref_squeeze %dma_start3A_61 : memref<1x81x128xi32, #tpu.memory_space<hbm>> -> memref<81x128xi32, #tpu.memory_space<hbm>>
      tpu.enqueue_dma source(%dma_start3A_62 : memref<81x128xi32, #tpu.memory_space<hbm>>) target(%arg7 : memref<81x128xi32, #tpu.memory_space<vmem>>) target_semaphore(%run_scoped3A : memref<!tpu.dma_semaphore, #tpu.memory_space<semaphore_mem>>)
      %dma_wait3A = arith.constant 0 : i32
      %dma_wait3A_63 = arith.constant 0 : i32
      %dma_wait3A_64 = tpu.memref_slice %arg3[%add3A, %dma_wait3A, %dma_wait3A_63] : memref<32x81x128xi32, #tpu.memory_space<hbm>> -> memref<1x81x128xi32, #tpu.memory_space<hbm>>
      %dma_wait3A_65 = tpu.memref_squeeze %dma_wait3A_64 : memref<1x81x128xi32, #tpu.memory_space<hbm>> -> memref<81x128xi32, #tpu.memory_space<hbm>>
      %dma_wait3A_66 = arith.constant 0 : i32
      %dma_wait3A_67 = arith.constant 0 : i32
      %dma_wait3A_68 = tpu.memref_slice %arg3[%add3A, %dma_wait3A_66, %dma_wait3A_67] : memref<32x81x128xi32, #tpu.memory_space<hbm>> -> memref<1x81x128xi32, #tpu.memory_space<hbm>>
      %dma_wait3A_69 = tpu.memref_squeeze %dma_wait3A_68 : memref<1x81x128xi32, #tpu.memory_space<hbm>> -> memref<81x128xi32, #tpu.memory_space<hbm>>
      tpu.wait_dma2 semaphore(%run_scoped3A : memref<!tpu.dma_semaphore, #tpu.memory_space<semaphore_mem>>) src(%dma_wait3A_69 : memref<81x128xi32, #tpu.memory_space<hbm>>) dst(%arg7 : memref<81x128xi32, #tpu.memory_space<vmem>>)
      tpu.yield
    }) : () -> ()
    "tpu.region"() ({
      %run_scoped3A = tpu.sem_alloc : memref<!tpu.dma_semaphore, #tpu.memory_space<semaphore_mem>>
      %dma_start3A_55 = arith.constant 0 : i32
      %dma_start3A_56 = arith.constant 0 : i32
      %dma_start3A_57 = tpu.memref_slice %arg4[%add3A, %dma_start3A_55, %dma_start3A_56] : memref<32x81x128xi32, #tpu.memory_space<hbm>> -> memref<1x81x128xi32, #tpu.memory_space<hbm>>
      %dma_start3A_58 = tpu.memref_squeeze %dma_start3A_57 : memref<1x81x128xi32, #tpu.memory_space<hbm>> -> memref<81x128xi32, #tpu.memory_space<hbm>>
      %dma_start3A_59 = arith.constant 0 : i32
      %dma_start3A_60 = arith.constant 0 : i32
      %dma_start3A_61 = tpu.memref_slice %arg4[%add3A, %dma_start3A_59, %dma_start3A_60] : memref<32x81x128xi32, #tpu.memory_space<hbm>> -> memref<1x81x128xi32, #tpu.memory_space<hbm>>
      %dma_start3A_62 = tpu.memref_squeeze %dma_start3A_61 : memref<1x81x128xi32, #tpu.memory_space<hbm>> -> memref<81x128xi32, #tpu.memory_space<hbm>>
      tpu.enqueue_dma source(%dma_start3A_62 : memref<81x128xi32, #tpu.memory_space<hbm>>) target(%arg8 : memref<81x128xi32, #tpu.memory_space<vmem>>) target_semaphore(%run_scoped3A : memref<!tpu.dma_semaphore, #tpu.memory_space<semaphore_mem>>)
      %dma_wait3A = arith.constant 0 : i32
      %dma_wait3A_63 = arith.constant 0 : i32
      %dma_wait3A_64 = tpu.memref_slice %arg4[%add3A, %dma_wait3A, %dma_wait3A_63] : memref<32x81x128xi32, #tpu.memory_space<hbm>> -> memref<1x81x128xi32, #tpu.memory_space<hbm>>
      %dma_wait3A_65 = tpu.memref_squeeze %dma_wait3A_64 : memref<1x81x128xi32, #tpu.memory_space<hbm>> -> memref<81x128xi32, #tpu.memory_space<hbm>>
      %dma_wait3A_66 = arith.constant 0 : i32
      %dma_wait3A_67 = arith.constant 0 : i32
      %dma_wait3A_68 = tpu.memref_slice %arg4[%add3A, %dma_wait3A_66, %dma_wait3A_67] : memref<32x81x128xi32, #tpu.memory_space<hbm>> -> memref<1x81x128xi32, #tpu.memory_space<hbm>>
      %dma_wait3A_69 = tpu.memref_squeeze %dma_wait3A_68 : memref<1x81x128xi32, #tpu.memory_space<hbm>> -> memref<81x128xi32, #tpu.memory_space<hbm>>
      tpu.wait_dma2 semaphore(%run_scoped3A : memref<!tpu.dma_semaphore, #tpu.memory_space<semaphore_mem>>) src(%dma_wait3A_69 : memref<81x128xi32, #tpu.memory_space<hbm>>) dst(%arg8 : memref<81x128xi32, #tpu.memory_space<vmem>>)
      tpu.yield
    }) : () -> ()
    %mul3A_1 = arith.constant 632 : i32
    %mul3A_2 = arith.muli %arg1, %mul3A_1 : i32
    %mul3A_3 = arith.constant 632 : i32
    %mul3A_4 = arith.muli %arg1, %mul3A_3 : i32
    "tpu.region"() ({
      %run_scoped3A = tpu.sem_alloc : memref<!tpu.dma_semaphore, #tpu.memory_space<semaphore_mem>>
      %dma_start3A_55 = arith.constant 0 : i32
      %dma_start3A_56 = tpu.memref_slice %arg10[%mul3A_4, %dma_start3A_55] : memref<10112x64xf32, #tpu.memory_space<vmem_shared>> -> memref<632x64xf32, #tpu.memory_space<vmem_shared>>
      %dma_start3A_57 = arith.constant 0 : i32
      %dma_start3A_58 = tpu.memref_slice %arg5[%mul3A_2, %dma_start3A_57] : memref<10112x64xf32, #tpu.memory_space<hbm>> -> memref<632x64xf32, #tpu.memory_space<hbm>>
      tpu.enqueue_dma source(%dma_start3A_58 : memref<632x64xf32, #tpu.memory_space<hbm>>) target(%dma_start3A_56 : memref<632x64xf32, #tpu.memory_space<vmem_shared>>) target_semaphore(%run_scoped3A : memref<!tpu.dma_semaphore, #tpu.memory_space<semaphore_mem>>)
      %dma_wait3A = arith.constant 0 : i32
      %dma_wait3A_59 = tpu.memref_slice %arg10[%mul3A_4, %dma_wait3A] : memref<10112x64xf32, #tpu.memory_space<vmem_shared>> -> memref<632x64xf32, #tpu.memory_space<vmem_shared>>
      %dma_wait3A_60 = arith.constant 0 : i32
      %dma_wait3A_61 = tpu.memref_slice %arg5[%mul3A_2, %dma_wait3A_60] : memref<10112x64xf32, #tpu.memory_space<hbm>> -> memref<632x64xf32, #tpu.memory_space<hbm>>
      tpu.wait_dma2 semaphore(%run_scoped3A : memref<!tpu.dma_semaphore, #tpu.memory_space<semaphore_mem>>) src(%dma_wait3A_61 : memref<632x64xf32, #tpu.memory_space<hbm>>) dst(%dma_wait3A_59 : memref<632x64xf32, #tpu.memory_space<vmem_shared>>)
      tpu.yield
    }) : () -> ()
    %mul3A_5 = arith.constant 625 : i32
    %mul3A_6 = arith.muli %arg1, %mul3A_5 : i32
    %mul3A_7 = arith.constant 625 : i32
    %mul3A_8 = arith.muli %arg1, %mul3A_7 : i32
    "tpu.region"() ({
      %run_scoped3A = tpu.sem_alloc : memref<!tpu.dma_semaphore, #tpu.memory_space<semaphore_mem>>
      %dma_start3A_55 = arith.constant 0 : i32
      %dma_start3A_56 = tpu.memref_slice %arg11[%mul3A_8, %dma_start3A_55] : memref<10000x64xf32, #tpu.memory_space<vmem_shared>> -> memref<625x64xf32, #tpu.memory_space<vmem_shared>>
      %dma_start3A_57 = arith.constant 0 : i32
      %dma_start3A_58 = tpu.memref_slice %arg2[%mul3A_6, %dma_start3A_57] : memref<10000x64xf32, #tpu.memory_space<hbm>> -> memref<625x64xf32, #tpu.memory_space<hbm>>
      tpu.enqueue_dma source(%dma_start3A_58 : memref<625x64xf32, #tpu.memory_space<hbm>>) target(%dma_start3A_56 : memref<625x64xf32, #tpu.memory_space<vmem_shared>>) target_semaphore(%run_scoped3A : memref<!tpu.dma_semaphore, #tpu.memory_space<semaphore_mem>>)
      %dma_wait3A = arith.constant 0 : i32
      %dma_wait3A_59 = tpu.memref_slice %arg11[%mul3A_8, %dma_wait3A] : memref<10000x64xf32, #tpu.memory_space<vmem_shared>> -> memref<625x64xf32, #tpu.memory_space<vmem_shared>>
      %dma_wait3A_60 = arith.constant 0 : i32
      %dma_wait3A_61 = tpu.memref_slice %arg2[%mul3A_6, %dma_wait3A_60] : memref<10000x64xf32, #tpu.memory_space<hbm>> -> memref<625x64xf32, #tpu.memory_space<hbm>>
      tpu.wait_dma2 semaphore(%run_scoped3A : memref<!tpu.dma_semaphore, #tpu.memory_space<semaphore_mem>>) src(%dma_wait3A_61 : memref<625x64xf32, #tpu.memory_space<hbm>>) dst(%dma_wait3A_59 : memref<625x64xf32, #tpu.memory_space<vmem_shared>>)
      tpu.yield
    }) : () -> ()
    %barrier3A = arith.constant 0 : index
    tpu.barrier barrier_id(%barrier3A)
    %dma_start3A = arith.constant 0 : i32
    %dma_start3A_9 = arith.constant 0 : i32
    %dma_start3A_10 = arith.constant 0 : i32
    %dma_start3A_11 = arith.constant 0 : i32
    %dma_start3A_12 = tpu.memref_slice %arg9[%dma_start3A_9, %dma_start3A_10, %dma_start3A_11] : memref<3x128x64xf32, #tpu.memory_space<vmem>> -> memref<1x128x64xf32, #tpu.memory_space<vmem>>
    %dma_start3A_13 = tpu.memref_squeeze %dma_start3A_12 : memref<1x128x64xf32, #tpu.memory_space<vmem>> -> memref<128x64xf32, #tpu.memory_space<vmem>>
    %dma_start3A_14 = arith.constant 0 : i32
    %dma_start3A_15 = tpu.memref_slice %arg7[%dma_start3A, %dma_start3A_14] : memref<81x128xi32, #tpu.memory_space<vmem>> -> memref<1x128xi32, #tpu.memory_space<vmem>>
    %dma_start3A_16 = tpu.memref_squeeze %dma_start3A_15 : memref<1x128xi32, #tpu.memory_space<vmem>> -> memref<128xi32, #tpu.memory_space<vmem>>
    %dma_start3A_17 = arith.constant 0 : i32
    %dma_start3A_18 = arith.constant 0 : i32
    %dma_start3A_19 = tpu.memref_slice %arg11[%dma_start3A_17, %dma_start3A_18] : memref<10000x64xf32, #tpu.memory_space<vmem_shared>> -> memref<10000x64xf32, #tpu.memory_space<vmem_shared>>
    tpu.enqueue_indirect_dma source(%dma_start3A_19 : memref<10000x64xf32, #tpu.memory_space<vmem_shared>>) target(%dma_start3A_13 : memref<128x64xf32, #tpu.memory_space<vmem>>) offsets(%dma_start3A_16 : memref<128xi32, #tpu.memory_space<vmem>>) semaphore(%arg12 : memref<!tpu.dma_semaphore, #tpu.memory_space<semaphore_mem>>)
    %dma_start3A_20 = arith.constant 1 : i32
    %dma_start3A_21 = arith.constant 1 : i32
    %dma_start3A_22 = arith.constant 0 : i32
    %dma_start3A_23 = arith.constant 0 : i32
    %dma_start3A_24 = tpu.memref_slice %arg9[%dma_start3A_21, %dma_start3A_22, %dma_start3A_23] : memref<3x128x64xf32, #tpu.memory_space<vmem>> -> memref<1x128x64xf32, #tpu.memory_space<vmem>>
    %dma_start3A_25 = tpu.memref_squeeze %dma_start3A_24 : memref<1x128x64xf32, #tpu.memory_space<vmem>> -> memref<128x64xf32, #tpu.memory_space<vmem>>
    %dma_start3A_26 = arith.constant 0 : i32
    %dma_start3A_27 = tpu.memref_slice %arg7[%dma_start3A_20, %dma_start3A_26] : memref<81x128xi32, #tpu.memory_space<vmem>> -> memref<1x128xi32, #tpu.memory_space<vmem>>
    %dma_start3A_28 = tpu.memref_squeeze %dma_start3A_27 : memref<1x128xi32, #tpu.memory_space<vmem>> -> memref<128xi32, #tpu.memory_space<vmem>>
    %dma_start3A_29 = arith.constant 0 : i32
    %dma_start3A_30 = arith.constant 0 : i32
    %dma_start3A_31 = tpu.memref_slice %arg11[%dma_start3A_29, %dma_start3A_30] : memref<10000x64xf32, #tpu.memory_space<vmem_shared>> -> memref<10000x64xf32, #tpu.memory_space<vmem_shared>>
    tpu.enqueue_indirect_dma source(%dma_start3A_31 : memref<10000x64xf32, #tpu.memory_space<vmem_shared>>) target(%dma_start3A_25 : memref<128x64xf32, #tpu.memory_space<vmem>>) offsets(%dma_start3A_28 : memref<128xi32, #tpu.memory_space<vmem>>) semaphore(%arg13 : memref<!tpu.dma_semaphore, #tpu.memory_space<semaphore_mem>>)
    %dma_start3A_32 = arith.constant 2 : i32
    %dma_start3A_33 = arith.constant 2 : i32
    %dma_start3A_34 = arith.constant 0 : i32
    %dma_start3A_35 = arith.constant 0 : i32
    %dma_start3A_36 = tpu.memref_slice %arg9[%dma_start3A_33, %dma_start3A_34, %dma_start3A_35] : memref<3x128x64xf32, #tpu.memory_space<vmem>> -> memref<1x128x64xf32, #tpu.memory_space<vmem>>
    %dma_start3A_37 = tpu.memref_squeeze %dma_start3A_36 : memref<1x128x64xf32, #tpu.memory_space<vmem>> -> memref<128x64xf32, #tpu.memory_space<vmem>>
    %dma_start3A_38 = arith.constant 0 : i32
    %dma_start3A_39 = tpu.memref_slice %arg7[%dma_start3A_32, %dma_start3A_38] : memref<81x128xi32, #tpu.memory_space<vmem>> -> memref<1x128xi32, #tpu.memory_space<vmem>>
    %dma_start3A_40 = tpu.memref_squeeze %dma_start3A_39 : memref<1x128xi32, #tpu.memory_space<vmem>> -> memref<128xi32, #tpu.memory_space<vmem>>
    %dma_start3A_41 = arith.constant 0 : i32
    %dma_start3A_42 = arith.constant 0 : i32
    %dma_start3A_43 = tpu.memref_slice %arg11[%dma_start3A_41, %dma_start3A_42] : memref<10000x64xf32, #tpu.memory_space<vmem_shared>> -> memref<10000x64xf32, #tpu.memory_space<vmem_shared>>
    tpu.enqueue_indirect_dma source(%dma_start3A_43 : memref<10000x64xf32, #tpu.memory_space<vmem_shared>>) target(%dma_start3A_37 : memref<128x64xf32, #tpu.memory_space<vmem>>) offsets(%dma_start3A_40 : memref<128xi32, #tpu.memory_space<vmem>>) semaphore(%arg14 : memref<!tpu.dma_semaphore, #tpu.memory_space<semaphore_mem>>)
    %scan3A = arith.constant 0 : i32
    %scan3A_44 = arith.constant 0 : i32
    %scan3A_45 = arith.constant 27 : i32
    %scan3A_46 = arith.addi %scan3A_44, %scan3A_45 : i32
    %scan3A_47 = arith.constant 1 : i32
    scf.for %scan3A_55 = %scan3A_44 to %scan3A_46 step %scan3A_47  : i32 {
      %mul3A_56 = arith.constant 3 : i32
      %mul3A_57 = arith.muli %scan3A_55, %mul3A_56 : i32
      %add3A_58 = arith.constant 0 : i32
      %add3A_59 = arith.addi %mul3A_57, %add3A_58 : i32
      %dma_wait3A = arith.constant 0 : i32
      %dma_wait3A_60 = arith.constant 0 : i32
      %dma_wait3A_61 = arith.constant 0 : i32
      %dma_wait3A_62 = tpu.memref_slice %arg9[%dma_wait3A, %dma_wait3A_60, %dma_wait3A_61] : memref<3x128x64xf32, #tpu.memory_space<vmem>> -> memref<1x128x64xf32, #tpu.memory_space<vmem>>
      %dma_wait3A_63 = tpu.memref_squeeze %dma_wait3A_62 : memref<1x128x64xf32, #tpu.memory_space<vmem>> -> memref<128x64xf32, #tpu.memory_space<vmem>>
      %dma_wait3A_64 = arith.constant 0 : i32
      %dma_wait3A_65 = tpu.memref_slice %arg7[%add3A_59, %dma_wait3A_64] : memref<81x128xi32, #tpu.memory_space<vmem>> -> memref<1x128xi32, #tpu.memory_space<vmem>>
      %dma_wait3A_66 = tpu.memref_squeeze %dma_wait3A_65 : memref<1x128xi32, #tpu.memory_space<vmem>> -> memref<128xi32, #tpu.memory_space<vmem>>
      %dma_wait3A_67 = arith.constant 0 : i32
      %dma_wait3A_68 = arith.constant 0 : i32
      %dma_wait3A_69 = tpu.memref_slice %arg11[%dma_wait3A_67, %dma_wait3A_68] : memref<10000x64xf32, #tpu.memory_space<vmem_shared>> -> memref<10000x64xf32, #tpu.memory_space<vmem_shared>>
      tpu.wait_indirect_dma semaphore(%arg12 : memref<!tpu.dma_semaphore, #tpu.memory_space<semaphore_mem>>) src(%dma_wait3A_69 : memref<10000x64xf32, #tpu.memory_space<vmem_shared>>) dst(%dma_wait3A_63 : memref<128x64xf32, #tpu.memory_space<vmem>>)
      %dma_start3A_70 = arith.constant 0 : i32
      %dma_start3A_71 = arith.constant 0 : i32
      %dma_start3A_72 = arith.constant 0 : i32
      %dma_start3A_73 = tpu.memref_slice %arg9[%dma_start3A_70, %dma_start3A_71, %dma_start3A_72] : memref<3x128x64xf32, #tpu.memory_space<vmem>> -> memref<1x128x64xf32, #tpu.memory_space<vmem>>
      %dma_start3A_74 = tpu.memref_squeeze %dma_start3A_73 : memref<1x128x64xf32, #tpu.memory_space<vmem>> -> memref<128x64xf32, #tpu.memory_space<vmem>>
      %dma_start3A_75 = arith.constant 0 : i32
      %dma_start3A_76 = tpu.memref_slice %arg8[%add3A_59, %dma_start3A_75] : memref<81x128xi32, #tpu.memory_space<vmem>> -> memref<1x128xi32, #tpu.memory_space<vmem>>
      %dma_start3A_77 = tpu.memref_squeeze %dma_start3A_76 : memref<1x128xi32, #tpu.memory_space<vmem>> -> memref<128xi32, #tpu.memory_space<vmem>>
      %dma_start3A_78 = arith.constant 0 : i32
      %dma_start3A_79 = arith.constant 0 : i32
      %dma_start3A_80 = tpu.memref_slice %arg10[%dma_start3A_78, %dma_start3A_79] : memref<10112x64xf32, #tpu.memory_space<vmem_shared>> -> memref<10112x64xf32, #tpu.memory_space<vmem_shared>>
      tpu.enqueue_indirect_dma source(%dma_start3A_74 : memref<128x64xf32, #tpu.memory_space<vmem>>) target(%dma_start3A_80 : memref<10112x64xf32, #tpu.memory_space<vmem_shared>>) offsets(%dma_start3A_77 : memref<128xi32, #tpu.memory_space<vmem>>) semaphore(%arg15 : memref<!tpu.dma_semaphore, #tpu.memory_space<semaphore_mem>>) {add = true}
      %dma_wait3A_81 = arith.constant 0 : i32
      %dma_wait3A_82 = arith.constant 0 : i32
      %dma_wait3A_83 = arith.constant 0 : i32
      %dma_wait3A_84 = tpu.memref_slice %arg9[%dma_wait3A_81, %dma_wait3A_82, %dma_wait3A_83] : memref<3x128x64xf32, #tpu.memory_space<vmem>> -> memref<1x128x64xf32, #tpu.memory_space<vmem>>
      %dma_wait3A_85 = tpu.memref_squeeze %dma_wait3A_84 : memref<1x128x64xf32, #tpu.memory_space<vmem>> -> memref<128x64xf32, #tpu.memory_space<vmem>>
      %dma_wait3A_86 = arith.constant 0 : i32
      %dma_wait3A_87 = tpu.memref_slice %arg8[%add3A_59, %dma_wait3A_86] : memref<81x128xi32, #tpu.memory_space<vmem>> -> memref<1x128xi32, #tpu.memory_space<vmem>>
      %dma_wait3A_88 = tpu.memref_squeeze %dma_wait3A_87 : memref<1x128xi32, #tpu.memory_space<vmem>> -> memref<128xi32, #tpu.memory_space<vmem>>
      %dma_wait3A_89 = arith.constant 0 : i32
      %dma_wait3A_90 = arith.constant 0 : i32
      %dma_wait3A_91 = tpu.memref_slice %arg10[%dma_wait3A_89, %dma_wait3A_90] : memref<10112x64xf32, #tpu.memory_space<vmem_shared>> -> memref<10112x64xf32, #tpu.memory_space<vmem_shared>>
      tpu.wait_indirect_dma semaphore(%arg15 : memref<!tpu.dma_semaphore, #tpu.memory_space<semaphore_mem>>) src(%dma_wait3A_85 : memref<128x64xf32, #tpu.memory_space<vmem>>) dst(%dma_wait3A_91 : memref<10112x64xf32, #tpu.memory_space<vmem_shared>>)
      %add3A_92 = arith.constant 3 : i32
      %add3A_93 = arith.addi %add3A_59, %add3A_92 : i32
      %lt3A = arith.constant 81 : i32
      %lt3A_94 = arith.cmpi slt, %add3A_93, %lt3A : i32
      %convert_element_type3A = arith.extui %lt3A_94 : i1 to i32
      %cond3A = arith.constant 0 : i32
      %cond3A_95 = arith.cmpi ne, %convert_element_type3A, %cond3A : i32
      scf.if %cond3A_95 {
        %dma_start3A_180 = arith.constant 0 : i32
        %dma_start3A_181 = arith.constant 0 : i32
        %dma_start3A_182 = arith.constant 0 : i32
        %dma_start3A_183 = tpu.memref_slice %arg9[%dma_start3A_180, %dma_start3A_181, %dma_start3A_182] : memref<3x128x64xf32, #tpu.memory_space<vmem>> -> memref<1x128x64xf32, #tpu.memory_space<vmem>>
        %dma_start3A_184 = tpu.memref_squeeze %dma_start3A_183 : memref<1x128x64xf32, #tpu.memory_space<vmem>> -> memref<128x64xf32, #tpu.memory_space<vmem>>
        %dma_start3A_185 = arith.constant 0 : i32
        %dma_start3A_186 = tpu.memref_slice %arg7[%add3A_93, %dma_start3A_185] : memref<81x128xi32, #tpu.memory_space<vmem>> -> memref<1x128xi32, #tpu.memory_space<vmem>>
        %dma_start3A_187 = tpu.memref_squeeze %dma_start3A_186 : memref<1x128xi32, #tpu.memory_space<vmem>> -> memref<128xi32, #tpu.memory_space<vmem>>
        %dma_start3A_188 = arith.constant 0 : i32
        %dma_start3A_189 = arith.constant 0 : i32
        %dma_start3A_190 = tpu.memref_slice %arg11[%dma_start3A_188, %dma_start3A_189] : memref<10000x64xf32, #tpu.memory_space<vmem_shared>> -> memref<10000x64xf32, #tpu.memory_space<vmem_shared>>
        tpu.enqueue_indirect_dma source(%dma_start3A_190 : memref<10000x64xf32, #tpu.memory_space<vmem_shared>>) target(%dma_start3A_184 : memref<128x64xf32, #tpu.memory_space<vmem>>) offsets(%dma_start3A_187 : memref<128xi32, #tpu.memory_space<vmem>>) semaphore(%arg12 : memref<!tpu.dma_semaphore, #tpu.memory_space<semaphore_mem>>)
      } else {
      }
      %add3A_96 = arith.constant 1 : i32
      %add3A_97 = arith.addi %mul3A_57, %add3A_96 : i32
      %dma_wait3A_98 = arith.constant 1 : i32
      %dma_wait3A_99 = arith.constant 0 : i32
      %dma_wait3A_100 = arith.constant 0 : i32
      %dma_wait3A_101 = tpu.memref_slice %arg9[%dma_wait3A_98, %dma_wait3A_99, %dma_wait3A_100] : memref<3x128x64xf32, #tpu.memory_space<vmem>> -> memref<1x128x64xf32, #tpu.memory_space<vmem>>
      %dma_wait3A_102 = tpu.memref_squeeze %dma_wait3A_101 : memref<1x128x64xf32, #tpu.memory_space<vmem>> -> memref<128x64xf32, #tpu.memory_space<vmem>>
      %dma_wait3A_103 = arith.constant 0 : i32
      %dma_wait3A_104 = tpu.memref_slice %arg7[%add3A_97, %dma_wait3A_103] : memref<81x128xi32, #tpu.memory_space<vmem>> -> memref<1x128xi32, #tpu.memory_space<vmem>>
      %dma_wait3A_105 = tpu.memref_squeeze %dma_wait3A_104 : memref<1x128xi32, #tpu.memory_space<vmem>> -> memref<128xi32, #tpu.memory_space<vmem>>
      %dma_wait3A_106 = arith.constant 0 : i32
      %dma_wait3A_107 = arith.constant 0 : i32
      %dma_wait3A_108 = tpu.memref_slice %arg11[%dma_wait3A_106, %dma_wait3A_107] : memref<10000x64xf32, #tpu.memory_space<vmem_shared>> -> memref<10000x64xf32, #tpu.memory_space<vmem_shared>>
      tpu.wait_indirect_dma semaphore(%arg13 : memref<!tpu.dma_semaphore, #tpu.memory_space<semaphore_mem>>) src(%dma_wait3A_108 : memref<10000x64xf32, #tpu.memory_space<vmem_shared>>) dst(%dma_wait3A_102 : memref<128x64xf32, #tpu.memory_space<vmem>>)
      %dma_start3A_109 = arith.constant 1 : i32
      %dma_start3A_110 = arith.constant 0 : i32
      %dma_start3A_111 = arith.constant 0 : i32
      %dma_start3A_112 = tpu.memref_slice %arg9[%dma_start3A_109, %dma_start3A_110, %dma_start3A_111] : memref<3x128x64xf32, #tpu.memory_space<vmem>> -> memref<1x128x64xf32, #tpu.memory_space<vmem>>
      %dma_start3A_113 = tpu.memref_squeeze %dma_start3A_112 : memref<1x128x64xf32, #tpu.memory_space<vmem>> -> memref<128x64xf32, #tpu.memory_space<vmem>>
      %dma_start3A_114 = arith.constant 0 : i32
      %dma_start3A_115 = tpu.memref_slice %arg8[%add3A_97, %dma_start3A_114] : memref<81x128xi32, #tpu.memory_space<vmem>> -> memref<1x128xi32, #tpu.memory_space<vmem>>
      %dma_start3A_116 = tpu.memref_squeeze %dma_start3A_115 : memref<1x128xi32, #tpu.memory_space<vmem>> -> memref<128xi32, #tpu.memory_space<vmem>>
      %dma_start3A_117 = arith.constant 0 : i32
      %dma_start3A_118 = arith.constant 0 : i32
      %dma_start3A_119 = tpu.memref_slice %arg10[%dma_start3A_117, %dma_start3A_118] : memref<10112x64xf32, #tpu.memory_space<vmem_shared>> -> memref<10112x64xf32, #tpu.memory_space<vmem_shared>>
      tpu.enqueue_indirect_dma source(%dma_start3A_113 : memref<128x64xf32, #tpu.memory_space<vmem>>) target(%dma_start3A_119 : memref<10112x64xf32, #tpu.memory_space<vmem_shared>>) offsets(%dma_start3A_116 : memref<128xi32, #tpu.memory_space<vmem>>) semaphore(%arg16 : memref<!tpu.dma_semaphore, #tpu.memory_space<semaphore_mem>>) {add = true}
      %dma_wait3A_120 = arith.constant 1 : i32
      %dma_wait3A_121 = arith.constant 0 : i32
      %dma_wait3A_122 = arith.constant 0 : i32
      %dma_wait3A_123 = tpu.memref_slice %arg9[%dma_wait3A_120, %dma_wait3A_121, %dma_wait3A_122] : memref<3x128x64xf32, #tpu.memory_space<vmem>> -> memref<1x128x64xf32, #tpu.memory_space<vmem>>
      %dma_wait3A_124 = tpu.memref_squeeze %dma_wait3A_123 : memref<1x128x64xf32, #tpu.memory_space<vmem>> -> memref<128x64xf32, #tpu.memory_space<vmem>>
      %dma_wait3A_125 = arith.constant 0 : i32
      %dma_wait3A_126 = tpu.memref_slice %arg8[%add3A_97, %dma_wait3A_125] : memref<81x128xi32, #tpu.memory_space<vmem>> -> memref<1x128xi32, #tpu.memory_space<vmem>>
      %dma_wait3A_127 = tpu.memref_squeeze %dma_wait3A_126 : memref<1x128xi32, #tpu.memory_space<vmem>> -> memref<128xi32, #tpu.memory_space<vmem>>
      %dma_wait3A_128 = arith.constant 0 : i32
      %dma_wait3A_129 = arith.constant 0 : i32
      %dma_wait3A_130 = tpu.memref_slice %arg10[%dma_wait3A_128, %dma_wait3A_129] : memref<10112x64xf32, #tpu.memory_space<vmem_shared>> -> memref<10112x64xf32, #tpu.memory_space<vmem_shared>>
      tpu.wait_indirect_dma semaphore(%arg16 : memref<!tpu.dma_semaphore, #tpu.memory_space<semaphore_mem>>) src(%dma_wait3A_124 : memref<128x64xf32, #tpu.memory_space<vmem>>) dst(%dma_wait3A_130 : memref<10112x64xf32, #tpu.memory_space<vmem_shared>>)
      %add3A_131 = arith.constant 3 : i32
      %add3A_132 = arith.addi %add3A_97, %add3A_131 : i32
      %lt3A_133 = arith.constant 81 : i32
      %lt3A_134 = arith.cmpi slt, %add3A_132, %lt3A_133 : i32
      %convert_element_type3A_135 = arith.extui %lt3A_134 : i1 to i32
      %cond3A_136 = arith.constant 0 : i32
      %cond3A_137 = arith.cmpi ne, %convert_element_type3A_135, %cond3A_136 : i32
      scf.if %cond3A_137 {
        %dma_start3A_180 = arith.constant 1 : i32
        %dma_start3A_181 = arith.constant 0 : i32
        %dma_start3A_182 = arith.constant 0 : i32
        %dma_start3A_183 = tpu.memref_slice %arg9[%dma_start3A_180, %dma_start3A_181, %dma_start3A_182] : memref<3x128x64xf32, #tpu.memory_space<vmem>> -> memref<1x128x64xf32, #tpu.memory_space<vmem>>
        %dma_start3A_184 = tpu.memref_squeeze %dma_start3A_183 : memref<1x128x64xf32, #tpu.memory_space<vmem>> -> memref<128x64xf32, #tpu.memory_space<vmem>>
        %dma_start3A_185 = arith.constant 0 : i32
        %dma_start3A_186 = tpu.memref_slice %arg7[%add3A_132, %dma_start3A_185] : memref<81x128xi32, #tpu.memory_space<vmem>> -> memref<1x128xi32, #tpu.memory_space<vmem>>
        %dma_start3A_187 = tpu.memref_squeeze %dma_start3A_186 : memref<1x128xi32, #tpu.memory_space<vmem>> -> memref<128xi32, #tpu.memory_space<vmem>>
        %dma_start3A_188 = arith.constant 0 : i32
        %dma_start3A_189 = arith.constant 0 : i32
        %dma_start3A_190 = tpu.memref_slice %arg11[%dma_start3A_188, %dma_start3A_189] : memref<10000x64xf32, #tpu.memory_space<vmem_shared>> -> memref<10000x64xf32, #tpu.memory_space<vmem_shared>>
        tpu.enqueue_indirect_dma source(%dma_start3A_190 : memref<10000x64xf32, #tpu.memory_space<vmem_shared>>) target(%dma_start3A_184 : memref<128x64xf32, #tpu.memory_space<vmem>>) offsets(%dma_start3A_187 : memref<128xi32, #tpu.memory_space<vmem>>) semaphore(%arg13 : memref<!tpu.dma_semaphore, #tpu.memory_space<semaphore_mem>>)
      } else {
      }
      %add3A_138 = arith.constant 2 : i32
      %add3A_139 = arith.addi %mul3A_57, %add3A_138 : i32
      %dma_wait3A_140 = arith.constant 2 : i32
      %dma_wait3A_141 = arith.constant 0 : i32
      %dma_wait3A_142 = arith.constant 0 : i32
      %dma_wait3A_143 = tpu.memref_slice %arg9[%dma_wait3A_140, %dma_wait3A_141, %dma_wait3A_142] : memref<3x128x64xf32, #tpu.memory_space<vmem>> -> memref<1x128x64xf32, #tpu.memory_space<vmem>>
      %dma_wait3A_144 = tpu.memref_squeeze %dma_wait3A_143 : memref<1x128x64xf32, #tpu.memory_space<vmem>> -> memref<128x64xf32, #tpu.memory_space<vmem>>
      %dma_wait3A_145 = arith.constant 0 : i32
      %dma_wait3A_146 = tpu.memref_slice %arg7[%add3A_139, %dma_wait3A_145] : memref<81x128xi32, #tpu.memory_space<vmem>> -> memref<1x128xi32, #tpu.memory_space<vmem>>
      %dma_wait3A_147 = tpu.memref_squeeze %dma_wait3A_146 : memref<1x128xi32, #tpu.memory_space<vmem>> -> memref<128xi32, #tpu.memory_space<vmem>>
      %dma_wait3A_148 = arith.constant 0 : i32
      %dma_wait3A_149 = arith.constant 0 : i32
      %dma_wait3A_150 = tpu.memref_slice %arg11[%dma_wait3A_148, %dma_wait3A_149] : memref<10000x64xf32, #tpu.memory_space<vmem_shared>> -> memref<10000x64xf32, #tpu.memory_space<vmem_shared>>
      tpu.wait_indirect_dma semaphore(%arg14 : memref<!tpu.dma_semaphore, #tpu.memory_space<semaphore_mem>>) src(%dma_wait3A_150 : memref<10000x64xf32, #tpu.memory_space<vmem_shared>>) dst(%dma_wait3A_144 : memref<128x64xf32, #tpu.memory_space<vmem>>)
      %dma_start3A_151 = arith.constant 2 : i32
      %dma_start3A_152 = arith.constant 0 : i32
      %dma_start3A_153 = arith.constant 0 : i32
      %dma_start3A_154 = tpu.memref_slice %arg9[%dma_start3A_151, %dma_start3A_152, %dma_start3A_153] : memref<3x128x64xf32, #tpu.memory_space<vmem>> -> memref<1x128x64xf32, #tpu.memory_space<vmem>>
      %dma_start3A_155 = tpu.memref_squeeze %dma_start3A_154 : memref<1x128x64xf32, #tpu.memory_space<vmem>> -> memref<128x64xf32, #tpu.memory_space<vmem>>
      %dma_start3A_156 = arith.constant 0 : i32
      %dma_start3A_157 = tpu.memref_slice %arg8[%add3A_139, %dma_start3A_156] : memref<81x128xi32, #tpu.memory_space<vmem>> -> memref<1x128xi32, #tpu.memory_space<vmem>>
      %dma_start3A_158 = tpu.memref_squeeze %dma_start3A_157 : memref<1x128xi32, #tpu.memory_space<vmem>> -> memref<128xi32, #tpu.memory_space<vmem>>
      %dma_start3A_159 = arith.constant 0 : i32
      %dma_start3A_160 = arith.constant 0 : i32
      %dma_start3A_161 = tpu.memref_slice %arg10[%dma_start3A_159, %dma_start3A_160] : memref<10112x64xf32, #tpu.memory_space<vmem_shared>> -> memref<10112x64xf32, #tpu.memory_space<vmem_shared>>
      tpu.enqueue_indirect_dma source(%dma_start3A_155 : memref<128x64xf32, #tpu.memory_space<vmem>>) target(%dma_start3A_161 : memref<10112x64xf32, #tpu.memory_space<vmem_shared>>) offsets(%dma_start3A_158 : memref<128xi32, #tpu.memory_space<vmem>>) semaphore(%arg17 : memref<!tpu.dma_semaphore, #tpu.memory_space<semaphore_mem>>) {add = true}
      %dma_wait3A_162 = arith.constant 2 : i32
      %dma_wait3A_163 = arith.constant 0 : i32
      %dma_wait3A_164 = arith.constant 0 : i32
      %dma_wait3A_165 = tpu.memref_slice %arg9[%dma_wait3A_162, %dma_wait3A_163, %dma_wait3A_164] : memref<3x128x64xf32, #tpu.memory_space<vmem>> -> memref<1x128x64xf32, #tpu.memory_space<vmem>>
      %dma_wait3A_166 = tpu.memref_squeeze %dma_wait3A_165 : memref<1x128x64xf32, #tpu.memory_space<vmem>> -> memref<128x64xf32, #tpu.memory_space<vmem>>
      %dma_wait3A_167 = arith.constant 0 : i32
      %dma_wait3A_168 = tpu.memref_slice %arg8[%add3A_139, %dma_wait3A_167] : memref<81x128xi32, #tpu.memory_space<vmem>> -> memref<1x128xi32, #tpu.memory_space<vmem>>
      %dma_wait3A_169 = tpu.memref_squeeze %dma_wait3A_168 : memref<1x128xi32, #tpu.memory_space<vmem>> -> memref<128xi32, #tpu.memory_space<vmem>>
      %dma_wait3A_170 = arith.constant 0 : i32
      %dma_wait3A_171 = arith.constant 0 : i32
      %dma_wait3A_172 = tpu.memref_slice %arg10[%dma_wait3A_170, %dma_wait3A_171] : memref<10112x64xf32, #tpu.memory_space<vmem_shared>> -> memref<10112x64xf32, #tpu.memory_space<vmem_shared>>
      tpu.wait_indirect_dma semaphore(%arg17 : memref<!tpu.dma_semaphore, #tpu.memory_space<semaphore_mem>>) src(%dma_wait3A_166 : memref<128x64xf32, #tpu.memory_space<vmem>>) dst(%dma_wait3A_172 : memref<10112x64xf32, #tpu.memory_space<vmem_shared>>)
      %add3A_173 = arith.constant 3 : i32
      %add3A_174 = arith.addi %add3A_139, %add3A_173 : i32
      %lt3A_175 = arith.constant 81 : i32
      %lt3A_176 = arith.cmpi slt, %add3A_174, %lt3A_175 : i32
      %convert_element_type3A_177 = arith.extui %lt3A_176 : i1 to i32
      %cond3A_178 = arith.constant 0 : i32
      %cond3A_179 = arith.cmpi ne, %convert_element_type3A_177, %cond3A_178 : i32
      scf.if %cond3A_179 {
        %dma_start3A_180 = arith.constant 2 : i32
        %dma_start3A_181 = arith.constant 0 : i32
        %dma_start3A_182 = arith.constant 0 : i32
        %dma_start3A_183 = tpu.memref_slice %arg9[%dma_start3A_180, %dma_start3A_181, %dma_start3A_182] : memref<3x128x64xf32, #tpu.memory_space<vmem>> -> memref<1x128x64xf32, #tpu.memory_space<vmem>>
        %dma_start3A_184 = tpu.memref_squeeze %dma_start3A_183 : memref<1x128x64xf32, #tpu.memory_space<vmem>> -> memref<128x64xf32, #tpu.memory_space<vmem>>
        %dma_start3A_185 = arith.constant 0 : i32
        %dma_start3A_186 = tpu.memref_slice %arg7[%add3A_174, %dma_start3A_185] : memref<81x128xi32, #tpu.memory_space<vmem>> -> memref<1x128xi32, #tpu.memory_space<vmem>>
        %dma_start3A_187 = tpu.memref_squeeze %dma_start3A_186 : memref<1x128xi32, #tpu.memory_space<vmem>> -> memref<128xi32, #tpu.memory_space<vmem>>
        %dma_start3A_188 = arith.constant 0 : i32
        %dma_start3A_189 = arith.constant 0 : i32
        %dma_start3A_190 = tpu.memref_slice %arg11[%dma_start3A_188, %dma_start3A_189] : memref<10000x64xf32, #tpu.memory_space<vmem_shared>> -> memref<10000x64xf32, #tpu.memory_space<vmem_shared>>
        tpu.enqueue_indirect_dma source(%dma_start3A_190 : memref<10000x64xf32, #tpu.memory_space<vmem_shared>>) target(%dma_start3A_184 : memref<128x64xf32, #tpu.memory_space<vmem>>) offsets(%dma_start3A_187 : memref<128xi32, #tpu.memory_space<vmem>>) semaphore(%arg14 : memref<!tpu.dma_semaphore, #tpu.memory_space<semaphore_mem>>)
      } else {
      }
    }
    %scan3A_48 = arith.constant 27 : i32
    %barrier3A_49 = arith.constant 0 : index
    tpu.barrier barrier_id(%barrier3A_49)
    %mul3A_50 = arith.constant 632 : i32
    %mul3A_51 = arith.muli %arg1, %mul3A_50 : i32
    %mul3A_52 = arith.constant 10112 : i32
    %mul3A_53 = arith.muli %arg0, %mul3A_52 : i32
    %add3A_54 = arith.addi %mul3A_53, %mul3A_51 : i32
    "tpu.region"() ({
      %run_scoped3A = tpu.sem_alloc : memref<!tpu.dma_semaphore, #tpu.memory_space<semaphore_mem>>
      %dma_start3A_55 = arith.constant 0 : i32
      %dma_start3A_56 = tpu.memref_slice %arg6[%add3A_54, %dma_start3A_55] : memref<20224x64xf32, #tpu.memory_space<hbm>> -> memref<632x64xf32, #tpu.memory_space<hbm>>
      %dma_start3A_57 = arith.constant 0 : i32
      %dma_start3A_58 = tpu.memref_slice %arg10[%mul3A_51, %dma_start3A_57] : memref<10112x64xf32, #tpu.memory_space<vmem_shared>> -> memref<632x64xf32, #tpu.memory_space<vmem_shared>>
      tpu.enqueue_dma source(%dma_start3A_58 : memref<632x64xf32, #tpu.memory_space<vmem_shared>>) target(%dma_start3A_56 : memref<632x64xf32, #tpu.memory_space<hbm>>) target_semaphore(%run_scoped3A : memref<!tpu.dma_semaphore, #tpu.memory_space<semaphore_mem>>)
      %dma_wait3A = arith.constant 0 : i32
      %dma_wait3A_59 = tpu.memref_slice %arg6[%add3A_54, %dma_wait3A] : memref<20224x64xf32, #tpu.memory_space<hbm>> -> memref<632x64xf32, #tpu.memory_space<hbm>>
      %dma_wait3A_60 = arith.constant 0 : i32
      %dma_wait3A_61 = tpu.memref_slice %arg10[%mul3A_51, %dma_wait3A_60] : memref<10112x64xf32, #tpu.memory_space<vmem_shared>> -> memref<632x64xf32, #tpu.memory_space<vmem_shared>>
      tpu.wait_dma2 semaphore(%run_scoped3A : memref<!tpu.dma_semaphore, #tpu.memory_space<semaphore_mem>>) src(%dma_wait3A_61 : memref<632x64xf32, #tpu.memory_space<vmem_shared>>) dst(%dma_wait3A_59 : memref<632x64xf32, #tpu.memory_space<hbm>>)
      tpu.yield
    }) : () -> ()
    return
  }
}

#map = affine_map<(d0, d1) -> (0, 0)>
#map1 = affine_map<(d0, d1) -> (0, 0, 0)>
module attributes {stable_mosaic.version = 14 : i64} {
  func.func @body(%arg0: i32, %arg1: i32, %arg2: memref<128x16xf32, #tpu.memory_space<hbm>>, %arg3: memref<32x81x128xi32, #tpu.memory_space<hbm>>, %arg4: memref<32x81x128xi32, #tpu.memory_space<hbm>>, %arg5: memref<10112x16xf32, #tpu.memory_space<hbm>>, %arg6: memref<20224x16xf32, #tpu.memory_space<hbm>>, %arg7: memref<81x128xi32, #tpu.memory_space<vmem>>, %arg8: memref<81x128xi32, #tpu.memory_space<vmem>>, %arg9: memref<3x128x16xf32, #tpu.memory_space<vmem>>, %arg10: memref<10112x16xf32, #tpu.memory_space<vmem_shared>>, %arg11: memref<10000x16xf32, #tpu.memory_space<vmem_shared>>, %arg12: memref<!tpu.dma_semaphore, #tpu.memory_space<semaphore_mem>>, %arg13: memref<!tpu.dma_semaphore, #tpu.memory_space<semaphore_mem>>, %arg14: memref<!tpu.dma_semaphore, #tpu.memory_space<semaphore_mem>>, %arg15: memref<!tpu.dma_semaphore, #tpu.memory_space<semaphore_mem>>, %arg16: memref<!tpu.dma_semaphore, #tpu.memory_space<semaphore_mem>>, %arg17: memref<!tpu.dma_semaphore, #tpu.memory_space<semaphore_mem>>) attributes {dimension_semantics = [#tpu.dimension_semantics<core_parallel>, #tpu.dimension_semantics<subcore_parallel>], iteration_bounds = array<i64: 2, 16>, scalar_prefetch = 0 : i64, scratch_operands = 11 : i64, tpu.core_type = #tpu.core_type<sc_vector_subcore>, window_params = [{transform_indices = #map}, {transform_indices = #map1}, {transform_indices = #map1}, {transform_indices = #map}, {transform_indices = #map}]} {
    %mul3A = arith.constant 2 : i32
    %mul3A_0 = arith.muli %arg1, %mul3A : i32
    %add3A = arith.addi %mul3A_0, %arg0 : i32
    "tpu.region"() ({
      %run_scoped3A_51 = tpu.sem_alloc : memref<!tpu.dma_semaphore, #tpu.memory_space<semaphore_mem>>
      %dma_start3A_52 = arith.constant 0 : i32
      %dma_start3A_53 = arith.constant 0 : i32
      %dma_start3A_54 = tpu.memref_slice %arg3[%add3A, %dma_start3A_52, %dma_start3A_53] : memref<32x81x128xi32, #tpu.memory_space<hbm>> -> memref<1x81x128xi32, #tpu.memory_space<hbm>>
      %dma_start3A_55 = tpu.memref_squeeze %dma_start3A_54 : memref<1x81x128xi32, #tpu.memory_space<hbm>> -> memref<81x128xi32, #tpu.memory_space<hbm>>
      %dma_start3A_56 = arith.constant 0 : i32
      %dma_start3A_57 = arith.constant 0 : i32
      %dma_start3A_58 = tpu.memref_slice %arg3[%add3A, %dma_start3A_56, %dma_start3A_57] : memref<32x81x128xi32, #tpu.memory_space<hbm>> -> memref<1x81x128xi32, #tpu.memory_space<hbm>>
      %dma_start3A_59 = tpu.memref_squeeze %dma_start3A_58 : memref<1x81x128xi32, #tpu.memory_space<hbm>> -> memref<81x128xi32, #tpu.memory_space<hbm>>
      tpu.enqueue_dma source(%dma_start3A_59 : memref<81x128xi32, #tpu.memory_space<hbm>>) target(%arg7 : memref<81x128xi32, #tpu.memory_space<vmem>>) target_semaphore(%run_scoped3A_51 : memref<!tpu.dma_semaphore, #tpu.memory_space<semaphore_mem>>)
      %dma_wait3A = arith.constant 0 : i32
      %dma_wait3A_60 = arith.constant 0 : i32
      %dma_wait3A_61 = tpu.memref_slice %arg3[%add3A, %dma_wait3A, %dma_wait3A_60] : memref<32x81x128xi32, #tpu.memory_space<hbm>> -> memref<1x81x128xi32, #tpu.memory_space<hbm>>
      %dma_wait3A_62 = tpu.memref_squeeze %dma_wait3A_61 : memref<1x81x128xi32, #tpu.memory_space<hbm>> -> memref<81x128xi32, #tpu.memory_space<hbm>>
      %dma_wait3A_63 = arith.constant 0 : i32
      %dma_wait3A_64 = arith.constant 0 : i32
      %dma_wait3A_65 = tpu.memref_slice %arg3[%add3A, %dma_wait3A_63, %dma_wait3A_64] : memref<32x81x128xi32, #tpu.memory_space<hbm>> -> memref<1x81x128xi32, #tpu.memory_space<hbm>>
      %dma_wait3A_66 = tpu.memref_squeeze %dma_wait3A_65 : memref<1x81x128xi32, #tpu.memory_space<hbm>> -> memref<81x128xi32, #tpu.memory_space<hbm>>
      tpu.wait_dma2 semaphore(%run_scoped3A_51 : memref<!tpu.dma_semaphore, #tpu.memory_space<semaphore_mem>>) src(%dma_wait3A_66 : memref<81x128xi32, #tpu.memory_space<hbm>>) dst(%arg7 : memref<81x128xi32, #tpu.memory_space<vmem>>)
      tpu.yield
    }) : () -> ()
    "tpu.region"() ({
      %run_scoped3A_51 = tpu.sem_alloc : memref<!tpu.dma_semaphore, #tpu.memory_space<semaphore_mem>>
      %dma_start3A_52 = arith.constant 0 : i32
      %dma_start3A_53 = arith.constant 0 : i32
      %dma_start3A_54 = tpu.memref_slice %arg4[%add3A, %dma_start3A_52, %dma_start3A_53] : memref<32x81x128xi32, #tpu.memory_space<hbm>> -> memref<1x81x128xi32, #tpu.memory_space<hbm>>
      %dma_start3A_55 = tpu.memref_squeeze %dma_start3A_54 : memref<1x81x128xi32, #tpu.memory_space<hbm>> -> memref<81x128xi32, #tpu.memory_space<hbm>>
      %dma_start3A_56 = arith.constant 0 : i32
      %dma_start3A_57 = arith.constant 0 : i32
      %dma_start3A_58 = tpu.memref_slice %arg4[%add3A, %dma_start3A_56, %dma_start3A_57] : memref<32x81x128xi32, #tpu.memory_space<hbm>> -> memref<1x81x128xi32, #tpu.memory_space<hbm>>
      %dma_start3A_59 = tpu.memref_squeeze %dma_start3A_58 : memref<1x81x128xi32, #tpu.memory_space<hbm>> -> memref<81x128xi32, #tpu.memory_space<hbm>>
      tpu.enqueue_dma source(%dma_start3A_59 : memref<81x128xi32, #tpu.memory_space<hbm>>) target(%arg8 : memref<81x128xi32, #tpu.memory_space<vmem>>) target_semaphore(%run_scoped3A_51 : memref<!tpu.dma_semaphore, #tpu.memory_space<semaphore_mem>>)
      %dma_wait3A = arith.constant 0 : i32
      %dma_wait3A_60 = arith.constant 0 : i32
      %dma_wait3A_61 = tpu.memref_slice %arg4[%add3A, %dma_wait3A, %dma_wait3A_60] : memref<32x81x128xi32, #tpu.memory_space<hbm>> -> memref<1x81x128xi32, #tpu.memory_space<hbm>>
      %dma_wait3A_62 = tpu.memref_squeeze %dma_wait3A_61 : memref<1x81x128xi32, #tpu.memory_space<hbm>> -> memref<81x128xi32, #tpu.memory_space<hbm>>
      %dma_wait3A_63 = arith.constant 0 : i32
      %dma_wait3A_64 = arith.constant 0 : i32
      %dma_wait3A_65 = tpu.memref_slice %arg4[%add3A, %dma_wait3A_63, %dma_wait3A_64] : memref<32x81x128xi32, #tpu.memory_space<hbm>> -> memref<1x81x128xi32, #tpu.memory_space<hbm>>
      %dma_wait3A_66 = tpu.memref_squeeze %dma_wait3A_65 : memref<1x81x128xi32, #tpu.memory_space<hbm>> -> memref<81x128xi32, #tpu.memory_space<hbm>>
      tpu.wait_dma2 semaphore(%run_scoped3A_51 : memref<!tpu.dma_semaphore, #tpu.memory_space<semaphore_mem>>) src(%dma_wait3A_66 : memref<81x128xi32, #tpu.memory_space<hbm>>) dst(%arg8 : memref<81x128xi32, #tpu.memory_space<vmem>>)
      tpu.yield
    }) : () -> ()
    %mul3A_1 = arith.constant 632 : i32
    %mul3A_2 = arith.muli %arg1, %mul3A_1 : i32
    %mul3A_3 = arith.constant 632 : i32
    %mul3A_4 = arith.muli %arg1, %mul3A_3 : i32
    "tpu.region"() ({
      %run_scoped3A_51 = tpu.sem_alloc : memref<!tpu.dma_semaphore, #tpu.memory_space<semaphore_mem>>
      %dma_start3A_52 = arith.constant 0 : i32
      %dma_start3A_53 = tpu.memref_slice %arg10[%mul3A_4, %dma_start3A_52] : memref<10112x16xf32, #tpu.memory_space<vmem_shared>> -> memref<632x16xf32, #tpu.memory_space<vmem_shared>>
      %dma_start3A_54 = arith.constant 0 : i32
      %dma_start3A_55 = tpu.memref_slice %arg5[%mul3A_2, %dma_start3A_54] : memref<10112x16xf32, #tpu.memory_space<hbm>> -> memref<632x16xf32, #tpu.memory_space<hbm>>
      tpu.enqueue_dma source(%dma_start3A_55 : memref<632x16xf32, #tpu.memory_space<hbm>>) target(%dma_start3A_53 : memref<632x16xf32, #tpu.memory_space<vmem_shared>>) target_semaphore(%run_scoped3A_51 : memref<!tpu.dma_semaphore, #tpu.memory_space<semaphore_mem>>)
      %dma_wait3A = arith.constant 0 : i32
      %dma_wait3A_56 = tpu.memref_slice %arg10[%mul3A_4, %dma_wait3A] : memref<10112x16xf32, #tpu.memory_space<vmem_shared>> -> memref<632x16xf32, #tpu.memory_space<vmem_shared>>
      %dma_wait3A_57 = arith.constant 0 : i32
      %dma_wait3A_58 = tpu.memref_slice %arg5[%mul3A_2, %dma_wait3A_57] : memref<10112x16xf32, #tpu.memory_space<hbm>> -> memref<632x16xf32, #tpu.memory_space<hbm>>
      tpu.wait_dma2 semaphore(%run_scoped3A_51 : memref<!tpu.dma_semaphore, #tpu.memory_space<semaphore_mem>>) src(%dma_wait3A_58 : memref<632x16xf32, #tpu.memory_space<hbm>>) dst(%dma_wait3A_56 : memref<632x16xf32, #tpu.memory_space<vmem_shared>>)
      tpu.yield
    }) : () -> ()
    %run_scoped3A = arith.constant 0 : i32
    "tpu.region"() ({
      %run_scoped3A_51 = tpu.sem_alloc : memref<!tpu.dma_semaphore, #tpu.memory_space<semaphore_mem>>
      %dma_start3A_52 = arith.constant 0 : i32
      %dma_start3A_53 = arith.constant 0 : i32
      %dma_start3A_54 = tpu.memref_slice %arg9[%run_scoped3A, %dma_start3A_52, %dma_start3A_53] : memref<3x128x16xf32, #tpu.memory_space<vmem>> -> memref<1x128x16xf32, #tpu.memory_space<vmem>>
      %dma_start3A_55 = tpu.memref_squeeze %dma_start3A_54 : memref<1x128x16xf32, #tpu.memory_space<vmem>> -> memref<128x16xf32, #tpu.memory_space<vmem>>
      %dma_start3A_56 = arith.constant 0 : i32
      %dma_start3A_57 = arith.constant 0 : i32
      %dma_start3A_58 = tpu.memref_slice %arg9[%run_scoped3A, %dma_start3A_56, %dma_start3A_57] : memref<3x128x16xf32, #tpu.memory_space<vmem>> -> memref<1x128x16xf32, #tpu.memory_space<vmem>>
      %dma_start3A_59 = tpu.memref_squeeze %dma_start3A_58 : memref<1x128x16xf32, #tpu.memory_space<vmem>> -> memref<128x16xf32, #tpu.memory_space<vmem>>
      tpu.enqueue_dma source(%arg2 : memref<128x16xf32, #tpu.memory_space<hbm>>) target(%dma_start3A_59 : memref<128x16xf32, #tpu.memory_space<vmem>>) target_semaphore(%run_scoped3A_51 : memref<!tpu.dma_semaphore, #tpu.memory_space<semaphore_mem>>)
      %dma_wait3A = arith.constant 0 : i32
      %dma_wait3A_60 = arith.constant 0 : i32
      %dma_wait3A_61 = tpu.memref_slice %arg9[%run_scoped3A, %dma_wait3A, %dma_wait3A_60] : memref<3x128x16xf32, #tpu.memory_space<vmem>> -> memref<1x128x16xf32, #tpu.memory_space<vmem>>
      %dma_wait3A_62 = tpu.memref_squeeze %dma_wait3A_61 : memref<1x128x16xf32, #tpu.memory_space<vmem>> -> memref<128x16xf32, #tpu.memory_space<vmem>>
      %dma_wait3A_63 = arith.constant 0 : i32
      %dma_wait3A_64 = arith.constant 0 : i32
      %dma_wait3A_65 = tpu.memref_slice %arg9[%run_scoped3A, %dma_wait3A_63, %dma_wait3A_64] : memref<3x128x16xf32, #tpu.memory_space<vmem>> -> memref<1x128x16xf32, #tpu.memory_space<vmem>>
      %dma_wait3A_66 = tpu.memref_squeeze %dma_wait3A_65 : memref<1x128x16xf32, #tpu.memory_space<vmem>> -> memref<128x16xf32, #tpu.memory_space<vmem>>
      tpu.wait_dma2 semaphore(%run_scoped3A_51 : memref<!tpu.dma_semaphore, #tpu.memory_space<semaphore_mem>>) src(%arg2 : memref<128x16xf32, #tpu.memory_space<hbm>>) dst(%dma_wait3A_66 : memref<128x16xf32, #tpu.memory_space<vmem>>)
      tpu.yield
    }) : () -> ()
    %barrier3A = arith.constant 0 : index
    tpu.barrier barrier_id(%barrier3A)
    %dma_start3A = arith.constant 0 : i32
    %dma_start3A_5 = arith.constant 0 : i32
    %dma_start3A_6 = arith.constant 0 : i32
    %dma_start3A_7 = arith.constant 0 : i32
    %dma_start3A_8 = tpu.memref_slice %arg9[%dma_start3A, %dma_start3A_6, %dma_start3A_7] : memref<3x128x16xf32, #tpu.memory_space<vmem>> -> memref<1x128x16xf32, #tpu.memory_space<vmem>>
    %dma_start3A_9 = tpu.memref_squeeze %dma_start3A_8 : memref<1x128x16xf32, #tpu.memory_space<vmem>> -> memref<128x16xf32, #tpu.memory_space<vmem>>
    %dma_start3A_10 = arith.constant 0 : i32
    %dma_start3A_11 = tpu.memref_slice %arg8[%dma_start3A_5, %dma_start3A_10] : memref<81x128xi32, #tpu.memory_space<vmem>> -> memref<1x128xi32, #tpu.memory_space<vmem>>
    %dma_start3A_12 = tpu.memref_squeeze %dma_start3A_11 : memref<1x128xi32, #tpu.memory_space<vmem>> -> memref<128xi32, #tpu.memory_space<vmem>>
    %dma_start3A_13 = arith.constant 0 : i32
    %dma_start3A_14 = arith.constant 0 : i32
    %dma_start3A_15 = tpu.memref_slice %arg10[%dma_start3A_13, %dma_start3A_14] : memref<10112x16xf32, #tpu.memory_space<vmem_shared>> -> memref<10112x16xf32, #tpu.memory_space<vmem_shared>>
    tpu.enqueue_indirect_dma source(%dma_start3A_9 : memref<128x16xf32, #tpu.memory_space<vmem>>) target(%dma_start3A_15 : memref<10112x16xf32, #tpu.memory_space<vmem_shared>>) offsets(%dma_start3A_12 : memref<128xi32, #tpu.memory_space<vmem>>) semaphore(%arg15 : memref<!tpu.dma_semaphore, #tpu.memory_space<semaphore_mem>>) {add = true}
    %dma_start3A_16 = arith.constant 0 : i32
    %dma_start3A_17 = arith.constant 1 : i32
    %dma_start3A_18 = arith.constant 0 : i32
    %dma_start3A_19 = arith.constant 0 : i32
    %dma_start3A_20 = tpu.memref_slice %arg9[%dma_start3A_16, %dma_start3A_18, %dma_start3A_19] : memref<3x128x16xf32, #tpu.memory_space<vmem>> -> memref<1x128x16xf32, #tpu.memory_space<vmem>>
    %dma_start3A_21 = tpu.memref_squeeze %dma_start3A_20 : memref<1x128x16xf32, #tpu.memory_space<vmem>> -> memref<128x16xf32, #tpu.memory_space<vmem>>
    %dma_start3A_22 = arith.constant 0 : i32
    %dma_start3A_23 = tpu.memref_slice %arg8[%dma_start3A_17, %dma_start3A_22] : memref<81x128xi32, #tpu.memory_space<vmem>> -> memref<1x128xi32, #tpu.memory_space<vmem>>
    %dma_start3A_24 = tpu.memref_squeeze %dma_start3A_23 : memref<1x128xi32, #tpu.memory_space<vmem>> -> memref<128xi32, #tpu.memory_space<vmem>>
    %dma_start3A_25 = arith.constant 0 : i32
    %dma_start3A_26 = arith.constant 0 : i32
    %dma_start3A_27 = tpu.memref_slice %arg10[%dma_start3A_25, %dma_start3A_26] : memref<10112x16xf32, #tpu.memory_space<vmem_shared>> -> memref<10112x16xf32, #tpu.memory_space<vmem_shared>>
    tpu.enqueue_indirect_dma source(%dma_start3A_21 : memref<128x16xf32, #tpu.memory_space<vmem>>) target(%dma_start3A_27 : memref<10112x16xf32, #tpu.memory_space<vmem_shared>>) offsets(%dma_start3A_24 : memref<128xi32, #tpu.memory_space<vmem>>) semaphore(%arg16 : memref<!tpu.dma_semaphore, #tpu.memory_space<semaphore_mem>>) {add = true}
    %dma_start3A_28 = arith.constant 0 : i32
    %dma_start3A_29 = arith.constant 2 : i32
    %dma_start3A_30 = arith.constant 0 : i32
    %dma_start3A_31 = arith.constant 0 : i32
    %dma_start3A_32 = tpu.memref_slice %arg9[%dma_start3A_28, %dma_start3A_30, %dma_start3A_31] : memref<3x128x16xf32, #tpu.memory_space<vmem>> -> memref<1x128x16xf32, #tpu.memory_space<vmem>>
    %dma_start3A_33 = tpu.memref_squeeze %dma_start3A_32 : memref<1x128x16xf32, #tpu.memory_space<vmem>> -> memref<128x16xf32, #tpu.memory_space<vmem>>
    %dma_start3A_34 = arith.constant 0 : i32
    %dma_start3A_35 = tpu.memref_slice %arg8[%dma_start3A_29, %dma_start3A_34] : memref<81x128xi32, #tpu.memory_space<vmem>> -> memref<1x128xi32, #tpu.memory_space<vmem>>
    %dma_start3A_36 = tpu.memref_squeeze %dma_start3A_35 : memref<1x128xi32, #tpu.memory_space<vmem>> -> memref<128xi32, #tpu.memory_space<vmem>>
    %dma_start3A_37 = arith.constant 0 : i32
    %dma_start3A_38 = arith.constant 0 : i32
    %dma_start3A_39 = tpu.memref_slice %arg10[%dma_start3A_37, %dma_start3A_38] : memref<10112x16xf32, #tpu.memory_space<vmem_shared>> -> memref<10112x16xf32, #tpu.memory_space<vmem_shared>>
    tpu.enqueue_indirect_dma source(%dma_start3A_33 : memref<128x16xf32, #tpu.memory_space<vmem>>) target(%dma_start3A_39 : memref<10112x16xf32, #tpu.memory_space<vmem_shared>>) offsets(%dma_start3A_36 : memref<128xi32, #tpu.memory_space<vmem>>) semaphore(%arg17 : memref<!tpu.dma_semaphore, #tpu.memory_space<semaphore_mem>>) {add = true}
    %scan3A = arith.constant 0 : i32
    %scan3A_40 = arith.constant 0 : i32
    %scan3A_41 = arith.constant 27 : i32
    %scan3A_42 = arith.addi %scan3A_40, %scan3A_41 : i32
    %scan3A_43 = arith.constant 1 : i32
    scf.for %scan3A_51 = %scan3A_40 to %scan3A_42 step %scan3A_43  : i32 {
      %mul3A_52 = arith.constant 3 : i32
      %mul3A_53 = arith.muli %scan3A_51, %mul3A_52 : i32
      %add3A_54 = arith.constant 0 : i32
      %add3A_55 = arith.addi %mul3A_53, %add3A_54 : i32
      %dma_wait3A = arith.constant 0 : i32
      %dma_wait3A_56 = arith.constant 0 : i32
      %dma_wait3A_57 = arith.constant 0 : i32
      %dma_wait3A_58 = tpu.memref_slice %arg9[%dma_wait3A, %dma_wait3A_56, %dma_wait3A_57] : memref<3x128x16xf32, #tpu.memory_space<vmem>> -> memref<1x128x16xf32, #tpu.memory_space<vmem>>
      %dma_wait3A_59 = tpu.memref_squeeze %dma_wait3A_58 : memref<1x128x16xf32, #tpu.memory_space<vmem>> -> memref<128x16xf32, #tpu.memory_space<vmem>>
      %dma_wait3A_60 = arith.constant 0 : i32
      %dma_wait3A_61 = tpu.memref_slice %arg8[%add3A_55, %dma_wait3A_60] : memref<81x128xi32, #tpu.memory_space<vmem>> -> memref<1x128xi32, #tpu.memory_space<vmem>>
      %dma_wait3A_62 = tpu.memref_squeeze %dma_wait3A_61 : memref<1x128xi32, #tpu.memory_space<vmem>> -> memref<128xi32, #tpu.memory_space<vmem>>
      %dma_wait3A_63 = arith.constant 0 : i32
      %dma_wait3A_64 = arith.constant 0 : i32
      %dma_wait3A_65 = tpu.memref_slice %arg10[%dma_wait3A_63, %dma_wait3A_64] : memref<10112x16xf32, #tpu.memory_space<vmem_shared>> -> memref<10112x16xf32, #tpu.memory_space<vmem_shared>>
      tpu.wait_indirect_dma semaphore(%arg15 : memref<!tpu.dma_semaphore, #tpu.memory_space<semaphore_mem>>) src(%dma_wait3A_59 : memref<128x16xf32, #tpu.memory_space<vmem>>) dst(%dma_wait3A_65 : memref<10112x16xf32, #tpu.memory_space<vmem_shared>>)
      %add3A_66 = arith.constant 3 : i32
      %add3A_67 = arith.addi %add3A_55, %add3A_66 : i32
      %lt3A = arith.constant 81 : i32
      %lt3A_68 = arith.cmpi slt, %add3A_67, %lt3A : i32
      %convert_element_type3A = arith.extui %lt3A_68 : i1 to i32
      %cond3A = arith.constant 0 : i32
      %cond3A_69 = arith.cmpi ne, %convert_element_type3A, %cond3A : i32
      scf.if %cond3A_69 {
        %dma_start3A_110 = arith.constant 0 : i32
        %dma_start3A_111 = arith.constant 0 : i32
        %dma_start3A_112 = arith.constant 0 : i32
        %dma_start3A_113 = tpu.memref_slice %arg9[%dma_start3A_110, %dma_start3A_111, %dma_start3A_112] : memref<3x128x16xf32, #tpu.memory_space<vmem>> -> memref<1x128x16xf32, #tpu.memory_space<vmem>>
        %dma_start3A_114 = tpu.memref_squeeze %dma_start3A_113 : memref<1x128x16xf32, #tpu.memory_space<vmem>> -> memref<128x16xf32, #tpu.memory_space<vmem>>
        %dma_start3A_115 = arith.constant 0 : i32
        %dma_start3A_116 = tpu.memref_slice %arg8[%add3A_67, %dma_start3A_115] : memref<81x128xi32, #tpu.memory_space<vmem>> -> memref<1x128xi32, #tpu.memory_space<vmem>>
        %dma_start3A_117 = tpu.memref_squeeze %dma_start3A_116 : memref<1x128xi32, #tpu.memory_space<vmem>> -> memref<128xi32, #tpu.memory_space<vmem>>
        %dma_start3A_118 = arith.constant 0 : i32
        %dma_start3A_119 = arith.constant 0 : i32
        %dma_start3A_120 = tpu.memref_slice %arg10[%dma_start3A_118, %dma_start3A_119] : memref<10112x16xf32, #tpu.memory_space<vmem_shared>> -> memref<10112x16xf32, #tpu.memory_space<vmem_shared>>
        tpu.enqueue_indirect_dma source(%dma_start3A_114 : memref<128x16xf32, #tpu.memory_space<vmem>>) target(%dma_start3A_120 : memref<10112x16xf32, #tpu.memory_space<vmem_shared>>) offsets(%dma_start3A_117 : memref<128xi32, #tpu.memory_space<vmem>>) semaphore(%arg15 : memref<!tpu.dma_semaphore, #tpu.memory_space<semaphore_mem>>) {add = true}
      } else {
      }
      %add3A_70 = arith.constant 1 : i32
      %add3A_71 = arith.addi %mul3A_53, %add3A_70 : i32
      %dma_wait3A_72 = arith.constant 0 : i32
      %dma_wait3A_73 = arith.constant 0 : i32
      %dma_wait3A_74 = arith.constant 0 : i32
      %dma_wait3A_75 = tpu.memref_slice %arg9[%dma_wait3A_72, %dma_wait3A_73, %dma_wait3A_74] : memref<3x128x16xf32, #tpu.memory_space<vmem>> -> memref<1x128x16xf32, #tpu.memory_space<vmem>>
      %dma_wait3A_76 = tpu.memref_squeeze %dma_wait3A_75 : memref<1x128x16xf32, #tpu.memory_space<vmem>> -> memref<128x16xf32, #tpu.memory_space<vmem>>
      %dma_wait3A_77 = arith.constant 0 : i32
      %dma_wait3A_78 = tpu.memref_slice %arg8[%add3A_71, %dma_wait3A_77] : memref<81x128xi32, #tpu.memory_space<vmem>> -> memref<1x128xi32, #tpu.memory_space<vmem>>
      %dma_wait3A_79 = tpu.memref_squeeze %dma_wait3A_78 : memref<1x128xi32, #tpu.memory_space<vmem>> -> memref<128xi32, #tpu.memory_space<vmem>>
      %dma_wait3A_80 = arith.constant 0 : i32
      %dma_wait3A_81 = arith.constant 0 : i32
      %dma_wait3A_82 = tpu.memref_slice %arg10[%dma_wait3A_80, %dma_wait3A_81] : memref<10112x16xf32, #tpu.memory_space<vmem_shared>> -> memref<10112x16xf32, #tpu.memory_space<vmem_shared>>
      tpu.wait_indirect_dma semaphore(%arg16 : memref<!tpu.dma_semaphore, #tpu.memory_space<semaphore_mem>>) src(%dma_wait3A_76 : memref<128x16xf32, #tpu.memory_space<vmem>>) dst(%dma_wait3A_82 : memref<10112x16xf32, #tpu.memory_space<vmem_shared>>)
      %add3A_83 = arith.constant 3 : i32
      %add3A_84 = arith.addi %add3A_71, %add3A_83 : i32
      %lt3A_85 = arith.constant 81 : i32
      %lt3A_86 = arith.cmpi slt, %add3A_84, %lt3A_85 : i32
      %convert_element_type3A_87 = arith.extui %lt3A_86 : i1 to i32
      %cond3A_88 = arith.constant 0 : i32
      %cond3A_89 = arith.cmpi ne, %convert_element_type3A_87, %cond3A_88 : i32
      scf.if %cond3A_89 {
        %dma_start3A_110 = arith.constant 0 : i32
        %dma_start3A_111 = arith.constant 0 : i32
        %dma_start3A_112 = arith.constant 0 : i32
        %dma_start3A_113 = tpu.memref_slice %arg9[%dma_start3A_110, %dma_start3A_111, %dma_start3A_112] : memref<3x128x16xf32, #tpu.memory_space<vmem>> -> memref<1x128x16xf32, #tpu.memory_space<vmem>>
        %dma_start3A_114 = tpu.memref_squeeze %dma_start3A_113 : memref<1x128x16xf32, #tpu.memory_space<vmem>> -> memref<128x16xf32, #tpu.memory_space<vmem>>
        %dma_start3A_115 = arith.constant 0 : i32
        %dma_start3A_116 = tpu.memref_slice %arg8[%add3A_84, %dma_start3A_115] : memref<81x128xi32, #tpu.memory_space<vmem>> -> memref<1x128xi32, #tpu.memory_space<vmem>>
        %dma_start3A_117 = tpu.memref_squeeze %dma_start3A_116 : memref<1x128xi32, #tpu.memory_space<vmem>> -> memref<128xi32, #tpu.memory_space<vmem>>
        %dma_start3A_118 = arith.constant 0 : i32
        %dma_start3A_119 = arith.constant 0 : i32
        %dma_start3A_120 = tpu.memref_slice %arg10[%dma_start3A_118, %dma_start3A_119] : memref<10112x16xf32, #tpu.memory_space<vmem_shared>> -> memref<10112x16xf32, #tpu.memory_space<vmem_shared>>
        tpu.enqueue_indirect_dma source(%dma_start3A_114 : memref<128x16xf32, #tpu.memory_space<vmem>>) target(%dma_start3A_120 : memref<10112x16xf32, #tpu.memory_space<vmem_shared>>) offsets(%dma_start3A_117 : memref<128xi32, #tpu.memory_space<vmem>>) semaphore(%arg16 : memref<!tpu.dma_semaphore, #tpu.memory_space<semaphore_mem>>) {add = true}
      } else {
      }
      %add3A_90 = arith.constant 2 : i32
      %add3A_91 = arith.addi %mul3A_53, %add3A_90 : i32
      %dma_wait3A_92 = arith.constant 0 : i32
      %dma_wait3A_93 = arith.constant 0 : i32
      %dma_wait3A_94 = arith.constant 0 : i32
      %dma_wait3A_95 = tpu.memref_slice %arg9[%dma_wait3A_92, %dma_wait3A_93, %dma_wait3A_94] : memref<3x128x16xf32, #tpu.memory_space<vmem>> -> memref<1x128x16xf32, #tpu.memory_space<vmem>>
      %dma_wait3A_96 = tpu.memref_squeeze %dma_wait3A_95 : memref<1x128x16xf32, #tpu.memory_space<vmem>> -> memref<128x16xf32, #tpu.memory_space<vmem>>
      %dma_wait3A_97 = arith.constant 0 : i32
      %dma_wait3A_98 = tpu.memref_slice %arg8[%add3A_91, %dma_wait3A_97] : memref<81x128xi32, #tpu.memory_space<vmem>> -> memref<1x128xi32, #tpu.memory_space<vmem>>
      %dma_wait3A_99 = tpu.memref_squeeze %dma_wait3A_98 : memref<1x128xi32, #tpu.memory_space<vmem>> -> memref<128xi32, #tpu.memory_space<vmem>>
      %dma_wait3A_100 = arith.constant 0 : i32
      %dma_wait3A_101 = arith.constant 0 : i32
      %dma_wait3A_102 = tpu.memref_slice %arg10[%dma_wait3A_100, %dma_wait3A_101] : memref<10112x16xf32, #tpu.memory_space<vmem_shared>> -> memref<10112x16xf32, #tpu.memory_space<vmem_shared>>
      tpu.wait_indirect_dma semaphore(%arg17 : memref<!tpu.dma_semaphore, #tpu.memory_space<semaphore_mem>>) src(%dma_wait3A_96 : memref<128x16xf32, #tpu.memory_space<vmem>>) dst(%dma_wait3A_102 : memref<10112x16xf32, #tpu.memory_space<vmem_shared>>)
      %add3A_103 = arith.constant 3 : i32
      %add3A_104 = arith.addi %add3A_91, %add3A_103 : i32
      %lt3A_105 = arith.constant 81 : i32
      %lt3A_106 = arith.cmpi slt, %add3A_104, %lt3A_105 : i32
      %convert_element_type3A_107 = arith.extui %lt3A_106 : i1 to i32
      %cond3A_108 = arith.constant 0 : i32
      %cond3A_109 = arith.cmpi ne, %convert_element_type3A_107, %cond3A_108 : i32
      scf.if %cond3A_109 {
        %dma_start3A_110 = arith.constant 0 : i32
        %dma_start3A_111 = arith.constant 0 : i32
        %dma_start3A_112 = arith.constant 0 : i32
        %dma_start3A_113 = tpu.memref_slice %arg9[%dma_start3A_110, %dma_start3A_111, %dma_start3A_112] : memref<3x128x16xf32, #tpu.memory_space<vmem>> -> memref<1x128x16xf32, #tpu.memory_space<vmem>>
        %dma_start3A_114 = tpu.memref_squeeze %dma_start3A_113 : memref<1x128x16xf32, #tpu.memory_space<vmem>> -> memref<128x16xf32, #tpu.memory_space<vmem>>
        %dma_start3A_115 = arith.constant 0 : i32
        %dma_start3A_116 = tpu.memref_slice %arg8[%add3A_104, %dma_start3A_115] : memref<81x128xi32, #tpu.memory_space<vmem>> -> memref<1x128xi32, #tpu.memory_space<vmem>>
        %dma_start3A_117 = tpu.memref_squeeze %dma_start3A_116 : memref<1x128xi32, #tpu.memory_space<vmem>> -> memref<128xi32, #tpu.memory_space<vmem>>
        %dma_start3A_118 = arith.constant 0 : i32
        %dma_start3A_119 = arith.constant 0 : i32
        %dma_start3A_120 = tpu.memref_slice %arg10[%dma_start3A_118, %dma_start3A_119] : memref<10112x16xf32, #tpu.memory_space<vmem_shared>> -> memref<10112x16xf32, #tpu.memory_space<vmem_shared>>
        tpu.enqueue_indirect_dma source(%dma_start3A_114 : memref<128x16xf32, #tpu.memory_space<vmem>>) target(%dma_start3A_120 : memref<10112x16xf32, #tpu.memory_space<vmem_shared>>) offsets(%dma_start3A_117 : memref<128xi32, #tpu.memory_space<vmem>>) semaphore(%arg17 : memref<!tpu.dma_semaphore, #tpu.memory_space<semaphore_mem>>) {add = true}
      } else {
      }
    }
    %scan3A_44 = arith.constant 27 : i32
    %barrier3A_45 = arith.constant 0 : index
    tpu.barrier barrier_id(%barrier3A_45)
    %mul3A_46 = arith.constant 632 : i32
    %mul3A_47 = arith.muli %arg1, %mul3A_46 : i32
    %mul3A_48 = arith.constant 10112 : i32
    %mul3A_49 = arith.muli %arg0, %mul3A_48 : i32
    %add3A_50 = arith.addi %mul3A_49, %mul3A_47 : i32
    "tpu.region"() ({
      %run_scoped3A_51 = tpu.sem_alloc : memref<!tpu.dma_semaphore, #tpu.memory_space<semaphore_mem>>
      %dma_start3A_52 = arith.constant 0 : i32
      %dma_start3A_53 = tpu.memref_slice %arg6[%add3A_50, %dma_start3A_52] : memref<20224x16xf32, #tpu.memory_space<hbm>> -> memref<632x16xf32, #tpu.memory_space<hbm>>
      %dma_start3A_54 = arith.constant 0 : i32
      %dma_start3A_55 = tpu.memref_slice %arg10[%mul3A_47, %dma_start3A_54] : memref<10112x16xf32, #tpu.memory_space<vmem_shared>> -> memref<632x16xf32, #tpu.memory_space<vmem_shared>>
      tpu.enqueue_dma source(%dma_start3A_55 : memref<632x16xf32, #tpu.memory_space<vmem_shared>>) target(%dma_start3A_53 : memref<632x16xf32, #tpu.memory_space<hbm>>) target_semaphore(%run_scoped3A_51 : memref<!tpu.dma_semaphore, #tpu.memory_space<semaphore_mem>>)
      %dma_wait3A = arith.constant 0 : i32
      %dma_wait3A_56 = tpu.memref_slice %arg6[%add3A_50, %dma_wait3A] : memref<20224x16xf32, #tpu.memory_space<hbm>> -> memref<632x16xf32, #tpu.memory_space<hbm>>
      %dma_wait3A_57 = arith.constant 0 : i32
      %dma_wait3A_58 = tpu.memref_slice %arg10[%mul3A_47, %dma_wait3A_57] : memref<10112x16xf32, #tpu.memory_space<vmem_shared>> -> memref<632x16xf32, #tpu.memory_space<vmem_shared>>
      tpu.wait_dma2 semaphore(%run_scoped3A_51 : memref<!tpu.dma_semaphore, #tpu.memory_space<semaphore_mem>>) src(%dma_wait3A_58 : memref<632x16xf32, #tpu.memory_space<vmem_shared>>) dst(%dma_wait3A_56 : memref<632x16xf32, #tpu.memory_space<hbm>>)
      tpu.yield
    }) : () -> ()
    return
  }
}

#map = affine_map<(d0, d1) -> (0, 0)>
#map1 = affine_map<(d0, d1) -> (0, 0, 0)>
module attributes {stable_mosaic.version = 14 : i64} {
  func.func @body(%arg0: i32, %arg1: i32, %arg2: memref<10000x64xf32, #tpu.memory_space<hbm>>, %arg3: memref<32x81x128xi32, #tpu.memory_space<hbm>>, %arg4: memref<32x81x128xi32, #tpu.memory_space<hbm>>, %arg5: memref<10112x64xf32, #tpu.memory_space<hbm>>, %arg6: memref<20224x64xf32, #tpu.memory_space<hbm>>, %arg7: memref<81x128xi32, #tpu.memory_space<vmem>>, %arg8: memref<81x128xi32, #tpu.memory_space<vmem>>, %arg9: memref<3x128x64xf32, #tpu.memory_space<vmem>>, %arg10: memref<10112x64xf32, #tpu.memory_space<vmem_shared>>, %arg11: memref<10000x64xf32, #tpu.memory_space<vmem_shared>>, %arg12: memref<!tpu.dma_semaphore, #tpu.memory_space<semaphore_mem>>, %arg13: memref<!tpu.dma_semaphore, #tpu.memory_space<semaphore_mem>>, %arg14: memref<!tpu.dma_semaphore, #tpu.memory_space<semaphore_mem>>, %arg15: memref<!tpu.dma_semaphore, #tpu.memory_space<semaphore_mem>>, %arg16: memref<!tpu.dma_semaphore, #tpu.memory_space<semaphore_mem>>, %arg17: memref<!tpu.dma_semaphore, #tpu.memory_space<semaphore_mem>>) attributes {dimension_semantics = [#tpu.dimension_semantics<core_parallel>, #tpu.dimension_semantics<subcore_parallel>], iteration_bounds = array<i64: 2, 16>, scalar_prefetch = 0 : i64, scratch_operands = 11 : i64, tpu.core_type = #tpu.core_type<sc_vector_subcore>, window_params = [{transform_indices = #map}, {transform_indices = #map1}, {transform_indices = #map1}, {transform_indices = #map}, {transform_indices = #map}]} {
    %mul3A = arith.constant 2 : i32
    %mul3A_0 = arith.muli %arg1, %mul3A : i32
    %add3A = arith.addi %mul3A_0, %arg0 : i32
    "tpu.region"() ({
      %run_scoped3A = tpu.sem_alloc : memref<!tpu.dma_semaphore, #tpu.memory_space<semaphore_mem>>
      %dma_start3A_55 = arith.constant 0 : i32
      %dma_start3A_56 = arith.constant 0 : i32
      %dma_start3A_57 = tpu.memref_slice %arg3[%add3A, %dma_start3A_55, %dma_start3A_56] : memref<32x81x128xi32, #tpu.memory_space<hbm>> -> memref<1x81x128xi32, #tpu.memory_space<hbm>>
      %dma_start3A_58 = tpu.memref_squeeze %dma_start3A_57 : memref<1x81x128xi32, #tpu.memory_space<hbm>> -> memref<81x128xi32, #tpu.memory_space<hbm>>
      %dma_start3A_59 = arith.constant 0 : i32
      %dma_start3A_60 = arith.constant 0 : i32
      %dma_start3A_61 = tpu.memref_slice %arg3[%add3A, %dma_start3A_59, %dma_start3A_60] : memref<32x81x128xi32, #tpu.memory_space<hbm>> -> memref<1x81x128xi32, #tpu.memory_space<hbm>>
      %dma_start3A_62 = tpu.memref_squeeze %dma_start3A_61 : memref<1x81x128xi32, #tpu.memory_space<hbm>> -> memref<81x128xi32, #tpu.memory_space<hbm>>
      tpu.enqueue_dma source(%dma_start3A_62 : memref<81x128xi32, #tpu.memory_space<hbm>>) target(%arg7 : memref<81x128xi32, #tpu.memory_space<vmem>>) target_semaphore(%run_scoped3A : memref<!tpu.dma_semaphore, #tpu.memory_space<semaphore_mem>>)
      %dma_wait3A = arith.constant 0 : i32
      %dma_wait3A_63 = arith.constant 0 : i32
      %dma_wait3A_64 = tpu.memref_slice %arg3[%add3A, %dma_wait3A, %dma_wait3A_63] : memref<32x81x128xi32, #tpu.memory_space<hbm>> -> memref<1x81x128xi32, #tpu.memory_space<hbm>>
      %dma_wait3A_65 = tpu.memref_squeeze %dma_wait3A_64 : memref<1x81x128xi32, #tpu.memory_space<hbm>> -> memref<81x128xi32, #tpu.memory_space<hbm>>
      %dma_wait3A_66 = arith.constant 0 : i32
      %dma_wait3A_67 = arith.constant 0 : i32
      %dma_wait3A_68 = tpu.memref_slice %arg3[%add3A, %dma_wait3A_66, %dma_wait3A_67] : memref<32x81x128xi32, #tpu.memory_space<hbm>> -> memref<1x81x128xi32, #tpu.memory_space<hbm>>
      %dma_wait3A_69 = tpu.memref_squeeze %dma_wait3A_68 : memref<1x81x128xi32, #tpu.memory_space<hbm>> -> memref<81x128xi32, #tpu.memory_space<hbm>>
      tpu.wait_dma2 semaphore(%run_scoped3A : memref<!tpu.dma_semaphore, #tpu.memory_space<semaphore_mem>>) src(%dma_wait3A_69 : memref<81x128xi32, #tpu.memory_space<hbm>>) dst(%arg7 : memref<81x128xi32, #tpu.memory_space<vmem>>)
      tpu.yield
    }) : () -> ()
    "tpu.region"() ({
      %run_scoped3A = tpu.sem_alloc : memref<!tpu.dma_semaphore, #tpu.memory_space<semaphore_mem>>
      %dma_start3A_55 = arith.constant 0 : i32
      %dma_start3A_56 = arith.constant 0 : i32
      %dma_start3A_57 = tpu.memref_slice %arg4[%add3A, %dma_start3A_55, %dma_start3A_56] : memref<32x81x128xi32, #tpu.memory_space<hbm>> -> memref<1x81x128xi32, #tpu.memory_space<hbm>>
      %dma_start3A_58 = tpu.memref_squeeze %dma_start3A_57 : memref<1x81x128xi32, #tpu.memory_space<hbm>> -> memref<81x128xi32, #tpu.memory_space<hbm>>
      %dma_start3A_59 = arith.constant 0 : i32
      %dma_start3A_60 = arith.constant 0 : i32
      %dma_start3A_61 = tpu.memref_slice %arg4[%add3A, %dma_start3A_59, %dma_start3A_60] : memref<32x81x128xi32, #tpu.memory_space<hbm>> -> memref<1x81x128xi32, #tpu.memory_space<hbm>>
      %dma_start3A_62 = tpu.memref_squeeze %dma_start3A_61 : memref<1x81x128xi32, #tpu.memory_space<hbm>> -> memref<81x128xi32, #tpu.memory_space<hbm>>
      tpu.enqueue_dma source(%dma_start3A_62 : memref<81x128xi32, #tpu.memory_space<hbm>>) target(%arg8 : memref<81x128xi32, #tpu.memory_space<vmem>>) target_semaphore(%run_scoped3A : memref<!tpu.dma_semaphore, #tpu.memory_space<semaphore_mem>>)
      %dma_wait3A = arith.constant 0 : i32
      %dma_wait3A_63 = arith.constant 0 : i32
      %dma_wait3A_64 = tpu.memref_slice %arg4[%add3A, %dma_wait3A, %dma_wait3A_63] : memref<32x81x128xi32, #tpu.memory_space<hbm>> -> memref<1x81x128xi32, #tpu.memory_space<hbm>>
      %dma_wait3A_65 = tpu.memref_squeeze %dma_wait3A_64 : memref<1x81x128xi32, #tpu.memory_space<hbm>> -> memref<81x128xi32, #tpu.memory_space<hbm>>
      %dma_wait3A_66 = arith.constant 0 : i32
      %dma_wait3A_67 = arith.constant 0 : i32
      %dma_wait3A_68 = tpu.memref_slice %arg4[%add3A, %dma_wait3A_66, %dma_wait3A_67] : memref<32x81x128xi32, #tpu.memory_space<hbm>> -> memref<1x81x128xi32, #tpu.memory_space<hbm>>
      %dma_wait3A_69 = tpu.memref_squeeze %dma_wait3A_68 : memref<1x81x128xi32, #tpu.memory_space<hbm>> -> memref<81x128xi32, #tpu.memory_space<hbm>>
      tpu.wait_dma2 semaphore(%run_scoped3A : memref<!tpu.dma_semaphore, #tpu.memory_space<semaphore_mem>>) src(%dma_wait3A_69 : memref<81x128xi32, #tpu.memory_space<hbm>>) dst(%arg8 : memref<81x128xi32, #tpu.memory_space<vmem>>)
      tpu.yield
    }) : () -> ()
    %mul3A_1 = arith.constant 632 : i32
    %mul3A_2 = arith.muli %arg1, %mul3A_1 : i32
    %mul3A_3 = arith.constant 632 : i32
    %mul3A_4 = arith.muli %arg1, %mul3A_3 : i32
    "tpu.region"() ({
      %run_scoped3A = tpu.sem_alloc : memref<!tpu.dma_semaphore, #tpu.memory_space<semaphore_mem>>
      %dma_start3A_55 = arith.constant 0 : i32
      %dma_start3A_56 = tpu.memref_slice %arg10[%mul3A_4, %dma_start3A_55] : memref<10112x64xf32, #tpu.memory_space<vmem_shared>> -> memref<632x64xf32, #tpu.memory_space<vmem_shared>>
      %dma_start3A_57 = arith.constant 0 : i32
      %dma_start3A_58 = tpu.memref_slice %arg5[%mul3A_2, %dma_start3A_57] : memref<10112x64xf32, #tpu.memory_space<hbm>> -> memref<632x64xf32, #tpu.memory_space<hbm>>
      tpu.enqueue_dma source(%dma_start3A_58 : memref<632x64xf32, #tpu.memory_space<hbm>>) target(%dma_start3A_56 : memref<632x64xf32, #tpu.memory_space<vmem_shared>>) target_semaphore(%run_scoped3A : memref<!tpu.dma_semaphore, #tpu.memory_space<semaphore_mem>>)
      %dma_wait3A = arith.constant 0 : i32
      %dma_wait3A_59 = tpu.memref_slice %arg10[%mul3A_4, %dma_wait3A] : memref<10112x64xf32, #tpu.memory_space<vmem_shared>> -> memref<632x64xf32, #tpu.memory_space<vmem_shared>>
      %dma_wait3A_60 = arith.constant 0 : i32
      %dma_wait3A_61 = tpu.memref_slice %arg5[%mul3A_2, %dma_wait3A_60] : memref<10112x64xf32, #tpu.memory_space<hbm>> -> memref<632x64xf32, #tpu.memory_space<hbm>>
      tpu.wait_dma2 semaphore(%run_scoped3A : memref<!tpu.dma_semaphore, #tpu.memory_space<semaphore_mem>>) src(%dma_wait3A_61 : memref<632x64xf32, #tpu.memory_space<hbm>>) dst(%dma_wait3A_59 : memref<632x64xf32, #tpu.memory_space<vmem_shared>>)
      tpu.yield
    }) : () -> ()
    %mul3A_5 = arith.constant 625 : i32
    %mul3A_6 = arith.muli %arg1, %mul3A_5 : i32
    %mul3A_7 = arith.constant 625 : i32
    %mul3A_8 = arith.muli %arg1, %mul3A_7 : i32
    "tpu.region"() ({
      %run_scoped3A = tpu.sem_alloc : memref<!tpu.dma_semaphore, #tpu.memory_space<semaphore_mem>>
      %dma_start3A_55 = arith.constant 0 : i32
      %dma_start3A_56 = tpu.memref_slice %arg11[%mul3A_8, %dma_start3A_55] : memref<10000x64xf32, #tpu.memory_space<vmem_shared>> -> memref<625x64xf32, #tpu.memory_space<vmem_shared>>
      %dma_start3A_57 = arith.constant 0 : i32
      %dma_start3A_58 = tpu.memref_slice %arg2[%mul3A_6, %dma_start3A_57] : memref<10000x64xf32, #tpu.memory_space<hbm>> -> memref<625x64xf32, #tpu.memory_space<hbm>>
      tpu.enqueue_dma source(%dma_start3A_58 : memref<625x64xf32, #tpu.memory_space<hbm>>) target(%dma_start3A_56 : memref<625x64xf32, #tpu.memory_space<vmem_shared>>) target_semaphore(%run_scoped3A : memref<!tpu.dma_semaphore, #tpu.memory_space<semaphore_mem>>)
      %dma_wait3A = arith.constant 0 : i32
      %dma_wait3A_59 = tpu.memref_slice %arg11[%mul3A_8, %dma_wait3A] : memref<10000x64xf32, #tpu.memory_space<vmem_shared>> -> memref<625x64xf32, #tpu.memory_space<vmem_shared>>
      %dma_wait3A_60 = arith.constant 0 : i32
      %dma_wait3A_61 = tpu.memref_slice %arg2[%mul3A_6, %dma_wait3A_60] : memref<10000x64xf32, #tpu.memory_space<hbm>> -> memref<625x64xf32, #tpu.memory_space<hbm>>
      tpu.wait_dma2 semaphore(%run_scoped3A : memref<!tpu.dma_semaphore, #tpu.memory_space<semaphore_mem>>) src(%dma_wait3A_61 : memref<625x64xf32, #tpu.memory_space<hbm>>) dst(%dma_wait3A_59 : memref<625x64xf32, #tpu.memory_space<vmem_shared>>)
      tpu.yield
    }) : () -> ()
    %barrier3A = arith.constant 0 : index
    tpu.barrier barrier_id(%barrier3A)
    %dma_start3A = arith.constant 0 : i32
    %dma_start3A_9 = arith.constant 0 : i32
    %dma_start3A_10 = arith.constant 0 : i32
    %dma_start3A_11 = arith.constant 0 : i32
    %dma_start3A_12 = tpu.memref_slice %arg9[%dma_start3A_9, %dma_start3A_10, %dma_start3A_11] : memref<3x128x64xf32, #tpu.memory_space<vmem>> -> memref<1x128x64xf32, #tpu.memory_space<vmem>>
    %dma_start3A_13 = tpu.memref_squeeze %dma_start3A_12 : memref<1x128x64xf32, #tpu.memory_space<vmem>> -> memref<128x64xf32, #tpu.memory_space<vmem>>
    %dma_start3A_14 = arith.constant 0 : i32
    %dma_start3A_15 = tpu.memref_slice %arg7[%dma_start3A, %dma_start3A_14] : memref<81x128xi32, #tpu.memory_space<vmem>> -> memref<1x128xi32, #tpu.memory_space<vmem>>
    %dma_start3A_16 = tpu.memref_squeeze %dma_start3A_15 : memref<1x128xi32, #tpu.memory_space<vmem>> -> memref<128xi32, #tpu.memory_space<vmem>>
    %dma_start3A_17 = arith.constant 0 : i32
    %dma_start3A_18 = arith.constant 0 : i32
    %dma_start3A_19 = tpu.memref_slice %arg11[%dma_start3A_17, %dma_start3A_18] : memref<10000x64xf32, #tpu.memory_space<vmem_shared>> -> memref<10000x64xf32, #tpu.memory_space<vmem_shared>>
    tpu.enqueue_indirect_dma source(%dma_start3A_19 : memref<10000x64xf32, #tpu.memory_space<vmem_shared>>) target(%dma_start3A_13 : memref<128x64xf32, #tpu.memory_space<vmem>>) offsets(%dma_start3A_16 : memref<128xi32, #tpu.memory_space<vmem>>) semaphore(%arg12 : memref<!tpu.dma_semaphore, #tpu.memory_space<semaphore_mem>>)
    %dma_start3A_20 = arith.constant 1 : i32
    %dma_start3A_21 = arith.constant 1 : i32
    %dma_start3A_22 = arith.constant 0 : i32
    %dma_start3A_23 = arith.constant 0 : i32
    %dma_start3A_24 = tpu.memref_slice %arg9[%dma_start3A_21, %dma_start3A_22, %dma_start3A_23] : memref<3x128x64xf32, #tpu.memory_space<vmem>> -> memref<1x128x64xf32, #tpu.memory_space<vmem>>
    %dma_start3A_25 = tpu.memref_squeeze %dma_start3A_24 : memref<1x128x64xf32, #tpu.memory_space<vmem>> -> memref<128x64xf32, #tpu.memory_space<vmem>>
    %dma_start3A_26 = arith.constant 0 : i32
    %dma_start3A_27 = tpu.memref_slice %arg7[%dma_start3A_20, %dma_start3A_26] : memref<81x128xi32, #tpu.memory_space<vmem>> -> memref<1x128xi32, #tpu.memory_space<vmem>>
    %dma_start3A_28 = tpu.memref_squeeze %dma_start3A_27 : memref<1x128xi32, #tpu.memory_space<vmem>> -> memref<128xi32, #tpu.memory_space<vmem>>
    %dma_start3A_29 = arith.constant 0 : i32
    %dma_start3A_30 = arith.constant 0 : i32
    %dma_start3A_31 = tpu.memref_slice %arg11[%dma_start3A_29, %dma_start3A_30] : memref<10000x64xf32, #tpu.memory_space<vmem_shared>> -> memref<10000x64xf32, #tpu.memory_space<vmem_shared>>
    tpu.enqueue_indirect_dma source(%dma_start3A_31 : memref<10000x64xf32, #tpu.memory_space<vmem_shared>>) target(%dma_start3A_25 : memref<128x64xf32, #tpu.memory_space<vmem>>) offsets(%dma_start3A_28 : memref<128xi32, #tpu.memory_space<vmem>>) semaphore(%arg13 : memref<!tpu.dma_semaphore, #tpu.memory_space<semaphore_mem>>)
    %dma_start3A_32 = arith.constant 2 : i32
    %dma_start3A_33 = arith.constant 2 : i32
    %dma_start3A_34 = arith.constant 0 : i32
    %dma_start3A_35 = arith.constant 0 : i32
    %dma_start3A_36 = tpu.memref_slice %arg9[%dma_start3A_33, %dma_start3A_34, %dma_start3A_35] : memref<3x128x64xf32, #tpu.memory_space<vmem>> -> memref<1x128x64xf32, #tpu.memory_space<vmem>>
    %dma_start3A_37 = tpu.memref_squeeze %dma_start3A_36 : memref<1x128x64xf32, #tpu.memory_space<vmem>> -> memref<128x64xf32, #tpu.memory_space<vmem>>
    %dma_start3A_38 = arith.constant 0 : i32
    %dma_start3A_39 = tpu.memref_slice %arg7[%dma_start3A_32, %dma_start3A_38] : memref<81x128xi32, #tpu.memory_space<vmem>> -> memref<1x128xi32, #tpu.memory_space<vmem>>
    %dma_start3A_40 = tpu.memref_squeeze %dma_start3A_39 : memref<1x128xi32, #tpu.memory_space<vmem>> -> memref<128xi32, #tpu.memory_space<vmem>>
    %dma_start3A_41 = arith.constant 0 : i32
    %dma_start3A_42 = arith.constant 0 : i32
    %dma_start3A_43 = tpu.memref_slice %arg11[%dma_start3A_41, %dma_start3A_42] : memref<10000x64xf32, #tpu.memory_space<vmem_shared>> -> memref<10000x64xf32, #tpu.memory_space<vmem_shared>>
    tpu.enqueue_indirect_dma source(%dma_start3A_43 : memref<10000x64xf32, #tpu.memory_space<vmem_shared>>) target(%dma_start3A_37 : memref<128x64xf32, #tpu.memory_space<vmem>>) offsets(%dma_start3A_40 : memref<128xi32, #tpu.memory_space<vmem>>) semaphore(%arg14 : memref<!tpu.dma_semaphore, #tpu.memory_space<semaphore_mem>>)
    %scan3A = arith.constant 0 : i32
    %scan3A_44 = arith.constant 0 : i32
    %scan3A_45 = arith.constant 27 : i32
    %scan3A_46 = arith.addi %scan3A_44, %scan3A_45 : i32
    %scan3A_47 = arith.constant 1 : i32
    scf.for %scan3A_55 = %scan3A_44 to %scan3A_46 step %scan3A_47  : i32 {
      %mul3A_56 = arith.constant 3 : i32
      %mul3A_57 = arith.muli %scan3A_55, %mul3A_56 : i32
      %add3A_58 = arith.constant 0 : i32
      %add3A_59 = arith.addi %mul3A_57, %add3A_58 : i32
      %dma_wait3A = arith.constant 0 : i32
      %dma_wait3A_60 = arith.constant 0 : i32
      %dma_wait3A_61 = arith.constant 0 : i32
      %dma_wait3A_62 = tpu.memref_slice %arg9[%dma_wait3A, %dma_wait3A_60, %dma_wait3A_61] : memref<3x128x64xf32, #tpu.memory_space<vmem>> -> memref<1x128x64xf32, #tpu.memory_space<vmem>>
      %dma_wait3A_63 = tpu.memref_squeeze %dma_wait3A_62 : memref<1x128x64xf32, #tpu.memory_space<vmem>> -> memref<128x64xf32, #tpu.memory_space<vmem>>
      %dma_wait3A_64 = arith.constant 0 : i32
      %dma_wait3A_65 = tpu.memref_slice %arg7[%add3A_59, %dma_wait3A_64] : memref<81x128xi32, #tpu.memory_space<vmem>> -> memref<1x128xi32, #tpu.memory_space<vmem>>
      %dma_wait3A_66 = tpu.memref_squeeze %dma_wait3A_65 : memref<1x128xi32, #tpu.memory_space<vmem>> -> memref<128xi32, #tpu.memory_space<vmem>>
      %dma_wait3A_67 = arith.constant 0 : i32
      %dma_wait3A_68 = arith.constant 0 : i32
      %dma_wait3A_69 = tpu.memref_slice %arg11[%dma_wait3A_67, %dma_wait3A_68] : memref<10000x64xf32, #tpu.memory_space<vmem_shared>> -> memref<10000x64xf32, #tpu.memory_space<vmem_shared>>
      tpu.wait_indirect_dma semaphore(%arg12 : memref<!tpu.dma_semaphore, #tpu.memory_space<semaphore_mem>>) src(%dma_wait3A_69 : memref<10000x64xf32, #tpu.memory_space<vmem_shared>>) dst(%dma_wait3A_63 : memref<128x64xf32, #tpu.memory_space<vmem>>)
      %dma_start3A_70 = arith.constant 0 : i32
      %dma_start3A_71 = arith.constant 0 : i32
      %dma_start3A_72 = arith.constant 0 : i32
      %dma_start3A_73 = tpu.memref_slice %arg9[%dma_start3A_70, %dma_start3A_71, %dma_start3A_72] : memref<3x128x64xf32, #tpu.memory_space<vmem>> -> memref<1x128x64xf32, #tpu.memory_space<vmem>>
      %dma_start3A_74 = tpu.memref_squeeze %dma_start3A_73 : memref<1x128x64xf32, #tpu.memory_space<vmem>> -> memref<128x64xf32, #tpu.memory_space<vmem>>
      %dma_start3A_75 = arith.constant 0 : i32
      %dma_start3A_76 = tpu.memref_slice %arg8[%add3A_59, %dma_start3A_75] : memref<81x128xi32, #tpu.memory_space<vmem>> -> memref<1x128xi32, #tpu.memory_space<vmem>>
      %dma_start3A_77 = tpu.memref_squeeze %dma_start3A_76 : memref<1x128xi32, #tpu.memory_space<vmem>> -> memref<128xi32, #tpu.memory_space<vmem>>
      %dma_start3A_78 = arith.constant 0 : i32
      %dma_start3A_79 = arith.constant 0 : i32
      %dma_start3A_80 = tpu.memref_slice %arg10[%dma_start3A_78, %dma_start3A_79] : memref<10112x64xf32, #tpu.memory_space<vmem_shared>> -> memref<10112x64xf32, #tpu.memory_space<vmem_shared>>
      tpu.enqueue_indirect_dma source(%dma_start3A_74 : memref<128x64xf32, #tpu.memory_space<vmem>>) target(%dma_start3A_80 : memref<10112x64xf32, #tpu.memory_space<vmem_shared>>) offsets(%dma_start3A_77 : memref<128xi32, #tpu.memory_space<vmem>>) semaphore(%arg15 : memref<!tpu.dma_semaphore, #tpu.memory_space<semaphore_mem>>) {add = true}
      %dma_wait3A_81 = arith.constant 0 : i32
      %dma_wait3A_82 = arith.constant 0 : i32
      %dma_wait3A_83 = arith.constant 0 : i32
      %dma_wait3A_84 = tpu.memref_slice %arg9[%dma_wait3A_81, %dma_wait3A_82, %dma_wait3A_83] : memref<3x128x64xf32, #tpu.memory_space<vmem>> -> memref<1x128x64xf32, #tpu.memory_space<vmem>>
      %dma_wait3A_85 = tpu.memref_squeeze %dma_wait3A_84 : memref<1x128x64xf32, #tpu.memory_space<vmem>> -> memref<128x64xf32, #tpu.memory_space<vmem>>
      %dma_wait3A_86 = arith.constant 0 : i32
      %dma_wait3A_87 = tpu.memref_slice %arg8[%add3A_59, %dma_wait3A_86] : memref<81x128xi32, #tpu.memory_space<vmem>> -> memref<1x128xi32, #tpu.memory_space<vmem>>
      %dma_wait3A_88 = tpu.memref_squeeze %dma_wait3A_87 : memref<1x128xi32, #tpu.memory_space<vmem>> -> memref<128xi32, #tpu.memory_space<vmem>>
      %dma_wait3A_89 = arith.constant 0 : i32
      %dma_wait3A_90 = arith.constant 0 : i32
      %dma_wait3A_91 = tpu.memref_slice %arg10[%dma_wait3A_89, %dma_wait3A_90] : memref<10112x64xf32, #tpu.memory_space<vmem_shared>> -> memref<10112x64xf32, #tpu.memory_space<vmem_shared>>
      tpu.wait_indirect_dma semaphore(%arg15 : memref<!tpu.dma_semaphore, #tpu.memory_space<semaphore_mem>>) src(%dma_wait3A_85 : memref<128x64xf32, #tpu.memory_space<vmem>>) dst(%dma_wait3A_91 : memref<10112x64xf32, #tpu.memory_space<vmem_shared>>)
      %add3A_92 = arith.constant 3 : i32
      %add3A_93 = arith.addi %add3A_59, %add3A_92 : i32
      %lt3A = arith.constant 81 : i32
      %lt3A_94 = arith.cmpi slt, %add3A_93, %lt3A : i32
      %convert_element_type3A = arith.extui %lt3A_94 : i1 to i32
      %cond3A = arith.constant 0 : i32
      %cond3A_95 = arith.cmpi ne, %convert_element_type3A, %cond3A : i32
      scf.if %cond3A_95 {
        %dma_start3A_180 = arith.constant 0 : i32
        %dma_start3A_181 = arith.constant 0 : i32
        %dma_start3A_182 = arith.constant 0 : i32
        %dma_start3A_183 = tpu.memref_slice %arg9[%dma_start3A_180, %dma_start3A_181, %dma_start3A_182] : memref<3x128x64xf32, #tpu.memory_space<vmem>> -> memref<1x128x64xf32, #tpu.memory_space<vmem>>
        %dma_start3A_184 = tpu.memref_squeeze %dma_start3A_183 : memref<1x128x64xf32, #tpu.memory_space<vmem>> -> memref<128x64xf32, #tpu.memory_space<vmem>>
        %dma_start3A_185 = arith.constant 0 : i32
        %dma_start3A_186 = tpu.memref_slice %arg7[%add3A_93, %dma_start3A_185] : memref<81x128xi32, #tpu.memory_space<vmem>> -> memref<1x128xi32, #tpu.memory_space<vmem>>
        %dma_start3A_187 = tpu.memref_squeeze %dma_start3A_186 : memref<1x128xi32, #tpu.memory_space<vmem>> -> memref<128xi32, #tpu.memory_space<vmem>>
        %dma_start3A_188 = arith.constant 0 : i32
        %dma_start3A_189 = arith.constant 0 : i32
        %dma_start3A_190 = tpu.memref_slice %arg11[%dma_start3A_188, %dma_start3A_189] : memref<10000x64xf32, #tpu.memory_space<vmem_shared>> -> memref<10000x64xf32, #tpu.memory_space<vmem_shared>>
        tpu.enqueue_indirect_dma source(%dma_start3A_190 : memref<10000x64xf32, #tpu.memory_space<vmem_shared>>) target(%dma_start3A_184 : memref<128x64xf32, #tpu.memory_space<vmem>>) offsets(%dma_start3A_187 : memref<128xi32, #tpu.memory_space<vmem>>) semaphore(%arg12 : memref<!tpu.dma_semaphore, #tpu.memory_space<semaphore_mem>>)
      } else {
      }
      %add3A_96 = arith.constant 1 : i32
      %add3A_97 = arith.addi %mul3A_57, %add3A_96 : i32
      %dma_wait3A_98 = arith.constant 1 : i32
      %dma_wait3A_99 = arith.constant 0 : i32
      %dma_wait3A_100 = arith.constant 0 : i32
      %dma_wait3A_101 = tpu.memref_slice %arg9[%dma_wait3A_98, %dma_wait3A_99, %dma_wait3A_100] : memref<3x128x64xf32, #tpu.memory_space<vmem>> -> memref<1x128x64xf32, #tpu.memory_space<vmem>>
      %dma_wait3A_102 = tpu.memref_squeeze %dma_wait3A_101 : memref<1x128x64xf32, #tpu.memory_space<vmem>> -> memref<128x64xf32, #tpu.memory_space<vmem>>
      %dma_wait3A_103 = arith.constant 0 : i32
      %dma_wait3A_104 = tpu.memref_slice %arg7[%add3A_97, %dma_wait3A_103] : memref<81x128xi32, #tpu.memory_space<vmem>> -> memref<1x128xi32, #tpu.memory_space<vmem>>
      %dma_wait3A_105 = tpu.memref_squeeze %dma_wait3A_104 : memref<1x128xi32, #tpu.memory_space<vmem>> -> memref<128xi32, #tpu.memory_space<vmem>>
      %dma_wait3A_106 = arith.constant 0 : i32
      %dma_wait3A_107 = arith.constant 0 : i32
      %dma_wait3A_108 = tpu.memref_slice %arg11[%dma_wait3A_106, %dma_wait3A_107] : memref<10000x64xf32, #tpu.memory_space<vmem_shared>> -> memref<10000x64xf32, #tpu.memory_space<vmem_shared>>
      tpu.wait_indirect_dma semaphore(%arg13 : memref<!tpu.dma_semaphore, #tpu.memory_space<semaphore_mem>>) src(%dma_wait3A_108 : memref<10000x64xf32, #tpu.memory_space<vmem_shared>>) dst(%dma_wait3A_102 : memref<128x64xf32, #tpu.memory_space<vmem>>)
      %dma_start3A_109 = arith.constant 1 : i32
      %dma_start3A_110 = arith.constant 0 : i32
      %dma_start3A_111 = arith.constant 0 : i32
      %dma_start3A_112 = tpu.memref_slice %arg9[%dma_start3A_109, %dma_start3A_110, %dma_start3A_111] : memref<3x128x64xf32, #tpu.memory_space<vmem>> -> memref<1x128x64xf32, #tpu.memory_space<vmem>>
      %dma_start3A_113 = tpu.memref_squeeze %dma_start3A_112 : memref<1x128x64xf32, #tpu.memory_space<vmem>> -> memref<128x64xf32, #tpu.memory_space<vmem>>
      %dma_start3A_114 = arith.constant 0 : i32
      %dma_start3A_115 = tpu.memref_slice %arg8[%add3A_97, %dma_start3A_114] : memref<81x128xi32, #tpu.memory_space<vmem>> -> memref<1x128xi32, #tpu.memory_space<vmem>>
      %dma_start3A_116 = tpu.memref_squeeze %dma_start3A_115 : memref<1x128xi32, #tpu.memory_space<vmem>> -> memref<128xi32, #tpu.memory_space<vmem>>
      %dma_start3A_117 = arith.constant 0 : i32
      %dma_start3A_118 = arith.constant 0 : i32
      %dma_start3A_119 = tpu.memref_slice %arg10[%dma_start3A_117, %dma_start3A_118] : memref<10112x64xf32, #tpu.memory_space<vmem_shared>> -> memref<10112x64xf32, #tpu.memory_space<vmem_shared>>
      tpu.enqueue_indirect_dma source(%dma_start3A_113 : memref<128x64xf32, #tpu.memory_space<vmem>>) target(%dma_start3A_119 : memref<10112x64xf32, #tpu.memory_space<vmem_shared>>) offsets(%dma_start3A_116 : memref<128xi32, #tpu.memory_space<vmem>>) semaphore(%arg16 : memref<!tpu.dma_semaphore, #tpu.memory_space<semaphore_mem>>) {add = true}
      %dma_wait3A_120 = arith.constant 1 : i32
      %dma_wait3A_121 = arith.constant 0 : i32
      %dma_wait3A_122 = arith.constant 0 : i32
      %dma_wait3A_123 = tpu.memref_slice %arg9[%dma_wait3A_120, %dma_wait3A_121, %dma_wait3A_122] : memref<3x128x64xf32, #tpu.memory_space<vmem>> -> memref<1x128x64xf32, #tpu.memory_space<vmem>>
      %dma_wait3A_124 = tpu.memref_squeeze %dma_wait3A_123 : memref<1x128x64xf32, #tpu.memory_space<vmem>> -> memref<128x64xf32, #tpu.memory_space<vmem>>
      %dma_wait3A_125 = arith.constant 0 : i32
      %dma_wait3A_126 = tpu.memref_slice %arg8[%add3A_97, %dma_wait3A_125] : memref<81x128xi32, #tpu.memory_space<vmem>> -> memref<1x128xi32, #tpu.memory_space<vmem>>
      %dma_wait3A_127 = tpu.memref_squeeze %dma_wait3A_126 : memref<1x128xi32, #tpu.memory_space<vmem>> -> memref<128xi32, #tpu.memory_space<vmem>>
      %dma_wait3A_128 = arith.constant 0 : i32
      %dma_wait3A_129 = arith.constant 0 : i32
      %dma_wait3A_130 = tpu.memref_slice %arg10[%dma_wait3A_128, %dma_wait3A_129] : memref<10112x64xf32, #tpu.memory_space<vmem_shared>> -> memref<10112x64xf32, #tpu.memory_space<vmem_shared>>
      tpu.wait_indirect_dma semaphore(%arg16 : memref<!tpu.dma_semaphore, #tpu.memory_space<semaphore_mem>>) src(%dma_wait3A_124 : memref<128x64xf32, #tpu.memory_space<vmem>>) dst(%dma_wait3A_130 : memref<10112x64xf32, #tpu.memory_space<vmem_shared>>)
      %add3A_131 = arith.constant 3 : i32
      %add3A_132 = arith.addi %add3A_97, %add3A_131 : i32
      %lt3A_133 = arith.constant 81 : i32
      %lt3A_134 = arith.cmpi slt, %add3A_132, %lt3A_133 : i32
      %convert_element_type3A_135 = arith.extui %lt3A_134 : i1 to i32
      %cond3A_136 = arith.constant 0 : i32
      %cond3A_137 = arith.cmpi ne, %convert_element_type3A_135, %cond3A_136 : i32
      scf.if %cond3A_137 {
        %dma_start3A_180 = arith.constant 1 : i32
        %dma_start3A_181 = arith.constant 0 : i32
        %dma_start3A_182 = arith.constant 0 : i32
        %dma_start3A_183 = tpu.memref_slice %arg9[%dma_start3A_180, %dma_start3A_181, %dma_start3A_182] : memref<3x128x64xf32, #tpu.memory_space<vmem>> -> memref<1x128x64xf32, #tpu.memory_space<vmem>>
        %dma_start3A_184 = tpu.memref_squeeze %dma_start3A_183 : memref<1x128x64xf32, #tpu.memory_space<vmem>> -> memref<128x64xf32, #tpu.memory_space<vmem>>
        %dma_start3A_185 = arith.constant 0 : i32
        %dma_start3A_186 = tpu.memref_slice %arg7[%add3A_132, %dma_start3A_185] : memref<81x128xi32, #tpu.memory_space<vmem>> -> memref<1x128xi32, #tpu.memory_space<vmem>>
        %dma_start3A_187 = tpu.memref_squeeze %dma_start3A_186 : memref<1x128xi32, #tpu.memory_space<vmem>> -> memref<128xi32, #tpu.memory_space<vmem>>
        %dma_start3A_188 = arith.constant 0 : i32
        %dma_start3A_189 = arith.constant 0 : i32
        %dma_start3A_190 = tpu.memref_slice %arg11[%dma_start3A_188, %dma_start3A_189] : memref<10000x64xf32, #tpu.memory_space<vmem_shared>> -> memref<10000x64xf32, #tpu.memory_space<vmem_shared>>
        tpu.enqueue_indirect_dma source(%dma_start3A_190 : memref<10000x64xf32, #tpu.memory_space<vmem_shared>>) target(%dma_start3A_184 : memref<128x64xf32, #tpu.memory_space<vmem>>) offsets(%dma_start3A_187 : memref<128xi32, #tpu.memory_space<vmem>>) semaphore(%arg13 : memref<!tpu.dma_semaphore, #tpu.memory_space<semaphore_mem>>)
      } else {
      }
      %add3A_138 = arith.constant 2 : i32
      %add3A_139 = arith.addi %mul3A_57, %add3A_138 : i32
      %dma_wait3A_140 = arith.constant 2 : i32
      %dma_wait3A_141 = arith.constant 0 : i32
      %dma_wait3A_142 = arith.constant 0 : i32
      %dma_wait3A_143 = tpu.memref_slice %arg9[%dma_wait3A_140, %dma_wait3A_141, %dma_wait3A_142] : memref<3x128x64xf32, #tpu.memory_space<vmem>> -> memref<1x128x64xf32, #tpu.memory_space<vmem>>
      %dma_wait3A_144 = tpu.memref_squeeze %dma_wait3A_143 : memref<1x128x64xf32, #tpu.memory_space<vmem>> -> memref<128x64xf32, #tpu.memory_space<vmem>>
      %dma_wait3A_145 = arith.constant 0 : i32
      %dma_wait3A_146 = tpu.memref_slice %arg7[%add3A_139, %dma_wait3A_145] : memref<81x128xi32, #tpu.memory_space<vmem>> -> memref<1x128xi32, #tpu.memory_space<vmem>>
      %dma_wait3A_147 = tpu.memref_squeeze %dma_wait3A_146 : memref<1x128xi32, #tpu.memory_space<vmem>> -> memref<128xi32, #tpu.memory_space<vmem>>
      %dma_wait3A_148 = arith.constant 0 : i32
      %dma_wait3A_149 = arith.constant 0 : i32
      %dma_wait3A_150 = tpu.memref_slice %arg11[%dma_wait3A_148, %dma_wait3A_149] : memref<10000x64xf32, #tpu.memory_space<vmem_shared>> -> memref<10000x64xf32, #tpu.memory_space<vmem_shared>>
      tpu.wait_indirect_dma semaphore(%arg14 : memref<!tpu.dma_semaphore, #tpu.memory_space<semaphore_mem>>) src(%dma_wait3A_150 : memref<10000x64xf32, #tpu.memory_space<vmem_shared>>) dst(%dma_wait3A_144 : memref<128x64xf32, #tpu.memory_space<vmem>>)
      %dma_start3A_151 = arith.constant 2 : i32
      %dma_start3A_152 = arith.constant 0 : i32
      %dma_start3A_153 = arith.constant 0 : i32
      %dma_start3A_154 = tpu.memref_slice %arg9[%dma_start3A_151, %dma_start3A_152, %dma_start3A_153] : memref<3x128x64xf32, #tpu.memory_space<vmem>> -> memref<1x128x64xf32, #tpu.memory_space<vmem>>
      %dma_start3A_155 = tpu.memref_squeeze %dma_start3A_154 : memref<1x128x64xf32, #tpu.memory_space<vmem>> -> memref<128x64xf32, #tpu.memory_space<vmem>>
      %dma_start3A_156 = arith.constant 0 : i32
      %dma_start3A_157 = tpu.memref_slice %arg8[%add3A_139, %dma_start3A_156] : memref<81x128xi32, #tpu.memory_space<vmem>> -> memref<1x128xi32, #tpu.memory_space<vmem>>
      %dma_start3A_158 = tpu.memref_squeeze %dma_start3A_157 : memref<1x128xi32, #tpu.memory_space<vmem>> -> memref<128xi32, #tpu.memory_space<vmem>>
      %dma_start3A_159 = arith.constant 0 : i32
      %dma_start3A_160 = arith.constant 0 : i32
      %dma_start3A_161 = tpu.memref_slice %arg10[%dma_start3A_159, %dma_start3A_160] : memref<10112x64xf32, #tpu.memory_space<vmem_shared>> -> memref<10112x64xf32, #tpu.memory_space<vmem_shared>>
      tpu.enqueue_indirect_dma source(%dma_start3A_155 : memref<128x64xf32, #tpu.memory_space<vmem>>) target(%dma_start3A_161 : memref<10112x64xf32, #tpu.memory_space<vmem_shared>>) offsets(%dma_start3A_158 : memref<128xi32, #tpu.memory_space<vmem>>) semaphore(%arg17 : memref<!tpu.dma_semaphore, #tpu.memory_space<semaphore_mem>>) {add = true}
      %dma_wait3A_162 = arith.constant 2 : i32
      %dma_wait3A_163 = arith.constant 0 : i32
      %dma_wait3A_164 = arith.constant 0 : i32
      %dma_wait3A_165 = tpu.memref_slice %arg9[%dma_wait3A_162, %dma_wait3A_163, %dma_wait3A_164] : memref<3x128x64xf32, #tpu.memory_space<vmem>> -> memref<1x128x64xf32, #tpu.memory_space<vmem>>
      %dma_wait3A_166 = tpu.memref_squeeze %dma_wait3A_165 : memref<1x128x64xf32, #tpu.memory_space<vmem>> -> memref<128x64xf32, #tpu.memory_space<vmem>>
      %dma_wait3A_167 = arith.constant 0 : i32
      %dma_wait3A_168 = tpu.memref_slice %arg8[%add3A_139, %dma_wait3A_167] : memref<81x128xi32, #tpu.memory_space<vmem>> -> memref<1x128xi32, #tpu.memory_space<vmem>>
      %dma_wait3A_169 = tpu.memref_squeeze %dma_wait3A_168 : memref<1x128xi32, #tpu.memory_space<vmem>> -> memref<128xi32, #tpu.memory_space<vmem>>
      %dma_wait3A_170 = arith.constant 0 : i32
      %dma_wait3A_171 = arith.constant 0 : i32
      %dma_wait3A_172 = tpu.memref_slice %arg10[%dma_wait3A_170, %dma_wait3A_171] : memref<10112x64xf32, #tpu.memory_space<vmem_shared>> -> memref<10112x64xf32, #tpu.memory_space<vmem_shared>>
      tpu.wait_indirect_dma semaphore(%arg17 : memref<!tpu.dma_semaphore, #tpu.memory_space<semaphore_mem>>) src(%dma_wait3A_166 : memref<128x64xf32, #tpu.memory_space<vmem>>) dst(%dma_wait3A_172 : memref<10112x64xf32, #tpu.memory_space<vmem_shared>>)
      %add3A_173 = arith.constant 3 : i32
      %add3A_174 = arith.addi %add3A_139, %add3A_173 : i32
      %lt3A_175 = arith.constant 81 : i32
      %lt3A_176 = arith.cmpi slt, %add3A_174, %lt3A_175 : i32
      %convert_element_type3A_177 = arith.extui %lt3A_176 : i1 to i32
      %cond3A_178 = arith.constant 0 : i32
      %cond3A_179 = arith.cmpi ne, %convert_element_type3A_177, %cond3A_178 : i32
      scf.if %cond3A_179 {
        %dma_start3A_180 = arith.constant 2 : i32
        %dma_start3A_181 = arith.constant 0 : i32
        %dma_start3A_182 = arith.constant 0 : i32
        %dma_start3A_183 = tpu.memref_slice %arg9[%dma_start3A_180, %dma_start3A_181, %dma_start3A_182] : memref<3x128x64xf32, #tpu.memory_space<vmem>> -> memref<1x128x64xf32, #tpu.memory_space<vmem>>
        %dma_start3A_184 = tpu.memref_squeeze %dma_start3A_183 : memref<1x128x64xf32, #tpu.memory_space<vmem>> -> memref<128x64xf32, #tpu.memory_space<vmem>>
        %dma_start3A_185 = arith.constant 0 : i32
        %dma_start3A_186 = tpu.memref_slice %arg7[%add3A_174, %dma_start3A_185] : memref<81x128xi32, #tpu.memory_space<vmem>> -> memref<1x128xi32, #tpu.memory_space<vmem>>
        %dma_start3A_187 = tpu.memref_squeeze %dma_start3A_186 : memref<1x128xi32, #tpu.memory_space<vmem>> -> memref<128xi32, #tpu.memory_space<vmem>>
        %dma_start3A_188 = arith.constant 0 : i32
        %dma_start3A_189 = arith.constant 0 : i32
        %dma_start3A_190 = tpu.memref_slice %arg11[%dma_start3A_188, %dma_start3A_189] : memref<10000x64xf32, #tpu.memory_space<vmem_shared>> -> memref<10000x64xf32, #tpu.memory_space<vmem_shared>>
        tpu.enqueue_indirect_dma source(%dma_start3A_190 : memref<10000x64xf32, #tpu.memory_space<vmem_shared>>) target(%dma_start3A_184 : memref<128x64xf32, #tpu.memory_space<vmem>>) offsets(%dma_start3A_187 : memref<128xi32, #tpu.memory_space<vmem>>) semaphore(%arg14 : memref<!tpu.dma_semaphore, #tpu.memory_space<semaphore_mem>>)
      } else {
      }
    }
    %scan3A_48 = arith.constant 27 : i32
    %barrier3A_49 = arith.constant 0 : index
    tpu.barrier barrier_id(%barrier3A_49)
    %mul3A_50 = arith.constant 632 : i32
    %mul3A_51 = arith.muli %arg1, %mul3A_50 : i32
    %mul3A_52 = arith.constant 10112 : i32
    %mul3A_53 = arith.muli %arg0, %mul3A_52 : i32
    %add3A_54 = arith.addi %mul3A_53, %mul3A_51 : i32
    "tpu.region"() ({
      %run_scoped3A = tpu.sem_alloc : memref<!tpu.dma_semaphore, #tpu.memory_space<semaphore_mem>>
      %dma_start3A_55 = arith.constant 0 : i32
      %dma_start3A_56 = tpu.memref_slice %arg6[%add3A_54, %dma_start3A_55] : memref<20224x64xf32, #tpu.memory_space<hbm>> -> memref<632x64xf32, #tpu.memory_space<hbm>>
      %dma_start3A_57 = arith.constant 0 : i32
      %dma_start3A_58 = tpu.memref_slice %arg10[%mul3A_51, %dma_start3A_57] : memref<10112x64xf32, #tpu.memory_space<vmem_shared>> -> memref<632x64xf32, #tpu.memory_space<vmem_shared>>
      tpu.enqueue_dma source(%dma_start3A_58 : memref<632x64xf32, #tpu.memory_space<vmem_shared>>) target(%dma_start3A_56 : memref<632x64xf32, #tpu.memory_space<hbm>>) target_semaphore(%run_scoped3A : memref<!tpu.dma_semaphore, #tpu.memory_space<semaphore_mem>>)
      %dma_wait3A = arith.constant 0 : i32
      %dma_wait3A_59 = tpu.memref_slice %arg6[%add3A_54, %dma_wait3A] : memref<20224x64xf32, #tpu.memory_space<hbm>> -> memref<632x64xf32, #tpu.memory_space<hbm>>
      %dma_wait3A_60 = arith.constant 0 : i32
      %dma_wait3A_61 = tpu.memref_slice %arg10[%mul3A_51, %dma_wait3A_60] : memref<10112x64xf32, #tpu.memory_space<vmem_shared>> -> memref<632x64xf32, #tpu.memory_space<vmem_shared>>
      tpu.wait_dma2 semaphore(%run_scoped3A : memref<!tpu.dma_semaphore, #tpu.memory_space<semaphore_mem>>) src(%dma_wait3A_61 : memref<632x64xf32, #tpu.memory_space<vmem_shared>>) dst(%dma_wait3A_59 : memref<632x64xf32, #tpu.memory_space<hbm>>)
      tpu.yield
    }) : () -> ()
    return
  }
}

#map = affine_map<(d0, d1) -> (0, 0)>
#map1 = affine_map<(d0, d1) -> (0, 0, 0)>
module attributes {stable_mosaic.version = 14 : i64} {
  func.func @body(%arg0: i32, %arg1: i32, %arg2: memref<10000x64xf32, #tpu.memory_space<hbm>>, %arg3: memref<32x81x128xi32, #tpu.memory_space<hbm>>, %arg4: memref<32x81x128xi32, #tpu.memory_space<hbm>>, %arg5: memref<10112x64xf32, #tpu.memory_space<hbm>>, %arg6: memref<20224x64xf32, #tpu.memory_space<hbm>>, %arg7: memref<81x128xi32, #tpu.memory_space<vmem>>, %arg8: memref<81x128xi32, #tpu.memory_space<vmem>>, %arg9: memref<3x128x64xf32, #tpu.memory_space<vmem>>, %arg10: memref<10112x64xf32, #tpu.memory_space<vmem_shared>>, %arg11: memref<10000x64xf32, #tpu.memory_space<vmem_shared>>, %arg12: memref<!tpu.dma_semaphore, #tpu.memory_space<semaphore_mem>>, %arg13: memref<!tpu.dma_semaphore, #tpu.memory_space<semaphore_mem>>, %arg14: memref<!tpu.dma_semaphore, #tpu.memory_space<semaphore_mem>>, %arg15: memref<!tpu.dma_semaphore, #tpu.memory_space<semaphore_mem>>, %arg16: memref<!tpu.dma_semaphore, #tpu.memory_space<semaphore_mem>>, %arg17: memref<!tpu.dma_semaphore, #tpu.memory_space<semaphore_mem>>) attributes {dimension_semantics = [#tpu.dimension_semantics<core_parallel>, #tpu.dimension_semantics<subcore_parallel>], iteration_bounds = array<i64: 2, 16>, scalar_prefetch = 0 : i64, scratch_operands = 11 : i64, tpu.core_type = #tpu.core_type<sc_vector_subcore>, window_params = [{transform_indices = #map}, {transform_indices = #map1}, {transform_indices = #map1}, {transform_indices = #map}, {transform_indices = #map}]} {
    %mul3A = arith.constant 2 : i32
    %mul3A_0 = arith.muli %arg1, %mul3A : i32
    %add3A = arith.addi %mul3A_0, %arg0 : i32
    "tpu.region"() ({
      %run_scoped3A = tpu.sem_alloc : memref<!tpu.dma_semaphore, #tpu.memory_space<semaphore_mem>>
      %dma_start3A_55 = arith.constant 0 : i32
      %dma_start3A_56 = arith.constant 0 : i32
      %dma_start3A_57 = tpu.memref_slice %arg3[%add3A, %dma_start3A_55, %dma_start3A_56] : memref<32x81x128xi32, #tpu.memory_space<hbm>> -> memref<1x81x128xi32, #tpu.memory_space<hbm>>
      %dma_start3A_58 = tpu.memref_squeeze %dma_start3A_57 : memref<1x81x128xi32, #tpu.memory_space<hbm>> -> memref<81x128xi32, #tpu.memory_space<hbm>>
      %dma_start3A_59 = arith.constant 0 : i32
      %dma_start3A_60 = arith.constant 0 : i32
      %dma_start3A_61 = tpu.memref_slice %arg3[%add3A, %dma_start3A_59, %dma_start3A_60] : memref<32x81x128xi32, #tpu.memory_space<hbm>> -> memref<1x81x128xi32, #tpu.memory_space<hbm>>
      %dma_start3A_62 = tpu.memref_squeeze %dma_start3A_61 : memref<1x81x128xi32, #tpu.memory_space<hbm>> -> memref<81x128xi32, #tpu.memory_space<hbm>>
      tpu.enqueue_dma source(%dma_start3A_62 : memref<81x128xi32, #tpu.memory_space<hbm>>) target(%arg7 : memref<81x128xi32, #tpu.memory_space<vmem>>) target_semaphore(%run_scoped3A : memref<!tpu.dma_semaphore, #tpu.memory_space<semaphore_mem>>)
      %dma_wait3A = arith.constant 0 : i32
      %dma_wait3A_63 = arith.constant 0 : i32
      %dma_wait3A_64 = tpu.memref_slice %arg3[%add3A, %dma_wait3A, %dma_wait3A_63] : memref<32x81x128xi32, #tpu.memory_space<hbm>> -> memref<1x81x128xi32, #tpu.memory_space<hbm>>
      %dma_wait3A_65 = tpu.memref_squeeze %dma_wait3A_64 : memref<1x81x128xi32, #tpu.memory_space<hbm>> -> memref<81x128xi32, #tpu.memory_space<hbm>>
      %dma_wait3A_66 = arith.constant 0 : i32
      %dma_wait3A_67 = arith.constant 0 : i32
      %dma_wait3A_68 = tpu.memref_slice %arg3[%add3A, %dma_wait3A_66, %dma_wait3A_67] : memref<32x81x128xi32, #tpu.memory_space<hbm>> -> memref<1x81x128xi32, #tpu.memory_space<hbm>>
      %dma_wait3A_69 = tpu.memref_squeeze %dma_wait3A_68 : memref<1x81x128xi32, #tpu.memory_space<hbm>> -> memref<81x128xi32, #tpu.memory_space<hbm>>
      tpu.wait_dma2 semaphore(%run_scoped3A : memref<!tpu.dma_semaphore, #tpu.memory_space<semaphore_mem>>) src(%dma_wait3A_69 : memref<81x128xi32, #tpu.memory_space<hbm>>) dst(%arg7 : memref<81x128xi32, #tpu.memory_space<vmem>>)
      tpu.yield
    }) : () -> ()
    "tpu.region"() ({
      %run_scoped3A = tpu.sem_alloc : memref<!tpu.dma_semaphore, #tpu.memory_space<semaphore_mem>>
      %dma_start3A_55 = arith.constant 0 : i32
      %dma_start3A_56 = arith.constant 0 : i32
      %dma_start3A_57 = tpu.memref_slice %arg4[%add3A, %dma_start3A_55, %dma_start3A_56] : memref<32x81x128xi32, #tpu.memory_space<hbm>> -> memref<1x81x128xi32, #tpu.memory_space<hbm>>
      %dma_start3A_58 = tpu.memref_squeeze %dma_start3A_57 : memref<1x81x128xi32, #tpu.memory_space<hbm>> -> memref<81x128xi32, #tpu.memory_space<hbm>>
      %dma_start3A_59 = arith.constant 0 : i32
      %dma_start3A_60 = arith.constant 0 : i32
      %dma_start3A_61 = tpu.memref_slice %arg4[%add3A, %dma_start3A_59, %dma_start3A_60] : memref<32x81x128xi32, #tpu.memory_space<hbm>> -> memref<1x81x128xi32, #tpu.memory_space<hbm>>
      %dma_start3A_62 = tpu.memref_squeeze %dma_start3A_61 : memref<1x81x128xi32, #tpu.memory_space<hbm>> -> memref<81x128xi32, #tpu.memory_space<hbm>>
      tpu.enqueue_dma source(%dma_start3A_62 : memref<81x128xi32, #tpu.memory_space<hbm>>) target(%arg8 : memref<81x128xi32, #tpu.memory_space<vmem>>) target_semaphore(%run_scoped3A : memref<!tpu.dma_semaphore, #tpu.memory_space<semaphore_mem>>)
      %dma_wait3A = arith.constant 0 : i32
      %dma_wait3A_63 = arith.constant 0 : i32
      %dma_wait3A_64 = tpu.memref_slice %arg4[%add3A, %dma_wait3A, %dma_wait3A_63] : memref<32x81x128xi32, #tpu.memory_space<hbm>> -> memref<1x81x128xi32, #tpu.memory_space<hbm>>
      %dma_wait3A_65 = tpu.memref_squeeze %dma_wait3A_64 : memref<1x81x128xi32, #tpu.memory_space<hbm>> -> memref<81x128xi32, #tpu.memory_space<hbm>>
      %dma_wait3A_66 = arith.constant 0 : i32
      %dma_wait3A_67 = arith.constant 0 : i32
      %dma_wait3A_68 = tpu.memref_slice %arg4[%add3A, %dma_wait3A_66, %dma_wait3A_67] : memref<32x81x128xi32, #tpu.memory_space<hbm>> -> memref<1x81x128xi32, #tpu.memory_space<hbm>>
      %dma_wait3A_69 = tpu.memref_squeeze %dma_wait3A_68 : memref<1x81x128xi32, #tpu.memory_space<hbm>> -> memref<81x128xi32, #tpu.memory_space<hbm>>
      tpu.wait_dma2 semaphore(%run_scoped3A : memref<!tpu.dma_semaphore, #tpu.memory_space<semaphore_mem>>) src(%dma_wait3A_69 : memref<81x128xi32, #tpu.memory_space<hbm>>) dst(%arg8 : memref<81x128xi32, #tpu.memory_space<vmem>>)
      tpu.yield
    }) : () -> ()
    %mul3A_1 = arith.constant 632 : i32
    %mul3A_2 = arith.muli %arg1, %mul3A_1 : i32
    %mul3A_3 = arith.constant 632 : i32
    %mul3A_4 = arith.muli %arg1, %mul3A_3 : i32
    "tpu.region"() ({
      %run_scoped3A = tpu.sem_alloc : memref<!tpu.dma_semaphore, #tpu.memory_space<semaphore_mem>>
      %dma_start3A_55 = arith.constant 0 : i32
      %dma_start3A_56 = tpu.memref_slice %arg10[%mul3A_4, %dma_start3A_55] : memref<10112x64xf32, #tpu.memory_space<vmem_shared>> -> memref<632x64xf32, #tpu.memory_space<vmem_shared>>
      %dma_start3A_57 = arith.constant 0 : i32
      %dma_start3A_58 = tpu.memref_slice %arg5[%mul3A_2, %dma_start3A_57] : memref<10112x64xf32, #tpu.memory_space<hbm>> -> memref<632x64xf32, #tpu.memory_space<hbm>>
      tpu.enqueue_dma source(%dma_start3A_58 : memref<632x64xf32, #tpu.memory_space<hbm>>) target(%dma_start3A_56 : memref<632x64xf32, #tpu.memory_space<vmem_shared>>) target_semaphore(%run_scoped3A : memref<!tpu.dma_semaphore, #tpu.memory_space<semaphore_mem>>)
      %dma_wait3A = arith.constant 0 : i32
      %dma_wait3A_59 = tpu.memref_slice %arg10[%mul3A_4, %dma_wait3A] : memref<10112x64xf32, #tpu.memory_space<vmem_shared>> -> memref<632x64xf32, #tpu.memory_space<vmem_shared>>
      %dma_wait3A_60 = arith.constant 0 : i32
      %dma_wait3A_61 = tpu.memref_slice %arg5[%mul3A_2, %dma_wait3A_60] : memref<10112x64xf32, #tpu.memory_space<hbm>> -> memref<632x64xf32, #tpu.memory_space<hbm>>
      tpu.wait_dma2 semaphore(%run_scoped3A : memref<!tpu.dma_semaphore, #tpu.memory_space<semaphore_mem>>) src(%dma_wait3A_61 : memref<632x64xf32, #tpu.memory_space<hbm>>) dst(%dma_wait3A_59 : memref<632x64xf32, #tpu.memory_space<vmem_shared>>)
      tpu.yield
    }) : () -> ()
    %mul3A_5 = arith.constant 625 : i32
    %mul3A_6 = arith.muli %arg1, %mul3A_5 : i32
    %mul3A_7 = arith.constant 625 : i32
    %mul3A_8 = arith.muli %arg1, %mul3A_7 : i32
    "tpu.region"() ({
      %run_scoped3A = tpu.sem_alloc : memref<!tpu.dma_semaphore, #tpu.memory_space<semaphore_mem>>
      %dma_start3A_55 = arith.constant 0 : i32
      %dma_start3A_56 = tpu.memref_slice %arg11[%mul3A_8, %dma_start3A_55] : memref<10000x64xf32, #tpu.memory_space<vmem_shared>> -> memref<625x64xf32, #tpu.memory_space<vmem_shared>>
      %dma_start3A_57 = arith.constant 0 : i32
      %dma_start3A_58 = tpu.memref_slice %arg2[%mul3A_6, %dma_start3A_57] : memref<10000x64xf32, #tpu.memory_space<hbm>> -> memref<625x64xf32, #tpu.memory_space<hbm>>
      tpu.enqueue_dma source(%dma_start3A_58 : memref<625x64xf32, #tpu.memory_space<hbm>>) target(%dma_start3A_56 : memref<625x64xf32, #tpu.memory_space<vmem_shared>>) target_semaphore(%run_scoped3A : memref<!tpu.dma_semaphore, #tpu.memory_space<semaphore_mem>>)
      %dma_wait3A = arith.constant 0 : i32
      %dma_wait3A_59 = tpu.memref_slice %arg11[%mul3A_8, %dma_wait3A] : memref<10000x64xf32, #tpu.memory_space<vmem_shared>> -> memref<625x64xf32, #tpu.memory_space<vmem_shared>>
      %dma_wait3A_60 = arith.constant 0 : i32
      %dma_wait3A_61 = tpu.memref_slice %arg2[%mul3A_6, %dma_wait3A_60] : memref<10000x64xf32, #tpu.memory_space<hbm>> -> memref<625x64xf32, #tpu.memory_space<hbm>>
      tpu.wait_dma2 semaphore(%run_scoped3A : memref<!tpu.dma_semaphore, #tpu.memory_space<semaphore_mem>>) src(%dma_wait3A_61 : memref<625x64xf32, #tpu.memory_space<hbm>>) dst(%dma_wait3A_59 : memref<625x64xf32, #tpu.memory_space<vmem_shared>>)
      tpu.yield
    }) : () -> ()
    %barrier3A = arith.constant 0 : index
    tpu.barrier barrier_id(%barrier3A)
    %dma_start3A = arith.constant 0 : i32
    %dma_start3A_9 = arith.constant 0 : i32
    %dma_start3A_10 = arith.constant 0 : i32
    %dma_start3A_11 = arith.constant 0 : i32
    %dma_start3A_12 = tpu.memref_slice %arg9[%dma_start3A_9, %dma_start3A_10, %dma_start3A_11] : memref<3x128x64xf32, #tpu.memory_space<vmem>> -> memref<1x128x64xf32, #tpu.memory_space<vmem>>
    %dma_start3A_13 = tpu.memref_squeeze %dma_start3A_12 : memref<1x128x64xf32, #tpu.memory_space<vmem>> -> memref<128x64xf32, #tpu.memory_space<vmem>>
    %dma_start3A_14 = arith.constant 0 : i32
    %dma_start3A_15 = tpu.memref_slice %arg7[%dma_start3A, %dma_start3A_14] : memref<81x128xi32, #tpu.memory_space<vmem>> -> memref<1x128xi32, #tpu.memory_space<vmem>>
    %dma_start3A_16 = tpu.memref_squeeze %dma_start3A_15 : memref<1x128xi32, #tpu.memory_space<vmem>> -> memref<128xi32, #tpu.memory_space<vmem>>
    %dma_start3A_17 = arith.constant 0 : i32
    %dma_start3A_18 = arith.constant 0 : i32
    %dma_start3A_19 = tpu.memref_slice %arg11[%dma_start3A_17, %dma_start3A_18] : memref<10000x64xf32, #tpu.memory_space<vmem_shared>> -> memref<10000x64xf32, #tpu.memory_space<vmem_shared>>
    tpu.enqueue_indirect_dma source(%dma_start3A_19 : memref<10000x64xf32, #tpu.memory_space<vmem_shared>>) target(%dma_start3A_13 : memref<128x64xf32, #tpu.memory_space<vmem>>) offsets(%dma_start3A_16 : memref<128xi32, #tpu.memory_space<vmem>>) semaphore(%arg12 : memref<!tpu.dma_semaphore, #tpu.memory_space<semaphore_mem>>)
    %dma_start3A_20 = arith.constant 1 : i32
    %dma_start3A_21 = arith.constant 1 : i32
    %dma_start3A_22 = arith.constant 0 : i32
    %dma_start3A_23 = arith.constant 0 : i32
    %dma_start3A_24 = tpu.memref_slice %arg9[%dma_start3A_21, %dma_start3A_22, %dma_start3A_23] : memref<3x128x64xf32, #tpu.memory_space<vmem>> -> memref<1x128x64xf32, #tpu.memory_space<vmem>>
    %dma_start3A_25 = tpu.memref_squeeze %dma_start3A_24 : memref<1x128x64xf32, #tpu.memory_space<vmem>> -> memref<128x64xf32, #tpu.memory_space<vmem>>
    %dma_start3A_26 = arith.constant 0 : i32
    %dma_start3A_27 = tpu.memref_slice %arg7[%dma_start3A_20, %dma_start3A_26] : memref<81x128xi32, #tpu.memory_space<vmem>> -> memref<1x128xi32, #tpu.memory_space<vmem>>
    %dma_start3A_28 = tpu.memref_squeeze %dma_start3A_27 : memref<1x128xi32, #tpu.memory_space<vmem>> -> memref<128xi32, #tpu.memory_space<vmem>>
    %dma_start3A_29 = arith.constant 0 : i32
    %dma_start3A_30 = arith.constant 0 : i32
    %dma_start3A_31 = tpu.memref_slice %arg11[%dma_start3A_29, %dma_start3A_30] : memref<10000x64xf32, #tpu.memory_space<vmem_shared>> -> memref<10000x64xf32, #tpu.memory_space<vmem_shared>>
    tpu.enqueue_indirect_dma source(%dma_start3A_31 : memref<10000x64xf32, #tpu.memory_space<vmem_shared>>) target(%dma_start3A_25 : memref<128x64xf32, #tpu.memory_space<vmem>>) offsets(%dma_start3A_28 : memref<128xi32, #tpu.memory_space<vmem>>) semaphore(%arg13 : memref<!tpu.dma_semaphore, #tpu.memory_space<semaphore_mem>>)
    %dma_start3A_32 = arith.constant 2 : i32
    %dma_start3A_33 = arith.constant 2 : i32
    %dma_start3A_34 = arith.constant 0 : i32
    %dma_start3A_35 = arith.constant 0 : i32
    %dma_start3A_36 = tpu.memref_slice %arg9[%dma_start3A_33, %dma_start3A_34, %dma_start3A_35] : memref<3x128x64xf32, #tpu.memory_space<vmem>> -> memref<1x128x64xf32, #tpu.memory_space<vmem>>
    %dma_start3A_37 = tpu.memref_squeeze %dma_start3A_36 : memref<1x128x64xf32, #tpu.memory_space<vmem>> -> memref<128x64xf32, #tpu.memory_space<vmem>>
    %dma_start3A_38 = arith.constant 0 : i32
    %dma_start3A_39 = tpu.memref_slice %arg7[%dma_start3A_32, %dma_start3A_38] : memref<81x128xi32, #tpu.memory_space<vmem>> -> memref<1x128xi32, #tpu.memory_space<vmem>>
    %dma_start3A_40 = tpu.memref_squeeze %dma_start3A_39 : memref<1x128xi32, #tpu.memory_space<vmem>> -> memref<128xi32, #tpu.memory_space<vmem>>
    %dma_start3A_41 = arith.constant 0 : i32
    %dma_start3A_42 = arith.constant 0 : i32
    %dma_start3A_43 = tpu.memref_slice %arg11[%dma_start3A_41, %dma_start3A_42] : memref<10000x64xf32, #tpu.memory_space<vmem_shared>> -> memref<10000x64xf32, #tpu.memory_space<vmem_shared>>
    tpu.enqueue_indirect_dma source(%dma_start3A_43 : memref<10000x64xf32, #tpu.memory_space<vmem_shared>>) target(%dma_start3A_37 : memref<128x64xf32, #tpu.memory_space<vmem>>) offsets(%dma_start3A_40 : memref<128xi32, #tpu.memory_space<vmem>>) semaphore(%arg14 : memref<!tpu.dma_semaphore, #tpu.memory_space<semaphore_mem>>)
    %scan3A = arith.constant 0 : i32
    %scan3A_44 = arith.constant 0 : i32
    %scan3A_45 = arith.constant 27 : i32
    %scan3A_46 = arith.addi %scan3A_44, %scan3A_45 : i32
    %scan3A_47 = arith.constant 1 : i32
    scf.for %scan3A_55 = %scan3A_44 to %scan3A_46 step %scan3A_47  : i32 {
      %mul3A_56 = arith.constant 3 : i32
      %mul3A_57 = arith.muli %scan3A_55, %mul3A_56 : i32
      %add3A_58 = arith.constant 0 : i32
      %add3A_59 = arith.addi %mul3A_57, %add3A_58 : i32
      %dma_wait3A = arith.constant 0 : i32
      %dma_wait3A_60 = arith.constant 0 : i32
      %dma_wait3A_61 = arith.constant 0 : i32
      %dma_wait3A_62 = tpu.memref_slice %arg9[%dma_wait3A, %dma_wait3A_60, %dma_wait3A_61] : memref<3x128x64xf32, #tpu.memory_space<vmem>> -> memref<1x128x64xf32, #tpu.memory_space<vmem>>
      %dma_wait3A_63 = tpu.memref_squeeze %dma_wait3A_62 : memref<1x128x64xf32, #tpu.memory_space<vmem>> -> memref<128x64xf32, #tpu.memory_space<vmem>>
      %dma_wait3A_64 = arith.constant 0 : i32
      %dma_wait3A_65 = tpu.memref_slice %arg7[%add3A_59, %dma_wait3A_64] : memref<81x128xi32, #tpu.memory_space<vmem>> -> memref<1x128xi32, #tpu.memory_space<vmem>>
      %dma_wait3A_66 = tpu.memref_squeeze %dma_wait3A_65 : memref<1x128xi32, #tpu.memory_space<vmem>> -> memref<128xi32, #tpu.memory_space<vmem>>
      %dma_wait3A_67 = arith.constant 0 : i32
      %dma_wait3A_68 = arith.constant 0 : i32
      %dma_wait3A_69 = tpu.memref_slice %arg11[%dma_wait3A_67, %dma_wait3A_68] : memref<10000x64xf32, #tpu.memory_space<vmem_shared>> -> memref<10000x64xf32, #tpu.memory_space<vmem_shared>>
      tpu.wait_indirect_dma semaphore(%arg12 : memref<!tpu.dma_semaphore, #tpu.memory_space<semaphore_mem>>) src(%dma_wait3A_69 : memref<10000x64xf32, #tpu.memory_space<vmem_shared>>) dst(%dma_wait3A_63 : memref<128x64xf32, #tpu.memory_space<vmem>>)
      %dma_start3A_70 = arith.constant 0 : i32
      %dma_start3A_71 = arith.constant 0 : i32
      %dma_start3A_72 = arith.constant 0 : i32
      %dma_start3A_73 = tpu.memref_slice %arg9[%dma_start3A_70, %dma_start3A_71, %dma_start3A_72] : memref<3x128x64xf32, #tpu.memory_space<vmem>> -> memref<1x128x64xf32, #tpu.memory_space<vmem>>
      %dma_start3A_74 = tpu.memref_squeeze %dma_start3A_73 : memref<1x128x64xf32, #tpu.memory_space<vmem>> -> memref<128x64xf32, #tpu.memory_space<vmem>>
      %dma_start3A_75 = arith.constant 0 : i32
      %dma_start3A_76 = tpu.memref_slice %arg8[%add3A_59, %dma_start3A_75] : memref<81x128xi32, #tpu.memory_space<vmem>> -> memref<1x128xi32, #tpu.memory_space<vmem>>
      %dma_start3A_77 = tpu.memref_squeeze %dma_start3A_76 : memref<1x128xi32, #tpu.memory_space<vmem>> -> memref<128xi32, #tpu.memory_space<vmem>>
      %dma_start3A_78 = arith.constant 0 : i32
      %dma_start3A_79 = arith.constant 0 : i32
      %dma_start3A_80 = tpu.memref_slice %arg10[%dma_start3A_78, %dma_start3A_79] : memref<10112x64xf32, #tpu.memory_space<vmem_shared>> -> memref<10112x64xf32, #tpu.memory_space<vmem_shared>>
      tpu.enqueue_indirect_dma source(%dma_start3A_74 : memref<128x64xf32, #tpu.memory_space<vmem>>) target(%dma_start3A_80 : memref<10112x64xf32, #tpu.memory_space<vmem_shared>>) offsets(%dma_start3A_77 : memref<128xi32, #tpu.memory_space<vmem>>) semaphore(%arg15 : memref<!tpu.dma_semaphore, #tpu.memory_space<semaphore_mem>>) {add = true}
      %dma_wait3A_81 = arith.constant 0 : i32
      %dma_wait3A_82 = arith.constant 0 : i32
      %dma_wait3A_83 = arith.constant 0 : i32
      %dma_wait3A_84 = tpu.memref_slice %arg9[%dma_wait3A_81, %dma_wait3A_82, %dma_wait3A_83] : memref<3x128x64xf32, #tpu.memory_space<vmem>> -> memref<1x128x64xf32, #tpu.memory_space<vmem>>
      %dma_wait3A_85 = tpu.memref_squeeze %dma_wait3A_84 : memref<1x128x64xf32, #tpu.memory_space<vmem>> -> memref<128x64xf32, #tpu.memory_space<vmem>>
      %dma_wait3A_86 = arith.constant 0 : i32
      %dma_wait3A_87 = tpu.memref_slice %arg8[%add3A_59, %dma_wait3A_86] : memref<81x128xi32, #tpu.memory_space<vmem>> -> memref<1x128xi32, #tpu.memory_space<vmem>>
      %dma_wait3A_88 = tpu.memref_squeeze %dma_wait3A_87 : memref<1x128xi32, #tpu.memory_space<vmem>> -> memref<128xi32, #tpu.memory_space<vmem>>
      %dma_wait3A_89 = arith.constant 0 : i32
      %dma_wait3A_90 = arith.constant 0 : i32
      %dma_wait3A_91 = tpu.memref_slice %arg10[%dma_wait3A_89, %dma_wait3A_90] : memref<10112x64xf32, #tpu.memory_space<vmem_shared>> -> memref<10112x64xf32, #tpu.memory_space<vmem_shared>>
      tpu.wait_indirect_dma semaphore(%arg15 : memref<!tpu.dma_semaphore, #tpu.memory_space<semaphore_mem>>) src(%dma_wait3A_85 : memref<128x64xf32, #tpu.memory_space<vmem>>) dst(%dma_wait3A_91 : memref<10112x64xf32, #tpu.memory_space<vmem_shared>>)
      %add3A_92 = arith.constant 3 : i32
      %add3A_93 = arith.addi %add3A_59, %add3A_92 : i32
      %lt3A = arith.constant 81 : i32
      %lt3A_94 = arith.cmpi slt, %add3A_93, %lt3A : i32
      %convert_element_type3A = arith.extui %lt3A_94 : i1 to i32
      %cond3A = arith.constant 0 : i32
      %cond3A_95 = arith.cmpi ne, %convert_element_type3A, %cond3A : i32
      scf.if %cond3A_95 {
        %dma_start3A_180 = arith.constant 0 : i32
        %dma_start3A_181 = arith.constant 0 : i32
        %dma_start3A_182 = arith.constant 0 : i32
        %dma_start3A_183 = tpu.memref_slice %arg9[%dma_start3A_180, %dma_start3A_181, %dma_start3A_182] : memref<3x128x64xf32, #tpu.memory_space<vmem>> -> memref<1x128x64xf32, #tpu.memory_space<vmem>>
        %dma_start3A_184 = tpu.memref_squeeze %dma_start3A_183 : memref<1x128x64xf32, #tpu.memory_space<vmem>> -> memref<128x64xf32, #tpu.memory_space<vmem>>
        %dma_start3A_185 = arith.constant 0 : i32
        %dma_start3A_186 = tpu.memref_slice %arg7[%add3A_93, %dma_start3A_185] : memref<81x128xi32, #tpu.memory_space<vmem>> -> memref<1x128xi32, #tpu.memory_space<vmem>>
        %dma_start3A_187 = tpu.memref_squeeze %dma_start3A_186 : memref<1x128xi32, #tpu.memory_space<vmem>> -> memref<128xi32, #tpu.memory_space<vmem>>
        %dma_start3A_188 = arith.constant 0 : i32
        %dma_start3A_189 = arith.constant 0 : i32
        %dma_start3A_190 = tpu.memref_slice %arg11[%dma_start3A_188, %dma_start3A_189] : memref<10000x64xf32, #tpu.memory_space<vmem_shared>> -> memref<10000x64xf32, #tpu.memory_space<vmem_shared>>
        tpu.enqueue_indirect_dma source(%dma_start3A_190 : memref<10000x64xf32, #tpu.memory_space<vmem_shared>>) target(%dma_start3A_184 : memref<128x64xf32, #tpu.memory_space<vmem>>) offsets(%dma_start3A_187 : memref<128xi32, #tpu.memory_space<vmem>>) semaphore(%arg12 : memref<!tpu.dma_semaphore, #tpu.memory_space<semaphore_mem>>)
      } else {
      }
      %add3A_96 = arith.constant 1 : i32
      %add3A_97 = arith.addi %mul3A_57, %add3A_96 : i32
      %dma_wait3A_98 = arith.constant 1 : i32
      %dma_wait3A_99 = arith.constant 0 : i32
      %dma_wait3A_100 = arith.constant 0 : i32
      %dma_wait3A_101 = tpu.memref_slice %arg9[%dma_wait3A_98, %dma_wait3A_99, %dma_wait3A_100] : memref<3x128x64xf32, #tpu.memory_space<vmem>> -> memref<1x128x64xf32, #tpu.memory_space<vmem>>
      %dma_wait3A_102 = tpu.memref_squeeze %dma_wait3A_101 : memref<1x128x64xf32, #tpu.memory_space<vmem>> -> memref<128x64xf32, #tpu.memory_space<vmem>>
      %dma_wait3A_103 = arith.constant 0 : i32
      %dma_wait3A_104 = tpu.memref_slice %arg7[%add3A_97, %dma_wait3A_103] : memref<81x128xi32, #tpu.memory_space<vmem>> -> memref<1x128xi32, #tpu.memory_space<vmem>>
      %dma_wait3A_105 = tpu.memref_squeeze %dma_wait3A_104 : memref<1x128xi32, #tpu.memory_space<vmem>> -> memref<128xi32, #tpu.memory_space<vmem>>
      %dma_wait3A_106 = arith.constant 0 : i32
      %dma_wait3A_107 = arith.constant 0 : i32
      %dma_wait3A_108 = tpu.memref_slice %arg11[%dma_wait3A_106, %dma_wait3A_107] : memref<10000x64xf32, #tpu.memory_space<vmem_shared>> -> memref<10000x64xf32, #tpu.memory_space<vmem_shared>>
      tpu.wait_indirect_dma semaphore(%arg13 : memref<!tpu.dma_semaphore, #tpu.memory_space<semaphore_mem>>) src(%dma_wait3A_108 : memref<10000x64xf32, #tpu.memory_space<vmem_shared>>) dst(%dma_wait3A_102 : memref<128x64xf32, #tpu.memory_space<vmem>>)
      %dma_start3A_109 = arith.constant 1 : i32
      %dma_start3A_110 = arith.constant 0 : i32
      %dma_start3A_111 = arith.constant 0 : i32
      %dma_start3A_112 = tpu.memref_slice %arg9[%dma_start3A_109, %dma_start3A_110, %dma_start3A_111] : memref<3x128x64xf32, #tpu.memory_space<vmem>> -> memref<1x128x64xf32, #tpu.memory_space<vmem>>
      %dma_start3A_113 = tpu.memref_squeeze %dma_start3A_112 : memref<1x128x64xf32, #tpu.memory_space<vmem>> -> memref<128x64xf32, #tpu.memory_space<vmem>>
      %dma_start3A_114 = arith.constant 0 : i32
      %dma_start3A_115 = tpu.memref_slice %arg8[%add3A_97, %dma_start3A_114] : memref<81x128xi32, #tpu.memory_space<vmem>> -> memref<1x128xi32, #tpu.memory_space<vmem>>
      %dma_start3A_116 = tpu.memref_squeeze %dma_start3A_115 : memref<1x128xi32, #tpu.memory_space<vmem>> -> memref<128xi32, #tpu.memory_space<vmem>>
      %dma_start3A_117 = arith.constant 0 : i32
      %dma_start3A_118 = arith.constant 0 : i32
      %dma_start3A_119 = tpu.memref_slice %arg10[%dma_start3A_117, %dma_start3A_118] : memref<10112x64xf32, #tpu.memory_space<vmem_shared>> -> memref<10112x64xf32, #tpu.memory_space<vmem_shared>>
      tpu.enqueue_indirect_dma source(%dma_start3A_113 : memref<128x64xf32, #tpu.memory_space<vmem>>) target(%dma_start3A_119 : memref<10112x64xf32, #tpu.memory_space<vmem_shared>>) offsets(%dma_start3A_116 : memref<128xi32, #tpu.memory_space<vmem>>) semaphore(%arg16 : memref<!tpu.dma_semaphore, #tpu.memory_space<semaphore_mem>>) {add = true}
      %dma_wait3A_120 = arith.constant 1 : i32
      %dma_wait3A_121 = arith.constant 0 : i32
      %dma_wait3A_122 = arith.constant 0 : i32
      %dma_wait3A_123 = tpu.memref_slice %arg9[%dma_wait3A_120, %dma_wait3A_121, %dma_wait3A_122] : memref<3x128x64xf32, #tpu.memory_space<vmem>> -> memref<1x128x64xf32, #tpu.memory_space<vmem>>
      %dma_wait3A_124 = tpu.memref_squeeze %dma_wait3A_123 : memref<1x128x64xf32, #tpu.memory_space<vmem>> -> memref<128x64xf32, #tpu.memory_space<vmem>>
      %dma_wait3A_125 = arith.constant 0 : i32
      %dma_wait3A_126 = tpu.memref_slice %arg8[%add3A_97, %dma_wait3A_125] : memref<81x128xi32, #tpu.memory_space<vmem>> -> memref<1x128xi32, #tpu.memory_space<vmem>>
      %dma_wait3A_127 = tpu.memref_squeeze %dma_wait3A_126 : memref<1x128xi32, #tpu.memory_space<vmem>> -> memref<128xi32, #tpu.memory_space<vmem>>
      %dma_wait3A_128 = arith.constant 0 : i32
      %dma_wait3A_129 = arith.constant 0 : i32
      %dma_wait3A_130 = tpu.memref_slice %arg10[%dma_wait3A_128, %dma_wait3A_129] : memref<10112x64xf32, #tpu.memory_space<vmem_shared>> -> memref<10112x64xf32, #tpu.memory_space<vmem_shared>>
      tpu.wait_indirect_dma semaphore(%arg16 : memref<!tpu.dma_semaphore, #tpu.memory_space<semaphore_mem>>) src(%dma_wait3A_124 : memref<128x64xf32, #tpu.memory_space<vmem>>) dst(%dma_wait3A_130 : memref<10112x64xf32, #tpu.memory_space<vmem_shared>>)
      %add3A_131 = arith.constant 3 : i32
      %add3A_132 = arith.addi %add3A_97, %add3A_131 : i32
      %lt3A_133 = arith.constant 81 : i32
      %lt3A_134 = arith.cmpi slt, %add3A_132, %lt3A_133 : i32
      %convert_element_type3A_135 = arith.extui %lt3A_134 : i1 to i32
      %cond3A_136 = arith.constant 0 : i32
      %cond3A_137 = arith.cmpi ne, %convert_element_type3A_135, %cond3A_136 : i32
      scf.if %cond3A_137 {
        %dma_start3A_180 = arith.constant 1 : i32
        %dma_start3A_181 = arith.constant 0 : i32
        %dma_start3A_182 = arith.constant 0 : i32
        %dma_start3A_183 = tpu.memref_slice %arg9[%dma_start3A_180, %dma_start3A_181, %dma_start3A_182] : memref<3x128x64xf32, #tpu.memory_space<vmem>> -> memref<1x128x64xf32, #tpu.memory_space<vmem>>
        %dma_start3A_184 = tpu.memref_squeeze %dma_start3A_183 : memref<1x128x64xf32, #tpu.memory_space<vmem>> -> memref<128x64xf32, #tpu.memory_space<vmem>>
        %dma_start3A_185 = arith.constant 0 : i32
        %dma_start3A_186 = tpu.memref_slice %arg7[%add3A_132, %dma_start3A_185] : memref<81x128xi32, #tpu.memory_space<vmem>> -> memref<1x128xi32, #tpu.memory_space<vmem>>
        %dma_start3A_187 = tpu.memref_squeeze %dma_start3A_186 : memref<1x128xi32, #tpu.memory_space<vmem>> -> memref<128xi32, #tpu.memory_space<vmem>>
        %dma_start3A_188 = arith.constant 0 : i32
        %dma_start3A_189 = arith.constant 0 : i32
        %dma_start3A_190 = tpu.memref_slice %arg11[%dma_start3A_188, %dma_start3A_189] : memref<10000x64xf32, #tpu.memory_space<vmem_shared>> -> memref<10000x64xf32, #tpu.memory_space<vmem_shared>>
        tpu.enqueue_indirect_dma source(%dma_start3A_190 : memref<10000x64xf32, #tpu.memory_space<vmem_shared>>) target(%dma_start3A_184 : memref<128x64xf32, #tpu.memory_space<vmem>>) offsets(%dma_start3A_187 : memref<128xi32, #tpu.memory_space<vmem>>) semaphore(%arg13 : memref<!tpu.dma_semaphore, #tpu.memory_space<semaphore_mem>>)
      } else {
      }
      %add3A_138 = arith.constant 2 : i32
      %add3A_139 = arith.addi %mul3A_57, %add3A_138 : i32
      %dma_wait3A_140 = arith.constant 2 : i32
      %dma_wait3A_141 = arith.constant 0 : i32
      %dma_wait3A_142 = arith.constant 0 : i32
      %dma_wait3A_143 = tpu.memref_slice %arg9[%dma_wait3A_140, %dma_wait3A_141, %dma_wait3A_142] : memref<3x128x64xf32, #tpu.memory_space<vmem>> -> memref<1x128x64xf32, #tpu.memory_space<vmem>>
      %dma_wait3A_144 = tpu.memref_squeeze %dma_wait3A_143 : memref<1x128x64xf32, #tpu.memory_space<vmem>> -> memref<128x64xf32, #tpu.memory_space<vmem>>
      %dma_wait3A_145 = arith.constant 0 : i32
      %dma_wait3A_146 = tpu.memref_slice %arg7[%add3A_139, %dma_wait3A_145] : memref<81x128xi32, #tpu.memory_space<vmem>> -> memref<1x128xi32, #tpu.memory_space<vmem>>
      %dma_wait3A_147 = tpu.memref_squeeze %dma_wait3A_146 : memref<1x128xi32, #tpu.memory_space<vmem>> -> memref<128xi32, #tpu.memory_space<vmem>>
      %dma_wait3A_148 = arith.constant 0 : i32
      %dma_wait3A_149 = arith.constant 0 : i32
      %dma_wait3A_150 = tpu.memref_slice %arg11[%dma_wait3A_148, %dma_wait3A_149] : memref<10000x64xf32, #tpu.memory_space<vmem_shared>> -> memref<10000x64xf32, #tpu.memory_space<vmem_shared>>
      tpu.wait_indirect_dma semaphore(%arg14 : memref<!tpu.dma_semaphore, #tpu.memory_space<semaphore_mem>>) src(%dma_wait3A_150 : memref<10000x64xf32, #tpu.memory_space<vmem_shared>>) dst(%dma_wait3A_144 : memref<128x64xf32, #tpu.memory_space<vmem>>)
      %dma_start3A_151 = arith.constant 2 : i32
      %dma_start3A_152 = arith.constant 0 : i32
      %dma_start3A_153 = arith.constant 0 : i32
      %dma_start3A_154 = tpu.memref_slice %arg9[%dma_start3A_151, %dma_start3A_152, %dma_start3A_153] : memref<3x128x64xf32, #tpu.memory_space<vmem>> -> memref<1x128x64xf32, #tpu.memory_space<vmem>>
      %dma_start3A_155 = tpu.memref_squeeze %dma_start3A_154 : memref<1x128x64xf32, #tpu.memory_space<vmem>> -> memref<128x64xf32, #tpu.memory_space<vmem>>
      %dma_start3A_156 = arith.constant 0 : i32
      %dma_start3A_157 = tpu.memref_slice %arg8[%add3A_139, %dma_start3A_156] : memref<81x128xi32, #tpu.memory_space<vmem>> -> memref<1x128xi32, #tpu.memory_space<vmem>>
      %dma_start3A_158 = tpu.memref_squeeze %dma_start3A_157 : memref<1x128xi32, #tpu.memory_space<vmem>> -> memref<128xi32, #tpu.memory_space<vmem>>
      %dma_start3A_159 = arith.constant 0 : i32
      %dma_start3A_160 = arith.constant 0 : i32
      %dma_start3A_161 = tpu.memref_slice %arg10[%dma_start3A_159, %dma_start3A_160] : memref<10112x64xf32, #tpu.memory_space<vmem_shared>> -> memref<10112x64xf32, #tpu.memory_space<vmem_shared>>
      tpu.enqueue_indirect_dma source(%dma_start3A_155 : memref<128x64xf32, #tpu.memory_space<vmem>>) target(%dma_start3A_161 : memref<10112x64xf32, #tpu.memory_space<vmem_shared>>) offsets(%dma_start3A_158 : memref<128xi32, #tpu.memory_space<vmem>>) semaphore(%arg17 : memref<!tpu.dma_semaphore, #tpu.memory_space<semaphore_mem>>) {add = true}
      %dma_wait3A_162 = arith.constant 2 : i32
      %dma_wait3A_163 = arith.constant 0 : i32
      %dma_wait3A_164 = arith.constant 0 : i32
      %dma_wait3A_165 = tpu.memref_slice %arg9[%dma_wait3A_162, %dma_wait3A_163, %dma_wait3A_164] : memref<3x128x64xf32, #tpu.memory_space<vmem>> -> memref<1x128x64xf32, #tpu.memory_space<vmem>>
      %dma_wait3A_166 = tpu.memref_squeeze %dma_wait3A_165 : memref<1x128x64xf32, #tpu.memory_space<vmem>> -> memref<128x64xf32, #tpu.memory_space<vmem>>
      %dma_wait3A_167 = arith.constant 0 : i32
      %dma_wait3A_168 = tpu.memref_slice %arg8[%add3A_139, %dma_wait3A_167] : memref<81x128xi32, #tpu.memory_space<vmem>> -> memref<1x128xi32, #tpu.memory_space<vmem>>
      %dma_wait3A_169 = tpu.memref_squeeze %dma_wait3A_168 : memref<1x128xi32, #tpu.memory_space<vmem>> -> memref<128xi32, #tpu.memory_space<vmem>>
      %dma_wait3A_170 = arith.constant 0 : i32
      %dma_wait3A_171 = arith.constant 0 : i32
      %dma_wait3A_172 = tpu.memref_slice %arg10[%dma_wait3A_170, %dma_wait3A_171] : memref<10112x64xf32, #tpu.memory_space<vmem_shared>> -> memref<10112x64xf32, #tpu.memory_space<vmem_shared>>
      tpu.wait_indirect_dma semaphore(%arg17 : memref<!tpu.dma_semaphore, #tpu.memory_space<semaphore_mem>>) src(%dma_wait3A_166 : memref<128x64xf32, #tpu.memory_space<vmem>>) dst(%dma_wait3A_172 : memref<10112x64xf32, #tpu.memory_space<vmem_shared>>)
      %add3A_173 = arith.constant 3 : i32
      %add3A_174 = arith.addi %add3A_139, %add3A_173 : i32
      %lt3A_175 = arith.constant 81 : i32
      %lt3A_176 = arith.cmpi slt, %add3A_174, %lt3A_175 : i32
      %convert_element_type3A_177 = arith.extui %lt3A_176 : i1 to i32
      %cond3A_178 = arith.constant 0 : i32
      %cond3A_179 = arith.cmpi ne, %convert_element_type3A_177, %cond3A_178 : i32
      scf.if %cond3A_179 {
        %dma_start3A_180 = arith.constant 2 : i32
        %dma_start3A_181 = arith.constant 0 : i32
        %dma_start3A_182 = arith.constant 0 : i32
        %dma_start3A_183 = tpu.memref_slice %arg9[%dma_start3A_180, %dma_start3A_181, %dma_start3A_182] : memref<3x128x64xf32, #tpu.memory_space<vmem>> -> memref<1x128x64xf32, #tpu.memory_space<vmem>>
        %dma_start3A_184 = tpu.memref_squeeze %dma_start3A_183 : memref<1x128x64xf32, #tpu.memory_space<vmem>> -> memref<128x64xf32, #tpu.memory_space<vmem>>
        %dma_start3A_185 = arith.constant 0 : i32
        %dma_start3A_186 = tpu.memref_slice %arg7[%add3A_174, %dma_start3A_185] : memref<81x128xi32, #tpu.memory_space<vmem>> -> memref<1x128xi32, #tpu.memory_space<vmem>>
        %dma_start3A_187 = tpu.memref_squeeze %dma_start3A_186 : memref<1x128xi32, #tpu.memory_space<vmem>> -> memref<128xi32, #tpu.memory_space<vmem>>
        %dma_start3A_188 = arith.constant 0 : i32
        %dma_start3A_189 = arith.constant 0 : i32
        %dma_start3A_190 = tpu.memref_slice %arg11[%dma_start3A_188, %dma_start3A_189] : memref<10000x64xf32, #tpu.memory_space<vmem_shared>> -> memref<10000x64xf32, #tpu.memory_space<vmem_shared>>
        tpu.enqueue_indirect_dma source(%dma_start3A_190 : memref<10000x64xf32, #tpu.memory_space<vmem_shared>>) target(%dma_start3A_184 : memref<128x64xf32, #tpu.memory_space<vmem>>) offsets(%dma_start3A_187 : memref<128xi32, #tpu.memory_space<vmem>>) semaphore(%arg14 : memref<!tpu.dma_semaphore, #tpu.memory_space<semaphore_mem>>)
      } else {
      }
    }
    %scan3A_48 = arith.constant 27 : i32
    %barrier3A_49 = arith.constant 0 : index
    tpu.barrier barrier_id(%barrier3A_49)
    %mul3A_50 = arith.constant 632 : i32
    %mul3A_51 = arith.muli %arg1, %mul3A_50 : i32
    %mul3A_52 = arith.constant 10112 : i32
    %mul3A_53 = arith.muli %arg0, %mul3A_52 : i32
    %add3A_54 = arith.addi %mul3A_53, %mul3A_51 : i32
    "tpu.region"() ({
      %run_scoped3A = tpu.sem_alloc : memref<!tpu.dma_semaphore, #tpu.memory_space<semaphore_mem>>
      %dma_start3A_55 = arith.constant 0 : i32
      %dma_start3A_56 = tpu.memref_slice %arg6[%add3A_54, %dma_start3A_55] : memref<20224x64xf32, #tpu.memory_space<hbm>> -> memref<632x64xf32, #tpu.memory_space<hbm>>
      %dma_start3A_57 = arith.constant 0 : i32
      %dma_start3A_58 = tpu.memref_slice %arg10[%mul3A_51, %dma_start3A_57] : memref<10112x64xf32, #tpu.memory_space<vmem_shared>> -> memref<632x64xf32, #tpu.memory_space<vmem_shared>>
      tpu.enqueue_dma source(%dma_start3A_58 : memref<632x64xf32, #tpu.memory_space<vmem_shared>>) target(%dma_start3A_56 : memref<632x64xf32, #tpu.memory_space<hbm>>) target_semaphore(%run_scoped3A : memref<!tpu.dma_semaphore, #tpu.memory_space<semaphore_mem>>)
      %dma_wait3A = arith.constant 0 : i32
      %dma_wait3A_59 = tpu.memref_slice %arg6[%add3A_54, %dma_wait3A] : memref<20224x64xf32, #tpu.memory_space<hbm>> -> memref<632x64xf32, #tpu.memory_space<hbm>>
      %dma_wait3A_60 = arith.constant 0 : i32
      %dma_wait3A_61 = tpu.memref_slice %arg10[%mul3A_51, %dma_wait3A_60] : memref<10112x64xf32, #tpu.memory_space<vmem_shared>> -> memref<632x64xf32, #tpu.memory_space<vmem_shared>>
      tpu.wait_dma2 semaphore(%run_scoped3A : memref<!tpu.dma_semaphore, #tpu.memory_space<semaphore_mem>>) src(%dma_wait3A_61 : memref<632x64xf32, #tpu.memory_space<vmem_shared>>) dst(%dma_wait3A_59 : memref<632x64xf32, #tpu.memory_space<hbm>>)
      tpu.yield
    }) : () -> ()
    return
  }
}

#map = affine_map<(d0, d1) -> (0, 0)>
#map1 = affine_map<(d0, d1) -> (0, 0, 0)>
module attributes {stable_mosaic.version = 14 : i64} {
  func.func @body(%arg0: i32, %arg1: i32, %arg2: memref<10000x64xf32, #tpu.memory_space<hbm>>, %arg3: memref<32x81x128xi32, #tpu.memory_space<hbm>>, %arg4: memref<32x81x128xi32, #tpu.memory_space<hbm>>, %arg5: memref<10112x64xf32, #tpu.memory_space<hbm>>, %arg6: memref<20224x64xf32, #tpu.memory_space<hbm>>, %arg7: memref<81x128xi32, #tpu.memory_space<vmem>>, %arg8: memref<81x128xi32, #tpu.memory_space<vmem>>, %arg9: memref<3x128x64xf32, #tpu.memory_space<vmem>>, %arg10: memref<10112x64xf32, #tpu.memory_space<vmem_shared>>, %arg11: memref<10000x64xf32, #tpu.memory_space<vmem_shared>>, %arg12: memref<!tpu.dma_semaphore, #tpu.memory_space<semaphore_mem>>, %arg13: memref<!tpu.dma_semaphore, #tpu.memory_space<semaphore_mem>>, %arg14: memref<!tpu.dma_semaphore, #tpu.memory_space<semaphore_mem>>, %arg15: memref<!tpu.dma_semaphore, #tpu.memory_space<semaphore_mem>>, %arg16: memref<!tpu.dma_semaphore, #tpu.memory_space<semaphore_mem>>, %arg17: memref<!tpu.dma_semaphore, #tpu.memory_space<semaphore_mem>>) attributes {dimension_semantics = [#tpu.dimension_semantics<core_parallel>, #tpu.dimension_semantics<subcore_parallel>], iteration_bounds = array<i64: 2, 16>, scalar_prefetch = 0 : i64, scratch_operands = 11 : i64, tpu.core_type = #tpu.core_type<sc_vector_subcore>, window_params = [{transform_indices = #map}, {transform_indices = #map1}, {transform_indices = #map1}, {transform_indices = #map}, {transform_indices = #map}]} {
    %mul3A = arith.constant 2 : i32
    %mul3A_0 = arith.muli %arg1, %mul3A : i32
    %add3A = arith.addi %mul3A_0, %arg0 : i32
    "tpu.region"() ({
      %run_scoped3A = tpu.sem_alloc : memref<!tpu.dma_semaphore, #tpu.memory_space<semaphore_mem>>
      %dma_start3A_55 = arith.constant 0 : i32
      %dma_start3A_56 = arith.constant 0 : i32
      %dma_start3A_57 = tpu.memref_slice %arg3[%add3A, %dma_start3A_55, %dma_start3A_56] : memref<32x81x128xi32, #tpu.memory_space<hbm>> -> memref<1x81x128xi32, #tpu.memory_space<hbm>>
      %dma_start3A_58 = tpu.memref_squeeze %dma_start3A_57 : memref<1x81x128xi32, #tpu.memory_space<hbm>> -> memref<81x128xi32, #tpu.memory_space<hbm>>
      %dma_start3A_59 = arith.constant 0 : i32
      %dma_start3A_60 = arith.constant 0 : i32
      %dma_start3A_61 = tpu.memref_slice %arg3[%add3A, %dma_start3A_59, %dma_start3A_60] : memref<32x81x128xi32, #tpu.memory_space<hbm>> -> memref<1x81x128xi32, #tpu.memory_space<hbm>>
      %dma_start3A_62 = tpu.memref_squeeze %dma_start3A_61 : memref<1x81x128xi32, #tpu.memory_space<hbm>> -> memref<81x128xi32, #tpu.memory_space<hbm>>
      tpu.enqueue_dma source(%dma_start3A_62 : memref<81x128xi32, #tpu.memory_space<hbm>>) target(%arg7 : memref<81x128xi32, #tpu.memory_space<vmem>>) target_semaphore(%run_scoped3A : memref<!tpu.dma_semaphore, #tpu.memory_space<semaphore_mem>>)
      %dma_wait3A = arith.constant 0 : i32
      %dma_wait3A_63 = arith.constant 0 : i32
      %dma_wait3A_64 = tpu.memref_slice %arg3[%add3A, %dma_wait3A, %dma_wait3A_63] : memref<32x81x128xi32, #tpu.memory_space<hbm>> -> memref<1x81x128xi32, #tpu.memory_space<hbm>>
      %dma_wait3A_65 = tpu.memref_squeeze %dma_wait3A_64 : memref<1x81x128xi32, #tpu.memory_space<hbm>> -> memref<81x128xi32, #tpu.memory_space<hbm>>
      %dma_wait3A_66 = arith.constant 0 : i32
      %dma_wait3A_67 = arith.constant 0 : i32
      %dma_wait3A_68 = tpu.memref_slice %arg3[%add3A, %dma_wait3A_66, %dma_wait3A_67] : memref<32x81x128xi32, #tpu.memory_space<hbm>> -> memref<1x81x128xi32, #tpu.memory_space<hbm>>
      %dma_wait3A_69 = tpu.memref_squeeze %dma_wait3A_68 : memref<1x81x128xi32, #tpu.memory_space<hbm>> -> memref<81x128xi32, #tpu.memory_space<hbm>>
      tpu.wait_dma2 semaphore(%run_scoped3A : memref<!tpu.dma_semaphore, #tpu.memory_space<semaphore_mem>>) src(%dma_wait3A_69 : memref<81x128xi32, #tpu.memory_space<hbm>>) dst(%arg7 : memref<81x128xi32, #tpu.memory_space<vmem>>)
      tpu.yield
    }) : () -> ()
    "tpu.region"() ({
      %run_scoped3A = tpu.sem_alloc : memref<!tpu.dma_semaphore, #tpu.memory_space<semaphore_mem>>
      %dma_start3A_55 = arith.constant 0 : i32
      %dma_start3A_56 = arith.constant 0 : i32
      %dma_start3A_57 = tpu.memref_slice %arg4[%add3A, %dma_start3A_55, %dma_start3A_56] : memref<32x81x128xi32, #tpu.memory_space<hbm>> -> memref<1x81x128xi32, #tpu.memory_space<hbm>>
      %dma_start3A_58 = tpu.memref_squeeze %dma_start3A_57 : memref<1x81x128xi32, #tpu.memory_space<hbm>> -> memref<81x128xi32, #tpu.memory_space<hbm>>
      %dma_start3A_59 = arith.constant 0 : i32
      %dma_start3A_60 = arith.constant 0 : i32
      %dma_start3A_61 = tpu.memref_slice %arg4[%add3A, %dma_start3A_59, %dma_start3A_60] : memref<32x81x128xi32, #tpu.memory_space<hbm>> -> memref<1x81x128xi32, #tpu.memory_space<hbm>>
      %dma_start3A_62 = tpu.memref_squeeze %dma_start3A_61 : memref<1x81x128xi32, #tpu.memory_space<hbm>> -> memref<81x128xi32, #tpu.memory_space<hbm>>
      tpu.enqueue_dma source(%dma_start3A_62 : memref<81x128xi32, #tpu.memory_space<hbm>>) target(%arg8 : memref<81x128xi32, #tpu.memory_space<vmem>>) target_semaphore(%run_scoped3A : memref<!tpu.dma_semaphore, #tpu.memory_space<semaphore_mem>>)
      %dma_wait3A = arith.constant 0 : i32
      %dma_wait3A_63 = arith.constant 0 : i32
      %dma_wait3A_64 = tpu.memref_slice %arg4[%add3A, %dma_wait3A, %dma_wait3A_63] : memref<32x81x128xi32, #tpu.memory_space<hbm>> -> memref<1x81x128xi32, #tpu.memory_space<hbm>>
      %dma_wait3A_65 = tpu.memref_squeeze %dma_wait3A_64 : memref<1x81x128xi32, #tpu.memory_space<hbm>> -> memref<81x128xi32, #tpu.memory_space<hbm>>
      %dma_wait3A_66 = arith.constant 0 : i32
      %dma_wait3A_67 = arith.constant 0 : i32
      %dma_wait3A_68 = tpu.memref_slice %arg4[%add3A, %dma_wait3A_66, %dma_wait3A_67] : memref<32x81x128xi32, #tpu.memory_space<hbm>> -> memref<1x81x128xi32, #tpu.memory_space<hbm>>
      %dma_wait3A_69 = tpu.memref_squeeze %dma_wait3A_68 : memref<1x81x128xi32, #tpu.memory_space<hbm>> -> memref<81x128xi32, #tpu.memory_space<hbm>>
      tpu.wait_dma2 semaphore(%run_scoped3A : memref<!tpu.dma_semaphore, #tpu.memory_space<semaphore_mem>>) src(%dma_wait3A_69 : memref<81x128xi32, #tpu.memory_space<hbm>>) dst(%arg8 : memref<81x128xi32, #tpu.memory_space<vmem>>)
      tpu.yield
    }) : () -> ()
    %mul3A_1 = arith.constant 632 : i32
    %mul3A_2 = arith.muli %arg1, %mul3A_1 : i32
    %mul3A_3 = arith.constant 632 : i32
    %mul3A_4 = arith.muli %arg1, %mul3A_3 : i32
    "tpu.region"() ({
      %run_scoped3A = tpu.sem_alloc : memref<!tpu.dma_semaphore, #tpu.memory_space<semaphore_mem>>
      %dma_start3A_55 = arith.constant 0 : i32
      %dma_start3A_56 = tpu.memref_slice %arg10[%mul3A_4, %dma_start3A_55] : memref<10112x64xf32, #tpu.memory_space<vmem_shared>> -> memref<632x64xf32, #tpu.memory_space<vmem_shared>>
      %dma_start3A_57 = arith.constant 0 : i32
      %dma_start3A_58 = tpu.memref_slice %arg5[%mul3A_2, %dma_start3A_57] : memref<10112x64xf32, #tpu.memory_space<hbm>> -> memref<632x64xf32, #tpu.memory_space<hbm>>
      tpu.enqueue_dma source(%dma_start3A_58 : memref<632x64xf32, #tpu.memory_space<hbm>>) target(%dma_start3A_56 : memref<632x64xf32, #tpu.memory_space<vmem_shared>>) target_semaphore(%run_scoped3A : memref<!tpu.dma_semaphore, #tpu.memory_space<semaphore_mem>>)
      %dma_wait3A = arith.constant 0 : i32
      %dma_wait3A_59 = tpu.memref_slice %arg10[%mul3A_4, %dma_wait3A] : memref<10112x64xf32, #tpu.memory_space<vmem_shared>> -> memref<632x64xf32, #tpu.memory_space<vmem_shared>>
      %dma_wait3A_60 = arith.constant 0 : i32
      %dma_wait3A_61 = tpu.memref_slice %arg5[%mul3A_2, %dma_wait3A_60] : memref<10112x64xf32, #tpu.memory_space<hbm>> -> memref<632x64xf32, #tpu.memory_space<hbm>>
      tpu.wait_dma2 semaphore(%run_scoped3A : memref<!tpu.dma_semaphore, #tpu.memory_space<semaphore_mem>>) src(%dma_wait3A_61 : memref<632x64xf32, #tpu.memory_space<hbm>>) dst(%dma_wait3A_59 : memref<632x64xf32, #tpu.memory_space<vmem_shared>>)
      tpu.yield
    }) : () -> ()
    %mul3A_5 = arith.constant 625 : i32
    %mul3A_6 = arith.muli %arg1, %mul3A_5 : i32
    %mul3A_7 = arith.constant 625 : i32
    %mul3A_8 = arith.muli %arg1, %mul3A_7 : i32
    "tpu.region"() ({
      %run_scoped3A = tpu.sem_alloc : memref<!tpu.dma_semaphore, #tpu.memory_space<semaphore_mem>>
      %dma_start3A_55 = arith.constant 0 : i32
      %dma_start3A_56 = tpu.memref_slice %arg11[%mul3A_8, %dma_start3A_55] : memref<10000x64xf32, #tpu.memory_space<vmem_shared>> -> memref<625x64xf32, #tpu.memory_space<vmem_shared>>
      %dma_start3A_57 = arith.constant 0 : i32
      %dma_start3A_58 = tpu.memref_slice %arg2[%mul3A_6, %dma_start3A_57] : memref<10000x64xf32, #tpu.memory_space<hbm>> -> memref<625x64xf32, #tpu.memory_space<hbm>>
      tpu.enqueue_dma source(%dma_start3A_58 : memref<625x64xf32, #tpu.memory_space<hbm>>) target(%dma_start3A_56 : memref<625x64xf32, #tpu.memory_space<vmem_shared>>) target_semaphore(%run_scoped3A : memref<!tpu.dma_semaphore, #tpu.memory_space<semaphore_mem>>)
      %dma_wait3A = arith.constant 0 : i32
      %dma_wait3A_59 = tpu.memref_slice %arg11[%mul3A_8, %dma_wait3A] : memref<10000x64xf32, #tpu.memory_space<vmem_shared>> -> memref<625x64xf32, #tpu.memory_space<vmem_shared>>
      %dma_wait3A_60 = arith.constant 0 : i32
      %dma_wait3A_61 = tpu.memref_slice %arg2[%mul3A_6, %dma_wait3A_60] : memref<10000x64xf32, #tpu.memory_space<hbm>> -> memref<625x64xf32, #tpu.memory_space<hbm>>
      tpu.wait_dma2 semaphore(%run_scoped3A : memref<!tpu.dma_semaphore, #tpu.memory_space<semaphore_mem>>) src(%dma_wait3A_61 : memref<625x64xf32, #tpu.memory_space<hbm>>) dst(%dma_wait3A_59 : memref<625x64xf32, #tpu.memory_space<vmem_shared>>)
      tpu.yield
    }) : () -> ()
    %barrier3A = arith.constant 0 : index
    tpu.barrier barrier_id(%barrier3A)
    %dma_start3A = arith.constant 0 : i32
    %dma_start3A_9 = arith.constant 0 : i32
    %dma_start3A_10 = arith.constant 0 : i32
    %dma_start3A_11 = arith.constant 0 : i32
    %dma_start3A_12 = tpu.memref_slice %arg9[%dma_start3A_9, %dma_start3A_10, %dma_start3A_11] : memref<3x128x64xf32, #tpu.memory_space<vmem>> -> memref<1x128x64xf32, #tpu.memory_space<vmem>>
    %dma_start3A_13 = tpu.memref_squeeze %dma_start3A_12 : memref<1x128x64xf32, #tpu.memory_space<vmem>> -> memref<128x64xf32, #tpu.memory_space<vmem>>
    %dma_start3A_14 = arith.constant 0 : i32
    %dma_start3A_15 = tpu.memref_slice %arg7[%dma_start3A, %dma_start3A_14] : memref<81x128xi32, #tpu.memory_space<vmem>> -> memref<1x128xi32, #tpu.memory_space<vmem>>
    %dma_start3A_16 = tpu.memref_squeeze %dma_start3A_15 : memref<1x128xi32, #tpu.memory_space<vmem>> -> memref<128xi32, #tpu.memory_space<vmem>>
    %dma_start3A_17 = arith.constant 0 : i32
    %dma_start3A_18 = arith.constant 0 : i32
    %dma_start3A_19 = tpu.memref_slice %arg11[%dma_start3A_17, %dma_start3A_18] : memref<10000x64xf32, #tpu.memory_space<vmem_shared>> -> memref<10000x64xf32, #tpu.memory_space<vmem_shared>>
    tpu.enqueue_indirect_dma source(%dma_start3A_19 : memref<10000x64xf32, #tpu.memory_space<vmem_shared>>) target(%dma_start3A_13 : memref<128x64xf32, #tpu.memory_space<vmem>>) offsets(%dma_start3A_16 : memref<128xi32, #tpu.memory_space<vmem>>) semaphore(%arg12 : memref<!tpu.dma_semaphore, #tpu.memory_space<semaphore_mem>>)
    %dma_start3A_20 = arith.constant 1 : i32
    %dma_start3A_21 = arith.constant 1 : i32
    %dma_start3A_22 = arith.constant 0 : i32
    %dma_start3A_23 = arith.constant 0 : i32
    %dma_start3A_24 = tpu.memref_slice %arg9[%dma_start3A_21, %dma_start3A_22, %dma_start3A_23] : memref<3x128x64xf32, #tpu.memory_space<vmem>> -> memref<1x128x64xf32, #tpu.memory_space<vmem>>
    %dma_start3A_25 = tpu.memref_squeeze %dma_start3A_24 : memref<1x128x64xf32, #tpu.memory_space<vmem>> -> memref<128x64xf32, #tpu.memory_space<vmem>>
    %dma_start3A_26 = arith.constant 0 : i32
    %dma_start3A_27 = tpu.memref_slice %arg7[%dma_start3A_20, %dma_start3A_26] : memref<81x128xi32, #tpu.memory_space<vmem>> -> memref<1x128xi32, #tpu.memory_space<vmem>>
    %dma_start3A_28 = tpu.memref_squeeze %dma_start3A_27 : memref<1x128xi32, #tpu.memory_space<vmem>> -> memref<128xi32, #tpu.memory_space<vmem>>
    %dma_start3A_29 = arith.constant 0 : i32
    %dma_start3A_30 = arith.constant 0 : i32
    %dma_start3A_31 = tpu.memref_slice %arg11[%dma_start3A_29, %dma_start3A_30] : memref<10000x64xf32, #tpu.memory_space<vmem_shared>> -> memref<10000x64xf32, #tpu.memory_space<vmem_shared>>
    tpu.enqueue_indirect_dma source(%dma_start3A_31 : memref<10000x64xf32, #tpu.memory_space<vmem_shared>>) target(%dma_start3A_25 : memref<128x64xf32, #tpu.memory_space<vmem>>) offsets(%dma_start3A_28 : memref<128xi32, #tpu.memory_space<vmem>>) semaphore(%arg13 : memref<!tpu.dma_semaphore, #tpu.memory_space<semaphore_mem>>)
    %dma_start3A_32 = arith.constant 2 : i32
    %dma_start3A_33 = arith.constant 2 : i32
    %dma_start3A_34 = arith.constant 0 : i32
    %dma_start3A_35 = arith.constant 0 : i32
    %dma_start3A_36 = tpu.memref_slice %arg9[%dma_start3A_33, %dma_start3A_34, %dma_start3A_35] : memref<3x128x64xf32, #tpu.memory_space<vmem>> -> memref<1x128x64xf32, #tpu.memory_space<vmem>>
    %dma_start3A_37 = tpu.memref_squeeze %dma_start3A_36 : memref<1x128x64xf32, #tpu.memory_space<vmem>> -> memref<128x64xf32, #tpu.memory_space<vmem>>
    %dma_start3A_38 = arith.constant 0 : i32
    %dma_start3A_39 = tpu.memref_slice %arg7[%dma_start3A_32, %dma_start3A_38] : memref<81x128xi32, #tpu.memory_space<vmem>> -> memref<1x128xi32, #tpu.memory_space<vmem>>
    %dma_start3A_40 = tpu.memref_squeeze %dma_start3A_39 : memref<1x128xi32, #tpu.memory_space<vmem>> -> memref<128xi32, #tpu.memory_space<vmem>>
    %dma_start3A_41 = arith.constant 0 : i32
    %dma_start3A_42 = arith.constant 0 : i32
    %dma_start3A_43 = tpu.memref_slice %arg11[%dma_start3A_41, %dma_start3A_42] : memref<10000x64xf32, #tpu.memory_space<vmem_shared>> -> memref<10000x64xf32, #tpu.memory_space<vmem_shared>>
    tpu.enqueue_indirect_dma source(%dma_start3A_43 : memref<10000x64xf32, #tpu.memory_space<vmem_shared>>) target(%dma_start3A_37 : memref<128x64xf32, #tpu.memory_space<vmem>>) offsets(%dma_start3A_40 : memref<128xi32, #tpu.memory_space<vmem>>) semaphore(%arg14 : memref<!tpu.dma_semaphore, #tpu.memory_space<semaphore_mem>>)
    %scan3A = arith.constant 0 : i32
    %scan3A_44 = arith.constant 0 : i32
    %scan3A_45 = arith.constant 27 : i32
    %scan3A_46 = arith.addi %scan3A_44, %scan3A_45 : i32
    %scan3A_47 = arith.constant 1 : i32
    scf.for %scan3A_55 = %scan3A_44 to %scan3A_46 step %scan3A_47  : i32 {
      %mul3A_56 = arith.constant 3 : i32
      %mul3A_57 = arith.muli %scan3A_55, %mul3A_56 : i32
      %add3A_58 = arith.constant 0 : i32
      %add3A_59 = arith.addi %mul3A_57, %add3A_58 : i32
      %dma_wait3A = arith.constant 0 : i32
      %dma_wait3A_60 = arith.constant 0 : i32
      %dma_wait3A_61 = arith.constant 0 : i32
      %dma_wait3A_62 = tpu.memref_slice %arg9[%dma_wait3A, %dma_wait3A_60, %dma_wait3A_61] : memref<3x128x64xf32, #tpu.memory_space<vmem>> -> memref<1x128x64xf32, #tpu.memory_space<vmem>>
      %dma_wait3A_63 = tpu.memref_squeeze %dma_wait3A_62 : memref<1x128x64xf32, #tpu.memory_space<vmem>> -> memref<128x64xf32, #tpu.memory_space<vmem>>
      %dma_wait3A_64 = arith.constant 0 : i32
      %dma_wait3A_65 = tpu.memref_slice %arg7[%add3A_59, %dma_wait3A_64] : memref<81x128xi32, #tpu.memory_space<vmem>> -> memref<1x128xi32, #tpu.memory_space<vmem>>
      %dma_wait3A_66 = tpu.memref_squeeze %dma_wait3A_65 : memref<1x128xi32, #tpu.memory_space<vmem>> -> memref<128xi32, #tpu.memory_space<vmem>>
      %dma_wait3A_67 = arith.constant 0 : i32
      %dma_wait3A_68 = arith.constant 0 : i32
      %dma_wait3A_69 = tpu.memref_slice %arg11[%dma_wait3A_67, %dma_wait3A_68] : memref<10000x64xf32, #tpu.memory_space<vmem_shared>> -> memref<10000x64xf32, #tpu.memory_space<vmem_shared>>
      tpu.wait_indirect_dma semaphore(%arg12 : memref<!tpu.dma_semaphore, #tpu.memory_space<semaphore_mem>>) src(%dma_wait3A_69 : memref<10000x64xf32, #tpu.memory_space<vmem_shared>>) dst(%dma_wait3A_63 : memref<128x64xf32, #tpu.memory_space<vmem>>)
      %dma_start3A_70 = arith.constant 0 : i32
      %dma_start3A_71 = arith.constant 0 : i32
      %dma_start3A_72 = arith.constant 0 : i32
      %dma_start3A_73 = tpu.memref_slice %arg9[%dma_start3A_70, %dma_start3A_71, %dma_start3A_72] : memref<3x128x64xf32, #tpu.memory_space<vmem>> -> memref<1x128x64xf32, #tpu.memory_space<vmem>>
      %dma_start3A_74 = tpu.memref_squeeze %dma_start3A_73 : memref<1x128x64xf32, #tpu.memory_space<vmem>> -> memref<128x64xf32, #tpu.memory_space<vmem>>
      %dma_start3A_75 = arith.constant 0 : i32
      %dma_start3A_76 = tpu.memref_slice %arg8[%add3A_59, %dma_start3A_75] : memref<81x128xi32, #tpu.memory_space<vmem>> -> memref<1x128xi32, #tpu.memory_space<vmem>>
      %dma_start3A_77 = tpu.memref_squeeze %dma_start3A_76 : memref<1x128xi32, #tpu.memory_space<vmem>> -> memref<128xi32, #tpu.memory_space<vmem>>
      %dma_start3A_78 = arith.constant 0 : i32
      %dma_start3A_79 = arith.constant 0 : i32
      %dma_start3A_80 = tpu.memref_slice %arg10[%dma_start3A_78, %dma_start3A_79] : memref<10112x64xf32, #tpu.memory_space<vmem_shared>> -> memref<10112x64xf32, #tpu.memory_space<vmem_shared>>
      tpu.enqueue_indirect_dma source(%dma_start3A_74 : memref<128x64xf32, #tpu.memory_space<vmem>>) target(%dma_start3A_80 : memref<10112x64xf32, #tpu.memory_space<vmem_shared>>) offsets(%dma_start3A_77 : memref<128xi32, #tpu.memory_space<vmem>>) semaphore(%arg15 : memref<!tpu.dma_semaphore, #tpu.memory_space<semaphore_mem>>) {add = true}
      %dma_wait3A_81 = arith.constant 0 : i32
      %dma_wait3A_82 = arith.constant 0 : i32
      %dma_wait3A_83 = arith.constant 0 : i32
      %dma_wait3A_84 = tpu.memref_slice %arg9[%dma_wait3A_81, %dma_wait3A_82, %dma_wait3A_83] : memref<3x128x64xf32, #tpu.memory_space<vmem>> -> memref<1x128x64xf32, #tpu.memory_space<vmem>>
      %dma_wait3A_85 = tpu.memref_squeeze %dma_wait3A_84 : memref<1x128x64xf32, #tpu.memory_space<vmem>> -> memref<128x64xf32, #tpu.memory_space<vmem>>
      %dma_wait3A_86 = arith.constant 0 : i32
      %dma_wait3A_87 = tpu.memref_slice %arg8[%add3A_59, %dma_wait3A_86] : memref<81x128xi32, #tpu.memory_space<vmem>> -> memref<1x128xi32, #tpu.memory_space<vmem>>
      %dma_wait3A_88 = tpu.memref_squeeze %dma_wait3A_87 : memref<1x128xi32, #tpu.memory_space<vmem>> -> memref<128xi32, #tpu.memory_space<vmem>>
      %dma_wait3A_89 = arith.constant 0 : i32
      %dma_wait3A_90 = arith.constant 0 : i32
      %dma_wait3A_91 = tpu.memref_slice %arg10[%dma_wait3A_89, %dma_wait3A_90] : memref<10112x64xf32, #tpu.memory_space<vmem_shared>> -> memref<10112x64xf32, #tpu.memory_space<vmem_shared>>
      tpu.wait_indirect_dma semaphore(%arg15 : memref<!tpu.dma_semaphore, #tpu.memory_space<semaphore_mem>>) src(%dma_wait3A_85 : memref<128x64xf32, #tpu.memory_space<vmem>>) dst(%dma_wait3A_91 : memref<10112x64xf32, #tpu.memory_space<vmem_shared>>)
      %add3A_92 = arith.constant 3 : i32
      %add3A_93 = arith.addi %add3A_59, %add3A_92 : i32
      %lt3A = arith.constant 81 : i32
      %lt3A_94 = arith.cmpi slt, %add3A_93, %lt3A : i32
      %convert_element_type3A = arith.extui %lt3A_94 : i1 to i32
      %cond3A = arith.constant 0 : i32
      %cond3A_95 = arith.cmpi ne, %convert_element_type3A, %cond3A : i32
      scf.if %cond3A_95 {
        %dma_start3A_180 = arith.constant 0 : i32
        %dma_start3A_181 = arith.constant 0 : i32
        %dma_start3A_182 = arith.constant 0 : i32
        %dma_start3A_183 = tpu.memref_slice %arg9[%dma_start3A_180, %dma_start3A_181, %dma_start3A_182] : memref<3x128x64xf32, #tpu.memory_space<vmem>> -> memref<1x128x64xf32, #tpu.memory_space<vmem>>
        %dma_start3A_184 = tpu.memref_squeeze %dma_start3A_183 : memref<1x128x64xf32, #tpu.memory_space<vmem>> -> memref<128x64xf32, #tpu.memory_space<vmem>>
        %dma_start3A_185 = arith.constant 0 : i32
        %dma_start3A_186 = tpu.memref_slice %arg7[%add3A_93, %dma_start3A_185] : memref<81x128xi32, #tpu.memory_space<vmem>> -> memref<1x128xi32, #tpu.memory_space<vmem>>
        %dma_start3A_187 = tpu.memref_squeeze %dma_start3A_186 : memref<1x128xi32, #tpu.memory_space<vmem>> -> memref<128xi32, #tpu.memory_space<vmem>>
        %dma_start3A_188 = arith.constant 0 : i32
        %dma_start3A_189 = arith.constant 0 : i32
        %dma_start3A_190 = tpu.memref_slice %arg11[%dma_start3A_188, %dma_start3A_189] : memref<10000x64xf32, #tpu.memory_space<vmem_shared>> -> memref<10000x64xf32, #tpu.memory_space<vmem_shared>>
        tpu.enqueue_indirect_dma source(%dma_start3A_190 : memref<10000x64xf32, #tpu.memory_space<vmem_shared>>) target(%dma_start3A_184 : memref<128x64xf32, #tpu.memory_space<vmem>>) offsets(%dma_start3A_187 : memref<128xi32, #tpu.memory_space<vmem>>) semaphore(%arg12 : memref<!tpu.dma_semaphore, #tpu.memory_space<semaphore_mem>>)
      } else {
      }
      %add3A_96 = arith.constant 1 : i32
      %add3A_97 = arith.addi %mul3A_57, %add3A_96 : i32
      %dma_wait3A_98 = arith.constant 1 : i32
      %dma_wait3A_99 = arith.constant 0 : i32
      %dma_wait3A_100 = arith.constant 0 : i32
      %dma_wait3A_101 = tpu.memref_slice %arg9[%dma_wait3A_98, %dma_wait3A_99, %dma_wait3A_100] : memref<3x128x64xf32, #tpu.memory_space<vmem>> -> memref<1x128x64xf32, #tpu.memory_space<vmem>>
      %dma_wait3A_102 = tpu.memref_squeeze %dma_wait3A_101 : memref<1x128x64xf32, #tpu.memory_space<vmem>> -> memref<128x64xf32, #tpu.memory_space<vmem>>
      %dma_wait3A_103 = arith.constant 0 : i32
      %dma_wait3A_104 = tpu.memref_slice %arg7[%add3A_97, %dma_wait3A_103] : memref<81x128xi32, #tpu.memory_space<vmem>> -> memref<1x128xi32, #tpu.memory_space<vmem>>
      %dma_wait3A_105 = tpu.memref_squeeze %dma_wait3A_104 : memref<1x128xi32, #tpu.memory_space<vmem>> -> memref<128xi32, #tpu.memory_space<vmem>>
      %dma_wait3A_106 = arith.constant 0 : i32
      %dma_wait3A_107 = arith.constant 0 : i32
      %dma_wait3A_108 = tpu.memref_slice %arg11[%dma_wait3A_106, %dma_wait3A_107] : memref<10000x64xf32, #tpu.memory_space<vmem_shared>> -> memref<10000x64xf32, #tpu.memory_space<vmem_shared>>
      tpu.wait_indirect_dma semaphore(%arg13 : memref<!tpu.dma_semaphore, #tpu.memory_space<semaphore_mem>>) src(%dma_wait3A_108 : memref<10000x64xf32, #tpu.memory_space<vmem_shared>>) dst(%dma_wait3A_102 : memref<128x64xf32, #tpu.memory_space<vmem>>)
      %dma_start3A_109 = arith.constant 1 : i32
      %dma_start3A_110 = arith.constant 0 : i32
      %dma_start3A_111 = arith.constant 0 : i32
      %dma_start3A_112 = tpu.memref_slice %arg9[%dma_start3A_109, %dma_start3A_110, %dma_start3A_111] : memref<3x128x64xf32, #tpu.memory_space<vmem>> -> memref<1x128x64xf32, #tpu.memory_space<vmem>>
      %dma_start3A_113 = tpu.memref_squeeze %dma_start3A_112 : memref<1x128x64xf32, #tpu.memory_space<vmem>> -> memref<128x64xf32, #tpu.memory_space<vmem>>
      %dma_start3A_114 = arith.constant 0 : i32
      %dma_start3A_115 = tpu.memref_slice %arg8[%add3A_97, %dma_start3A_114] : memref<81x128xi32, #tpu.memory_space<vmem>> -> memref<1x128xi32, #tpu.memory_space<vmem>>
      %dma_start3A_116 = tpu.memref_squeeze %dma_start3A_115 : memref<1x128xi32, #tpu.memory_space<vmem>> -> memref<128xi32, #tpu.memory_space<vmem>>
      %dma_start3A_117 = arith.constant 0 : i32
      %dma_start3A_118 = arith.constant 0 : i32
      %dma_start3A_119 = tpu.memref_slice %arg10[%dma_start3A_117, %dma_start3A_118] : memref<10112x64xf32, #tpu.memory_space<vmem_shared>> -> memref<10112x64xf32, #tpu.memory_space<vmem_shared>>
      tpu.enqueue_indirect_dma source(%dma_start3A_113 : memref<128x64xf32, #tpu.memory_space<vmem>>) target(%dma_start3A_119 : memref<10112x64xf32, #tpu.memory_space<vmem_shared>>) offsets(%dma_start3A_116 : memref<128xi32, #tpu.memory_space<vmem>>) semaphore(%arg16 : memref<!tpu.dma_semaphore, #tpu.memory_space<semaphore_mem>>) {add = true}
      %dma_wait3A_120 = arith.constant 1 : i32
      %dma_wait3A_121 = arith.constant 0 : i32
      %dma_wait3A_122 = arith.constant 0 : i32
      %dma_wait3A_123 = tpu.memref_slice %arg9[%dma_wait3A_120, %dma_wait3A_121, %dma_wait3A_122] : memref<3x128x64xf32, #tpu.memory_space<vmem>> -> memref<1x128x64xf32, #tpu.memory_space<vmem>>
      %dma_wait3A_124 = tpu.memref_squeeze %dma_wait3A_123 : memref<1x128x64xf32, #tpu.memory_space<vmem>> -> memref<128x64xf32, #tpu.memory_space<vmem>>
      %dma_wait3A_125 = arith.constant 0 : i32
      %dma_wait3A_126 = tpu.memref_slice %arg8[%add3A_97, %dma_wait3A_125] : memref<81x128xi32, #tpu.memory_space<vmem>> -> memref<1x128xi32, #tpu.memory_space<vmem>>
      %dma_wait3A_127 = tpu.memref_squeeze %dma_wait3A_126 : memref<1x128xi32, #tpu.memory_space<vmem>> -> memref<128xi32, #tpu.memory_space<vmem>>
      %dma_wait3A_128 = arith.constant 0 : i32
      %dma_wait3A_129 = arith.constant 0 : i32
      %dma_wait3A_130 = tpu.memref_slice %arg10[%dma_wait3A_128, %dma_wait3A_129] : memref<10112x64xf32, #tpu.memory_space<vmem_shared>> -> memref<10112x64xf32, #tpu.memory_space<vmem_shared>>
      tpu.wait_indirect_dma semaphore(%arg16 : memref<!tpu.dma_semaphore, #tpu.memory_space<semaphore_mem>>) src(%dma_wait3A_124 : memref<128x64xf32, #tpu.memory_space<vmem>>) dst(%dma_wait3A_130 : memref<10112x64xf32, #tpu.memory_space<vmem_shared>>)
      %add3A_131 = arith.constant 3 : i32
      %add3A_132 = arith.addi %add3A_97, %add3A_131 : i32
      %lt3A_133 = arith.constant 81 : i32
      %lt3A_134 = arith.cmpi slt, %add3A_132, %lt3A_133 : i32
      %convert_element_type3A_135 = arith.extui %lt3A_134 : i1 to i32
      %cond3A_136 = arith.constant 0 : i32
      %cond3A_137 = arith.cmpi ne, %convert_element_type3A_135, %cond3A_136 : i32
      scf.if %cond3A_137 {
        %dma_start3A_180 = arith.constant 1 : i32
        %dma_start3A_181 = arith.constant 0 : i32
        %dma_start3A_182 = arith.constant 0 : i32
        %dma_start3A_183 = tpu.memref_slice %arg9[%dma_start3A_180, %dma_start3A_181, %dma_start3A_182] : memref<3x128x64xf32, #tpu.memory_space<vmem>> -> memref<1x128x64xf32, #tpu.memory_space<vmem>>
        %dma_start3A_184 = tpu.memref_squeeze %dma_start3A_183 : memref<1x128x64xf32, #tpu.memory_space<vmem>> -> memref<128x64xf32, #tpu.memory_space<vmem>>
        %dma_start3A_185 = arith.constant 0 : i32
        %dma_start3A_186 = tpu.memref_slice %arg7[%add3A_132, %dma_start3A_185] : memref<81x128xi32, #tpu.memory_space<vmem>> -> memref<1x128xi32, #tpu.memory_space<vmem>>
        %dma_start3A_187 = tpu.memref_squeeze %dma_start3A_186 : memref<1x128xi32, #tpu.memory_space<vmem>> -> memref<128xi32, #tpu.memory_space<vmem>>
        %dma_start3A_188 = arith.constant 0 : i32
        %dma_start3A_189 = arith.constant 0 : i32
        %dma_start3A_190 = tpu.memref_slice %arg11[%dma_start3A_188, %dma_start3A_189] : memref<10000x64xf32, #tpu.memory_space<vmem_shared>> -> memref<10000x64xf32, #tpu.memory_space<vmem_shared>>
        tpu.enqueue_indirect_dma source(%dma_start3A_190 : memref<10000x64xf32, #tpu.memory_space<vmem_shared>>) target(%dma_start3A_184 : memref<128x64xf32, #tpu.memory_space<vmem>>) offsets(%dma_start3A_187 : memref<128xi32, #tpu.memory_space<vmem>>) semaphore(%arg13 : memref<!tpu.dma_semaphore, #tpu.memory_space<semaphore_mem>>)
      } else {
      }
      %add3A_138 = arith.constant 2 : i32
      %add3A_139 = arith.addi %mul3A_57, %add3A_138 : i32
      %dma_wait3A_140 = arith.constant 2 : i32
      %dma_wait3A_141 = arith.constant 0 : i32
      %dma_wait3A_142 = arith.constant 0 : i32
      %dma_wait3A_143 = tpu.memref_slice %arg9[%dma_wait3A_140, %dma_wait3A_141, %dma_wait3A_142] : memref<3x128x64xf32, #tpu.memory_space<vmem>> -> memref<1x128x64xf32, #tpu.memory_space<vmem>>
      %dma_wait3A_144 = tpu.memref_squeeze %dma_wait3A_143 : memref<1x128x64xf32, #tpu.memory_space<vmem>> -> memref<128x64xf32, #tpu.memory_space<vmem>>
      %dma_wait3A_145 = arith.constant 0 : i32
      %dma_wait3A_146 = tpu.memref_slice %arg7[%add3A_139, %dma_wait3A_145] : memref<81x128xi32, #tpu.memory_space<vmem>> -> memref<1x128xi32, #tpu.memory_space<vmem>>
      %dma_wait3A_147 = tpu.memref_squeeze %dma_wait3A_146 : memref<1x128xi32, #tpu.memory_space<vmem>> -> memref<128xi32, #tpu.memory_space<vmem>>
      %dma_wait3A_148 = arith.constant 0 : i32
      %dma_wait3A_149 = arith.constant 0 : i32
      %dma_wait3A_150 = tpu.memref_slice %arg11[%dma_wait3A_148, %dma_wait3A_149] : memref<10000x64xf32, #tpu.memory_space<vmem_shared>> -> memref<10000x64xf32, #tpu.memory_space<vmem_shared>>
      tpu.wait_indirect_dma semaphore(%arg14 : memref<!tpu.dma_semaphore, #tpu.memory_space<semaphore_mem>>) src(%dma_wait3A_150 : memref<10000x64xf32, #tpu.memory_space<vmem_shared>>) dst(%dma_wait3A_144 : memref<128x64xf32, #tpu.memory_space<vmem>>)
      %dma_start3A_151 = arith.constant 2 : i32
      %dma_start3A_152 = arith.constant 0 : i32
      %dma_start3A_153 = arith.constant 0 : i32
      %dma_start3A_154 = tpu.memref_slice %arg9[%dma_start3A_151, %dma_start3A_152, %dma_start3A_153] : memref<3x128x64xf32, #tpu.memory_space<vmem>> -> memref<1x128x64xf32, #tpu.memory_space<vmem>>
      %dma_start3A_155 = tpu.memref_squeeze %dma_start3A_154 : memref<1x128x64xf32, #tpu.memory_space<vmem>> -> memref<128x64xf32, #tpu.memory_space<vmem>>
      %dma_start3A_156 = arith.constant 0 : i32
      %dma_start3A_157 = tpu.memref_slice %arg8[%add3A_139, %dma_start3A_156] : memref<81x128xi32, #tpu.memory_space<vmem>> -> memref<1x128xi32, #tpu.memory_space<vmem>>
      %dma_start3A_158 = tpu.memref_squeeze %dma_start3A_157 : memref<1x128xi32, #tpu.memory_space<vmem>> -> memref<128xi32, #tpu.memory_space<vmem>>
      %dma_start3A_159 = arith.constant 0 : i32
      %dma_start3A_160 = arith.constant 0 : i32
      %dma_start3A_161 = tpu.memref_slice %arg10[%dma_start3A_159, %dma_start3A_160] : memref<10112x64xf32, #tpu.memory_space<vmem_shared>> -> memref<10112x64xf32, #tpu.memory_space<vmem_shared>>
      tpu.enqueue_indirect_dma source(%dma_start3A_155 : memref<128x64xf32, #tpu.memory_space<vmem>>) target(%dma_start3A_161 : memref<10112x64xf32, #tpu.memory_space<vmem_shared>>) offsets(%dma_start3A_158 : memref<128xi32, #tpu.memory_space<vmem>>) semaphore(%arg17 : memref<!tpu.dma_semaphore, #tpu.memory_space<semaphore_mem>>) {add = true}
      %dma_wait3A_162 = arith.constant 2 : i32
      %dma_wait3A_163 = arith.constant 0 : i32
      %dma_wait3A_164 = arith.constant 0 : i32
      %dma_wait3A_165 = tpu.memref_slice %arg9[%dma_wait3A_162, %dma_wait3A_163, %dma_wait3A_164] : memref<3x128x64xf32, #tpu.memory_space<vmem>> -> memref<1x128x64xf32, #tpu.memory_space<vmem>>
      %dma_wait3A_166 = tpu.memref_squeeze %dma_wait3A_165 : memref<1x128x64xf32, #tpu.memory_space<vmem>> -> memref<128x64xf32, #tpu.memory_space<vmem>>
      %dma_wait3A_167 = arith.constant 0 : i32
      %dma_wait3A_168 = tpu.memref_slice %arg8[%add3A_139, %dma_wait3A_167] : memref<81x128xi32, #tpu.memory_space<vmem>> -> memref<1x128xi32, #tpu.memory_space<vmem>>
      %dma_wait3A_169 = tpu.memref_squeeze %dma_wait3A_168 : memref<1x128xi32, #tpu.memory_space<vmem>> -> memref<128xi32, #tpu.memory_space<vmem>>
      %dma_wait3A_170 = arith.constant 0 : i32
      %dma_wait3A_171 = arith.constant 0 : i32
      %dma_wait3A_172 = tpu.memref_slice %arg10[%dma_wait3A_170, %dma_wait3A_171] : memref<10112x64xf32, #tpu.memory_space<vmem_shared>> -> memref<10112x64xf32, #tpu.memory_space<vmem_shared>>
      tpu.wait_indirect_dma semaphore(%arg17 : memref<!tpu.dma_semaphore, #tpu.memory_space<semaphore_mem>>) src(%dma_wait3A_166 : memref<128x64xf32, #tpu.memory_space<vmem>>) dst(%dma_wait3A_172 : memref<10112x64xf32, #tpu.memory_space<vmem_shared>>)
      %add3A_173 = arith.constant 3 : i32
      %add3A_174 = arith.addi %add3A_139, %add3A_173 : i32
      %lt3A_175 = arith.constant 81 : i32
      %lt3A_176 = arith.cmpi slt, %add3A_174, %lt3A_175 : i32
      %convert_element_type3A_177 = arith.extui %lt3A_176 : i1 to i32
      %cond3A_178 = arith.constant 0 : i32
      %cond3A_179 = arith.cmpi ne, %convert_element_type3A_177, %cond3A_178 : i32
      scf.if %cond3A_179 {
        %dma_start3A_180 = arith.constant 2 : i32
        %dma_start3A_181 = arith.constant 0 : i32
        %dma_start3A_182 = arith.constant 0 : i32
        %dma_start3A_183 = tpu.memref_slice %arg9[%dma_start3A_180, %dma_start3A_181, %dma_start3A_182] : memref<3x128x64xf32, #tpu.memory_space<vmem>> -> memref<1x128x64xf32, #tpu.memory_space<vmem>>
        %dma_start3A_184 = tpu.memref_squeeze %dma_start3A_183 : memref<1x128x64xf32, #tpu.memory_space<vmem>> -> memref<128x64xf32, #tpu.memory_space<vmem>>
        %dma_start3A_185 = arith.constant 0 : i32
        %dma_start3A_186 = tpu.memref_slice %arg7[%add3A_174, %dma_start3A_185] : memref<81x128xi32, #tpu.memory_space<vmem>> -> memref<1x128xi32, #tpu.memory_space<vmem>>
        %dma_start3A_187 = tpu.memref_squeeze %dma_start3A_186 : memref<1x128xi32, #tpu.memory_space<vmem>> -> memref<128xi32, #tpu.memory_space<vmem>>
        %dma_start3A_188 = arith.constant 0 : i32
        %dma_start3A_189 = arith.constant 0 : i32
        %dma_start3A_190 = tpu.memref_slice %arg11[%dma_start3A_188, %dma_start3A_189] : memref<10000x64xf32, #tpu.memory_space<vmem_shared>> -> memref<10000x64xf32, #tpu.memory_space<vmem_shared>>
        tpu.enqueue_indirect_dma source(%dma_start3A_190 : memref<10000x64xf32, #tpu.memory_space<vmem_shared>>) target(%dma_start3A_184 : memref<128x64xf32, #tpu.memory_space<vmem>>) offsets(%dma_start3A_187 : memref<128xi32, #tpu.memory_space<vmem>>) semaphore(%arg14 : memref<!tpu.dma_semaphore, #tpu.memory_space<semaphore_mem>>)
      } else {
      }
    }
    %scan3A_48 = arith.constant 27 : i32
    %barrier3A_49 = arith.constant 0 : index
    tpu.barrier barrier_id(%barrier3A_49)
    %mul3A_50 = arith.constant 632 : i32
    %mul3A_51 = arith.muli %arg1, %mul3A_50 : i32
    %mul3A_52 = arith.constant 10112 : i32
    %mul3A_53 = arith.muli %arg0, %mul3A_52 : i32
    %add3A_54 = arith.addi %mul3A_53, %mul3A_51 : i32
    "tpu.region"() ({
      %run_scoped3A = tpu.sem_alloc : memref<!tpu.dma_semaphore, #tpu.memory_space<semaphore_mem>>
      %dma_start3A_55 = arith.constant 0 : i32
      %dma_start3A_56 = tpu.memref_slice %arg6[%add3A_54, %dma_start3A_55] : memref<20224x64xf32, #tpu.memory_space<hbm>> -> memref<632x64xf32, #tpu.memory_space<hbm>>
      %dma_start3A_57 = arith.constant 0 : i32
      %dma_start3A_58 = tpu.memref_slice %arg10[%mul3A_51, %dma_start3A_57] : memref<10112x64xf32, #tpu.memory_space<vmem_shared>> -> memref<632x64xf32, #tpu.memory_space<vmem_shared>>
      tpu.enqueue_dma source(%dma_start3A_58 : memref<632x64xf32, #tpu.memory_space<vmem_shared>>) target(%dma_start3A_56 : memref<632x64xf32, #tpu.memory_space<hbm>>) target_semaphore(%run_scoped3A : memref<!tpu.dma_semaphore, #tpu.memory_space<semaphore_mem>>)
      %dma_wait3A = arith.constant 0 : i32
      %dma_wait3A_59 = tpu.memref_slice %arg6[%add3A_54, %dma_wait3A] : memref<20224x64xf32, #tpu.memory_space<hbm>> -> memref<632x64xf32, #tpu.memory_space<hbm>>
      %dma_wait3A_60 = arith.constant 0 : i32
      %dma_wait3A_61 = tpu.memref_slice %arg10[%mul3A_51, %dma_wait3A_60] : memref<10112x64xf32, #tpu.memory_space<vmem_shared>> -> memref<632x64xf32, #tpu.memory_space<vmem_shared>>
      tpu.wait_dma2 semaphore(%run_scoped3A : memref<!tpu.dma_semaphore, #tpu.memory_space<semaphore_mem>>) src(%dma_wait3A_61 : memref<632x64xf32, #tpu.memory_space<vmem_shared>>) dst(%dma_wait3A_59 : memref<632x64xf32, #tpu.memory_space<hbm>>)
      tpu.yield
    }) : () -> ()
    return
  }
}

#map = affine_map<(d0, d1) -> (0, 0)>
#map1 = affine_map<(d0, d1) -> (0, 0, 0)>
module attributes {stable_mosaic.version = 14 : i64} {
  func.func @body(%arg0: i32, %arg1: i32, %arg2: memref<10000x64xf32, #tpu.memory_space<hbm>>, %arg3: memref<32x81x128xi32, #tpu.memory_space<hbm>>, %arg4: memref<32x81x128xi32, #tpu.memory_space<hbm>>, %arg5: memref<10112x64xf32, #tpu.memory_space<hbm>>, %arg6: memref<20224x64xf32, #tpu.memory_space<hbm>>, %arg7: memref<81x128xi32, #tpu.memory_space<vmem>>, %arg8: memref<81x128xi32, #tpu.memory_space<vmem>>, %arg9: memref<3x128x64xf32, #tpu.memory_space<vmem>>, %arg10: memref<10112x64xf32, #tpu.memory_space<vmem_shared>>, %arg11: memref<10000x64xf32, #tpu.memory_space<vmem_shared>>, %arg12: memref<!tpu.dma_semaphore, #tpu.memory_space<semaphore_mem>>, %arg13: memref<!tpu.dma_semaphore, #tpu.memory_space<semaphore_mem>>, %arg14: memref<!tpu.dma_semaphore, #tpu.memory_space<semaphore_mem>>, %arg15: memref<!tpu.dma_semaphore, #tpu.memory_space<semaphore_mem>>, %arg16: memref<!tpu.dma_semaphore, #tpu.memory_space<semaphore_mem>>, %arg17: memref<!tpu.dma_semaphore, #tpu.memory_space<semaphore_mem>>) attributes {dimension_semantics = [#tpu.dimension_semantics<core_parallel>, #tpu.dimension_semantics<subcore_parallel>], iteration_bounds = array<i64: 2, 16>, scalar_prefetch = 0 : i64, scratch_operands = 11 : i64, tpu.core_type = #tpu.core_type<sc_vector_subcore>, window_params = [{transform_indices = #map}, {transform_indices = #map1}, {transform_indices = #map1}, {transform_indices = #map}, {transform_indices = #map}]} {
    %mul3A = arith.constant 2 : i32
    %mul3A_0 = arith.muli %arg1, %mul3A : i32
    %add3A = arith.addi %mul3A_0, %arg0 : i32
    "tpu.region"() ({
      %run_scoped3A = tpu.sem_alloc : memref<!tpu.dma_semaphore, #tpu.memory_space<semaphore_mem>>
      %dma_start3A_55 = arith.constant 0 : i32
      %dma_start3A_56 = arith.constant 0 : i32
      %dma_start3A_57 = tpu.memref_slice %arg3[%add3A, %dma_start3A_55, %dma_start3A_56] : memref<32x81x128xi32, #tpu.memory_space<hbm>> -> memref<1x81x128xi32, #tpu.memory_space<hbm>>
      %dma_start3A_58 = tpu.memref_squeeze %dma_start3A_57 : memref<1x81x128xi32, #tpu.memory_space<hbm>> -> memref<81x128xi32, #tpu.memory_space<hbm>>
      %dma_start3A_59 = arith.constant 0 : i32
      %dma_start3A_60 = arith.constant 0 : i32
      %dma_start3A_61 = tpu.memref_slice %arg3[%add3A, %dma_start3A_59, %dma_start3A_60] : memref<32x81x128xi32, #tpu.memory_space<hbm>> -> memref<1x81x128xi32, #tpu.memory_space<hbm>>
      %dma_start3A_62 = tpu.memref_squeeze %dma_start3A_61 : memref<1x81x128xi32, #tpu.memory_space<hbm>> -> memref<81x128xi32, #tpu.memory_space<hbm>>
      tpu.enqueue_dma source(%dma_start3A_62 : memref<81x128xi32, #tpu.memory_space<hbm>>) target(%arg7 : memref<81x128xi32, #tpu.memory_space<vmem>>) target_semaphore(%run_scoped3A : memref<!tpu.dma_semaphore, #tpu.memory_space<semaphore_mem>>)
      %dma_wait3A = arith.constant 0 : i32
      %dma_wait3A_63 = arith.constant 0 : i32
      %dma_wait3A_64 = tpu.memref_slice %arg3[%add3A, %dma_wait3A, %dma_wait3A_63] : memref<32x81x128xi32, #tpu.memory_space<hbm>> -> memref<1x81x128xi32, #tpu.memory_space<hbm>>
      %dma_wait3A_65 = tpu.memref_squeeze %dma_wait3A_64 : memref<1x81x128xi32, #tpu.memory_space<hbm>> -> memref<81x128xi32, #tpu.memory_space<hbm>>
      %dma_wait3A_66 = arith.constant 0 : i32
      %dma_wait3A_67 = arith.constant 0 : i32
      %dma_wait3A_68 = tpu.memref_slice %arg3[%add3A, %dma_wait3A_66, %dma_wait3A_67] : memref<32x81x128xi32, #tpu.memory_space<hbm>> -> memref<1x81x128xi32, #tpu.memory_space<hbm>>
      %dma_wait3A_69 = tpu.memref_squeeze %dma_wait3A_68 : memref<1x81x128xi32, #tpu.memory_space<hbm>> -> memref<81x128xi32, #tpu.memory_space<hbm>>
      tpu.wait_dma2 semaphore(%run_scoped3A : memref<!tpu.dma_semaphore, #tpu.memory_space<semaphore_mem>>) src(%dma_wait3A_69 : memref<81x128xi32, #tpu.memory_space<hbm>>) dst(%arg7 : memref<81x128xi32, #tpu.memory_space<vmem>>)
      tpu.yield
    }) : () -> ()
    "tpu.region"() ({
      %run_scoped3A = tpu.sem_alloc : memref<!tpu.dma_semaphore, #tpu.memory_space<semaphore_mem>>
      %dma_start3A_55 = arith.constant 0 : i32
      %dma_start3A_56 = arith.constant 0 : i32
      %dma_start3A_57 = tpu.memref_slice %arg4[%add3A, %dma_start3A_55, %dma_start3A_56] : memref<32x81x128xi32, #tpu.memory_space<hbm>> -> memref<1x81x128xi32, #tpu.memory_space<hbm>>
      %dma_start3A_58 = tpu.memref_squeeze %dma_start3A_57 : memref<1x81x128xi32, #tpu.memory_space<hbm>> -> memref<81x128xi32, #tpu.memory_space<hbm>>
      %dma_start3A_59 = arith.constant 0 : i32
      %dma_start3A_60 = arith.constant 0 : i32
      %dma_start3A_61 = tpu.memref_slice %arg4[%add3A, %dma_start3A_59, %dma_start3A_60] : memref<32x81x128xi32, #tpu.memory_space<hbm>> -> memref<1x81x128xi32, #tpu.memory_space<hbm>>
      %dma_start3A_62 = tpu.memref_squeeze %dma_start3A_61 : memref<1x81x128xi32, #tpu.memory_space<hbm>> -> memref<81x128xi32, #tpu.memory_space<hbm>>
      tpu.enqueue_dma source(%dma_start3A_62 : memref<81x128xi32, #tpu.memory_space<hbm>>) target(%arg8 : memref<81x128xi32, #tpu.memory_space<vmem>>) target_semaphore(%run_scoped3A : memref<!tpu.dma_semaphore, #tpu.memory_space<semaphore_mem>>)
      %dma_wait3A = arith.constant 0 : i32
      %dma_wait3A_63 = arith.constant 0 : i32
      %dma_wait3A_64 = tpu.memref_slice %arg4[%add3A, %dma_wait3A, %dma_wait3A_63] : memref<32x81x128xi32, #tpu.memory_space<hbm>> -> memref<1x81x128xi32, #tpu.memory_space<hbm>>
      %dma_wait3A_65 = tpu.memref_squeeze %dma_wait3A_64 : memref<1x81x128xi32, #tpu.memory_space<hbm>> -> memref<81x128xi32, #tpu.memory_space<hbm>>
      %dma_wait3A_66 = arith.constant 0 : i32
      %dma_wait3A_67 = arith.constant 0 : i32
      %dma_wait3A_68 = tpu.memref_slice %arg4[%add3A, %dma_wait3A_66, %dma_wait3A_67] : memref<32x81x128xi32, #tpu.memory_space<hbm>> -> memref<1x81x128xi32, #tpu.memory_space<hbm>>
      %dma_wait3A_69 = tpu.memref_squeeze %dma_wait3A_68 : memref<1x81x128xi32, #tpu.memory_space<hbm>> -> memref<81x128xi32, #tpu.memory_space<hbm>>
      tpu.wait_dma2 semaphore(%run_scoped3A : memref<!tpu.dma_semaphore, #tpu.memory_space<semaphore_mem>>) src(%dma_wait3A_69 : memref<81x128xi32, #tpu.memory_space<hbm>>) dst(%arg8 : memref<81x128xi32, #tpu.memory_space<vmem>>)
      tpu.yield
    }) : () -> ()
    %mul3A_1 = arith.constant 632 : i32
    %mul3A_2 = arith.muli %arg1, %mul3A_1 : i32
    %mul3A_3 = arith.constant 632 : i32
    %mul3A_4 = arith.muli %arg1, %mul3A_3 : i32
    "tpu.region"() ({
      %run_scoped3A = tpu.sem_alloc : memref<!tpu.dma_semaphore, #tpu.memory_space<semaphore_mem>>
      %dma_start3A_55 = arith.constant 0 : i32
      %dma_start3A_56 = tpu.memref_slice %arg10[%mul3A_4, %dma_start3A_55] : memref<10112x64xf32, #tpu.memory_space<vmem_shared>> -> memref<632x64xf32, #tpu.memory_space<vmem_shared>>
      %dma_start3A_57 = arith.constant 0 : i32
      %dma_start3A_58 = tpu.memref_slice %arg5[%mul3A_2, %dma_start3A_57] : memref<10112x64xf32, #tpu.memory_space<hbm>> -> memref<632x64xf32, #tpu.memory_space<hbm>>
      tpu.enqueue_dma source(%dma_start3A_58 : memref<632x64xf32, #tpu.memory_space<hbm>>) target(%dma_start3A_56 : memref<632x64xf32, #tpu.memory_space<vmem_shared>>) target_semaphore(%run_scoped3A : memref<!tpu.dma_semaphore, #tpu.memory_space<semaphore_mem>>)
      %dma_wait3A = arith.constant 0 : i32
      %dma_wait3A_59 = tpu.memref_slice %arg10[%mul3A_4, %dma_wait3A] : memref<10112x64xf32, #tpu.memory_space<vmem_shared>> -> memref<632x64xf32, #tpu.memory_space<vmem_shared>>
      %dma_wait3A_60 = arith.constant 0 : i32
      %dma_wait3A_61 = tpu.memref_slice %arg5[%mul3A_2, %dma_wait3A_60] : memref<10112x64xf32, #tpu.memory_space<hbm>> -> memref<632x64xf32, #tpu.memory_space<hbm>>
      tpu.wait_dma2 semaphore(%run_scoped3A : memref<!tpu.dma_semaphore, #tpu.memory_space<semaphore_mem>>) src(%dma_wait3A_61 : memref<632x64xf32, #tpu.memory_space<hbm>>) dst(%dma_wait3A_59 : memref<632x64xf32, #tpu.memory_space<vmem_shared>>)
      tpu.yield
    }) : () -> ()
    %mul3A_5 = arith.constant 625 : i32
    %mul3A_6 = arith.muli %arg1, %mul3A_5 : i32
    %mul3A_7 = arith.constant 625 : i32
    %mul3A_8 = arith.muli %arg1, %mul3A_7 : i32
    "tpu.region"() ({
      %run_scoped3A = tpu.sem_alloc : memref<!tpu.dma_semaphore, #tpu.memory_space<semaphore_mem>>
      %dma_start3A_55 = arith.constant 0 : i32
      %dma_start3A_56 = tpu.memref_slice %arg11[%mul3A_8, %dma_start3A_55] : memref<10000x64xf32, #tpu.memory_space<vmem_shared>> -> memref<625x64xf32, #tpu.memory_space<vmem_shared>>
      %dma_start3A_57 = arith.constant 0 : i32
      %dma_start3A_58 = tpu.memref_slice %arg2[%mul3A_6, %dma_start3A_57] : memref<10000x64xf32, #tpu.memory_space<hbm>> -> memref<625x64xf32, #tpu.memory_space<hbm>>
      tpu.enqueue_dma source(%dma_start3A_58 : memref<625x64xf32, #tpu.memory_space<hbm>>) target(%dma_start3A_56 : memref<625x64xf32, #tpu.memory_space<vmem_shared>>) target_semaphore(%run_scoped3A : memref<!tpu.dma_semaphore, #tpu.memory_space<semaphore_mem>>)
      %dma_wait3A = arith.constant 0 : i32
      %dma_wait3A_59 = tpu.memref_slice %arg11[%mul3A_8, %dma_wait3A] : memref<10000x64xf32, #tpu.memory_space<vmem_shared>> -> memref<625x64xf32, #tpu.memory_space<vmem_shared>>
      %dma_wait3A_60 = arith.constant 0 : i32
      %dma_wait3A_61 = tpu.memref_slice %arg2[%mul3A_6, %dma_wait3A_60] : memref<10000x64xf32, #tpu.memory_space<hbm>> -> memref<625x64xf32, #tpu.memory_space<hbm>>
      tpu.wait_dma2 semaphore(%run_scoped3A : memref<!tpu.dma_semaphore, #tpu.memory_space<semaphore_mem>>) src(%dma_wait3A_61 : memref<625x64xf32, #tpu.memory_space<hbm>>) dst(%dma_wait3A_59 : memref<625x64xf32, #tpu.memory_space<vmem_shared>>)
      tpu.yield
    }) : () -> ()
    %barrier3A = arith.constant 0 : index
    tpu.barrier barrier_id(%barrier3A)
    %dma_start3A = arith.constant 0 : i32
    %dma_start3A_9 = arith.constant 0 : i32
    %dma_start3A_10 = arith.constant 0 : i32
    %dma_start3A_11 = arith.constant 0 : i32
    %dma_start3A_12 = tpu.memref_slice %arg9[%dma_start3A_9, %dma_start3A_10, %dma_start3A_11] : memref<3x128x64xf32, #tpu.memory_space<vmem>> -> memref<1x128x64xf32, #tpu.memory_space<vmem>>
    %dma_start3A_13 = tpu.memref_squeeze %dma_start3A_12 : memref<1x128x64xf32, #tpu.memory_space<vmem>> -> memref<128x64xf32, #tpu.memory_space<vmem>>
    %dma_start3A_14 = arith.constant 0 : i32
    %dma_start3A_15 = tpu.memref_slice %arg7[%dma_start3A, %dma_start3A_14] : memref<81x128xi32, #tpu.memory_space<vmem>> -> memref<1x128xi32, #tpu.memory_space<vmem>>
    %dma_start3A_16 = tpu.memref_squeeze %dma_start3A_15 : memref<1x128xi32, #tpu.memory_space<vmem>> -> memref<128xi32, #tpu.memory_space<vmem>>
    %dma_start3A_17 = arith.constant 0 : i32
    %dma_start3A_18 = arith.constant 0 : i32
    %dma_start3A_19 = tpu.memref_slice %arg11[%dma_start3A_17, %dma_start3A_18] : memref<10000x64xf32, #tpu.memory_space<vmem_shared>> -> memref<10000x64xf32, #tpu.memory_space<vmem_shared>>
    tpu.enqueue_indirect_dma source(%dma_start3A_19 : memref<10000x64xf32, #tpu.memory_space<vmem_shared>>) target(%dma_start3A_13 : memref<128x64xf32, #tpu.memory_space<vmem>>) offsets(%dma_start3A_16 : memref<128xi32, #tpu.memory_space<vmem>>) semaphore(%arg12 : memref<!tpu.dma_semaphore, #tpu.memory_space<semaphore_mem>>)
    %dma_start3A_20 = arith.constant 1 : i32
    %dma_start3A_21 = arith.constant 1 : i32
    %dma_start3A_22 = arith.constant 0 : i32
    %dma_start3A_23 = arith.constant 0 : i32
    %dma_start3A_24 = tpu.memref_slice %arg9[%dma_start3A_21, %dma_start3A_22, %dma_start3A_23] : memref<3x128x64xf32, #tpu.memory_space<vmem>> -> memref<1x128x64xf32, #tpu.memory_space<vmem>>
    %dma_start3A_25 = tpu.memref_squeeze %dma_start3A_24 : memref<1x128x64xf32, #tpu.memory_space<vmem>> -> memref<128x64xf32, #tpu.memory_space<vmem>>
    %dma_start3A_26 = arith.constant 0 : i32
    %dma_start3A_27 = tpu.memref_slice %arg7[%dma_start3A_20, %dma_start3A_26] : memref<81x128xi32, #tpu.memory_space<vmem>> -> memref<1x128xi32, #tpu.memory_space<vmem>>
    %dma_start3A_28 = tpu.memref_squeeze %dma_start3A_27 : memref<1x128xi32, #tpu.memory_space<vmem>> -> memref<128xi32, #tpu.memory_space<vmem>>
    %dma_start3A_29 = arith.constant 0 : i32
    %dma_start3A_30 = arith.constant 0 : i32
    %dma_start3A_31 = tpu.memref_slice %arg11[%dma_start3A_29, %dma_start3A_30] : memref<10000x64xf32, #tpu.memory_space<vmem_shared>> -> memref<10000x64xf32, #tpu.memory_space<vmem_shared>>
    tpu.enqueue_indirect_dma source(%dma_start3A_31 : memref<10000x64xf32, #tpu.memory_space<vmem_shared>>) target(%dma_start3A_25 : memref<128x64xf32, #tpu.memory_space<vmem>>) offsets(%dma_start3A_28 : memref<128xi32, #tpu.memory_space<vmem>>) semaphore(%arg13 : memref<!tpu.dma_semaphore, #tpu.memory_space<semaphore_mem>>)
    %dma_start3A_32 = arith.constant 2 : i32
    %dma_start3A_33 = arith.constant 2 : i32
    %dma_start3A_34 = arith.constant 0 : i32
    %dma_start3A_35 = arith.constant 0 : i32
    %dma_start3A_36 = tpu.memref_slice %arg9[%dma_start3A_33, %dma_start3A_34, %dma_start3A_35] : memref<3x128x64xf32, #tpu.memory_space<vmem>> -> memref<1x128x64xf32, #tpu.memory_space<vmem>>
    %dma_start3A_37 = tpu.memref_squeeze %dma_start3A_36 : memref<1x128x64xf32, #tpu.memory_space<vmem>> -> memref<128x64xf32, #tpu.memory_space<vmem>>
    %dma_start3A_38 = arith.constant 0 : i32
    %dma_start3A_39 = tpu.memref_slice %arg7[%dma_start3A_32, %dma_start3A_38] : memref<81x128xi32, #tpu.memory_space<vmem>> -> memref<1x128xi32, #tpu.memory_space<vmem>>
    %dma_start3A_40 = tpu.memref_squeeze %dma_start3A_39 : memref<1x128xi32, #tpu.memory_space<vmem>> -> memref<128xi32, #tpu.memory_space<vmem>>
    %dma_start3A_41 = arith.constant 0 : i32
    %dma_start3A_42 = arith.constant 0 : i32
    %dma_start3A_43 = tpu.memref_slice %arg11[%dma_start3A_41, %dma_start3A_42] : memref<10000x64xf32, #tpu.memory_space<vmem_shared>> -> memref<10000x64xf32, #tpu.memory_space<vmem_shared>>
    tpu.enqueue_indirect_dma source(%dma_start3A_43 : memref<10000x64xf32, #tpu.memory_space<vmem_shared>>) target(%dma_start3A_37 : memref<128x64xf32, #tpu.memory_space<vmem>>) offsets(%dma_start3A_40 : memref<128xi32, #tpu.memory_space<vmem>>) semaphore(%arg14 : memref<!tpu.dma_semaphore, #tpu.memory_space<semaphore_mem>>)
    %scan3A = arith.constant 0 : i32
    %scan3A_44 = arith.constant 0 : i32
    %scan3A_45 = arith.constant 27 : i32
    %scan3A_46 = arith.addi %scan3A_44, %scan3A_45 : i32
    %scan3A_47 = arith.constant 1 : i32
    scf.for %scan3A_55 = %scan3A_44 to %scan3A_46 step %scan3A_47  : i32 {
      %mul3A_56 = arith.constant 3 : i32
      %mul3A_57 = arith.muli %scan3A_55, %mul3A_56 : i32
      %add3A_58 = arith.constant 0 : i32
      %add3A_59 = arith.addi %mul3A_57, %add3A_58 : i32
      %dma_wait3A = arith.constant 0 : i32
      %dma_wait3A_60 = arith.constant 0 : i32
      %dma_wait3A_61 = arith.constant 0 : i32
      %dma_wait3A_62 = tpu.memref_slice %arg9[%dma_wait3A, %dma_wait3A_60, %dma_wait3A_61] : memref<3x128x64xf32, #tpu.memory_space<vmem>> -> memref<1x128x64xf32, #tpu.memory_space<vmem>>
      %dma_wait3A_63 = tpu.memref_squeeze %dma_wait3A_62 : memref<1x128x64xf32, #tpu.memory_space<vmem>> -> memref<128x64xf32, #tpu.memory_space<vmem>>
      %dma_wait3A_64 = arith.constant 0 : i32
      %dma_wait3A_65 = tpu.memref_slice %arg7[%add3A_59, %dma_wait3A_64] : memref<81x128xi32, #tpu.memory_space<vmem>> -> memref<1x128xi32, #tpu.memory_space<vmem>>
      %dma_wait3A_66 = tpu.memref_squeeze %dma_wait3A_65 : memref<1x128xi32, #tpu.memory_space<vmem>> -> memref<128xi32, #tpu.memory_space<vmem>>
      %dma_wait3A_67 = arith.constant 0 : i32
      %dma_wait3A_68 = arith.constant 0 : i32
      %dma_wait3A_69 = tpu.memref_slice %arg11[%dma_wait3A_67, %dma_wait3A_68] : memref<10000x64xf32, #tpu.memory_space<vmem_shared>> -> memref<10000x64xf32, #tpu.memory_space<vmem_shared>>
      tpu.wait_indirect_dma semaphore(%arg12 : memref<!tpu.dma_semaphore, #tpu.memory_space<semaphore_mem>>) src(%dma_wait3A_69 : memref<10000x64xf32, #tpu.memory_space<vmem_shared>>) dst(%dma_wait3A_63 : memref<128x64xf32, #tpu.memory_space<vmem>>)
      %dma_start3A_70 = arith.constant 0 : i32
      %dma_start3A_71 = arith.constant 0 : i32
      %dma_start3A_72 = arith.constant 0 : i32
      %dma_start3A_73 = tpu.memref_slice %arg9[%dma_start3A_70, %dma_start3A_71, %dma_start3A_72] : memref<3x128x64xf32, #tpu.memory_space<vmem>> -> memref<1x128x64xf32, #tpu.memory_space<vmem>>
      %dma_start3A_74 = tpu.memref_squeeze %dma_start3A_73 : memref<1x128x64xf32, #tpu.memory_space<vmem>> -> memref<128x64xf32, #tpu.memory_space<vmem>>
      %dma_start3A_75 = arith.constant 0 : i32
      %dma_start3A_76 = tpu.memref_slice %arg8[%add3A_59, %dma_start3A_75] : memref<81x128xi32, #tpu.memory_space<vmem>> -> memref<1x128xi32, #tpu.memory_space<vmem>>
      %dma_start3A_77 = tpu.memref_squeeze %dma_start3A_76 : memref<1x128xi32, #tpu.memory_space<vmem>> -> memref<128xi32, #tpu.memory_space<vmem>>
      %dma_start3A_78 = arith.constant 0 : i32
      %dma_start3A_79 = arith.constant 0 : i32
      %dma_start3A_80 = tpu.memref_slice %arg10[%dma_start3A_78, %dma_start3A_79] : memref<10112x64xf32, #tpu.memory_space<vmem_shared>> -> memref<10112x64xf32, #tpu.memory_space<vmem_shared>>
      tpu.enqueue_indirect_dma source(%dma_start3A_74 : memref<128x64xf32, #tpu.memory_space<vmem>>) target(%dma_start3A_80 : memref<10112x64xf32, #tpu.memory_space<vmem_shared>>) offsets(%dma_start3A_77 : memref<128xi32, #tpu.memory_space<vmem>>) semaphore(%arg15 : memref<!tpu.dma_semaphore, #tpu.memory_space<semaphore_mem>>) {add = true}
      %dma_wait3A_81 = arith.constant 0 : i32
      %dma_wait3A_82 = arith.constant 0 : i32
      %dma_wait3A_83 = arith.constant 0 : i32
      %dma_wait3A_84 = tpu.memref_slice %arg9[%dma_wait3A_81, %dma_wait3A_82, %dma_wait3A_83] : memref<3x128x64xf32, #tpu.memory_space<vmem>> -> memref<1x128x64xf32, #tpu.memory_space<vmem>>
      %dma_wait3A_85 = tpu.memref_squeeze %dma_wait3A_84 : memref<1x128x64xf32, #tpu.memory_space<vmem>> -> memref<128x64xf32, #tpu.memory_space<vmem>>
      %dma_wait3A_86 = arith.constant 0 : i32
      %dma_wait3A_87 = tpu.memref_slice %arg8[%add3A_59, %dma_wait3A_86] : memref<81x128xi32, #tpu.memory_space<vmem>> -> memref<1x128xi32, #tpu.memory_space<vmem>>
      %dma_wait3A_88 = tpu.memref_squeeze %dma_wait3A_87 : memref<1x128xi32, #tpu.memory_space<vmem>> -> memref<128xi32, #tpu.memory_space<vmem>>
      %dma_wait3A_89 = arith.constant 0 : i32
      %dma_wait3A_90 = arith.constant 0 : i32
      %dma_wait3A_91 = tpu.memref_slice %arg10[%dma_wait3A_89, %dma_wait3A_90] : memref<10112x64xf32, #tpu.memory_space<vmem_shared>> -> memref<10112x64xf32, #tpu.memory_space<vmem_shared>>
      tpu.wait_indirect_dma semaphore(%arg15 : memref<!tpu.dma_semaphore, #tpu.memory_space<semaphore_mem>>) src(%dma_wait3A_85 : memref<128x64xf32, #tpu.memory_space<vmem>>) dst(%dma_wait3A_91 : memref<10112x64xf32, #tpu.memory_space<vmem_shared>>)
      %add3A_92 = arith.constant 3 : i32
      %add3A_93 = arith.addi %add3A_59, %add3A_92 : i32
      %lt3A = arith.constant 81 : i32
      %lt3A_94 = arith.cmpi slt, %add3A_93, %lt3A : i32
      %convert_element_type3A = arith.extui %lt3A_94 : i1 to i32
      %cond3A = arith.constant 0 : i32
      %cond3A_95 = arith.cmpi ne, %convert_element_type3A, %cond3A : i32
      scf.if %cond3A_95 {
        %dma_start3A_180 = arith.constant 0 : i32
        %dma_start3A_181 = arith.constant 0 : i32
        %dma_start3A_182 = arith.constant 0 : i32
        %dma_start3A_183 = tpu.memref_slice %arg9[%dma_start3A_180, %dma_start3A_181, %dma_start3A_182] : memref<3x128x64xf32, #tpu.memory_space<vmem>> -> memref<1x128x64xf32, #tpu.memory_space<vmem>>
        %dma_start3A_184 = tpu.memref_squeeze %dma_start3A_183 : memref<1x128x64xf32, #tpu.memory_space<vmem>> -> memref<128x64xf32, #tpu.memory_space<vmem>>
        %dma_start3A_185 = arith.constant 0 : i32
        %dma_start3A_186 = tpu.memref_slice %arg7[%add3A_93, %dma_start3A_185] : memref<81x128xi32, #tpu.memory_space<vmem>> -> memref<1x128xi32, #tpu.memory_space<vmem>>
        %dma_start3A_187 = tpu.memref_squeeze %dma_start3A_186 : memref<1x128xi32, #tpu.memory_space<vmem>> -> memref<128xi32, #tpu.memory_space<vmem>>
        %dma_start3A_188 = arith.constant 0 : i32
        %dma_start3A_189 = arith.constant 0 : i32
        %dma_start3A_190 = tpu.memref_slice %arg11[%dma_start3A_188, %dma_start3A_189] : memref<10000x64xf32, #tpu.memory_space<vmem_shared>> -> memref<10000x64xf32, #tpu.memory_space<vmem_shared>>
        tpu.enqueue_indirect_dma source(%dma_start3A_190 : memref<10000x64xf32, #tpu.memory_space<vmem_shared>>) target(%dma_start3A_184 : memref<128x64xf32, #tpu.memory_space<vmem>>) offsets(%dma_start3A_187 : memref<128xi32, #tpu.memory_space<vmem>>) semaphore(%arg12 : memref<!tpu.dma_semaphore, #tpu.memory_space<semaphore_mem>>)
      } else {
      }
      %add3A_96 = arith.constant 1 : i32
      %add3A_97 = arith.addi %mul3A_57, %add3A_96 : i32
      %dma_wait3A_98 = arith.constant 1 : i32
      %dma_wait3A_99 = arith.constant 0 : i32
      %dma_wait3A_100 = arith.constant 0 : i32
      %dma_wait3A_101 = tpu.memref_slice %arg9[%dma_wait3A_98, %dma_wait3A_99, %dma_wait3A_100] : memref<3x128x64xf32, #tpu.memory_space<vmem>> -> memref<1x128x64xf32, #tpu.memory_space<vmem>>
      %dma_wait3A_102 = tpu.memref_squeeze %dma_wait3A_101 : memref<1x128x64xf32, #tpu.memory_space<vmem>> -> memref<128x64xf32, #tpu.memory_space<vmem>>
      %dma_wait3A_103 = arith.constant 0 : i32
      %dma_wait3A_104 = tpu.memref_slice %arg7[%add3A_97, %dma_wait3A_103] : memref<81x128xi32, #tpu.memory_space<vmem>> -> memref<1x128xi32, #tpu.memory_space<vmem>>
      %dma_wait3A_105 = tpu.memref_squeeze %dma_wait3A_104 : memref<1x128xi32, #tpu.memory_space<vmem>> -> memref<128xi32, #tpu.memory_space<vmem>>
      %dma_wait3A_106 = arith.constant 0 : i32
      %dma_wait3A_107 = arith.constant 0 : i32
      %dma_wait3A_108 = tpu.memref_slice %arg11[%dma_wait3A_106, %dma_wait3A_107] : memref<10000x64xf32, #tpu.memory_space<vmem_shared>> -> memref<10000x64xf32, #tpu.memory_space<vmem_shared>>
      tpu.wait_indirect_dma semaphore(%arg13 : memref<!tpu.dma_semaphore, #tpu.memory_space<semaphore_mem>>) src(%dma_wait3A_108 : memref<10000x64xf32, #tpu.memory_space<vmem_shared>>) dst(%dma_wait3A_102 : memref<128x64xf32, #tpu.memory_space<vmem>>)
      %dma_start3A_109 = arith.constant 1 : i32
      %dma_start3A_110 = arith.constant 0 : i32
      %dma_start3A_111 = arith.constant 0 : i32
      %dma_start3A_112 = tpu.memref_slice %arg9[%dma_start3A_109, %dma_start3A_110, %dma_start3A_111] : memref<3x128x64xf32, #tpu.memory_space<vmem>> -> memref<1x128x64xf32, #tpu.memory_space<vmem>>
      %dma_start3A_113 = tpu.memref_squeeze %dma_start3A_112 : memref<1x128x64xf32, #tpu.memory_space<vmem>> -> memref<128x64xf32, #tpu.memory_space<vmem>>
      %dma_start3A_114 = arith.constant 0 : i32
      %dma_start3A_115 = tpu.memref_slice %arg8[%add3A_97, %dma_start3A_114] : memref<81x128xi32, #tpu.memory_space<vmem>> -> memref<1x128xi32, #tpu.memory_space<vmem>>
      %dma_start3A_116 = tpu.memref_squeeze %dma_start3A_115 : memref<1x128xi32, #tpu.memory_space<vmem>> -> memref<128xi32, #tpu.memory_space<vmem>>
      %dma_start3A_117 = arith.constant 0 : i32
      %dma_start3A_118 = arith.constant 0 : i32
      %dma_start3A_119 = tpu.memref_slice %arg10[%dma_start3A_117, %dma_start3A_118] : memref<10112x64xf32, #tpu.memory_space<vmem_shared>> -> memref<10112x64xf32, #tpu.memory_space<vmem_shared>>
      tpu.enqueue_indirect_dma source(%dma_start3A_113 : memref<128x64xf32, #tpu.memory_space<vmem>>) target(%dma_start3A_119 : memref<10112x64xf32, #tpu.memory_space<vmem_shared>>) offsets(%dma_start3A_116 : memref<128xi32, #tpu.memory_space<vmem>>) semaphore(%arg16 : memref<!tpu.dma_semaphore, #tpu.memory_space<semaphore_mem>>) {add = true}
      %dma_wait3A_120 = arith.constant 1 : i32
      %dma_wait3A_121 = arith.constant 0 : i32
      %dma_wait3A_122 = arith.constant 0 : i32
      %dma_wait3A_123 = tpu.memref_slice %arg9[%dma_wait3A_120, %dma_wait3A_121, %dma_wait3A_122] : memref<3x128x64xf32, #tpu.memory_space<vmem>> -> memref<1x128x64xf32, #tpu.memory_space<vmem>>
      %dma_wait3A_124 = tpu.memref_squeeze %dma_wait3A_123 : memref<1x128x64xf32, #tpu.memory_space<vmem>> -> memref<128x64xf32, #tpu.memory_space<vmem>>
      %dma_wait3A_125 = arith.constant 0 : i32
      %dma_wait3A_126 = tpu.memref_slice %arg8[%add3A_97, %dma_wait3A_125] : memref<81x128xi32, #tpu.memory_space<vmem>> -> memref<1x128xi32, #tpu.memory_space<vmem>>
      %dma_wait3A_127 = tpu.memref_squeeze %dma_wait3A_126 : memref<1x128xi32, #tpu.memory_space<vmem>> -> memref<128xi32, #tpu.memory_space<vmem>>
      %dma_wait3A_128 = arith.constant 0 : i32
      %dma_wait3A_129 = arith.constant 0 : i32
      %dma_wait3A_130 = tpu.memref_slice %arg10[%dma_wait3A_128, %dma_wait3A_129] : memref<10112x64xf32, #tpu.memory_space<vmem_shared>> -> memref<10112x64xf32, #tpu.memory_space<vmem_shared>>
      tpu.wait_indirect_dma semaphore(%arg16 : memref<!tpu.dma_semaphore, #tpu.memory_space<semaphore_mem>>) src(%dma_wait3A_124 : memref<128x64xf32, #tpu.memory_space<vmem>>) dst(%dma_wait3A_130 : memref<10112x64xf32, #tpu.memory_space<vmem_shared>>)
      %add3A_131 = arith.constant 3 : i32
      %add3A_132 = arith.addi %add3A_97, %add3A_131 : i32
      %lt3A_133 = arith.constant 81 : i32
      %lt3A_134 = arith.cmpi slt, %add3A_132, %lt3A_133 : i32
      %convert_element_type3A_135 = arith.extui %lt3A_134 : i1 to i32
      %cond3A_136 = arith.constant 0 : i32
      %cond3A_137 = arith.cmpi ne, %convert_element_type3A_135, %cond3A_136 : i32
      scf.if %cond3A_137 {
        %dma_start3A_180 = arith.constant 1 : i32
        %dma_start3A_181 = arith.constant 0 : i32
        %dma_start3A_182 = arith.constant 0 : i32
        %dma_start3A_183 = tpu.memref_slice %arg9[%dma_start3A_180, %dma_start3A_181, %dma_start3A_182] : memref<3x128x64xf32, #tpu.memory_space<vmem>> -> memref<1x128x64xf32, #tpu.memory_space<vmem>>
        %dma_start3A_184 = tpu.memref_squeeze %dma_start3A_183 : memref<1x128x64xf32, #tpu.memory_space<vmem>> -> memref<128x64xf32, #tpu.memory_space<vmem>>
        %dma_start3A_185 = arith.constant 0 : i32
        %dma_start3A_186 = tpu.memref_slice %arg7[%add3A_132, %dma_start3A_185] : memref<81x128xi32, #tpu.memory_space<vmem>> -> memref<1x128xi32, #tpu.memory_space<vmem>>
        %dma_start3A_187 = tpu.memref_squeeze %dma_start3A_186 : memref<1x128xi32, #tpu.memory_space<vmem>> -> memref<128xi32, #tpu.memory_space<vmem>>
        %dma_start3A_188 = arith.constant 0 : i32
        %dma_start3A_189 = arith.constant 0 : i32
        %dma_start3A_190 = tpu.memref_slice %arg11[%dma_start3A_188, %dma_start3A_189] : memref<10000x64xf32, #tpu.memory_space<vmem_shared>> -> memref<10000x64xf32, #tpu.memory_space<vmem_shared>>
        tpu.enqueue_indirect_dma source(%dma_start3A_190 : memref<10000x64xf32, #tpu.memory_space<vmem_shared>>) target(%dma_start3A_184 : memref<128x64xf32, #tpu.memory_space<vmem>>) offsets(%dma_start3A_187 : memref<128xi32, #tpu.memory_space<vmem>>) semaphore(%arg13 : memref<!tpu.dma_semaphore, #tpu.memory_space<semaphore_mem>>)
      } else {
      }
      %add3A_138 = arith.constant 2 : i32
      %add3A_139 = arith.addi %mul3A_57, %add3A_138 : i32
      %dma_wait3A_140 = arith.constant 2 : i32
      %dma_wait3A_141 = arith.constant 0 : i32
      %dma_wait3A_142 = arith.constant 0 : i32
      %dma_wait3A_143 = tpu.memref_slice %arg9[%dma_wait3A_140, %dma_wait3A_141, %dma_wait3A_142] : memref<3x128x64xf32, #tpu.memory_space<vmem>> -> memref<1x128x64xf32, #tpu.memory_space<vmem>>
      %dma_wait3A_144 = tpu.memref_squeeze %dma_wait3A_143 : memref<1x128x64xf32, #tpu.memory_space<vmem>> -> memref<128x64xf32, #tpu.memory_space<vmem>>
      %dma_wait3A_145 = arith.constant 0 : i32
      %dma_wait3A_146 = tpu.memref_slice %arg7[%add3A_139, %dma_wait3A_145] : memref<81x128xi32, #tpu.memory_space<vmem>> -> memref<1x128xi32, #tpu.memory_space<vmem>>
      %dma_wait3A_147 = tpu.memref_squeeze %dma_wait3A_146 : memref<1x128xi32, #tpu.memory_space<vmem>> -> memref<128xi32, #tpu.memory_space<vmem>>
      %dma_wait3A_148 = arith.constant 0 : i32
      %dma_wait3A_149 = arith.constant 0 : i32
      %dma_wait3A_150 = tpu.memref_slice %arg11[%dma_wait3A_148, %dma_wait3A_149] : memref<10000x64xf32, #tpu.memory_space<vmem_shared>> -> memref<10000x64xf32, #tpu.memory_space<vmem_shared>>
      tpu.wait_indirect_dma semaphore(%arg14 : memref<!tpu.dma_semaphore, #tpu.memory_space<semaphore_mem>>) src(%dma_wait3A_150 : memref<10000x64xf32, #tpu.memory_space<vmem_shared>>) dst(%dma_wait3A_144 : memref<128x64xf32, #tpu.memory_space<vmem>>)
      %dma_start3A_151 = arith.constant 2 : i32
      %dma_start3A_152 = arith.constant 0 : i32
      %dma_start3A_153 = arith.constant 0 : i32
      %dma_start3A_154 = tpu.memref_slice %arg9[%dma_start3A_151, %dma_start3A_152, %dma_start3A_153] : memref<3x128x64xf32, #tpu.memory_space<vmem>> -> memref<1x128x64xf32, #tpu.memory_space<vmem>>
      %dma_start3A_155 = tpu.memref_squeeze %dma_start3A_154 : memref<1x128x64xf32, #tpu.memory_space<vmem>> -> memref<128x64xf32, #tpu.memory_space<vmem>>
      %dma_start3A_156 = arith.constant 0 : i32
      %dma_start3A_157 = tpu.memref_slice %arg8[%add3A_139, %dma_start3A_156] : memref<81x128xi32, #tpu.memory_space<vmem>> -> memref<1x128xi32, #tpu.memory_space<vmem>>
      %dma_start3A_158 = tpu.memref_squeeze %dma_start3A_157 : memref<1x128xi32, #tpu.memory_space<vmem>> -> memref<128xi32, #tpu.memory_space<vmem>>
      %dma_start3A_159 = arith.constant 0 : i32
      %dma_start3A_160 = arith.constant 0 : i32
      %dma_start3A_161 = tpu.memref_slice %arg10[%dma_start3A_159, %dma_start3A_160] : memref<10112x64xf32, #tpu.memory_space<vmem_shared>> -> memref<10112x64xf32, #tpu.memory_space<vmem_shared>>
      tpu.enqueue_indirect_dma source(%dma_start3A_155 : memref<128x64xf32, #tpu.memory_space<vmem>>) target(%dma_start3A_161 : memref<10112x64xf32, #tpu.memory_space<vmem_shared>>) offsets(%dma_start3A_158 : memref<128xi32, #tpu.memory_space<vmem>>) semaphore(%arg17 : memref<!tpu.dma_semaphore, #tpu.memory_space<semaphore_mem>>) {add = true}
      %dma_wait3A_162 = arith.constant 2 : i32
      %dma_wait3A_163 = arith.constant 0 : i32
      %dma_wait3A_164 = arith.constant 0 : i32
      %dma_wait3A_165 = tpu.memref_slice %arg9[%dma_wait3A_162, %dma_wait3A_163, %dma_wait3A_164] : memref<3x128x64xf32, #tpu.memory_space<vmem>> -> memref<1x128x64xf32, #tpu.memory_space<vmem>>
      %dma_wait3A_166 = tpu.memref_squeeze %dma_wait3A_165 : memref<1x128x64xf32, #tpu.memory_space<vmem>> -> memref<128x64xf32, #tpu.memory_space<vmem>>
      %dma_wait3A_167 = arith.constant 0 : i32
      %dma_wait3A_168 = tpu.memref_slice %arg8[%add3A_139, %dma_wait3A_167] : memref<81x128xi32, #tpu.memory_space<vmem>> -> memref<1x128xi32, #tpu.memory_space<vmem>>
      %dma_wait3A_169 = tpu.memref_squeeze %dma_wait3A_168 : memref<1x128xi32, #tpu.memory_space<vmem>> -> memref<128xi32, #tpu.memory_space<vmem>>
      %dma_wait3A_170 = arith.constant 0 : i32
      %dma_wait3A_171 = arith.constant 0 : i32
      %dma_wait3A_172 = tpu.memref_slice %arg10[%dma_wait3A_170, %dma_wait3A_171] : memref<10112x64xf32, #tpu.memory_space<vmem_shared>> -> memref<10112x64xf32, #tpu.memory_space<vmem_shared>>
      tpu.wait_indirect_dma semaphore(%arg17 : memref<!tpu.dma_semaphore, #tpu.memory_space<semaphore_mem>>) src(%dma_wait3A_166 : memref<128x64xf32, #tpu.memory_space<vmem>>) dst(%dma_wait3A_172 : memref<10112x64xf32, #tpu.memory_space<vmem_shared>>)
      %add3A_173 = arith.constant 3 : i32
      %add3A_174 = arith.addi %add3A_139, %add3A_173 : i32
      %lt3A_175 = arith.constant 81 : i32
      %lt3A_176 = arith.cmpi slt, %add3A_174, %lt3A_175 : i32
      %convert_element_type3A_177 = arith.extui %lt3A_176 : i1 to i32
      %cond3A_178 = arith.constant 0 : i32
      %cond3A_179 = arith.cmpi ne, %convert_element_type3A_177, %cond3A_178 : i32
      scf.if %cond3A_179 {
        %dma_start3A_180 = arith.constant 2 : i32
        %dma_start3A_181 = arith.constant 0 : i32
        %dma_start3A_182 = arith.constant 0 : i32
        %dma_start3A_183 = tpu.memref_slice %arg9[%dma_start3A_180, %dma_start3A_181, %dma_start3A_182] : memref<3x128x64xf32, #tpu.memory_space<vmem>> -> memref<1x128x64xf32, #tpu.memory_space<vmem>>
        %dma_start3A_184 = tpu.memref_squeeze %dma_start3A_183 : memref<1x128x64xf32, #tpu.memory_space<vmem>> -> memref<128x64xf32, #tpu.memory_space<vmem>>
        %dma_start3A_185 = arith.constant 0 : i32
        %dma_start3A_186 = tpu.memref_slice %arg7[%add3A_174, %dma_start3A_185] : memref<81x128xi32, #tpu.memory_space<vmem>> -> memref<1x128xi32, #tpu.memory_space<vmem>>
        %dma_start3A_187 = tpu.memref_squeeze %dma_start3A_186 : memref<1x128xi32, #tpu.memory_space<vmem>> -> memref<128xi32, #tpu.memory_space<vmem>>
        %dma_start3A_188 = arith.constant 0 : i32
        %dma_start3A_189 = arith.constant 0 : i32
        %dma_start3A_190 = tpu.memref_slice %arg11[%dma_start3A_188, %dma_start3A_189] : memref<10000x64xf32, #tpu.memory_space<vmem_shared>> -> memref<10000x64xf32, #tpu.memory_space<vmem_shared>>
        tpu.enqueue_indirect_dma source(%dma_start3A_190 : memref<10000x64xf32, #tpu.memory_space<vmem_shared>>) target(%dma_start3A_184 : memref<128x64xf32, #tpu.memory_space<vmem>>) offsets(%dma_start3A_187 : memref<128xi32, #tpu.memory_space<vmem>>) semaphore(%arg14 : memref<!tpu.dma_semaphore, #tpu.memory_space<semaphore_mem>>)
      } else {
      }
    }
    %scan3A_48 = arith.constant 27 : i32
    %barrier3A_49 = arith.constant 0 : index
    tpu.barrier barrier_id(%barrier3A_49)
    %mul3A_50 = arith.constant 632 : i32
    %mul3A_51 = arith.muli %arg1, %mul3A_50 : i32
    %mul3A_52 = arith.constant 10112 : i32
    %mul3A_53 = arith.muli %arg0, %mul3A_52 : i32
    %add3A_54 = arith.addi %mul3A_53, %mul3A_51 : i32
    "tpu.region"() ({
      %run_scoped3A = tpu.sem_alloc : memref<!tpu.dma_semaphore, #tpu.memory_space<semaphore_mem>>
      %dma_start3A_55 = arith.constant 0 : i32
      %dma_start3A_56 = tpu.memref_slice %arg6[%add3A_54, %dma_start3A_55] : memref<20224x64xf32, #tpu.memory_space<hbm>> -> memref<632x64xf32, #tpu.memory_space<hbm>>
      %dma_start3A_57 = arith.constant 0 : i32
      %dma_start3A_58 = tpu.memref_slice %arg10[%mul3A_51, %dma_start3A_57] : memref<10112x64xf32, #tpu.memory_space<vmem_shared>> -> memref<632x64xf32, #tpu.memory_space<vmem_shared>>
      tpu.enqueue_dma source(%dma_start3A_58 : memref<632x64xf32, #tpu.memory_space<vmem_shared>>) target(%dma_start3A_56 : memref<632x64xf32, #tpu.memory_space<hbm>>) target_semaphore(%run_scoped3A : memref<!tpu.dma_semaphore, #tpu.memory_space<semaphore_mem>>)
      %dma_wait3A = arith.constant 0 : i32
      %dma_wait3A_59 = tpu.memref_slice %arg6[%add3A_54, %dma_wait3A] : memref<20224x64xf32, #tpu.memory_space<hbm>> -> memref<632x64xf32, #tpu.memory_space<hbm>>
      %dma_wait3A_60 = arith.constant 0 : i32
      %dma_wait3A_61 = tpu.memref_slice %arg10[%mul3A_51, %dma_wait3A_60] : memref<10112x64xf32, #tpu.memory_space<vmem_shared>> -> memref<632x64xf32, #tpu.memory_space<vmem_shared>>
      tpu.wait_dma2 semaphore(%run_scoped3A : memref<!tpu.dma_semaphore, #tpu.memory_space<semaphore_mem>>) src(%dma_wait3A_61 : memref<632x64xf32, #tpu.memory_space<vmem_shared>>) dst(%dma_wait3A_59 : memref<632x64xf32, #tpu.memory_space<hbm>>)
      tpu.yield
    }) : () -> ()
    return
  }
}

module attributes {stable_mosaic.version = 14 : i64} {
  func.func @_tc1a(%arg0: i32, %arg1: memref<2000x128xf32, #tpu.memory_space<vmem>>, %arg2: memref<128x64xf32, #tpu.memory_space<vmem>>, %arg3: memref<2000x64xf32, #tpu.memory_space<vmem>>) attributes {dimension_semantics = [#tpu.dimension_semantics<arbitrary>], iteration_bounds = array<i64: 5>, scalar_prefetch = 0 : i64, scratch_operands = 0 : i64, tpu.core_type = #tpu.core_type<tc>, window_params = [{transform_indices = @transform_0, window_bounds = array<i64: 2000, 128>}, {pipeline_mode = #tpu.pipeline_mode<synchronous>, transform_indices = @transform_1, window_bounds = array<i64: 128, 64>}, {transform_indices = @transform_2, window_bounds = array<i64: 2000, 64>}]} {
    %get3A = arith.constant 0 : index
    %get3A_0 = arith.constant 0 : index
    %get3A_1 = vector.load %arg1[%get3A, %get3A_0] : memref<2000x128xf32, #tpu.memory_space<vmem>>, vector<2000x128xf32>
    %get3A_2 = arith.constant 0 : index
    %get3A_3 = arith.constant 0 : index
    %get3A_4 = vector.load %arg2[%get3A_2, %get3A_3] : memref<128x64xf32, #tpu.memory_space<vmem>>, vector<128x64xf32>
    %dot_general3A = arith.constant dense<0.000000e+00> : vector<2000x64xf32>
    %dot_general3A_5 = tpu.matmul %get3A_1, %get3A_4, %dot_general3A {dimension_numbers = #tpu.dot_dimension_numbers<[1], [0], [0], [1], [0, 0, 1, 1], [], []>, transpose_lhs_hint = false} : vector<2000x128xf32>, vector<128x64xf32>, vector<2000x64xf32> -> vector<2000x64xf32>
    %swap3A = arith.constant 0 : index
    %swap3A_6 = arith.constant 0 : index
    %swap3A_7 = vector.load %arg3[%swap3A, %swap3A_6] : memref<2000x64xf32, #tpu.memory_space<vmem>>, vector<2000x64xf32>
    tpu.vector_store %arg3[%swap3A, %swap3A_6], %dot_general3A_5 {strides = array<i32>} : memref<2000x64xf32, #tpu.memory_space<vmem>>, vector<2000x64xf32>,
    return
  }
  func.func @transform_0(%arg0: i32) -> (i32, i32) {
    %c0_i32 = arith.constant 0 : i32
    %c0_i32_0 = arith.constant 0 : i32
    return %arg0, %c0_i32 : i32, i32
  }
  func.func @transform_1(%arg0: i32) -> (i32, i32) {
    %c0_i32 = arith.constant 0 : i32
    %c0_i32_0 = arith.constant 0 : i32
    %c0_i32_1 = arith.constant 0 : i32
    return %c0_i32, %c0_i32_0 : i32, i32
  }
  func.func @transform_2(%arg0: i32) -> (i32, i32) {
    %c0_i32 = arith.constant 0 : i32
    %c0_i32_0 = arith.constant 0 : i32
    return %arg0, %c0_i32 : i32, i32
  }
}

module attributes {stable_mosaic.version = 14 : i64} {
  func.func @_tc1b(%arg0: i32, %arg1: memref<2000x16xf32, #tpu.memory_space<vmem>>, %arg2: memref<2000x16xf32, #tpu.memory_space<vmem>>, %arg3: memref<2000x64xf32, #tpu.memory_space<vmem>>, %arg4: memref<2000x1xf32, #tpu.memory_space<vmem>>, %arg5: memref<2000x64xf32, #tpu.memory_space<vmem>>) attributes {dimension_semantics = [#tpu.dimension_semantics<arbitrary>], iteration_bounds = array<i64: 5>, scalar_prefetch = 0 : i64, scratch_operands = 0 : i64, tpu.core_type = #tpu.core_type<tc>, window_params = [{transform_indices = @transform_0, window_bounds = array<i64: 2000, 16>}, {transform_indices = @transform_1, window_bounds = array<i64: 2000, 16>}, {transform_indices = @transform_2, window_bounds = array<i64: 2000, 64>}, {transform_indices = @transform_3, window_bounds = array<i64: 2000, 1>}, {transform_indices = @transform_4, window_bounds = array<i64: 2000, 64>}]} {
    %get3A = arith.constant 0 : index
    %get3A_0 = arith.constant 0 : index
    %get3A_1 = vector.load %arg1[%get3A, %get3A_0] : memref<2000x16xf32, #tpu.memory_space<vmem>>, vector<2000x1xf32>
    %get3A_2 = arith.constant 0 : index
    %get3A_3 = arith.constant 0 : index
    %get3A_4 = vector.load %arg2[%get3A_2, %get3A_3] : memref<2000x16xf32, #tpu.memory_space<vmem>>, vector<2000x1xf32>
    %add3A = arith.addf %get3A_1, %get3A_4 : vector<2000x1xf32>
    %add3A_5 = arith.constant 1.000000e+00 : f32
    %add3A_6 = vector.broadcast %add3A_5 : f32 to vector<2000x1xf32>
    %add3A_7 = arith.addf %add3A, %add3A_6 : vector<2000x1xf32>
    %rsqrt3A = math.rsqrt %add3A_7 : vector<2000x1xf32>
    %swap3A = arith.constant 0 : index
    %swap3A_8 = arith.constant 0 : index
    %swap3A_9 = vector.load %arg4[%swap3A, %swap3A_8] : memref<2000x1xf32, #tpu.memory_space<vmem>>, vector<2000x1xf32>
    tpu.vector_store %arg4[%swap3A, %swap3A_8], %rsqrt3A {strides = array<i32>} : memref<2000x1xf32, #tpu.memory_space<vmem>>, vector<2000x1xf32>,
    %get3A_10 = arith.constant 0 : index
    %get3A_11 = arith.constant 0 : index
    %get3A_12 = vector.load %arg3[%get3A_10, %get3A_11] : memref<2000x64xf32, #tpu.memory_space<vmem>>, vector<2000x64xf32>
    %mul3A = vector.broadcast %rsqrt3A : vector<2000x1xf32> to vector<2000x64xf32>
    %mul3A_13 = arith.mulf %mul3A, %get3A_12 : vector<2000x64xf32>
    %swap3A_14 = arith.constant 0 : index
    %swap3A_15 = arith.constant 0 : index
    %swap3A_16 = vector.load %arg5[%swap3A_14, %swap3A_15] : memref<2000x64xf32, #tpu.memory_space<vmem>>, vector<2000x64xf32>
    tpu.vector_store %arg5[%swap3A_14, %swap3A_15], %mul3A_13 {strides = array<i32>} : memref<2000x64xf32, #tpu.memory_space<vmem>>, vector<2000x64xf32>,
    return
  }
  func.func @transform_0(%arg0: i32) -> (i32, i32) {
    %c0_i32 = arith.constant 0 : i32
    %c0_i32_0 = arith.constant 0 : i32
    return %arg0, %c0_i32 : i32, i32
  }
  func.func @transform_1(%arg0: i32) -> (i32, i32) {
    %c0_i32 = arith.constant 0 : i32
    %c0_i32_0 = arith.constant 0 : i32
    return %arg0, %c0_i32 : i32, i32
  }
  func.func @transform_2(%arg0: i32) -> (i32, i32) {
    %c0_i32 = arith.constant 0 : i32
    %c0_i32_0 = arith.constant 0 : i32
    return %arg0, %c0_i32 : i32, i32
  }
  func.func @transform_3(%arg0: i32) -> (i32, i32) {
    %c0_i32 = arith.constant 0 : i32
    %c0_i32_0 = arith.constant 0 : i32
    return %arg0, %c0_i32 : i32, i32
  }
  func.func @transform_4(%arg0: i32) -> (i32, i32) {
    %c0_i32 = arith.constant 0 : i32
    %c0_i32_0 = arith.constant 0 : i32
    return %arg0, %c0_i32 : i32, i32
  }
}

module attributes {stable_mosaic.version = 14 : i64} {
  func.func @_tc_mid(%arg0: i32, %arg1: memref<2000x64xf32, #tpu.memory_space<vmem>>, %arg2: memref<2000x64xf32, #tpu.memory_space<vmem>>, %arg3: memref<2000x64xf32, #tpu.memory_space<vmem>>, %arg4: memref<2000x1xf32, #tpu.memory_space<vmem>>, %arg5: memref<64x64xf32, #tpu.memory_space<vmem>>, %arg6: memref<1x64xf32, #tpu.memory_space<vmem>>, %arg7: memref<2000x64xf32, #tpu.memory_space<vmem>>, %arg8: memref<2000x64xf32, #tpu.memory_space<vmem>>) attributes {dimension_semantics = [#tpu.dimension_semantics<arbitrary>], iteration_bounds = array<i64: 5>, scalar_prefetch = 0 : i64, scratch_operands = 0 : i64, tpu.core_type = #tpu.core_type<tc>, window_params = [{transform_indices = @transform_0, window_bounds = array<i64: 2000, 64>}, {transform_indices = @transform_1, window_bounds = array<i64: 2000, 64>}, {transform_indices = @transform_2, window_bounds = array<i64: 2000, 64>}, {transform_indices = @transform_3, window_bounds = array<i64: 2000, 1>}, {pipeline_mode = #tpu.pipeline_mode<synchronous>, transform_indices = @transform_4, window_bounds = array<i64: 64, 64>}, {pipeline_mode = #tpu.pipeline_mode<synchronous>, transform_indices = @transform_5, window_bounds = array<i64: 1, 64>}, {transform_indices = @transform_6, window_bounds = array<i64: 2000, 64>}, {transform_indices = @transform_7, window_bounds = array<i64: 2000, 64>}]} {
    %get3A = arith.constant 0 : index
    %get3A_0 = arith.constant 0 : index
    %get3A_1 = vector.load %arg4[%get3A, %get3A_0] : memref<2000x1xf32, #tpu.memory_space<vmem>>, vector<2000x1xf32>
    %get3A_2 = arith.constant 0 : index
    %get3A_3 = arith.constant 0 : index
    %get3A_4 = vector.load %arg2[%get3A_2, %get3A_3] : memref<2000x64xf32, #tpu.memory_space<vmem>>, vector<2000x64xf32>
    %get3A_5 = arith.constant 0 : index
    %get3A_6 = arith.constant 0 : index
    %get3A_7 = vector.load %arg3[%get3A_5, %get3A_6] : memref<2000x64xf32, #tpu.memory_space<vmem>>, vector<2000x64xf32>
    %add3A = arith.addf %get3A_4, %get3A_7 : vector<2000x64xf32>
    %mul3A = vector.broadcast %get3A_1 : vector<2000x1xf32> to vector<2000x64xf32>
    %mul3A_8 = arith.mulf %mul3A, %add3A : vector<2000x64xf32>
    %mul3A_9 = arith.mulf %get3A_1, %get3A_1 : vector<2000x1xf32>
    %get3A_10 = arith.constant 0 : index
    %get3A_11 = arith.constant 0 : index
    %get3A_12 = vector.load %arg1[%get3A_10, %get3A_11] : memref<2000x64xf32, #tpu.memory_space<vmem>>, vector<2000x64xf32>
    %mul3A_13 = vector.broadcast %mul3A_9 : vector<2000x1xf32> to vector<2000x64xf32>
    %mul3A_14 = arith.mulf %mul3A_13, %get3A_12 : vector<2000x64xf32>
    %add3A_15 = arith.addf %mul3A_8, %mul3A_14 : vector<2000x64xf32>
    %get3A_16 = arith.constant 0 : index
    %get3A_17 = arith.constant 0 : index
    %get3A_18 = vector.load %arg6[%get3A_16, %get3A_17] : memref<1x64xf32, #tpu.memory_space<vmem>>, vector<1x64xf32>
    %add3A_19 = vector.broadcast %get3A_18 : vector<1x64xf32> to vector<2000x64xf32>
    %add3A_20 = arith.addf %add3A_15, %add3A_19 : vector<2000x64xf32>
    %max3A = arith.constant 0.000000e+00 : f32
    %max3A_21 = vector.broadcast %max3A : f32 to vector<2000x64xf32>
    %max3A_22 = arith.maximumf %add3A_20, %max3A_21 : vector<2000x64xf32>
    %get3A_23 = arith.constant 0 : index
    %get3A_24 = arith.constant 0 : index
    %get3A_25 = vector.load %arg5[%get3A_23, %get3A_24] : memref<64x64xf32, #tpu.memory_space<vmem>>, vector<64x64xf32>
    %dot_general3A = arith.constant dense<0.000000e+00> : vector<2000x64xf32>
    %dot_general3A_26 = tpu.matmul %max3A_22, %get3A_25, %dot_general3A {dimension_numbers = #tpu.dot_dimension_numbers<[1], [0], [0], [1], [0, 0, 1, 1], [], []>, transpose_lhs_hint = false} : vector<2000x64xf32>, vector<64x64xf32>, vector<2000x64xf32> -> vector<2000x64xf32>
    %swap3A = arith.constant 0 : index
    %swap3A_27 = arith.constant 0 : index
    %swap3A_28 = vector.load %arg7[%swap3A, %swap3A_27] : memref<2000x64xf32, #tpu.memory_space<vmem>>, vector<2000x64xf32>
    tpu.vector_store %arg7[%swap3A, %swap3A_27], %dot_general3A_26 {strides = array<i32>} : memref<2000x64xf32, #tpu.memory_space<vmem>>, vector<2000x64xf32>,
    %mul3A_29 = vector.broadcast %get3A_1 : vector<2000x1xf32> to vector<2000x64xf32>
    %mul3A_30 = arith.mulf %mul3A_29, %dot_general3A_26 : vector<2000x64xf32>
    %swap3A_31 = arith.constant 0 : index
    %swap3A_32 = arith.constant 0 : index
    %swap3A_33 = vector.load %arg8[%swap3A_31, %swap3A_32] : memref<2000x64xf32, #tpu.memory_space<vmem>>, vector<2000x64xf32>
    tpu.vector_store %arg8[%swap3A_31, %swap3A_32], %mul3A_30 {strides = array<i32>} : memref<2000x64xf32, #tpu.memory_space<vmem>>, vector<2000x64xf32>,
    return
  }
  func.func @transform_0(%arg0: i32) -> (i32, i32) {
    %c0_i32 = arith.constant 0 : i32
    %c0_i32_0 = arith.constant 0 : i32
    return %arg0, %c0_i32 : i32, i32
  }
  func.func @transform_1(%arg0: i32) -> (i32, i32) {
    %c0_i32 = arith.constant 0 : i32
    %c0_i32_0 = arith.constant 0 : i32
    return %arg0, %c0_i32 : i32, i32
  }
  func.func @transform_2(%arg0: i32) -> (i32, i32) {
    %c0_i32 = arith.constant 0 : i32
    %c0_i32_0 = arith.constant 0 : i32
    return %arg0, %c0_i32 : i32, i32
  }
  func.func @transform_3(%arg0: i32) -> (i32, i32) {
    %c0_i32 = arith.constant 0 : i32
    %c0_i32_0 = arith.constant 0 : i32
    return %arg0, %c0_i32 : i32, i32
  }
  func.func @transform_4(%arg0: i32) -> (i32, i32) {
    %c0_i32 = arith.constant 0 : i32
    %c0_i32_0 = arith.constant 0 : i32
    %c0_i32_1 = arith.constant 0 : i32
    return %c0_i32, %c0_i32_0 : i32, i32
  }
  func.func @transform_5(%arg0: i32) -> (i32, i32) {
    %c0_i32 = arith.constant 0 : i32
    %c0_i32_0 = arith.constant 0 : i32
    %c0_i32_1 = arith.constant 0 : i32
    return %c0_i32, %c0_i32_0 : i32, i32
  }
  func.func @transform_6(%arg0: i32) -> (i32, i32) {
    %c0_i32 = arith.constant 0 : i32
    %c0_i32_0 = arith.constant 0 : i32
    return %arg0, %c0_i32 : i32, i32
  }
  func.func @transform_7(%arg0: i32) -> (i32, i32) {
    %c0_i32 = arith.constant 0 : i32
    %c0_i32_0 = arith.constant 0 : i32
    return %arg0, %c0_i32 : i32, i32
  }
}

module attributes {stable_mosaic.version = 14 : i64} {
  func.func @_tc3(%arg0: i32, %arg1: memref<2000x64xf32, #tpu.memory_space<vmem>>, %arg2: memref<2000x64xf32, #tpu.memory_space<vmem>>, %arg3: memref<2000x64xf32, #tpu.memory_space<vmem>>, %arg4: memref<2000x1xf32, #tpu.memory_space<vmem>>, %arg5: memref<64x64xf32, #tpu.memory_space<vmem>>, %arg6: memref<1x64xf32, #tpu.memory_space<vmem>>, %arg7: memref<2000x64xf32, #tpu.memory_space<vmem>>, %arg8: memref<2000x64xf32, #tpu.memory_space<vmem>>, %arg9: memref<2000x64xf32, #tpu.memory_space<vmem>>, %arg10: memref<2000x64xf32, #tpu.memory_space<vmem>>) attributes {dimension_semantics = [#tpu.dimension_semantics<arbitrary>], iteration_bounds = array<i64: 5>, scalar_prefetch = 0 : i64, scratch_operands = 0 : i64, tpu.core_type = #tpu.core_type<tc>, window_params = [{transform_indices = @transform_0, window_bounds = array<i64: 2000, 64>}, {transform_indices = @transform_1, window_bounds = array<i64: 2000, 64>}, {transform_indices = @transform_2, window_bounds = array<i64: 2000, 64>}, {transform_indices = @transform_3, window_bounds = array<i64: 2000, 1>}, {pipeline_mode = #tpu.pipeline_mode<synchronous>, transform_indices = @transform_4, window_bounds = array<i64: 64, 64>}, {pipeline_mode = #tpu.pipeline_mode<synchronous>, transform_indices = @transform_5, window_bounds = array<i64: 1, 64>}, {transform_indices = @transform_6, window_bounds = array<i64: 2000, 64>}, {transform_indices = @transform_7, window_bounds = array<i64: 2000, 64>}, {transform_indices = @transform_8, window_bounds = array<i64: 2000, 64>}, {transform_indices = @transform_9, window_bounds = array<i64: 2000, 64>}]} {
    %get3A = arith.constant 0 : index
    %get3A_0 = arith.constant 0 : index
    %get3A_1 = vector.load %arg4[%get3A, %get3A_0] : memref<2000x1xf32, #tpu.memory_space<vmem>>, vector<2000x1xf32>
    %get3A_2 = arith.constant 0 : index
    %get3A_3 = arith.constant 0 : index
    %get3A_4 = vector.load %arg2[%get3A_2, %get3A_3] : memref<2000x64xf32, #tpu.memory_space<vmem>>, vector<2000x64xf32>
    %get3A_5 = arith.constant 0 : index
    %get3A_6 = arith.constant 0 : index
    %get3A_7 = vector.load %arg3[%get3A_5, %get3A_6] : memref<2000x64xf32, #tpu.memory_space<vmem>>, vector<2000x64xf32>
    %add3A = arith.addf %get3A_4, %get3A_7 : vector<2000x64xf32>
    %mul3A = vector.broadcast %get3A_1 : vector<2000x1xf32> to vector<2000x64xf32>
    %mul3A_8 = arith.mulf %mul3A, %add3A : vector<2000x64xf32>
    %mul3A_9 = arith.mulf %get3A_1, %get3A_1 : vector<2000x1xf32>
    %get3A_10 = arith.constant 0 : index
    %get3A_11 = arith.constant 0 : index
    %get3A_12 = vector.load %arg1[%get3A_10, %get3A_11] : memref<2000x64xf32, #tpu.memory_space<vmem>>, vector<2000x64xf32>
    %mul3A_13 = vector.broadcast %mul3A_9 : vector<2000x1xf32> to vector<2000x64xf32>
    %mul3A_14 = arith.mulf %mul3A_13, %get3A_12 : vector<2000x64xf32>
    %add3A_15 = arith.addf %mul3A_8, %mul3A_14 : vector<2000x64xf32>
    %get3A_16 = arith.constant 0 : index
    %get3A_17 = arith.constant 0 : index
    %get3A_18 = vector.load %arg6[%get3A_16, %get3A_17] : memref<1x64xf32, #tpu.memory_space<vmem>>, vector<1x64xf32>
    %add3A_19 = vector.broadcast %get3A_18 : vector<1x64xf32> to vector<2000x64xf32>
    %add3A_20 = arith.addf %add3A_15, %add3A_19 : vector<2000x64xf32>
    %swap3A = arith.constant 0 : index
    %swap3A_21 = arith.constant 0 : index
    %swap3A_22 = vector.load %arg9[%swap3A, %swap3A_21] : memref<2000x64xf32, #tpu.memory_space<vmem>>, vector<2000x64xf32>
    tpu.vector_store %arg9[%swap3A, %swap3A_21], %add3A_20 {strides = array<i32>} : memref<2000x64xf32, #tpu.memory_space<vmem>>, vector<2000x64xf32>,
    %mul3A_23 = vector.broadcast %get3A_1 : vector<2000x1xf32> to vector<2000x64xf32>
    %mul3A_24 = arith.mulf %mul3A_23, %add3A_20 : vector<2000x64xf32>
    %swap3A_25 = arith.constant 0 : index
    %swap3A_26 = arith.constant 0 : index
    %swap3A_27 = vector.load %arg10[%swap3A_25, %swap3A_26] : memref<2000x64xf32, #tpu.memory_space<vmem>>, vector<2000x64xf32>
    tpu.vector_store %arg10[%swap3A_25, %swap3A_26], %mul3A_24 {strides = array<i32>} : memref<2000x64xf32, #tpu.memory_space<vmem>>, vector<2000x64xf32>,
    %get3A_28 = arith.constant 0 : index
    %get3A_29 = arith.constant 0 : index
    %get3A_30 = vector.load %arg5[%get3A_28, %get3A_29] : memref<64x64xf32, #tpu.memory_space<vmem>>, vector<64x64xf32>
    %dot_general3A = arith.constant dense<0.000000e+00> : vector<2000x64xf32>
    %dot_general3A_31 = tpu.matmul %add3A_20, %get3A_30, %dot_general3A {dimension_numbers = #tpu.dot_dimension_numbers<[1], [0], [0], [1], [0, 0, 1, 1], [], []>, transpose_lhs_hint = false} : vector<2000x64xf32>, vector<64x64xf32>, vector<2000x64xf32> -> vector<2000x64xf32>
    %swap3A_32 = arith.constant 0 : index
    %swap3A_33 = arith.constant 0 : index
    %swap3A_34 = vector.load %arg7[%swap3A_32, %swap3A_33] : memref<2000x64xf32, #tpu.memory_space<vmem>>, vector<2000x64xf32>
    tpu.vector_store %arg7[%swap3A_32, %swap3A_33], %dot_general3A_31 {strides = array<i32>} : memref<2000x64xf32, #tpu.memory_space<vmem>>, vector<2000x64xf32>,
    %mul3A_35 = vector.broadcast %get3A_1 : vector<2000x1xf32> to vector<2000x64xf32>
    %mul3A_36 = arith.mulf %mul3A_35, %dot_general3A_31 : vector<2000x64xf32>
    %swap3A_37 = arith.constant 0 : index
    %swap3A_38 = arith.constant 0 : index
    %swap3A_39 = vector.load %arg8[%swap3A_37, %swap3A_38] : memref<2000x64xf32, #tpu.memory_space<vmem>>, vector<2000x64xf32>
    tpu.vector_store %arg8[%swap3A_37, %swap3A_38], %mul3A_36 {strides = array<i32>} : memref<2000x64xf32, #tpu.memory_space<vmem>>, vector<2000x64xf32>,
    return
  }
  func.func @transform_0(%arg0: i32) -> (i32, i32) {
    %c0_i32 = arith.constant 0 : i32
    %c0_i32_0 = arith.constant 0 : i32
    return %arg0, %c0_i32 : i32, i32
  }
  func.func @transform_1(%arg0: i32) -> (i32, i32) {
    %c0_i32 = arith.constant 0 : i32
    %c0_i32_0 = arith.constant 0 : i32
    return %arg0, %c0_i32 : i32, i32
  }
  func.func @transform_2(%arg0: i32) -> (i32, i32) {
    %c0_i32 = arith.constant 0 : i32
    %c0_i32_0 = arith.constant 0 : i32
    return %arg0, %c0_i32 : i32, i32
  }
  func.func @transform_3(%arg0: i32) -> (i32, i32) {
    %c0_i32 = arith.constant 0 : i32
    %c0_i32_0 = arith.constant 0 : i32
    return %arg0, %c0_i32 : i32, i32
  }
  func.func @transform_4(%arg0: i32) -> (i32, i32) {
    %c0_i32 = arith.constant 0 : i32
    %c0_i32_0 = arith.constant 0 : i32
    %c0_i32_1 = arith.constant 0 : i32
    return %c0_i32, %c0_i32_0 : i32, i32
  }
  func.func @transform_5(%arg0: i32) -> (i32, i32) {
    %c0_i32 = arith.constant 0 : i32
    %c0_i32_0 = arith.constant 0 : i32
    %c0_i32_1 = arith.constant 0 : i32
    return %c0_i32, %c0_i32_0 : i32, i32
  }
  func.func @transform_6(%arg0: i32) -> (i32, i32) {
    %c0_i32 = arith.constant 0 : i32
    %c0_i32_0 = arith.constant 0 : i32
    return %arg0, %c0_i32 : i32, i32
  }
  func.func @transform_7(%arg0: i32) -> (i32, i32) {
    %c0_i32 = arith.constant 0 : i32
    %c0_i32_0 = arith.constant 0 : i32
    return %arg0, %c0_i32 : i32, i32
  }
  func.func @transform_8(%arg0: i32) -> (i32, i32) {
    %c0_i32 = arith.constant 0 : i32
    %c0_i32_0 = arith.constant 0 : i32
    return %arg0, %c0_i32 : i32, i32
  }
  func.func @transform_9(%arg0: i32) -> (i32, i32) {
    %c0_i32 = arith.constant 0 : i32
    %c0_i32_0 = arith.constant 0 : i32
    return %arg0, %c0_i32 : i32, i32
  }
}

module attributes {stable_mosaic.version = 14 : i64} {
  func.func @_tc4(%arg0: i32, %arg1: memref<2000x64xf32, #tpu.memory_space<vmem>>, %arg2: memref<2000x64xf32, #tpu.memory_space<vmem>>, %arg3: memref<2000x64xf32, #tpu.memory_space<vmem>>, %arg4: memref<2000x1xf32, #tpu.memory_space<vmem>>, %arg5: memref<1x64xf32, #tpu.memory_space<vmem>>, %arg6: memref<2000x64xf32, #tpu.memory_space<vmem>>, %arg7: memref<2000x64xf32, #tpu.memory_space<vmem>>) attributes {dimension_semantics = [#tpu.dimension_semantics<arbitrary>], iteration_bounds = array<i64: 5>, scalar_prefetch = 0 : i64, scratch_operands = 0 : i64, tpu.core_type = #tpu.core_type<tc>, window_params = [{transform_indices = @transform_0, window_bounds = array<i64: 2000, 64>}, {transform_indices = @transform_1, window_bounds = array<i64: 2000, 64>}, {transform_indices = @transform_2, window_bounds = array<i64: 2000, 64>}, {transform_indices = @transform_3, window_bounds = array<i64: 2000, 1>}, {pipeline_mode = #tpu.pipeline_mode<synchronous>, transform_indices = @transform_4, window_bounds = array<i64: 1, 64>}, {transform_indices = @transform_5, window_bounds = array<i64: 2000, 64>}, {transform_indices = @transform_6, window_bounds = array<i64: 2000, 64>}]} {
    %get3A = arith.constant 0 : index
    %get3A_0 = arith.constant 0 : index
    %get3A_1 = vector.load %arg4[%get3A, %get3A_0] : memref<2000x1xf32, #tpu.memory_space<vmem>>, vector<2000x1xf32>
    %get3A_2 = arith.constant 0 : index
    %get3A_3 = arith.constant 0 : index
    %get3A_4 = vector.load %arg2[%get3A_2, %get3A_3] : memref<2000x64xf32, #tpu.memory_space<vmem>>, vector<2000x64xf32>
    %get3A_5 = arith.constant 0 : index
    %get3A_6 = arith.constant 0 : index
    %get3A_7 = vector.load %arg3[%get3A_5, %get3A_6] : memref<2000x64xf32, #tpu.memory_space<vmem>>, vector<2000x64xf32>
    %add3A = arith.addf %get3A_4, %get3A_7 : vector<2000x64xf32>
    %mul3A = vector.broadcast %get3A_1 : vector<2000x1xf32> to vector<2000x64xf32>
    %mul3A_8 = arith.mulf %mul3A, %add3A : vector<2000x64xf32>
    %mul3A_9 = arith.mulf %get3A_1, %get3A_1 : vector<2000x1xf32>
    %get3A_10 = arith.constant 0 : index
    %get3A_11 = arith.constant 0 : index
    %get3A_12 = vector.load %arg1[%get3A_10, %get3A_11] : memref<2000x64xf32, #tpu.memory_space<vmem>>, vector<2000x64xf32>
    %mul3A_13 = vector.broadcast %mul3A_9 : vector<2000x1xf32> to vector<2000x64xf32>
    %mul3A_14 = arith.mulf %mul3A_13, %get3A_12 : vector<2000x64xf32>
    %add3A_15 = arith.addf %mul3A_8, %mul3A_14 : vector<2000x64xf32>
    %get3A_16 = arith.constant 0 : index
    %get3A_17 = arith.constant 0 : index
    %get3A_18 = vector.load %arg5[%get3A_16, %get3A_17] : memref<1x64xf32, #tpu.memory_space<vmem>>, vector<1x64xf32>
    %add3A_19 = vector.broadcast %get3A_18 : vector<1x64xf32> to vector<2000x64xf32>
    %add3A_20 = arith.addf %add3A_15, %add3A_19 : vector<2000x64xf32>
    %max3A = arith.constant 0.000000e+00 : f32
    %max3A_21 = vector.broadcast %max3A : f32 to vector<2000x64xf32>
    %max3A_22 = arith.maximumf %add3A_20, %max3A_21 : vector<2000x64xf32>
    %swap3A = arith.constant 0 : index
    %swap3A_23 = arith.constant 0 : index
    %swap3A_24 = vector.load %arg6[%swap3A, %swap3A_23] : memref<2000x64xf32, #tpu.memory_space<vmem>>, vector<2000x64xf32>
    tpu.vector_store %arg6[%swap3A, %swap3A_23], %max3A_22 {strides = array<i32>} : memref<2000x64xf32, #tpu.memory_space<vmem>>, vector<2000x64xf32>,
    %mul3A_25 = vector.broadcast %get3A_1 : vector<2000x1xf32> to vector<2000x64xf32>
    %mul3A_26 = arith.mulf %mul3A_25, %max3A_22 : vector<2000x64xf32>
    %swap3A_27 = arith.constant 0 : index
    %swap3A_28 = arith.constant 0 : index
    %swap3A_29 = vector.load %arg7[%swap3A_27, %swap3A_28] : memref<2000x64xf32, #tpu.memory_space<vmem>>, vector<2000x64xf32>
    tpu.vector_store %arg7[%swap3A_27, %swap3A_28], %mul3A_26 {strides = array<i32>} : memref<2000x64xf32, #tpu.memory_space<vmem>>, vector<2000x64xf32>,
    return
  }
  func.func @transform_0(%arg0: i32) -> (i32, i32) {
    %c0_i32 = arith.constant 0 : i32
    %c0_i32_0 = arith.constant 0 : i32
    return %arg0, %c0_i32 : i32, i32
  }
  func.func @transform_1(%arg0: i32) -> (i32, i32) {
    %c0_i32 = arith.constant 0 : i32
    %c0_i32_0 = arith.constant 0 : i32
    return %arg0, %c0_i32 : i32, i32
  }
  func.func @transform_2(%arg0: i32) -> (i32, i32) {
    %c0_i32 = arith.constant 0 : i32
    %c0_i32_0 = arith.constant 0 : i32
    return %arg0, %c0_i32 : i32, i32
  }
  func.func @transform_3(%arg0: i32) -> (i32, i32) {
    %c0_i32 = arith.constant 0 : i32
    %c0_i32_0 = arith.constant 0 : i32
    return %arg0, %c0_i32 : i32, i32
  }
  func.func @transform_4(%arg0: i32) -> (i32, i32) {
    %c0_i32 = arith.constant 0 : i32
    %c0_i32_0 = arith.constant 0 : i32
    %c0_i32_1 = arith.constant 0 : i32
    return %c0_i32, %c0_i32_0 : i32, i32
  }
  func.func @transform_5(%arg0: i32) -> (i32, i32) {
    %c0_i32 = arith.constant 0 : i32
    %c0_i32_0 = arith.constant 0 : i32
    return %arg0, %c0_i32 : i32, i32
  }
  func.func @transform_6(%arg0: i32) -> (i32, i32) {
    %c0_i32 = arith.constant 0 : i32
    %c0_i32_0 = arith.constant 0 : i32
    return %arg0, %c0_i32 : i32, i32
  }
}

module attributes {stable_mosaic.version = 14 : i64} {
  func.func @_tc_hb(%arg0: i32, %arg1: memref<2000x64xf32, #tpu.memory_space<vmem>>, %arg2: memref<2000x64xf32, #tpu.memory_space<vmem>>, %arg3: memref<2000x1xf32, #tpu.memory_space<vmem>>, %arg4: memref<2000x64xf32, #tpu.memory_space<vmem>>, %arg5: memref<64x128xf32, #tpu.memory_space<vmem>>, %arg6: memref<1x128xf32, #tpu.memory_space<vmem>>, %arg7: memref<2000x128xbf16, #tpu.memory_space<vmem>>) attributes {dimension_semantics = [#tpu.dimension_semantics<arbitrary>], iteration_bounds = array<i64: 5>, scalar_prefetch = 0 : i64, scratch_operands = 0 : i64, tpu.core_type = #tpu.core_type<tc>, window_params = [{transform_indices = @transform_0, window_bounds = array<i64: 2000, 64>}, {transform_indices = @transform_1, window_bounds = array<i64: 2000, 64>}, {transform_indices = @transform_2, window_bounds = array<i64: 2000, 1>}, {transform_indices = @transform_3, window_bounds = array<i64: 2000, 64>}, {pipeline_mode = #tpu.pipeline_mode<synchronous>, transform_indices = @transform_4, window_bounds = array<i64: 64, 128>}, {pipeline_mode = #tpu.pipeline_mode<synchronous>, transform_indices = @transform_5, window_bounds = array<i64: 1, 128>}, {transform_indices = @transform_6, window_bounds = array<i64: 2000, 128>}]} {
    %get3A = arith.constant 0 : index
    %get3A_0 = arith.constant 0 : index
    %get3A_1 = vector.load %arg3[%get3A, %get3A_0] : memref<2000x1xf32, #tpu.memory_space<vmem>>, vector<2000x1xf32>
    %get3A_2 = arith.constant 0 : index
    %get3A_3 = arith.constant 0 : index
    %get3A_4 = vector.load %arg1[%get3A_2, %get3A_3] : memref<2000x64xf32, #tpu.memory_space<vmem>>, vector<2000x64xf32>
    %get3A_5 = arith.constant 0 : index
    %get3A_6 = arith.constant 0 : index
    %get3A_7 = vector.load %arg2[%get3A_5, %get3A_6] : memref<2000x64xf32, #tpu.memory_space<vmem>>, vector<2000x64xf32>
    %add3A = arith.addf %get3A_4, %get3A_7 : vector<2000x64xf32>
    %mul3A = vector.broadcast %get3A_1 : vector<2000x1xf32> to vector<2000x64xf32>
    %mul3A_8 = arith.mulf %mul3A, %add3A : vector<2000x64xf32>
    %mul3A_9 = arith.mulf %get3A_1, %get3A_1 : vector<2000x1xf32>
    %get3A_10 = arith.constant 0 : index
    %get3A_11 = arith.constant 0 : index
    %get3A_12 = vector.load %arg4[%get3A_10, %get3A_11] : memref<2000x64xf32, #tpu.memory_space<vmem>>, vector<2000x64xf32>
    %mul3A_13 = vector.broadcast %mul3A_9 : vector<2000x1xf32> to vector<2000x64xf32>
    %mul3A_14 = arith.mulf %mul3A_13, %get3A_12 : vector<2000x64xf32>
    %add3A_15 = arith.addf %mul3A_8, %mul3A_14 : vector<2000x64xf32>
    %get3A_16 = arith.constant 0 : index
    %get3A_17 = arith.constant 0 : index
    %get3A_18 = vector.load %arg5[%get3A_16, %get3A_17] : memref<64x128xf32, #tpu.memory_space<vmem>>, vector<64x128xf32>
    %dot_general3A = arith.constant dense<0.000000e+00> : vector<2000x128xf32>
    %dot_general3A_19 = tpu.matmul %add3A_15, %get3A_18, %dot_general3A {dimension_numbers = #tpu.dot_dimension_numbers<[1], [0], [0], [1], [0, 0, 1, 1], [], []>, transpose_lhs_hint = false} : vector<2000x64xf32>, vector<64x128xf32>, vector<2000x128xf32> -> vector<2000x128xf32>
    %get3A_20 = arith.constant 0 : index
    %get3A_21 = arith.constant 0 : index
    %get3A_22 = vector.load %arg6[%get3A_20, %get3A_21] : memref<1x128xf32, #tpu.memory_space<vmem>>, vector<1x128xf32>
    %add3A_23 = vector.broadcast %get3A_22 : vector<1x128xf32> to vector<2000x128xf32>
    %add3A_24 = arith.addf %dot_general3A_19, %add3A_23 : vector<2000x128xf32>
    %convert_element_type3A = arith.truncf %add3A_24 : vector<2000x128xf32> to vector<2000x128xbf16>
    %swap3A = arith.constant 0 : index
    %swap3A_25 = arith.constant 0 : index
    %swap3A_26 = vector.load %arg7[%swap3A, %swap3A_25] : memref<2000x128xbf16, #tpu.memory_space<vmem>>, vector<2000x128xbf16>
    tpu.vector_store %arg7[%swap3A, %swap3A_25], %convert_element_type3A {strides = array<i32>} : memref<2000x128xbf16, #tpu.memory_space<vmem>>, vector<2000x128xbf16>,
    return
  }
  func.func @transform_0(%arg0: i32) -> (i32, i32) {
    %c0_i32 = arith.constant 0 : i32
    %c0_i32_0 = arith.constant 0 : i32
    return %arg0, %c0_i32 : i32, i32
  }
  func.func @transform_1(%arg0: i32) -> (i32, i32) {
    %c0_i32 = arith.constant 0 : i32
    %c0_i32_0 = arith.constant 0 : i32
    return %arg0, %c0_i32 : i32, i32
  }
  func.func @transform_2(%arg0: i32) -> (i32, i32) {
    %c0_i32 = arith.constant 0 : i32
    %c0_i32_0 = arith.constant 0 : i32
    return %arg0, %c0_i32 : i32, i32
  }
  func.func @transform_3(%arg0: i32) -> (i32, i32) {
    %c0_i32 = arith.constant 0 : i32
    %c0_i32_0 = arith.constant 0 : i32
    return %arg0, %c0_i32 : i32, i32
  }
  func.func @transform_4(%arg0: i32) -> (i32, i32) {
    %c0_i32 = arith.constant 0 : i32
    %c0_i32_0 = arith.constant 0 : i32
    %c0_i32_1 = arith.constant 0 : i32
    return %c0_i32, %c0_i32_0 : i32, i32
  }
  func.func @transform_5(%arg0: i32) -> (i32, i32) {
    %c0_i32 = arith.constant 0 : i32
    %c0_i32_0 = arith.constant 0 : i32
    %c0_i32_1 = arith.constant 0 : i32
    return %c0_i32, %c0_i32_0 : i32, i32
  }
  func.func @transform_6(%arg0: i32) -> (i32, i32) {
    %c0_i32 = arith.constant 0 : i32
    %c0_i32_0 = arith.constant 0 : i32
    return %arg0, %c0_i32 : i32, i32
  }
}

module attributes {stable_mosaic.version = 14 : i64} {
  func.func @_adj_kernel(%arg0: i32, %arg1: memref<400x128xbf16, #tpu.memory_space<vmem>>, %arg2: memref<128x10000xbf16, #tpu.memory_space<vmem>>, %arg3: memref<400x10000xf32, #tpu.memory_space<vmem>>) attributes {dimension_semantics = [#tpu.dimension_semantics<arbitrary>], iteration_bounds = array<i64: 25>, scalar_prefetch = 0 : i64, scratch_operands = 0 : i64, tpu.core_type = #tpu.core_type<tc>, window_params = [{transform_indices = @transform_0, window_bounds = array<i64: 400, 128>}, {pipeline_mode = #tpu.pipeline_mode<synchronous>, transform_indices = @transform_1, window_bounds = array<i64: 128, 10000>}, {transform_indices = @transform_2, window_bounds = array<i64: 400, 10000>}]} {
    %get3A = arith.constant 0 : index
    %get3A_0 = arith.constant 0 : index
    %get3A_1 = vector.load %arg1[%get3A, %get3A_0] : memref<400x128xbf16, #tpu.memory_space<vmem>>, vector<400x128xbf16>
    %get3A_2 = arith.constant 0 : index
    %get3A_3 = arith.constant 0 : index
    %get3A_4 = vector.load %arg2[%get3A_2, %get3A_3] : memref<128x10000xbf16, #tpu.memory_space<vmem>>, vector<128x10000xbf16>
    %dot_general3A = arith.constant dense<0.000000e+00> : vector<400x10000xf32>
    %dot_general3A_5 = tpu.matmul %get3A_1, %get3A_4, %dot_general3A {dimension_numbers = #tpu.dot_dimension_numbers<[1], [0], [0], [1], [0, 0, 1, 1], [], []>, transpose_lhs_hint = false} : vector<400x128xbf16>, vector<128x10000xbf16>, vector<400x10000xf32> -> vector<400x10000xf32>
    %swap3A = arith.constant 0 : index
    %swap3A_6 = arith.constant 0 : index
    %swap3A_7 = vector.load %arg3[%swap3A, %swap3A_6] : memref<400x10000xf32, #tpu.memory_space<vmem>>, vector<400x10000xf32>
    tpu.vector_store %arg3[%swap3A, %swap3A_6], %dot_general3A_5 {strides = array<i32>} : memref<400x10000xf32, #tpu.memory_space<vmem>>, vector<400x10000xf32>,
    return
  }
  func.func @transform_0(%arg0: i32) -> (i32, i32) {
    %c0_i32 = arith.constant 0 : i32
    %c0_i32_0 = arith.constant 0 : i32
    return %arg0, %c0_i32 : i32, i32
  }
  func.func @transform_1(%arg0: i32) -> (i32, i32) {
    %c0_i32 = arith.constant 0 : i32
    %c0_i32_0 = arith.constant 0 : i32
    %c0_i32_1 = arith.constant 0 : i32
    return %c0_i32, %c0_i32_0 : i32, i32
  }
  func.func @transform_2(%arg0: i32) -> (i32, i32) {
    %c0_i32 = arith.constant 0 : i32
    %c0_i32_0 = arith.constant 0 : i32
    return %arg0, %c0_i32 : i32, i32
  }
}

module attributes {stable_mosaic.version = 14 : i64} {
  func.func @_tc_last(%arg0: i32, %arg1: memref<2000x64xf32, #tpu.memory_space<vmem>>, %arg2: memref<2000x64xf32, #tpu.memory_space<vmem>>, %arg3: memref<2000x1xf32, #tpu.memory_space<vmem>>, %arg4: memref<2000x64xf32, #tpu.memory_space<vmem>>, %arg5: memref<64x128xf32, #tpu.memory_space<vmem>>, %arg6: memref<1x128xf32, #tpu.memory_space<vmem>>, %arg7: memref<2000x128xf32, #tpu.memory_space<vmem>>) attributes {dimension_semantics = [#tpu.dimension_semantics<arbitrary>], iteration_bounds = array<i64: 5>, scalar_prefetch = 0 : i64, scratch_operands = 0 : i64, tpu.core_type = #tpu.core_type<tc>, window_params = [{transform_indices = @transform_0, window_bounds = array<i64: 2000, 64>}, {transform_indices = @transform_1, window_bounds = array<i64: 2000, 64>}, {transform_indices = @transform_2, window_bounds = array<i64: 2000, 1>}, {transform_indices = @transform_3, window_bounds = array<i64: 2000, 64>}, {pipeline_mode = #tpu.pipeline_mode<synchronous>, transform_indices = @transform_4, window_bounds = array<i64: 64, 128>}, {pipeline_mode = #tpu.pipeline_mode<synchronous>, transform_indices = @transform_5, window_bounds = array<i64: 1, 128>}, {transform_indices = @transform_6, window_bounds = array<i64: 2000, 128>}]} {
    %get3A = arith.constant 0 : index
    %get3A_0 = arith.constant 0 : index
    %get3A_1 = vector.load %arg3[%get3A, %get3A_0] : memref<2000x1xf32, #tpu.memory_space<vmem>>, vector<2000x1xf32>
    %get3A_2 = arith.constant 0 : index
    %get3A_3 = arith.constant 0 : index
    %get3A_4 = vector.load %arg1[%get3A_2, %get3A_3] : memref<2000x64xf32, #tpu.memory_space<vmem>>, vector<2000x64xf32>
    %get3A_5 = arith.constant 0 : index
    %get3A_6 = arith.constant 0 : index
    %get3A_7 = vector.load %arg2[%get3A_5, %get3A_6] : memref<2000x64xf32, #tpu.memory_space<vmem>>, vector<2000x64xf32>
    %add3A = arith.addf %get3A_4, %get3A_7 : vector<2000x64xf32>
    %mul3A = vector.broadcast %get3A_1 : vector<2000x1xf32> to vector<2000x64xf32>
    %mul3A_8 = arith.mulf %mul3A, %add3A : vector<2000x64xf32>
    %mul3A_9 = arith.mulf %get3A_1, %get3A_1 : vector<2000x1xf32>
    %get3A_10 = arith.constant 0 : index
    %get3A_11 = arith.constant 0 : index
    %get3A_12 = vector.load %arg4[%get3A_10, %get3A_11] : memref<2000x64xf32, #tpu.memory_space<vmem>>, vector<2000x64xf32>
    %mul3A_13 = vector.broadcast %mul3A_9 : vector<2000x1xf32> to vector<2000x64xf32>
    %mul3A_14 = arith.mulf %mul3A_13, %get3A_12 : vector<2000x64xf32>
    %add3A_15 = arith.addf %mul3A_8, %mul3A_14 : vector<2000x64xf32>
    %get3A_16 = arith.constant 0 : index
    %get3A_17 = arith.constant 0 : index
    %get3A_18 = vector.load %arg5[%get3A_16, %get3A_17] : memref<64x128xf32, #tpu.memory_space<vmem>>, vector<64x128xf32>
    %dot_general3A = arith.constant dense<0.000000e+00> : vector<2000x128xf32>
    %dot_general3A_19 = tpu.matmul %add3A_15, %get3A_18, %dot_general3A {dimension_numbers = #tpu.dot_dimension_numbers<[1], [0], [0], [1], [0, 0, 1, 1], [], []>, transpose_lhs_hint = false} : vector<2000x64xf32>, vector<64x128xf32>, vector<2000x128xf32> -> vector<2000x128xf32>
    %get3A_20 = arith.constant 0 : index
    %get3A_21 = arith.constant 0 : index
    %get3A_22 = vector.load %arg6[%get3A_20, %get3A_21] : memref<1x128xf32, #tpu.memory_space<vmem>>, vector<1x128xf32>
    %add3A_23 = vector.broadcast %get3A_22 : vector<1x128xf32> to vector<2000x128xf32>
    %add3A_24 = arith.addf %dot_general3A_19, %add3A_23 : vector<2000x128xf32>
    %swap3A = arith.constant 0 : index
    %swap3A_25 = arith.constant 0 : index
    %swap3A_26 = vector.load %arg7[%swap3A, %swap3A_25] : memref<2000x128xf32, #tpu.memory_space<vmem>>, vector<2000x128xf32>
    tpu.vector_store %arg7[%swap3A, %swap3A_25], %add3A_24 {strides = array<i32>} : memref<2000x128xf32, #tpu.memory_space<vmem>>, vector<2000x128xf32>,
    return
  }
  func.func @transform_0(%arg0: i32) -> (i32, i32) {
    %c0_i32 = arith.constant 0 : i32
    %c0_i32_0 = arith.constant 0 : i32
    return %arg0, %c0_i32 : i32, i32
  }
  func.func @transform_1(%arg0: i32) -> (i32, i32) {
    %c0_i32 = arith.constant 0 : i32
    %c0_i32_0 = arith.constant 0 : i32
    return %arg0, %c0_i32 : i32, i32
  }
  func.func @transform_2(%arg0: i32) -> (i32, i32) {
    %c0_i32 = arith.constant 0 : i32
    %c0_i32_0 = arith.constant 0 : i32
    return %arg0, %c0_i32 : i32, i32
  }
  func.func @transform_3(%arg0: i32) -> (i32, i32) {
    %c0_i32 = arith.constant 0 : i32
    %c0_i32_0 = arith.constant 0 : i32
    return %arg0, %c0_i32 : i32, i32
  }
  func.func @transform_4(%arg0: i32) -> (i32, i32) {
    %c0_i32 = arith.constant 0 : i32
    %c0_i32_0 = arith.constant 0 : i32
    %c0_i32_1 = arith.constant 0 : i32
    return %c0_i32, %c0_i32_0 : i32, i32
  }
  func.func @transform_5(%arg0: i32) -> (i32, i32) {
    %c0_i32 = arith.constant 0 : i32
    %c0_i32_0 = arith.constant 0 : i32
    %c0_i32_1 = arith.constant 0 : i32
    return %c0_i32, %c0_i32_0 : i32, i32
  }
  func.func @transform_6(%arg0: i32) -> (i32, i32) {
    %c0_i32 = arith.constant 0 : i32
    %c0_i32_0 = arith.constant 0 : i32
    return %arg0, %c0_i32 : i32, i32
  }
}

</mosaic_0001>

<sc_bundles>
// kernel: kernel.16.cloned.1.call-start
scs
__scs_entry_jumppad:
0x0: {  	(pc) =	sbr.rel $0x88, $3  }
0x1: {  	(tag) =	ssettag $0x0;
	lr =	simm.s32 $0x1  }
0x2: {  	[smem:$0x3F95] =	sst lr;
	_ =	strace $0xD0000000  }
0x3: {  	_ = 	snop  }
0x4: {  	_ = 	snop  }
0x5: {  	_ = 	snop  }
0x6: {  	_ = 	snop  }
0x7: {  	_ = 	snop  }
__scs_overlays_trampoline_lowered:
0x8: {  	[smem:$0x3FA4] =	sst s0  }
0x9: {  	[smem:$0x3FA5] =	sst s1  }
0xa: {  	[smem:$0x3FA6] =	sst s2  }
0xb: {  	[smem:$0x3FA7] =	sst s3  }
0xc: {  	[smem:$0x3FA8] =	sst s4  }
0xd: {  	[smem:$0x3FA9] =	sst s5  }
0xe: {  	[smem:$0x3FAA] =	sst s6  }
0xf: {  	[smem:$0x3FAB] =	sst s7  }
0x10: {  	[smem:$0x3FAC] =	sst s8  }
0x11: {  	[smem:$0x3FAD] =	sst s9;
	s0 =	simm.s32 @!p0 $0x0  }
0x12: {  	s1 =	sld [smem:$0x3F93];
	s0 =	simm.s32 @p0 $0x1  }
0x13: {  	[smem:$0x3FAE] =	sst s0;
	s0 =	simm.s32 @!p1 $0x0  }
0x14: {  	s2 =	sld [smem:$0x3F92];
	s0 =	simm.s32 @p1 $0x1  }
0x15: {  	[smem:$0x3FAF] =	sst s0;
	s0 =	simm.s32 @!p2 $0x0  }
0x16: {  	s3 =	sld [smem:$0x3FDB];
	s0 =	simm.s32 @p2 $0x1  }
0x17: {  	s4 =	simm.s32 $0x1BF5;
	[smem:$0x3FB1] =	sst s0  }
0x18: {  	s0 =	sld [smem:$0x3F94];
	_ =	swait.ge [sflag:s4], $0x0  }
0x19: {  	s7 =	sld [smem:$0x3F95]  }
0x1a: {  	s8 =	sadd.s32 $0xFFFFE003, lr  }
0x1b: {  	s9 =	sadd.s32 $0xFFFFFEF7, lr;
	s5 =	simm.s32 $0xFFFFFFFF;
	p2 =	slt.u32 s8, $0xFFFFF086  }
0x1c: {  	p1 =	slt.u32 s9, $0xF7A;
	s5 =	simm.s32 @!p2 $0x0  }
0x1d: {  	s5 =	simm.s32 @p1 $0x1;
	p0 =	seq.s32 s7, s2  }
0x1e: {  	s7 =	smul.u32 @!p0 $0xF7A, s2;
	p2 =	seq.s32 @!p0 s5, $0x0  }
0x1f: {  	s9 =	smul.u32 $0xF7A, s1;
	s8 =	simm.s32 @!p0 $0x1BF5;
	p2 =	por !p2, p0  }
0x20: {  	[sflag:s8] =	ssyncset.s32 @!p0 $0xFFFFF086;
	s6 =	sadd.s32 @!p0 s3, s7;
	s7 =	simm.s32 @!p0 $0x108  }
0x21: {  	s3 =	sadd.s32 s3, s9;
	s6 =	sadd.s32 @!p0 $0x88, s6;
	s7 =	simm.s32 @p2 $0x1082  }
0x22: {  	[simem:s7], [sflag:s8] =	dma.local @!p0 [hbm:s6], $0xF7A  }
0x23: {  	s9 =	sor.u32 $0xD0000000, s2;
	s6 =	simm.s32 $0x108;
	_ =	swait.ge @!p0 [sflag:s8], $0x0  }
0x24: {  	s3 =	sadd.s32 $0x88, s3;
	s6 =	simm.s32 @!p1 $0x1082;
	[sflag:s4] =	ssyncset.s32 $0xFFFFF086  }
0x25: {  	[simem:s6], [sflag:s4] =	dma.local [hbm:s3], $0xF7A  }
0x26: {  	[smem:$0x3F95] =	sst s1;
	(tag) =	ssettag s2;
	_ =	strace s9  }
0x27: {  	s1 =	sld [smem:$0x3FA5]  }
0x28: {  	s2 =	sld [smem:$0x3FA6]  }
0x29: {  	s4 =	sld [smem:$0x3FA8]  }
0x2a: {  	p0 =	seq.s32 s5, $0x0;
	s5 =	sld [smem:$0x3FA9]  }
0x2b: {  	s6 =	sld [smem:$0x3FAA]  }
0x2c: {  	s7 =	sld [smem:$0x3FAB]  }
0x2d: {  	s3 =	simm.s32 $0x108;
	s8 =	sld [smem:$0x3FAC]  }
0x2e: {  	s3 =	simm.s32 @!p0 $0x1082;
	s9 =	sld [smem:$0x3FAD]  }
0x2f: {  	lr =	sadd.s32 s0, s3;
	s0 =	sld [smem:$0x3FA4]  }
0x30: {  	s3 =	sld [smem:$0x3FA7]  }
0x31: {  	[smem:$0x3FB0] =	sst s10  }
0x32: {  	s10 =	sld [smem:$0x3FAE];
	_ =	sdelay $0x3  }
0x33: {  	p0 =	seq.s32 s10, $0x1;
	s10 =	sld [smem:$0x3FB0];
	_ =	sdelay $0x3  }
0x34: {  	[smem:$0x3FB0] =	sst s10  }
0x35: {  	s10 =	sld [smem:$0x3FAF];
	_ =	sdelay $0x3  }
0x36: {  	p1 =	seq.s32 s10, $0x1;
	s10 =	sld [smem:$0x3FB0];
	_ =	sdelay $0x3  }
0x37: {  	[smem:$0x3FB0] =	sst s10  }
0x38: {  	s10 =	sld [smem:$0x3FB1]  }
0x39: {  	_ = 	snop;
	(pc) =	sbr.ind lr, $3  }
0x3a: {  	_ = 	snop  }
0x3b: {  	_ = 	snop  }
0x3c: {  	p2 =	seq.s32 s10, $0x1;
	s10 =	sld [smem:$0x3FB0]  }
0x3d: {  	_ =	shalt  }
0x3e: {  	_ =	shalt  }
0x3f: {  	_ =	shalt  }
0x40: {  	_ =	shalt  }
0x41: {  	_ =	shalt  }
0x42: {  	_ =	shalt  }
0x43: {  	_ =	shalt  }
0x44: {  	_ =	shalt  }
0x45: {  	_ =	shalt  }
0x46: {  	_ =	shalt  }
0x47: {  	_ =	shalt  }
0x48: {  	_ =	shalt  }
0x49: {  	_ =	shalt  }
0x4a: {  	_ =	shalt  }
0x4b: {  	_ =	shalt  }
0x4c: {  	_ =	shalt  }
0x4d: {  	_ =	shalt  }
0x4e: {  	_ =	shalt  }
0x4f: {  	_ =	shalt  }
0x50: {  	_ =	shalt  }
0x51: {  	_ =	shalt  }
0x52: {  	_ =	shalt  }
0x53: {  	_ =	shalt  }
0x54: {  	_ =	shalt  }
0x55: {  	_ =	shalt  }
0x56: {  	_ =	shalt  }
0x57: {  	_ =	shalt  }
0x58: {  	_ =	shalt  }
0x59: {  	_ =	shalt  }
0x5a: {  	_ =	shalt  }
0x5b: {  	_ =	shalt  }
0x5c: {  	_ =	shalt  }
0x5d: {  	_ =	shalt  }
0x5e: {  	_ =	shalt  }
0x5f: {  	_ =	shalt  }
0x60: {  	_ =	shalt  }
0x61: {  	_ =	shalt  }
0x62: {  	_ =	shalt  }
0x63: {  	_ =	shalt  }
0x64: {  	_ =	shalt  }
0x65: {  	_ =	shalt  }
0x66: {  	_ =	shalt  }
0x67: {  	_ =	shalt  }
0x68: {  	_ =	shalt  }
0x69: {  	_ =	shalt  }
0x6a: {  	_ =	shalt  }
0x6b: {  	_ =	shalt  }
0x6c: {  	_ =	shalt  }
0x6d: {  	_ =	shalt  }
0x6e: {  	_ =	shalt  }
0x6f: {  	_ =	shalt  }
0x70: {  	_ =	shalt  }
0x71: {  	_ =	shalt  }
0x72: {  	_ =	shalt  }
0x73: {  	_ =	shalt  }
0x74: {  	_ =	shalt  }
0x75: {  	_ =	shalt  }
0x76: {  	_ =	shalt  }
0x77: {  	_ =	shalt  }
0x78: {  	_ =	shalt  }
0x79: {  	_ =	shalt  }
0x7a: {  	_ =	shalt  }
0x7b: {  	_ =	shalt  }
0x7c: {  	_ =	shalt  }
0x7d: {  	_ =	shalt  }
0x7e: {  	_ =	shalt  }
0x7f: {  	_ =	shalt  }
0x80: {  	_ =	shalt  }
0x81: {  	_ =	shalt  }
0x82: {  	_ =	shalt  }
0x83: {  	_ =	shalt  }
0x84: {  	_ =	shalt  }
0x85: {  	_ =	shalt  }
0x86: {  	_ =	shalt  }
0x87: {  	_ =	shalt  }
.Lfunc_end0:
.L_simem_size_0:
called_computation_lowered:
.L_overlay_start_0:
0x88: {  	s2 =	sld [smem:$0x3FD9]  }
0x89: {  	s3 =	sld [smem:$0x3FFE];
	_ =	sdelay $0x1  }
0x8a: {  	s1 =	srdreg.scid  }
0x8b: {  	s0 =	sand.u32 $0x1, s1  }
0x8c: {  	s14 =	sshll.u32 s0, $0xA;
	s2 =	sadd.s32 s3, s2  }
0x8d: {  	s2 =	sadd.s32 s2, s14  }
0x8e: {  	[smem:$0x3FBC] =	sst s2  }
0x8f: {  	_ = 	snop  }
0x90: {  	s2 =	sld [smem:$0x3FD0];
	_ =	sdelay $0x2  }
0x91: {  	s15 =	simm.s32 $0xB;
	s4 =	simm.s32 $0x10  }
0x92: {  	[smem:s4], [sflag:s15] =	dma.local [hbm:s2], $0x1  }
0x93: {  	_ =	swait.eq [sflag:s15], $0x1  }
0x94: {  	[sflag:s15] =	ssyncset.done $0x0  }
0x95: {  	[sflag:s15] =	ssyncadd.s32 $0xFFFFFFFF  }
0x96: {  	s16 =	sld [smem:$0x11];
	(tm) =	ssettm $0x1  }
0x97: {  	s17 =	sld [smem:$0x3FFB];
	_ =	sdelay $0x3  }
0x98: {  	_ =	strace s17  }
0x99: {  	s3 =	sld [smem:$0x3FFC];
	_ =	sdelay $0x3  }
0x9a: {  	_ =	strace s3  }
0x9b: {  	s3 =	sld [smem:$0x3FFD];
	_ =	sdelay $0x3  }
0x9c: {  	_ =	strace s3  }
0x9d: {  	_ =	strace $0x8FFFFFFF  }
0x9e: {  	s18 =	sld [smem:$0x3FDB];
	_ =	sdelay $0x1  }
0x9f: {  	s19 =	simm.s32 $_scs_section_size  }
0xa0: {  	s5 =	simm.s32 $_size__tile_overlayer_lowered;
	s6 =	simm.s32 $_tile_overlayer_lowered  }
0xa1: {  	s22 =	simm.s32 $0x1BFF;
	s21 =	sshll.u32 s6, $0x1;
	s3 =	sadd.s32 s19, s18  }
0xa2: {  	s7 =	simm.s32 $0x0;
	s20 =	sshll.u32 s5, $0x1;
	s5 =	sadd.s32 s21, s3  }
0xa3: {  	[timem:s7], [sflag:s22] =	dma.local [hbm:s5], s20  }
0xa4: {  	_ =	swait.ge [sflag:s22], s20  }
0xa5: {  	s4 =	ssub.s32 $0x0, s20;
	[sflag:s22] =	ssyncset.done $0x0  }
0xa6: {  	[sflag:s22] =	ssyncadd.s32 s4;
	_ =	sdelay $0x1  }
0xa7: {  	s23 =	simm.s32 $0x1B8B  }
0xa8: {  	_ =	swait.ge [sflag:s23], $0x1  }
0xa9: {  	[sflag:s23] =	ssyncset.done $0x0  }
0xaa: {  	s25 =	simm.s32 $0x1B8E;
	s24 =	sld [smem:$0x3FFE];
	[sflag:s23] =	ssyncadd.s32 $0xFFFFFFFF  }
0xab: {  	s26 =	simm.s32 $execute0_lowered;
	[smem:$0x3FD2] =	sst s25  }
0xac: {  	s5 =	sshll.u32 s26, $0x1;
	_ =	strace $0x80000046;
	[dreg:$0x1] =	wrdreg $0xFFFFFFFF  }
0xad: {  	s28 =	simm.s32 $_size_execute0_lowered;
	s3 =	sadd.s32 s3, s5;
	[dreg:$0x0] =	wrdreg $0x0  }
0xae: {  	s5 =	sshll.u32 s28, $0x1;
	[dreg:$0x2] =	wrdreg s3  }
0xaf: {  	[dreg:$0x3] =	wrdreg s5  }
0xb0: {  	[dreg:$0x4] =	wrdreg $0xC0  }
0xb1: {  	_ =	task [dreg:s7], $0x5FFFF  }
0xb2: {  	[dreg:$0x1] =	wrdreg $0xFFFFFFFF  }
0xb3: {  	[dreg:$0x0] =	wrdreg $0x60  }
0xb4: {  	[dreg:$0x2] =	wrdreg s24  }
0xb5: {  	[dreg:$0x3] =	wrdreg s16  }
0xb6: {  	[dreg:$0x4] =	wrdreg $0x69000  }
0xb7: {  	[dreg:$0x5] =	wrdreg $0x9  }
0xb8: {  	_ =	task.clear_ibuf [dreg:s7], $0x6FFFF;
	_ =	strace $0x90000046  }
0xb9: {  	s29 =	simm.s32 $0x9;
	_ =	strace $0x80000048  }
0xba: {  	_ =	swait.ge [sflag:s29], $0x1  }
0xbb: {  	[sflag:s29] =	ssyncadd.s32 $0xFFFFFFFF  }
0xbc: {  	_ =	strace $0x90000048  }
0xbd: {  	_ =	sfence  }
0xbe: {  	s30 =	sld [smem:$0x0];
	_ =	sdelay $0x2  }
0xbf: {  	s31 =	sshll.u32 s1, $0xD;
	s1 =	sshrl.u32 s1, $0x2  }
0xc0: {  	s3 =	sand.u32 $0x4000, s31;
	s1 =	sadd.s32 s1, s30  }
0xc1: {  	s0 =	sor.u32 s3, s0;
	s1 =	sshll.u32 s1, $0x11  }
0xc2: {  	s0 =	sor.u32 s1, s0  }
0xc3: {  	s0 =	sadd.s32 $0x8F2B, s0  }
0xc4: {  	[sflag:s0] =	ssyncadd.remote.s32 $0x1  }
0xc5: {  	_ =	sfence.sel $0xFFFF  }
0xc6: {  	[dreg:$0x0] =	wrdreg $0xFFFFFFFF;
	(pc) =	sbr.abs _section_cstart, $3  }
0xc7: {  	[dreg:$0x1] =	wrdreg $0xFFFFFFFF  }
0xc8: {  	_ =	task.clear_ibuf [dreg:s7], $0x2FFFF;
	_ =	strace $0x9FFFFFFF  }
0xc9: {  	(tm) =	ssettm $0x7FFFFFFF  }
tec
execute0_lowered:
.L_overlay_start_1:
0x0: {  	(tag) =	ssettag $0x1  }
0x1: {  	s5 =	rddreg [dreg:$0x0];
	s1 =	srdreg.scid  }
0x2: {  	s0 =	stileid.u32;
	s8 =	rddreg [dreg:$0x1]  }
0x3: {  	s2 =	rddreg [dreg:$0x2];
	s3 =	simm.s32 $0x0;
	s15 =	simm.s32 $0x80  }
0x4: {  	s16 =	simm.s32 $0x2900;
	s17 =	simm.s32 $0x2980;
	s18 =	simm.s32 $0x1  }
0x5: {  	s19 =	simm.s32 $0x2;
	s20 =	simm.s32 $0x3;
	s21 =	simm.s32 $0x0  }
0x6: {  	s6 =	sand.u32 $0x1, s1;
	s1 =	rddreg [dreg:$0x3];
	s9 =	smul.u32 $0x2780, s0  }
0x7: {  	s28 =	sshll.u32 s0, $0x1;
	[smem:$0x7FF] =	sst s3;
	s12 =	smul.u32 $0x4F0, s0  }
0x8: {  	s31 =	sshll.u32 s0, $0x6;
	s4 =	sor.u32 s6, s28;
	s13 =	smul.u32 $0x4F00, s6  }
0x9: {  	_ =	strace $0x80000047;
	s11 =	ssub.s32 $0x2, s6;
	s7 =	smul.u32 $0x510, s4  }
0xa: {  	s4 =	sadd.s32 $0x1A600, s5;
	s10 =	sshrl.u32 s9, $0x3;
	s29 =	sshrl.u32 s11, $0x1  }
0xb: {  	s14 =	sadd.s32 s9, s2;
	s10 =	sadd.s32 s10, s5;
	s11 =	ssub.s32 s11, s29  }
0xc: {  	s30 =	sadd.s32 s12, s13;
	s12 =	sor.u32 $0x1C04, s31;
	s13 =	sshrl.u32 s14, $0x3  }
0xd: {  	s14 =	simm.s32 $0x5100;
	s7 =	sadd.s32 s7, s5;
	s8 =	sadd.s32 s8, s30  }
0xe: {  	s9 =	smax.u32 s11, $0x1;
	s11 =	simm.s32 $0x2880;
	s5 =	sadd.s32 $0x10400, s7  }
0xf: {  	s6 =	sadd.s32 $0x6200, s7;
	s7 =	sadd.s32 $0x1A800, s10;
	s10 =	simm.s32 $0x4  }
.LBB2_1:
0x10: {  	[tilespmem:s3], [sflag:$0x4] =	stream.linear.gather [hbm4b:s5+s3], $0x2880, $0x38;
	[tilespmem:$0x9080] =	vst v63  }
0x11: {  	_ =	swait.ge [sflag:s10], $0x2880  }
0x12: {  	[sflag:s10] =	ssyncset.done $0x0  }
0x13: {  	[sflag:s10] =	ssyncadd.s32 $0xFFFFD780  }
0x14: {  	[tilespmem:s11], [sflag:$0x4] =	stream.linear.gather [hbm4b:s6+s3], $0x2880, $0x38;
	[tilespmem:$0x9080] =	vst v63  }
0x15: {  	_ =	swait.ge [sflag:s10], $0x2880  }
0x16: {  	[sflag:s10] =	ssyncset.done $0x0  }
0x17: {  	[sflag:s10] =	ssyncadd.s32 $0xFFFFD780  }
0x18: {  	[spmem:s13], [sflag:s12] =	dma.local [hbm:s7], $0x4F0  }
0x19: {  	_ =	swait.ge [sflag:s10], $0x4F0  }
0x1a: {  	[sflag:s10] =	ssyncset.done $0x0  }
0x1b: {  	[sflag:s10] =	ssyncadd.s32 $0xFFFFFB10  }
0x1c: {  	[tilespmem:s14], [sflag:$0x4] =	stream.linear.gather [hbm4b:s4+s3], $0x800, $0x38;
	[tilespmem:$0x9080] =	vst v63  }
0x1d: {  	_ =	swait.ge [sflag:s10], $0x800  }
0x1e: {  	[sflag:s10] =	ssyncset.done $0x0  }
0x1f: {  	[sflag:s10] =	ssyncadd.s32 $0xFFFFF800  }
0x20: {  	[bflag:$0x0] =	sbarrier.arrive $0xFFFF  }
0x21: {  	[spmem:s2] =	stream.indirect.scatter.add.f32 [tilespmem:s14], [sflag:$0x1], $0x10, s11, s15, $0xb8;
	[tilespmem:$0x9080] =	vst v63  }
0x22: {  	_ = 	snop  }
0x23: {  	[spmem:s2] =	stream.indirect.scatter.add.f32 [tilespmem:s14], [sflag:$0x2], $0x10, s16, s15, $0xb8;
	[tilespmem:$0x9080] =	vst v63  }
0x24: {  	_ = 	snop  }
0x25: {  	[spmem:s2] =	stream.indirect.scatter.add.f32 [tilespmem:s14], [sflag:$0x3], $0x10, s17, s15, $0xb8;
	[tilespmem:$0x9080] =	vst v63  }
0x26: {  	_ =	swait.ge [sflag:s18], $0x800  }
0x27: {  	[sflag:s18] =	ssyncset.done $0x0  }
0x28: {  	s22 =	simm.s32 $0x2A00;
	[sflag:s18] =	ssyncadd.s32 $0xFFFFF800  }
0x29: {  	[spmem:s2] =	stream.indirect.scatter.add.f32 [tilespmem:s14], [sflag:$0x1], $0x10, s22, s15, $0xb8;
	[tilespmem:$0x9080] =	vst v63  }
0x2a: {  	_ =	swait.ge [sflag:s19], $0x800  }
0x2b: {  	[sflag:s19] =	ssyncset.done $0x0  }
0x2c: {  	s31 =	simm.s32 $0x2A80;
	[sflag:s19] =	ssyncadd.s32 $0xFFFFF800  }
0x2d: {  	[spmem:s2] =	stream.indirect.scatter.add.f32 [tilespmem:s14], [sflag:$0x2], $0x10, s31, s15, $0xb8;
	[tilespmem:$0x9080] =	vst v63  }
0x2e: {  	_ =	swait.ge [sflag:s20], $0x800  }
0x2f: {  	[sflag:s20] =	ssyncset.done $0x0  }
0x30: {  	s23 =	simm.s32 $0x2B00;
	s22 =	simm.s32 $0xFFFF6A00;
	[sflag:s20] =	ssyncadd.s32 $0xFFFFF800  }
.LBB2_2:
0x31: {  	[spmem:s2] =	stream.indirect.scatter.add.f32 [tilespmem:s14], [sflag:$0x3], $0x10, s23, s15, $0xb8;
	[tilespmem:$0x9080] =	vst v63  }
0x32: {  	s23 =	smov.u32 s22  }
0x33: {  	p0 =	sne.s32 s22, $0xFFFFFA00;
	s22 =	sadd.s32 $0x600, s22;
	_ =	swait.ge [sflag:s18], $0x800  }
0x34: {  	s23 =	sshra.s32 s23, $0x2;
	[sflag:s18] =	ssyncset.done $0x0  }
0x35: {  	s24 =	sadd.s32 $0x5100, s23;
	[sflag:s18] =	ssyncadd.s32 $0xFFFFF800  }
0x36: {  	[spmem:s2] =	stream.indirect.scatter.add.f32 [tilespmem:s14], [sflag:$0x1], $0x10, s24, s15, $0xb8;
	[tilespmem:$0x9080] =	vst v63  }
0x37: {  	_ =	swait.ge [sflag:s19], $0x800  }
0x38: {  	[sflag:s19] =	ssyncset.done $0x0  }
.Ltmp0:
0x39: {  	s24 =	sadd.s32 $0x5180, s23;
	[sflag:s19] =	ssyncadd.s32 $0xFFFFF800;
	(pc) =	sbr.rel @p0 .LBB2_2-.Ltmp0, $4  }
0x3a: {  	[spmem:s2] =	stream.indirect.scatter.add.f32 [tilespmem:s14], [sflag:$0x2], $0x10, s24, s15, $0xb8;
	[tilespmem:$0x9080] =	vst v63  }
0x3b: {  	_ =	swait.ge [sflag:s20], $0x800  }
0x3c: {  	[sflag:s20] =	ssyncset.done $0x0  }
0x3d: {  	s23 =	sadd.s32 $0x5200, s23;
	[sflag:s20] =	ssyncadd.s32 $0xFFFFF800  }
0x3e: {  	[spmem:s2] =	stream.indirect.scatter.add.f32 [tilespmem:s14], [sflag:$0x3], $0x10, s23, s15, $0xb8;
	[tilespmem:$0x9080] =	vst v63  }
0x3f: {  	_ =	swait.ge [sflag:s18], $0x800  }
0x40: {  	[sflag:s18] =	ssyncset.done $0x0  }
0x41: {  	[sflag:s18] =	ssyncadd.s32 $0xFFFFF800  }
0x42: {  	_ =	swait.ge [sflag:s19], $0x800  }
0x43: {  	[sflag:s19] =	ssyncset.done $0x0  }
0x44: {  	[sflag:s19] =	ssyncadd.s32 $0xFFFFF800  }
0x45: {  	_ =	swait.ge [sflag:s20], $0x800  }
0x46: {  	s21 =	sadd.s32 $0x1, s21;
	[sflag:s20] =	ssyncset.done $0x0  }
0x47: {  	p0 =	sne.s32 s21, s9;
	[sflag:s20] =	ssyncadd.s32 $0xFFFFF800  }
.Ltmp1:
0x48: {  	[bflag:$0x0] =	sbarrier.arrive $0xFFFF;
	(pc) =	sbr.rel @p0 .LBB2_1-.Ltmp1, $4  }
0x49: {  	[hbm:s8], [sflag:s12] =	dma.local [spmem:s13], $0x4F0  }
0x4a: {  	_ =	swait.ge [sflag:s10], $0x4F0  }
0x4b: {  	[sflag:s10] =	ssyncset.done $0x0  }
0x4c: {  	[sflag:s10] =	ssyncadd.s32 $0xFFFFFB10  }
0x4d: {  	_ =	sfence.sel $0x180000  }
0x4e: {  	[bflag:$0x0] =	sbarrier.arrive $0xFFFF  }
0x4f: {  	p0 =	sne.s32 s0, $0x0;
	_ =	strace $0x90000047  }
0x50: {  	s0 =	sadd.s32 @!p0 $0x100000, s1;
	[bflag:$0x2] =	sbarrier.arrive $0xFFFF  }
0x51: {  	[sflag:s0] =	ssyncadd.tile.s32 @!p0 $0x1;
	_ =	shalt  }
.Lfunc_end2:
_tile_overlayer_lowered:
.L_overlay_start_2:
0x52: {  	(tag) =	ssettag $0x2  }
0x53: {  	s0 =	rddreg [dreg:$0x0];
	s2 =	stileid.u32  }
0x54: {  	s1 =	rddreg [dreg:$0x1];
	p0 =	sne.s32 s2, $0x0  }
0x55: {  	s3 =	rddreg [dreg:$0x2];
	[bflag:$0x3] =	sbarrier.arrive $0xFFFF;
	s2 =	simm.s32 @!p0 $0x1C04  }
0x56: {  	[timem:s3], [sflag:s2] =	dma.local @!p0 [hbm:s0], s1  }
0x57: {  	s0 =	simm.s32 @!p0 $0x4  }
0x58: {  	_ =	swait.ge @!p0 [sflag:s0], s1  }
0x59: {  	s1 =	ssub.s32 @!p0 $0x0, s1;
	[sflag:s0] =	ssyncset.done @!p0 $0x0  }
0x5a: {  	[sflag:s0] =	ssyncadd.s32 @!p0 s1  }
0x5b: {  	[bflag:$0x3] =	sbarrier.arrive $0xFFFF  }
0x5c: {  	_ =	shalt  }

// kernel: kernel.19.cloned.1.call-start
scs
__scs_entry_jumppad:
0x0: {  	(pc) =	sbr.rel $0x88, $3  }
0x1: {  	(tag) =	ssettag $0x0;
	lr =	simm.s32 $0x1  }
0x2: {  	[smem:$0x3F95] =	sst lr;
	_ =	strace $0xD0000000  }
0x3: {  	_ = 	snop  }
0x4: {  	_ = 	snop  }
0x5: {  	_ = 	snop  }
0x6: {  	_ = 	snop  }
0x7: {  	_ = 	snop  }
__scs_overlays_trampoline_lowered:
0x8: {  	[smem:$0x3FA4] =	sst s0  }
0x9: {  	[smem:$0x3FA5] =	sst s1  }
0xa: {  	[smem:$0x3FA6] =	sst s2  }
0xb: {  	[smem:$0x3FA7] =	sst s3  }
0xc: {  	[smem:$0x3FA8] =	sst s4  }
0xd: {  	[smem:$0x3FA9] =	sst s5  }
0xe: {  	[smem:$0x3FAA] =	sst s6  }
0xf: {  	[smem:$0x3FAB] =	sst s7  }
0x10: {  	[smem:$0x3FAC] =	sst s8  }
0x11: {  	[smem:$0x3FAD] =	sst s9;
	s0 =	simm.s32 @!p0 $0x0  }
0x12: {  	s1 =	sld [smem:$0x3F93];
	s0 =	simm.s32 @p0 $0x1  }
0x13: {  	[smem:$0x3FAE] =	sst s0;
	s0 =	simm.s32 @!p1 $0x0  }
0x14: {  	s2 =	sld [smem:$0x3F92];
	s0 =	simm.s32 @p1 $0x1  }
0x15: {  	[smem:$0x3FAF] =	sst s0;
	s0 =	simm.s32 @!p2 $0x0  }
0x16: {  	s3 =	sld [smem:$0x3FDB];
	s0 =	simm.s32 @p2 $0x1  }
0x17: {  	s4 =	simm.s32 $0x1BF5;
	[smem:$0x3FB1] =	sst s0  }
0x18: {  	s0 =	sld [smem:$0x3F94];
	_ =	swait.ge [sflag:s4], $0x0  }
0x19: {  	s7 =	sld [smem:$0x3F95]  }
0x1a: {  	s8 =	sadd.s32 $0xFFFFE003, lr  }
0x1b: {  	s9 =	sadd.s32 $0xFFFFFEF7, lr;
	s5 =	simm.s32 $0xFFFFFFFF;
	p2 =	slt.u32 s8, $0xFFFFF086  }
0x1c: {  	p1 =	slt.u32 s9, $0xF7A;
	s5 =	simm.s32 @!p2 $0x0  }
0x1d: {  	s5 =	simm.s32 @p1 $0x1;
	p0 =	seq.s32 s7, s2  }
0x1e: {  	s7 =	smul.u32 @!p0 $0xF7A, s2;
	p2 =	seq.s32 @!p0 s5, $0x0  }
0x1f: {  	s9 =	smul.u32 $0xF7A, s1;
	s8 =	simm.s32 @!p0 $0x1BF5;
	p2 =	por !p2, p0  }
0x20: {  	[sflag:s8] =	ssyncset.s32 @!p0 $0xFFFFF086;
	s6 =	sadd.s32 @!p0 s3, s7;
	s7 =	simm.s32 @!p0 $0x108  }
0x21: {  	s3 =	sadd.s32 s3, s9;
	s6 =	sadd.s32 @!p0 $0x88, s6;
	s7 =	simm.s32 @p2 $0x1082  }
0x22: {  	[simem:s7], [sflag:s8] =	dma.local @!p0 [hbm:s6], $0xF7A  }
0x23: {  	s9 =	sor.u32 $0xD0000000, s2;
	s6 =	simm.s32 $0x108;
	_ =	swait.ge @!p0 [sflag:s8], $0x0  }
0x24: {  	s3 =	sadd.s32 $0x88, s3;
	s6 =	simm.s32 @!p1 $0x1082;
	[sflag:s4] =	ssyncset.s32 $0xFFFFF086  }
0x25: {  	[simem:s6], [sflag:s4] =	dma.local [hbm:s3], $0xF7A  }
0x26: {  	[smem:$0x3F95] =	sst s1;
	(tag) =	ssettag s2;
	_ =	strace s9  }
0x27: {  	s1 =	sld [smem:$0x3FA5]  }
0x28: {  	s2 =	sld [smem:$0x3FA6]  }
0x29: {  	s4 =	sld [smem:$0x3FA8]  }
0x2a: {  	p0 =	seq.s32 s5, $0x0;
	s5 =	sld [smem:$0x3FA9]  }
0x2b: {  	s6 =	sld [smem:$0x3FAA]  }
0x2c: {  	s7 =	sld [smem:$0x3FAB]  }
0x2d: {  	s3 =	simm.s32 $0x108;
	s8 =	sld [smem:$0x3FAC]  }
0x2e: {  	s3 =	simm.s32 @!p0 $0x1082;
	s9 =	sld [smem:$0x3FAD]  }
0x2f: {  	lr =	sadd.s32 s0, s3;
	s0 =	sld [smem:$0x3FA4]  }
0x30: {  	s3 =	sld [smem:$0x3FA7]  }
0x31: {  	[smem:$0x3FB0] =	sst s10  }
0x32: {  	s10 =	sld [smem:$0x3FAE];
	_ =	sdelay $0x3  }
0x33: {  	p0 =	seq.s32 s10, $0x1;
	s10 =	sld [smem:$0x3FB0];
	_ =	sdelay $0x3  }
0x34: {  	[smem:$0x3FB0] =	sst s10  }
0x35: {  	s10 =	sld [smem:$0x3FAF];
	_ =	sdelay $0x3  }
0x36: {  	p1 =	seq.s32 s10, $0x1;
	s10 =	sld [smem:$0x3FB0];
	_ =	sdelay $0x3  }
0x37: {  	[smem:$0x3FB0] =	sst s10  }
0x38: {  	s10 =	sld [smem:$0x3FB1]  }
0x39: {  	_ = 	snop;
	(pc) =	sbr.ind lr, $3  }
0x3a: {  	_ = 	snop  }
0x3b: {  	_ = 	snop  }
0x3c: {  	p2 =	seq.s32 s10, $0x1;
	s10 =	sld [smem:$0x3FB0]  }
0x3d: {  	_ =	shalt  }
0x3e: {  	_ =	shalt  }
0x3f: {  	_ =	shalt  }
0x40: {  	_ =	shalt  }
0x41: {  	_ =	shalt  }
0x42: {  	_ =	shalt  }
0x43: {  	_ =	shalt  }
0x44: {  	_ =	shalt  }
0x45: {  	_ =	shalt  }
0x46: {  	_ =	shalt  }
0x47: {  	_ =	shalt  }
0x48: {  	_ =	shalt  }
0x49: {  	_ =	shalt  }
0x4a: {  	_ =	shalt  }
0x4b: {  	_ =	shalt  }
0x4c: {  	_ =	shalt  }
0x4d: {  	_ =	shalt  }
0x4e: {  	_ =	shalt  }
0x4f: {  	_ =	shalt  }
0x50: {  	_ =	shalt  }
0x51: {  	_ =	shalt  }
0x52: {  	_ =	shalt  }
0x53: {  	_ =	shalt  }
0x54: {  	_ =	shalt  }
0x55: {  	_ =	shalt  }
0x56: {  	_ =	shalt  }
0x57: {  	_ =	shalt  }
0x58: {  	_ =	shalt  }
0x59: {  	_ =	shalt  }
0x5a: {  	_ =	shalt  }
0x5b: {  	_ =	shalt  }
0x5c: {  	_ =	shalt  }
0x5d: {  	_ =	shalt  }
0x5e: {  	_ =	shalt  }
0x5f: {  	_ =	shalt  }
0x60: {  	_ =	shalt  }
0x61: {  	_ =	shalt  }
0x62: {  	_ =	shalt  }
0x63: {  	_ =	shalt  }
0x64: {  	_ =	shalt  }
0x65: {  	_ =	shalt  }
0x66: {  	_ =	shalt  }
0x67: {  	_ =	shalt  }
0x68: {  	_ =	shalt  }
0x69: {  	_ =	shalt  }
0x6a: {  	_ =	shalt  }
0x6b: {  	_ =	shalt  }
0x6c: {  	_ =	shalt  }
0x6d: {  	_ =	shalt  }
0x6e: {  	_ =	shalt  }
0x6f: {  	_ =	shalt  }
0x70: {  	_ =	shalt  }
0x71: {  	_ =	shalt  }
0x72: {  	_ =	shalt  }
0x73: {  	_ =	shalt  }
0x74: {  	_ =	shalt  }
0x75: {  	_ =	shalt  }
0x76: {  	_ =	shalt  }
0x77: {  	_ =	shalt  }
0x78: {  	_ =	shalt  }
0x79: {  	_ =	shalt  }
0x7a: {  	_ =	shalt  }
0x7b: {  	_ =	shalt  }
0x7c: {  	_ =	shalt  }
0x7d: {  	_ =	shalt  }
0x7e: {  	_ =	shalt  }
0x7f: {  	_ =	shalt  }
0x80: {  	_ =	shalt  }
0x81: {  	_ =	shalt  }
0x82: {  	_ =	shalt  }
0x83: {  	_ =	shalt  }
0x84: {  	_ =	shalt  }
0x85: {  	_ =	shalt  }
0x86: {  	_ =	shalt  }
0x87: {  	_ =	shalt  }
.Lfunc_end0:
.L_simem_size_0:
called_computation.1_lowered:
.L_overlay_start_0:
0x88: {  	s2 =	sld [smem:$0x3FD9]  }
0x89: {  	s3 =	sld [smem:$0x3FFE];
	_ =	sdelay $0x1  }
0x8a: {  	s1 =	srdreg.scid  }
0x8b: {  	s0 =	sand.u32 $0x1, s1  }
0x8c: {  	s14 =	sshll.u32 s0, $0xA;
	s2 =	sadd.s32 s3, s2  }
0x8d: {  	s2 =	sadd.s32 s2, s14  }
0x8e: {  	[smem:$0x3FBC] =	sst s2  }
0x8f: {  	_ = 	snop  }
0x90: {  	s2 =	sld [smem:$0x3FD0];
	_ =	sdelay $0x2  }
0x91: {  	s15 =	simm.s32 $0xB;
	s4 =	simm.s32 $0x10  }
0x92: {  	[smem:s4], [sflag:s15] =	dma.local [hbm:s2], $0x1  }
0x93: {  	_ =	swait.eq [sflag:s15], $0x1  }
0x94: {  	[sflag:s15] =	ssyncset.done $0x0  }
0x95: {  	[sflag:s15] =	ssyncadd.s32 $0xFFFFFFFF  }
0x96: {  	s16 =	sld [smem:$0x11];
	(tm) =	ssettm $0x1  }
0x97: {  	s17 =	sld [smem:$0x3FFB];
	_ =	sdelay $0x3  }
0x98: {  	_ =	strace s17  }
0x99: {  	s3 =	sld [smem:$0x3FFC];
	_ =	sdelay $0x3  }
0x9a: {  	_ =	strace s3  }
0x9b: {  	s3 =	sld [smem:$0x3FFD];
	_ =	sdelay $0x3  }
0x9c: {  	_ =	strace s3  }
0x9d: {  	_ =	strace $0x8FFFFFFF  }
0x9e: {  	s18 =	sld [smem:$0x3FDB];
	_ =	sdelay $0x1  }
0x9f: {  	s19 =	simm.s32 $_scs_section_size  }
0xa0: {  	s5 =	simm.s32 $_size__tile_overlayer_lowered;
	s6 =	simm.s32 $_tile_overlayer_lowered  }
0xa1: {  	s22 =	simm.s32 $0x1BFF;
	s21 =	sshll.u32 s6, $0x1;
	s3 =	sadd.s32 s19, s18  }
0xa2: {  	s7 =	simm.s32 $0x0;
	s20 =	sshll.u32 s5, $0x1;
	s5 =	sadd.s32 s21, s3  }
0xa3: {  	[timem:s7], [sflag:s22] =	dma.local [hbm:s5], s20  }
0xa4: {  	_ =	swait.ge [sflag:s22], s20  }
0xa5: {  	s4 =	ssub.s32 $0x0, s20;
	[sflag:s22] =	ssyncset.done $0x0  }
0xa6: {  	[sflag:s22] =	ssyncadd.s32 s4;
	_ =	sdelay $0x1  }
0xa7: {  	s23 =	simm.s32 $0x1B8B  }
0xa8: {  	_ =	swait.ge [sflag:s23], $0x1  }
0xa9: {  	[sflag:s23] =	ssyncset.done $0x0  }
0xaa: {  	s25 =	simm.s32 $0x1B8E;
	s24 =	sld [smem:$0x3FFE];
	[sflag:s23] =	ssyncadd.s32 $0xFFFFFFFF  }
0xab: {  	s26 =	simm.s32 $execute0_lowered;
	[smem:$0x3FD2] =	sst s25  }
0xac: {  	s5 =	sshll.u32 s26, $0x1;
	_ =	strace $0x80000049;
	[dreg:$0x1] =	wrdreg $0xFFFFFFFF  }
0xad: {  	s28 =	simm.s32 $_size_execute0_lowered;
	s3 =	sadd.s32 s3, s5;
	[dreg:$0x0] =	wrdreg $0x0  }
0xae: {  	s5 =	sshll.u32 s28, $0x1;
	[dreg:$0x2] =	wrdreg s3  }
0xaf: {  	[dreg:$0x3] =	wrdreg s5  }
0xb0: {  	[dreg:$0x4] =	wrdreg $0xC0  }
0xb1: {  	_ =	task [dreg:s7], $0x5FFFF  }
0xb2: {  	[dreg:$0x1] =	wrdreg $0xFFFFFFFF  }
0xb3: {  	[dreg:$0x0] =	wrdreg $0x60  }
0xb4: {  	[dreg:$0x2] =	wrdreg s24  }
0xb5: {  	[dreg:$0x3] =	wrdreg s16  }
0xb6: {  	[dreg:$0x4] =	wrdreg $0xB1000  }
0xb7: {  	[dreg:$0x5] =	wrdreg $0x14F000  }
0xb8: {  	[dreg:$0x6] =	wrdreg $0x9  }
0xb9: {  	_ =	task.clear_ibuf [dreg:s7], $0x7FFFF;
	_ =	strace $0x90000049  }
0xba: {  	s29 =	simm.s32 $0x9;
	_ =	strace $0x8000004B  }
0xbb: {  	_ =	swait.ge [sflag:s29], $0x1  }
0xbc: {  	[sflag:s29] =	ssyncadd.s32 $0xFFFFFFFF  }
0xbd: {  	_ =	strace $0x9000004B  }
0xbe: {  	_ =	sfence  }
0xbf: {  	s30 =	sld [smem:$0x0];
	_ =	sdelay $0x2  }
0xc0: {  	s31 =	sshll.u32 s1, $0xD;
	s1 =	sshrl.u32 s1, $0x2  }
0xc1: {  	s3 =	sand.u32 $0x4000, s31;
	s1 =	sadd.s32 s1, s30  }
0xc2: {  	s0 =	sor.u32 s3, s0;
	s1 =	sshll.u32 s1, $0x11  }
0xc3: {  	s0 =	sor.u32 s1, s0  }
0xc4: {  	s0 =	sadd.s32 $0x8F2B, s0  }
0xc5: {  	[sflag:s0] =	ssyncadd.remote.s32 $0x1  }
0xc6: {  	_ =	sfence.sel $0xFFFF  }
0xc7: {  	[dreg:$0x0] =	wrdreg $0xFFFFFFFF;
	(pc) =	sbr.abs _section_cstart, $3  }
0xc8: {  	[dreg:$0x1] =	wrdreg $0xFFFFFFFF  }
0xc9: {  	_ =	task.clear_ibuf [dreg:s7], $0x2FFFF;
	_ =	strace $0x9FFFFFFF  }
0xca: {  	(tm) =	ssettm $0x7FFFFFFF  }
0xcb: {  	_ =	shalt  }
tec
execute0_lowered:
.L_overlay_start_1:
0x0: {  	(tag) =	ssettag $0x1  }
0x1: {  	s0 =	rddreg [dreg:$0x0]  }
0x2: {  	s1 =	rddreg [dreg:$0x1]  }
0x3: {  	s2 =	rddreg [dreg:$0x2]  }
0x4: {  	s3 =	rddreg [dreg:$0x3]  }
0x5: {  	s15 =	stileid.u32;
	s4 =	srdreg.scid  }
0x6: {  	s16 =	simm.s32 $0x80;
	s17 =	simm.s32 $0x5100;
	s18 =	simm.s32 $0x7100  }
0x7: {  	s19 =	simm.s32 $0x100;
	s20 =	simm.s32 $0x9100;
	s28 =	simm.s32 $0x4F80  }
0x8: {  	s29 =	simm.s32 $0x5000;
	s30 =	simm.s32 $0x5080;
	s8 =	smul.u32 $0x9C40, s15  }
0x9: {  	s31 =	simm.s32 $0x0;
	s5 =	sand.u32 $0x1, s4;
	s9 =	smul.u32 $0x9E00, s15  }
0xa: {  	s6 =	sshll.u32 s15, $0x1;
	s4 =	simm.s32 $0x0;
	s13 =	smul.u32 $0x13C0, s15  }
0xb: {  	s26 =	sshll.u32 s15, $0x6;
	s6 =	sor.u32 s5, s6;
	s23 =	smul.u32 $0x13C00, s5  }
0xc: {  	[smem:$0x7FF] =	sst s4;
	s21 =	ssub.s32 $0x2, s5;
	s6 =	smul.u32 $0x510, s6  }
0xd: {  	_ =	strace $0x8000004A;
	s7 =	sshrl.u32 s8, $0x3;
	s11 =	sshrl.u32 s9, $0x3  }
0xe: {  	s12 =	sshrl.u32 s21, $0x1;
	s14 =	sadd.s32 s9, s2;
	s24 =	sadd.s32 s8, s3  }
0xf: {  	s10 =	sadd.s32 s7, s0;
	s22 =	ssub.s32 s21, s12;
	s25 =	sadd.s32 s13, s23  }
0x10: {  	s13 =	sor.u32 $0x1C07, s26;
	s14 =	sshrl.u32 s14, $0x3;
	s15 =	sshrl.u32 s24, $0x3  }
0x11: {  	s21 =	simm.s32 $0x1;
	s23 =	simm.s32 $0x2;
	s24 =	simm.s32 $0x5  }
0x12: {  	s26 =	simm.s32 $0x6;
	s6 =	sadd.s32 s6, s0;
	s0 =	sadd.s32 s11, s0  }
0x13: {  	s8 =	sadd.s32 $0x41800, s10;
	s9 =	sadd.s32 s1, s25;
	s10 =	smax.u32 s22, $0x1  }
0x14: {  	s11 =	simm.s32 $0x7;
	s22 =	simm.s32 $0x4;
	s25 =	simm.s32 $0x3  }
0x15: {  	s5 =	sadd.s32 $0x10400, s6;
	s6 =	sadd.s32 $0x6200, s6;
	s7 =	sadd.s32 $0x55200, s0  }
.LBB2_1:
0x16: {  	[tilespmem:s4], [sflag:$0x7] =	stream.linear.gather [hbm4b:s5+s4], $0x2880, $0x38;
	[tilespmem:$0x1EB40] =	vst v63  }
0x17: {  	_ =	swait.ge [sflag:s11], $0x2880  }
0x18: {  	[sflag:s11] =	ssyncset.done $0x0  }
0x19: {  	s0 =	simm.s32 $0x2880;
	[sflag:s11] =	ssyncadd.s32 $0xFFFFD780  }
0x1a: {  	[tilespmem:s0], [sflag:$0x7] =	stream.linear.gather [hbm4b:s6+s4], $0x2880, $0x38;
	[tilespmem:$0x1EB40] =	vst v63  }
0x1b: {  	_ =	swait.ge [sflag:s11], $0x2880  }
0x1c: {  	[sflag:s11] =	ssyncset.done $0x0  }
0x1d: {  	[sflag:s11] =	ssyncadd.s32 $0xFFFFD780  }
0x1e: {  	[spmem:s14], [sflag:s13] =	dma.local [hbm:s7], $0x13C0  }
0x1f: {  	_ =	swait.ge [sflag:s11], $0x13C0  }
0x20: {  	[sflag:s11] =	ssyncset.done $0x0  }
0x21: {  	[sflag:s11] =	ssyncadd.s32 $0xFFFFEC40  }
0x22: {  	[spmem:s15], [sflag:s13] =	dma.local [hbm:s8], $0x1388  }
0x23: {  	_ =	swait.ge [sflag:s11], $0x1388  }
0x24: {  	[sflag:s11] =	ssyncset.done $0x0  }
0x25: {  	[sflag:s11] =	ssyncadd.s32 $0xFFFFEC78  }
0x26: {  	[bflag:$0x0] =	sbarrier.arrive $0xFFFF  }
0x27: {  	[tilespmem:s17], [sflag:$0x1] =	stream.indirect.gather [spmem:s3], $0x40, s4, s16, $0xb8;
	[tilespmem:$0x1EB40] =	vst v63  }
0x28: {  	_ = 	snop  }
0x29: {  	[tilespmem:s18], [sflag:$0x2] =	stream.indirect.gather [spmem:s3], $0x40, s16, s16, $0xb8;
	[tilespmem:$0x1EB40] =	vst v63  }
0x2a: {  	_ = 	snop  }
0x2b: {  	[tilespmem:s20], [sflag:$0x3] =	stream.indirect.gather [spmem:s3], $0x40, s19, s16, $0xb8;
	[tilespmem:$0x1EB40] =	vst v63  }
0x2c: {  	_ =	swait.ge [sflag:s21], $0x2000  }
0x2d: {  	[sflag:s21] =	ssyncset.done $0x0  }
0x2e: {  	s12 =	simm.s32 $0x2880;
	[sflag:s21] =	ssyncadd.s32 $0xFFFFE000  }
0x2f: {  	[spmem:s2] =	stream.indirect.scatter.add.f32 [tilespmem:s17], [sflag:$0x4], $0x40, s12, s16, $0xb8;
	[tilespmem:$0x1EB40] =	vst v63  }
0x30: {  	_ =	swait.ge [sflag:s22], $0x2000  }
0x31: {  	[sflag:s22] =	ssyncset.done $0x0  }
0x32: {  	s1 =	simm.s32 $0x180;
	[sflag:s22] =	ssyncadd.s32 $0xFFFFE000  }
0x33: {  	[tilespmem:s17], [sflag:$0x1] =	stream.indirect.gather [spmem:s3], $0x40, s1, s16, $0xb8;
	[tilespmem:$0x1EB40] =	vst v63  }
0x34: {  	_ =	swait.ge [sflag:s23], $0x2000  }
0x35: {  	[sflag:s23] =	ssyncset.done $0x0  }
0x36: {  	s12 =	simm.s32 $0x2900;
	[sflag:s23] =	ssyncadd.s32 $0xFFFFE000  }
0x37: {  	[spmem:s2] =	stream.indirect.scatter.add.f32 [tilespmem:s18], [sflag:$0x5], $0x40, s12, s16, $0xb8;
	[tilespmem:$0x1EB40] =	vst v63  }
0x38: {  	_ =	swait.ge [sflag:s24], $0x2000  }
0x39: {  	[sflag:s24] =	ssyncset.done $0x0  }
0x3a: {  	s1 =	simm.s32 $0x200;
	[sflag:s24] =	ssyncadd.s32 $0xFFFFE000  }
0x3b: {  	[tilespmem:s18], [sflag:$0x2] =	stream.indirect.gather [spmem:s3], $0x40, s1, s16, $0xb8;
	[tilespmem:$0x1EB40] =	vst v63  }
0x3c: {  	_ =	swait.ge [sflag:s25], $0x2000  }
0x3d: {  	[sflag:s25] =	ssyncset.done $0x0  }
0x3e: {  	s12 =	simm.s32 $0x2980;
	[sflag:s25] =	ssyncadd.s32 $0xFFFFE000  }
0x3f: {  	[spmem:s2] =	stream.indirect.scatter.add.f32 [tilespmem:s20], [sflag:$0x6], $0x40, s12, s16, $0xb8;
	[tilespmem:$0x1EB40] =	vst v63  }
0x40: {  	_ =	swait.ge [sflag:s26], $0x2000  }
0x41: {  	[sflag:s26] =	ssyncset.done $0x0  }
0x42: {  	s0 =	simm.s32 $0x600;
	s1 =	simm.s32 $0x280;
	[sflag:s26] =	ssyncadd.s32 $0xFFFFE000  }
.LBB2_2:
0x43: {  	[tilespmem:s20], [sflag:$0x3] =	stream.indirect.gather [spmem:s3], $0x40, s1, s16, $0xb8;
	[tilespmem:$0x1EB40] =	vst v63  }
0x44: {  	s1 =	smov.u32 s0  }
0x45: {  	p0 =	sne.s32 s0, $0x9600;
	s0 =	sadd.s32 $0x600, s0;
	_ =	swait.ge [sflag:s21], $0x2000  }
0x46: {  	s1 =	sshra.s32 s1, $0x2;
	[sflag:s21] =	ssyncset.done $0x0  }
0x47: {  	s12 =	sadd.s32 $0x2880, s1;
	[sflag:s21] =	ssyncadd.s32 $0xFFFFE000  }
0x48: {  	[spmem:s2] =	stream.indirect.scatter.add.f32 [tilespmem:s17], [sflag:$0x4], $0x40, s12, s16, $0xb8;
	[tilespmem:$0x1EB40] =	vst v63  }
0x49: {  	_ =	swait.ge [sflag:s22], $0x2000  }
0x4a: {  	[sflag:s22] =	ssyncset.done $0x0  }
0x4b: {  	s12 =	sadd.s32 $0x180, s1;
	[sflag:s22] =	ssyncadd.s32 $0xFFFFE000  }
0x4c: {  	[tilespmem:s17], [sflag:$0x1] =	stream.indirect.gather [spmem:s3], $0x40, s12, s16, $0xb8;
	[tilespmem:$0x1EB40] =	vst v63  }
0x4d: {  	_ =	swait.ge [sflag:s23], $0x2000  }
0x4e: {  	[sflag:s23] =	ssyncset.done $0x0  }
0x4f: {  	s12 =	sadd.s32 $0x2900, s1;
	[sflag:s23] =	ssyncadd.s32 $0xFFFFE000  }
0x50: {  	[spmem:s2] =	stream.indirect.scatter.add.f32 [tilespmem:s18], [sflag:$0x5], $0x40, s12, s16, $0xb8;
	[tilespmem:$0x1EB40] =	vst v63  }
0x51: {  	_ =	swait.ge [sflag:s24], $0x2000  }
0x52: {  	[sflag:s24] =	ssyncset.done $0x0  }
0x53: {  	s12 =	sadd.s32 $0x200, s1;
	[sflag:s24] =	ssyncadd.s32 $0xFFFFE000  }
0x54: {  	[tilespmem:s18], [sflag:$0x2] =	stream.indirect.gather [spmem:s3], $0x40, s12, s16, $0xb8;
	[tilespmem:$0x1EB40] =	vst v63  }
0x55: {  	_ =	swait.ge [sflag:s25], $0x2000  }
0x56: {  	[sflag:s25] =	ssyncset.done $0x0  }
.Ltmp0:
0x57: {  	s12 =	sadd.s32 $0x2980, s1;
	[sflag:s25] =	ssyncadd.s32 $0xFFFFE000;
	(pc) =	sbr.rel @p0 .LBB2_2-.Ltmp0, $4  }
0x58: {  	[spmem:s2] =	stream.indirect.scatter.add.f32 [tilespmem:s20], [sflag:$0x6], $0x40, s12, s16, $0xb8;
	[tilespmem:$0x1EB40] =	vst v63  }
0x59: {  	_ =	swait.ge [sflag:s26], $0x2000  }
0x5a: {  	[sflag:s26] =	ssyncset.done $0x0  }
0x5b: {  	s1 =	sadd.s32 $0x280, s1;
	[sflag:s26] =	ssyncadd.s32 $0xFFFFE000  }
0x5c: {  	[tilespmem:s20], [sflag:$0x3] =	stream.indirect.gather [spmem:s3], $0x40, s1, s16, $0xb8;
	[tilespmem:$0x1EB40] =	vst v63  }
0x5d: {  	_ =	swait.ge [sflag:s21], $0x2000  }
0x5e: {  	[sflag:s21] =	ssyncset.done $0x0  }
0x5f: {  	[sflag:s21] =	ssyncadd.s32 $0xFFFFE000  }
0x60: {  	[spmem:s2] =	stream.indirect.scatter.add.f32 [tilespmem:s17], [sflag:$0x4], $0x40, s28, s16, $0xb8;
	[tilespmem:$0x1EB40] =	vst v63  }
0x61: {  	_ =	swait.ge [sflag:s22], $0x2000  }
0x62: {  	[sflag:s22] =	ssyncset.done $0x0  }
0x63: {  	[sflag:s22] =	ssyncadd.s32 $0xFFFFE000  }
0x64: {  	_ =	swait.ge [sflag:s23], $0x2000  }
0x65: {  	[sflag:s23] =	ssyncset.done $0x0  }
0x66: {  	[sflag:s23] =	ssyncadd.s32 $0xFFFFE000  }
0x67: {  	[spmem:s2] =	stream.indirect.scatter.add.f32 [tilespmem:s18], [sflag:$0x5], $0x40, s29, s16, $0xb8;
	[tilespmem:$0x1EB40] =	vst v63  }
0x68: {  	_ =	swait.ge [sflag:s24], $0x2000  }
0x69: {  	[sflag:s24] =	ssyncset.done $0x0  }
0x6a: {  	[sflag:s24] =	ssyncadd.s32 $0xFFFFE000  }
0x6b: {  	_ =	swait.ge [sflag:s25], $0x2000  }
0x6c: {  	[sflag:s25] =	ssyncset.done $0x0  }
0x6d: {  	[sflag:s25] =	ssyncadd.s32 $0xFFFFE000  }
0x6e: {  	[spmem:s2] =	stream.indirect.scatter.add.f32 [tilespmem:s20], [sflag:$0x6], $0x40, s30, s16, $0xb8;
	[tilespmem:$0x1EB40] =	vst v63  }
0x6f: {  	_ =	swait.ge [sflag:s26], $0x2000  }
0x70: {  	s31 =	sadd.s32 $0x1, s31;
	[sflag:s26] =	ssyncset.done $0x0  }
0x71: {  	p0 =	sne.s32 s31, s10;
	[sflag:s26] =	ssyncadd.s32 $0xFFFFE000  }
.Ltmp1:
0x72: {  	[bflag:$0x0] =	sbarrier.arrive $0xFFFF;
	(pc) =	sbr.rel @p0 .LBB2_1-.Ltmp1, $4  }
0x73: {  	[hbm:s9], [sflag:s13] =	dma.local [spmem:s14], $0x13C0  }
0x74: {  	_ =	swait.ge [sflag:s11], $0x13C0  }
0x75: {  	[sflag:s11] =	ssyncset.done $0x0  }
0x76: {  	[sflag:s11] =	ssyncadd.s32 $0xFFFFEC40  }
0x77: {  	_ =	sfence.sel $0x180000  }
0x78: {  	[bflag:$0x0] =	sbarrier.arrive $0xFFFF  }
0x79: {  	_ =	strace $0x9000004A  }
0x7a: {  	s0 =	stileid.u32;
	[bflag:$0x2] =	sbarrier.arrive $0xFFFF  }
0x7b: {  	p0 =	sne.s32 s0, $0x0;
	s0 =	rddreg [dreg:$0x4]  }
0x7c: {  	s0 =	sadd.s32 @!p0 $0x100000, s0  }
0x7d: {  	[sflag:s0] =	ssyncadd.tile.s32 @!p0 $0x1;
	_ =	shalt  }
.Lfunc_end2:
_tile_overlayer_lowered:
.L_overlay_start_2:
0x7e: {  	(tag) =	ssettag $0x2  }
0x7f: {  	s0 =	rddreg [dreg:$0x0];
	s2 =	stileid.u32  }
0x80: {  	s1 =	rddreg [dreg:$0x1];
	p0 =	sne.s32 s2, $0x0  }
0x81: {  	s3 =	rddreg [dreg:$0x2];
	[bflag:$0x3] =	sbarrier.arrive $0xFFFF;
	s2 =	simm.s32 @!p0 $0x1C07  }
0x82: {  	[timem:s3], [sflag:s2] =	dma.local @!p0 [hbm:s0], s1  }
0x83: {  	s0 =	simm.s32 @!p0 $0x7  }
0x84: {  	_ =	swait.ge @!p0 [sflag:s0], s1  }
0x85: {  	s1 =	ssub.s32 @!p0 $0x0, s1;
	[sflag:s0] =	ssyncset.done @!p0 $0x0  }
0x86: {  	[sflag:s0] =	ssyncadd.s32 @!p0 s1  }
0x87: {  	[bflag:$0x3] =	sbarrier.arrive $0xFFFF  }
0x88: {  	_ =	shalt  }

// kernel: kernel.22.cloned.1.call-start
scs
__scs_entry_jumppad:
0x0: {  	(pc) =	sbr.rel $0x88, $3  }
0x1: {  	(tag) =	ssettag $0x0;
	lr =	simm.s32 $0x1  }
0x2: {  	[smem:$0x3F95] =	sst lr;
	_ =	strace $0xD0000000  }
0x3: {  	_ = 	snop  }
0x4: {  	_ = 	snop  }
0x5: {  	_ = 	snop  }
0x6: {  	_ = 	snop  }
0x7: {  	_ = 	snop  }
__scs_overlays_trampoline_lowered:
0x8: {  	[smem:$0x3FA4] =	sst s0  }
0x9: {  	[smem:$0x3FA5] =	sst s1  }
0xa: {  	[smem:$0x3FA6] =	sst s2  }
0xb: {  	[smem:$0x3FA7] =	sst s3  }
0xc: {  	[smem:$0x3FA8] =	sst s4  }
0xd: {  	[smem:$0x3FA9] =	sst s5  }
0xe: {  	[smem:$0x3FAA] =	sst s6  }
0xf: {  	[smem:$0x3FAB] =	sst s7  }
0x10: {  	[smem:$0x3FAC] =	sst s8  }
0x11: {  	[smem:$0x3FAD] =	sst s9;
	s0 =	simm.s32 @!p0 $0x0  }
0x12: {  	s1 =	sld [smem:$0x3F93];
	s0 =	simm.s32 @p0 $0x1  }
0x13: {  	[smem:$0x3FAE] =	sst s0;
	s0 =	simm.s32 @!p1 $0x0  }
0x14: {  	s2 =	sld [smem:$0x3F92];
	s0 =	simm.s32 @p1 $0x1  }
0x15: {  	[smem:$0x3FAF] =	sst s0;
	s0 =	simm.s32 @!p2 $0x0  }
0x16: {  	s3 =	sld [smem:$0x3FDB];
	s0 =	simm.s32 @p2 $0x1  }
0x17: {  	s4 =	simm.s32 $0x1BF5;
	[smem:$0x3FB1] =	sst s0  }
0x18: {  	s0 =	sld [smem:$0x3F94];
	_ =	swait.ge [sflag:s4], $0x0  }
0x19: {  	s7 =	sld [smem:$0x3F95]  }
0x1a: {  	s8 =	sadd.s32 $0xFFFFE003, lr  }
0x1b: {  	s9 =	sadd.s32 $0xFFFFFEF7, lr;
	s5 =	simm.s32 $0xFFFFFFFF;
	p2 =	slt.u32 s8, $0xFFFFF086  }
0x1c: {  	p1 =	slt.u32 s9, $0xF7A;
	s5 =	simm.s32 @!p2 $0x0  }
0x1d: {  	s5 =	simm.s32 @p1 $0x1;
	p0 =	seq.s32 s7, s2  }
0x1e: {  	s7 =	smul.u32 @!p0 $0xF7A, s2;
	p2 =	seq.s32 @!p0 s5, $0x0  }
0x1f: {  	s9 =	smul.u32 $0xF7A, s1;
	s8 =	simm.s32 @!p0 $0x1BF5;
	p2 =	por !p2, p0  }
0x20: {  	[sflag:s8] =	ssyncset.s32 @!p0 $0xFFFFF086;
	s6 =	sadd.s32 @!p0 s3, s7;
	s7 =	simm.s32 @!p0 $0x108  }
0x21: {  	s3 =	sadd.s32 s3, s9;
	s6 =	sadd.s32 @!p0 $0x88, s6;
	s7 =	simm.s32 @p2 $0x1082  }
0x22: {  	[simem:s7], [sflag:s8] =	dma.local @!p0 [hbm:s6], $0xF7A  }
0x23: {  	s9 =	sor.u32 $0xD0000000, s2;
	s6 =	simm.s32 $0x108;
	_ =	swait.ge @!p0 [sflag:s8], $0x0  }
0x24: {  	s3 =	sadd.s32 $0x88, s3;
	s6 =	simm.s32 @!p1 $0x1082;
	[sflag:s4] =	ssyncset.s32 $0xFFFFF086  }
0x25: {  	[simem:s6], [sflag:s4] =	dma.local [hbm:s3], $0xF7A  }
0x26: {  	[smem:$0x3F95] =	sst s1;
	(tag) =	ssettag s2;
	_ =	strace s9  }
0x27: {  	s1 =	sld [smem:$0x3FA5]  }
0x28: {  	s2 =	sld [smem:$0x3FA6]  }
0x29: {  	s4 =	sld [smem:$0x3FA8]  }
0x2a: {  	p0 =	seq.s32 s5, $0x0;
	s5 =	sld [smem:$0x3FA9]  }
0x2b: {  	s6 =	sld [smem:$0x3FAA]  }
0x2c: {  	s7 =	sld [smem:$0x3FAB]  }
0x2d: {  	s3 =	simm.s32 $0x108;
	s8 =	sld [smem:$0x3FAC]  }
0x2e: {  	s3 =	simm.s32 @!p0 $0x1082;
	s9 =	sld [smem:$0x3FAD]  }
0x2f: {  	lr =	sadd.s32 s0, s3;
	s0 =	sld [smem:$0x3FA4]  }
0x30: {  	s3 =	sld [smem:$0x3FA7]  }
0x31: {  	[smem:$0x3FB0] =	sst s10  }
0x32: {  	s10 =	sld [smem:$0x3FAE];
	_ =	sdelay $0x3  }
0x33: {  	p0 =	seq.s32 s10, $0x1;
	s10 =	sld [smem:$0x3FB0];
	_ =	sdelay $0x3  }
0x34: {  	[smem:$0x3FB0] =	sst s10  }
0x35: {  	s10 =	sld [smem:$0x3FAF];
	_ =	sdelay $0x3  }
0x36: {  	p1 =	seq.s32 s10, $0x1;
	s10 =	sld [smem:$0x3FB0];
	_ =	sdelay $0x3  }
0x37: {  	[smem:$0x3FB0] =	sst s10  }
0x38: {  	s10 =	sld [smem:$0x3FB1]  }
0x39: {  	_ = 	snop;
	(pc) =	sbr.ind lr, $3  }
0x3a: {  	_ = 	snop  }
0x3b: {  	_ = 	snop  }
0x3c: {  	p2 =	seq.s32 s10, $0x1;
	s10 =	sld [smem:$0x3FB0]  }
0x3d: {  	_ =	shalt  }
0x3e: {  	_ =	shalt  }
0x3f: {  	_ =	shalt  }
0x40: {  	_ =	shalt  }
0x41: {  	_ =	shalt  }
0x42: {  	_ =	shalt  }
0x43: {  	_ =	shalt  }
0x44: {  	_ =	shalt  }
0x45: {  	_ =	shalt  }
0x46: {  	_ =	shalt  }
0x47: {  	_ =	shalt  }
0x48: {  	_ =	shalt  }
0x49: {  	_ =	shalt  }
0x4a: {  	_ =	shalt  }
0x4b: {  	_ =	shalt  }
0x4c: {  	_ =	shalt  }
0x4d: {  	_ =	shalt  }
0x4e: {  	_ =	shalt  }
0x4f: {  	_ =	shalt  }
0x50: {  	_ =	shalt  }
0x51: {  	_ =	shalt  }
0x52: {  	_ =	shalt  }
0x53: {  	_ =	shalt  }
0x54: {  	_ =	shalt  }
0x55: {  	_ =	shalt  }
0x56: {  	_ =	shalt  }
0x57: {  	_ =	shalt  }
0x58: {  	_ =	shalt  }
0x59: {  	_ =	shalt  }
0x5a: {  	_ =	shalt  }
0x5b: {  	_ =	shalt  }
0x5c: {  	_ =	shalt  }
0x5d: {  	_ =	shalt  }
0x5e: {  	_ =	shalt  }
0x5f: {  	_ =	shalt  }
0x60: {  	_ =	shalt  }
0x61: {  	_ =	shalt  }
0x62: {  	_ =	shalt  }
0x63: {  	_ =	shalt  }
0x64: {  	_ =	shalt  }
0x65: {  	_ =	shalt  }
0x66: {  	_ =	shalt  }
0x67: {  	_ =	shalt  }
0x68: {  	_ =	shalt  }
0x69: {  	_ =	shalt  }
0x6a: {  	_ =	shalt  }
0x6b: {  	_ =	shalt  }
0x6c: {  	_ =	shalt  }
0x6d: {  	_ =	shalt  }
0x6e: {  	_ =	shalt  }
0x6f: {  	_ =	shalt  }
0x70: {  	_ =	shalt  }
0x71: {  	_ =	shalt  }
0x72: {  	_ =	shalt  }
0x73: {  	_ =	shalt  }
0x74: {  	_ =	shalt  }
0x75: {  	_ =	shalt  }
0x76: {  	_ =	shalt  }
0x77: {  	_ =	shalt  }
0x78: {  	_ =	shalt  }
0x79: {  	_ =	shalt  }
0x7a: {  	_ =	shalt  }
0x7b: {  	_ =	shalt  }
0x7c: {  	_ =	shalt  }
0x7d: {  	_ =	shalt  }
0x7e: {  	_ =	shalt  }
0x7f: {  	_ =	shalt  }
0x80: {  	_ =	shalt  }
0x81: {  	_ =	shalt  }
0x82: {  	_ =	shalt  }
0x83: {  	_ =	shalt  }
0x84: {  	_ =	shalt  }
0x85: {  	_ =	shalt  }
0x86: {  	_ =	shalt  }
0x87: {  	_ =	shalt  }
.Lfunc_end0:
.L_simem_size_0:
called_computation.2_lowered:
.L_overlay_start_0:
0x88: {  	s2 =	sld [smem:$0x3FD9]  }
0x89: {  	s3 =	sld [smem:$0x3FFE];
	_ =	sdelay $0x1  }
0x8a: {  	s1 =	srdreg.scid  }
0x8b: {  	s0 =	sand.u32 $0x1, s1  }
0x8c: {  	s14 =	sshll.u32 s0, $0xA;
	s2 =	sadd.s32 s3, s2  }
0x8d: {  	s2 =	sadd.s32 s2, s14  }
0x8e: {  	[smem:$0x3FBC] =	sst s2  }
0x8f: {  	_ = 	snop  }
0x90: {  	s2 =	sld [smem:$0x3FD0];
	_ =	sdelay $0x2  }
0x91: {  	s15 =	simm.s32 $0xB;
	s4 =	simm.s32 $0x10  }
0x92: {  	[smem:s4], [sflag:s15] =	dma.local [hbm:s2], $0x1  }
0x93: {  	_ =	swait.eq [sflag:s15], $0x1  }
0x94: {  	[sflag:s15] =	ssyncset.done $0x0  }
0x95: {  	[sflag:s15] =	ssyncadd.s32 $0xFFFFFFFF  }
0x96: {  	s16 =	sld [smem:$0x11];
	(tm) =	ssettm $0x1  }
0x97: {  	s17 =	sld [smem:$0x3FFB];
	_ =	sdelay $0x3  }
0x98: {  	_ =	strace s17  }
0x99: {  	s3 =	sld [smem:$0x3FFC];
	_ =	sdelay $0x3  }
0x9a: {  	_ =	strace s3  }
0x9b: {  	s3 =	sld [smem:$0x3FFD];
	_ =	sdelay $0x3  }
0x9c: {  	_ =	strace s3  }
0x9d: {  	_ =	strace $0x8FFFFFFF  }
0x9e: {  	s18 =	sld [smem:$0x3FDB];
	_ =	sdelay $0x1  }
0x9f: {  	s19 =	simm.s32 $_scs_section_size  }
0xa0: {  	s5 =	simm.s32 $_size__tile_overlayer_lowered;
	s6 =	simm.s32 $_tile_overlayer_lowered  }
0xa1: {  	s22 =	simm.s32 $0x1BFF;
	s21 =	sshll.u32 s6, $0x1;
	s3 =	sadd.s32 s19, s18  }
0xa2: {  	s7 =	simm.s32 $0x0;
	s20 =	sshll.u32 s5, $0x1;
	s5 =	sadd.s32 s21, s3  }
0xa3: {  	[timem:s7], [sflag:s22] =	dma.local [hbm:s5], s20  }
0xa4: {  	_ =	swait.ge [sflag:s22], s20  }
0xa5: {  	s4 =	ssub.s32 $0x0, s20;
	[sflag:s22] =	ssyncset.done $0x0  }
0xa6: {  	[sflag:s22] =	ssyncadd.s32 s4;
	_ =	sdelay $0x1  }
0xa7: {  	s23 =	simm.s32 $0x1B8B  }
0xa8: {  	_ =	swait.ge [sflag:s23], $0x1  }
0xa9: {  	[sflag:s23] =	ssyncset.done $0x0  }
0xaa: {  	s25 =	simm.s32 $0x1B8E;
	s24 =	sld [smem:$0x3FFE];
	[sflag:s23] =	ssyncadd.s32 $0xFFFFFFFF  }
0xab: {  	s26 =	simm.s32 $execute0_lowered;
	[smem:$0x3FD2] =	sst s25  }
0xac: {  	s5 =	sshll.u32 s26, $0x1;
	_ =	strace $0x8000004C;
	[dreg:$0x1] =	wrdreg $0xFFFFFFFF  }
0xad: {  	s28 =	simm.s32 $_size_execute0_lowered;
	s3 =	sadd.s32 s3, s5;
	[dreg:$0x0] =	wrdreg $0x0  }
0xae: {  	s5 =	sshll.u32 s28, $0x1;
	[dreg:$0x2] =	wrdreg s3  }
0xaf: {  	[dreg:$0x3] =	wrdreg s5  }
0xb0: {  	[dreg:$0x4] =	wrdreg $0xC0  }
0xb1: {  	_ =	task [dreg:s7], $0x5FFFF  }
0xb2: {  	[dreg:$0x1] =	wrdreg $0xFFFFFFFF  }
0xb3: {  	[dreg:$0x0] =	wrdreg $0x60  }
0xb4: {  	[dreg:$0x2] =	wrdreg s24  }
0xb5: {  	[dreg:$0x3] =	wrdreg s16  }
0xb6: {  	[dreg:$0x4] =	wrdreg $0xB1000  }
0xb7: {  	[dreg:$0x5] =	wrdreg $0x14F000  }
0xb8: {  	[dreg:$0x6] =	wrdreg $0x9  }
0xb9: {  	_ =	task.clear_ibuf [dreg:s7], $0x7FFFF;
	_ =	strace $0x9000004C  }
0xba: {  	s29 =	simm.s32 $0x9;
	_ =	strace $0x8000004E  }
0xbb: {  	_ =	swait.ge [sflag:s29], $0x1  }
0xbc: {  	[sflag:s29] =	ssyncadd.s32 $0xFFFFFFFF  }
0xbd: {  	_ =	strace $0x9000004E  }
0xbe: {  	_ =	sfence  }
0xbf: {  	s30 =	sld [smem:$0x0];
	_ =	sdelay $0x2  }
0xc0: {  	s31 =	sshll.u32 s1, $0xD;
	s1 =	sshrl.u32 s1, $0x2  }
0xc1: {  	s3 =	sand.u32 $0x4000, s31;
	s1 =	sadd.s32 s1, s30  }
0xc2: {  	s0 =	sor.u32 s3, s0;
	s1 =	sshll.u32 s1, $0x11  }
0xc3: {  	s0 =	sor.u32 s1, s0  }
0xc4: {  	s0 =	sadd.s32 $0x8F2B, s0  }
0xc5: {  	[sflag:s0] =	ssyncadd.remote.s32 $0x1  }
0xc6: {  	_ =	sfence.sel $0xFFFF  }
0xc7: {  	[dreg:$0x0] =	wrdreg $0xFFFFFFFF;
	(pc) =	sbr.abs _section_cstart, $3  }
0xc8: {  	[dreg:$0x1] =	wrdreg $0xFFFFFFFF  }
0xc9: {  	_ =	task.clear_ibuf [dreg:s7], $0x2FFFF;
	_ =	strace $0x9FFFFFFF  }
0xca: {  	(tm) =	ssettm $0x7FFFFFFF  }
0xcb: {  	_ =	shalt  }
tec
execute0_lowered:
.L_overlay_start_1:
0x0: {  	(tag) =	ssettag $0x1  }
0x1: {  	s0 =	rddreg [dreg:$0x0]  }
0x2: {  	s1 =	rddreg [dreg:$0x1]  }
0x3: {  	s2 =	rddreg [dreg:$0x2]  }
0x4: {  	s3 =	rddreg [dreg:$0x3]  }
0x5: {  	s15 =	stileid.u32;
	s4 =	srdreg.scid  }
0x6: {  	s16 =	simm.s32 $0x80;
	s17 =	simm.s32 $0x5100;
	s18 =	simm.s32 $0x7100  }
0x7: {  	s19 =	simm.s32 $0x100;
	s20 =	simm.s32 $0x9100;
	s28 =	simm.s32 $0x4F80  }
0x8: {  	s29 =	simm.s32 $0x5000;
	s30 =	simm.s32 $0x5080;
	s8 =	smul.u32 $0x9C40, s15  }
0x9: {  	s31 =	simm.s32 $0x0;
	s5 =	sand.u32 $0x1, s4;
	s9 =	smul.u32 $0x9E00, s15  }
0xa: {  	s6 =	sshll.u32 s15, $0x1;
	s4 =	simm.s32 $0x0;
	s13 =	smul.u32 $0x13C0, s15  }
0xb: {  	s26 =	sshll.u32 s15, $0x6;
	s6 =	sor.u32 s5, s6;
	s23 =	smul.u32 $0x13C00, s5  }
0xc: {  	[smem:$0x7FF] =	sst s4;
	s21 =	ssub.s32 $0x2, s5;
	s6 =	smul.u32 $0x510, s6  }
0xd: {  	_ =	strace $0x8000004D;
	s7 =	sshrl.u32 s8, $0x3;
	s11 =	sshrl.u32 s9, $0x3  }
0xe: {  	s12 =	sshrl.u32 s21, $0x1;
	s14 =	sadd.s32 s9, s2;
	s24 =	sadd.s32 s8, s3  }
0xf: {  	s10 =	sadd.s32 s7, s0;
	s22 =	ssub.s32 s21, s12;
	s25 =	sadd.s32 s13, s23  }
0x10: {  	s13 =	sor.u32 $0x1C07, s26;
	s14 =	sshrl.u32 s14, $0x3;
	s15 =	sshrl.u32 s24, $0x3  }
0x11: {  	s21 =	simm.s32 $0x1;
	s23 =	simm.s32 $0x2;
	s24 =	simm.s32 $0x5  }
0x12: {  	s26 =	simm.s32 $0x6;
	s6 =	sadd.s32 s6, s0;
	s0 =	sadd.s32 s11, s0  }
0x13: {  	s8 =	sadd.s32 $0x41800, s10;
	s9 =	sadd.s32 s1, s25;
	s10 =	smax.u32 s22, $0x1  }
0x14: {  	s11 =	simm.s32 $0x7;
	s22 =	simm.s32 $0x4;
	s25 =	simm.s32 $0x3  }
0x15: {  	s5 =	sadd.s32 $0x10400, s6;
	s6 =	sadd.s32 $0x6200, s6;
	s7 =	sadd.s32 $0x55200, s0  }
.LBB2_1:
0x16: {  	[tilespmem:s4], [sflag:$0x7] =	stream.linear.gather [hbm4b:s5+s4], $0x2880, $0x38;
	[tilespmem:$0x1EB40] =	vst v63  }
0x17: {  	_ =	swait.ge [sflag:s11], $0x2880  }
0x18: {  	[sflag:s11] =	ssyncset.done $0x0  }
0x19: {  	s0 =	simm.s32 $0x2880;
	[sflag:s11] =	ssyncadd.s32 $0xFFFFD780  }
0x1a: {  	[tilespmem:s0], [sflag:$0x7] =	stream.linear.gather [hbm4b:s6+s4], $0x2880, $0x38;
	[tilespmem:$0x1EB40] =	vst v63  }
0x1b: {  	_ =	swait.ge [sflag:s11], $0x2880  }
0x1c: {  	[sflag:s11] =	ssyncset.done $0x0  }
0x1d: {  	[sflag:s11] =	ssyncadd.s32 $0xFFFFD780  }
0x1e: {  	[spmem:s14], [sflag:s13] =	dma.local [hbm:s7], $0x13C0  }
0x1f: {  	_ =	swait.ge [sflag:s11], $0x13C0  }
0x20: {  	[sflag:s11] =	ssyncset.done $0x0  }
0x21: {  	[sflag:s11] =	ssyncadd.s32 $0xFFFFEC40  }
0x22: {  	[spmem:s15], [sflag:s13] =	dma.local [hbm:s8], $0x1388  }
0x23: {  	_ =	swait.ge [sflag:s11], $0x1388  }
0x24: {  	[sflag:s11] =	ssyncset.done $0x0  }
0x25: {  	[sflag:s11] =	ssyncadd.s32 $0xFFFFEC78  }
0x26: {  	[bflag:$0x0] =	sbarrier.arrive $0xFFFF  }
0x27: {  	[tilespmem:s17], [sflag:$0x1] =	stream.indirect.gather [spmem:s3], $0x40, s4, s16, $0xb8;
	[tilespmem:$0x1EB40] =	vst v63  }
0x28: {  	_ = 	snop  }
0x29: {  	[tilespmem:s18], [sflag:$0x2] =	stream.indirect.gather [spmem:s3], $0x40, s16, s16, $0xb8;
	[tilespmem:$0x1EB40] =	vst v63  }
0x2a: {  	_ = 	snop  }
0x2b: {  	[tilespmem:s20], [sflag:$0x3] =	stream.indirect.gather [spmem:s3], $0x40, s19, s16, $0xb8;
	[tilespmem:$0x1EB40] =	vst v63  }
0x2c: {  	_ =	swait.ge [sflag:s21], $0x2000  }
0x2d: {  	[sflag:s21] =	ssyncset.done $0x0  }
0x2e: {  	s12 =	simm.s32 $0x2880;
	[sflag:s21] =	ssyncadd.s32 $0xFFFFE000  }
0x2f: {  	[spmem:s2] =	stream.indirect.scatter.add.f32 [tilespmem:s17], [sflag:$0x4], $0x40, s12, s16, $0xb8;
	[tilespmem:$0x1EB40] =	vst v63  }
0x30: {  	_ =	swait.ge [sflag:s22], $0x2000  }
0x31: {  	[sflag:s22] =	ssyncset.done $0x0  }
0x32: {  	s1 =	simm.s32 $0x180;
	[sflag:s22] =	ssyncadd.s32 $0xFFFFE000  }
0x33: {  	[tilespmem:s17], [sflag:$0x1] =	stream.indirect.gather [spmem:s3], $0x40, s1, s16, $0xb8;
	[tilespmem:$0x1EB40] =	vst v63  }
0x34: {  	_ =	swait.ge [sflag:s23], $0x2000  }
0x35: {  	[sflag:s23] =	ssyncset.done $0x0  }
0x36: {  	s12 =	simm.s32 $0x2900;
	[sflag:s23] =	ssyncadd.s32 $0xFFFFE000  }
0x37: {  	[spmem:s2] =	stream.indirect.scatter.add.f32 [tilespmem:s18], [sflag:$0x5], $0x40, s12, s16, $0xb8;
	[tilespmem:$0x1EB40] =	vst v63  }
0x38: {  	_ =	swait.ge [sflag:s24], $0x2000  }
0x39: {  	[sflag:s24] =	ssyncset.done $0x0  }
0x3a: {  	s1 =	simm.s32 $0x200;
	[sflag:s24] =	ssyncadd.s32 $0xFFFFE000  }
0x3b: {  	[tilespmem:s18], [sflag:$0x2] =	stream.indirect.gather [spmem:s3], $0x40, s1, s16, $0xb8;
	[tilespmem:$0x1EB40] =	vst v63  }
0x3c: {  	_ =	swait.ge [sflag:s25], $0x2000  }
0x3d: {  	[sflag:s25] =	ssyncset.done $0x0  }
0x3e: {  	s12 =	simm.s32 $0x2980;
	[sflag:s25] =	ssyncadd.s32 $0xFFFFE000  }
0x3f: {  	[spmem:s2] =	stream.indirect.scatter.add.f32 [tilespmem:s20], [sflag:$0x6], $0x40, s12, s16, $0xb8;
	[tilespmem:$0x1EB40] =	vst v63  }
0x40: {  	_ =	swait.ge [sflag:s26], $0x2000  }
0x41: {  	[sflag:s26] =	ssyncset.done $0x0  }
0x42: {  	s0 =	simm.s32 $0x600;
	s1 =	simm.s32 $0x280;
	[sflag:s26] =	ssyncadd.s32 $0xFFFFE000  }
.LBB2_2:
0x43: {  	[tilespmem:s20], [sflag:$0x3] =	stream.indirect.gather [spmem:s3], $0x40, s1, s16, $0xb8;
	[tilespmem:$0x1EB40] =	vst v63  }
0x44: {  	s1 =	smov.u32 s0  }
0x45: {  	p0 =	sne.s32 s0, $0x9600;
	s0 =	sadd.s32 $0x600, s0;
	_ =	swait.ge [sflag:s21], $0x2000  }
0x46: {  	s1 =	sshra.s32 s1, $0x2;
	[sflag:s21] =	ssyncset.done $0x0  }
0x47: {  	s12 =	sadd.s32 $0x2880, s1;
	[sflag:s21] =	ssyncadd.s32 $0xFFFFE000  }
0x48: {  	[spmem:s2] =	stream.indirect.scatter.add.f32 [tilespmem:s17], [sflag:$0x4], $0x40, s12, s16, $0xb8;
	[tilespmem:$0x1EB40] =	vst v63  }
0x49: {  	_ =	swait.ge [sflag:s22], $0x2000  }
0x4a: {  	[sflag:s22] =	ssyncset.done $0x0  }
0x4b: {  	s12 =	sadd.s32 $0x180, s1;
	[sflag:s22] =	ssyncadd.s32 $0xFFFFE000  }
0x4c: {  	[tilespmem:s17], [sflag:$0x1] =	stream.indirect.gather [spmem:s3], $0x40, s12, s16, $0xb8;
	[tilespmem:$0x1EB40] =	vst v63  }
0x4d: {  	_ =	swait.ge [sflag:s23], $0x2000  }
0x4e: {  	[sflag:s23] =	ssyncset.done $0x0  }
0x4f: {  	s12 =	sadd.s32 $0x2900, s1;
	[sflag:s23] =	ssyncadd.s32 $0xFFFFE000  }
0x50: {  	[spmem:s2] =	stream.indirect.scatter.add.f32 [tilespmem:s18], [sflag:$0x5], $0x40, s12, s16, $0xb8;
	[tilespmem:$0x1EB40] =	vst v63  }
0x51: {  	_ =	swait.ge [sflag:s24], $0x2000  }
0x52: {  	[sflag:s24] =	ssyncset.done $0x0  }
0x53: {  	s12 =	sadd.s32 $0x200, s1;
	[sflag:s24] =	ssyncadd.s32 $0xFFFFE000  }
0x54: {  	[tilespmem:s18], [sflag:$0x2] =	stream.indirect.gather [spmem:s3], $0x40, s12, s16, $0xb8;
	[tilespmem:$0x1EB40] =	vst v63  }
0x55: {  	_ =	swait.ge [sflag:s25], $0x2000  }
0x56: {  	[sflag:s25] =	ssyncset.done $0x0  }
.Ltmp0:
0x57: {  	s12 =	sadd.s32 $0x2980, s1;
	[sflag:s25] =	ssyncadd.s32 $0xFFFFE000;
	(pc) =	sbr.rel @p0 .LBB2_2-.Ltmp0, $4  }
0x58: {  	[spmem:s2] =	stream.indirect.scatter.add.f32 [tilespmem:s20], [sflag:$0x6], $0x40, s12, s16, $0xb8;
	[tilespmem:$0x1EB40] =	vst v63  }
0x59: {  	_ =	swait.ge [sflag:s26], $0x2000  }
0x5a: {  	[sflag:s26] =	ssyncset.done $0x0  }
0x5b: {  	s1 =	sadd.s32 $0x280, s1;
	[sflag:s26] =	ssyncadd.s32 $0xFFFFE000  }
0x5c: {  	[tilespmem:s20], [sflag:$0x3] =	stream.indirect.gather [spmem:s3], $0x40, s1, s16, $0xb8;
	[tilespmem:$0x1EB40] =	vst v63  }
0x5d: {  	_ =	swait.ge [sflag:s21], $0x2000  }
0x5e: {  	[sflag:s21] =	ssyncset.done $0x0  }
0x5f: {  	[sflag:s21] =	ssyncadd.s32 $0xFFFFE000  }
0x60: {  	[spmem:s2] =	stream.indirect.scatter.add.f32 [tilespmem:s17], [sflag:$0x4], $0x40, s28, s16, $0xb8;
	[tilespmem:$0x1EB40] =	vst v63  }
0x61: {  	_ =	swait.ge [sflag:s22], $0x2000  }
0x62: {  	[sflag:s22] =	ssyncset.done $0x0  }
0x63: {  	[sflag:s22] =	ssyncadd.s32 $0xFFFFE000  }
0x64: {  	_ =	swait.ge [sflag:s23], $0x2000  }
0x65: {  	[sflag:s23] =	ssyncset.done $0x0  }
0x66: {  	[sflag:s23] =	ssyncadd.s32 $0xFFFFE000  }
0x67: {  	[spmem:s2] =	stream.indirect.scatter.add.f32 [tilespmem:s18], [sflag:$0x5], $0x40, s29, s16, $0xb8;
	[tilespmem:$0x1EB40] =	vst v63  }
0x68: {  	_ =	swait.ge [sflag:s24], $0x2000  }
0x69: {  	[sflag:s24] =	ssyncset.done $0x0  }
0x6a: {  	[sflag:s24] =	ssyncadd.s32 $0xFFFFE000  }
0x6b: {  	_ =	swait.ge [sflag:s25], $0x2000  }
0x6c: {  	[sflag:s25] =	ssyncset.done $0x0  }
0x6d: {  	[sflag:s25] =	ssyncadd.s32 $0xFFFFE000  }
0x6e: {  	[spmem:s2] =	stream.indirect.scatter.add.f32 [tilespmem:s20], [sflag:$0x6], $0x40, s30, s16, $0xb8;
	[tilespmem:$0x1EB40] =	vst v63  }
0x6f: {  	_ =	swait.ge [sflag:s26], $0x2000  }
0x70: {  	s31 =	sadd.s32 $0x1, s31;
	[sflag:s26] =	ssyncset.done $0x0  }
0x71: {  	p0 =	sne.s32 s31, s10;
	[sflag:s26] =	ssyncadd.s32 $0xFFFFE000  }
.Ltmp1:
0x72: {  	[bflag:$0x0] =	sbarrier.arrive $0xFFFF;
	(pc) =	sbr.rel @p0 .LBB2_1-.Ltmp1, $4  }
0x73: {  	[hbm:s9], [sflag:s13] =	dma.local [spmem:s14], $0x13C0  }
0x74: {  	_ =	swait.ge [sflag:s11], $0x13C0  }
0x75: {  	[sflag:s11] =	ssyncset.done $0x0  }
0x76: {  	[sflag:s11] =	ssyncadd.s32 $0xFFFFEC40  }
0x77: {  	_ =	sfence.sel $0x180000  }
0x78: {  	[bflag:$0x0] =	sbarrier.arrive $0xFFFF  }
0x79: {  	_ =	strace $0x9000004D  }
0x7a: {  	s0 =	stileid.u32;
	[bflag:$0x2] =	sbarrier.arrive $0xFFFF  }
0x7b: {  	p0 =	sne.s32 s0, $0x0;
	s0 =	rddreg [dreg:$0x4]  }
0x7c: {  	s0 =	sadd.s32 @!p0 $0x100000, s0  }
0x7d: {  	[sflag:s0] =	ssyncadd.tile.s32 @!p0 $0x1;
	_ =	shalt  }
.Lfunc_end2:
_tile_overlayer_lowered:
.L_overlay_start_2:
0x7e: {  	(tag) =	ssettag $0x2  }
0x7f: {  	s0 =	rddreg [dreg:$0x0];
	s2 =	stileid.u32  }
0x80: {  	s1 =	rddreg [dreg:$0x1];
	p0 =	sne.s32 s2, $0x0  }
0x81: {  	s3 =	rddreg [dreg:$0x2];
	[bflag:$0x3] =	sbarrier.arrive $0xFFFF;
	s2 =	simm.s32 @!p0 $0x1C07  }
0x82: {  	[timem:s3], [sflag:s2] =	dma.local @!p0 [hbm:s0], s1  }
0x83: {  	s0 =	simm.s32 @!p0 $0x7  }
0x84: {  	_ =	swait.ge @!p0 [sflag:s0], s1  }
0x85: {  	s1 =	ssub.s32 @!p0 $0x0, s1;
	[sflag:s0] =	ssyncset.done @!p0 $0x0  }
0x86: {  	[sflag:s0] =	ssyncadd.s32 @!p0 s1  }
0x87: {  	[bflag:$0x3] =	sbarrier.arrive $0xFFFF  }
0x88: {  	_ =	shalt  }

// kernel: kernel.25.cloned.1.call-start
scs
__scs_entry_jumppad:
0x0: {  	(pc) =	sbr.rel $0x88, $3  }
0x1: {  	(tag) =	ssettag $0x0;
	lr =	simm.s32 $0x1  }
0x2: {  	[smem:$0x3F95] =	sst lr;
	_ =	strace $0xD0000000  }
0x3: {  	_ = 	snop  }
0x4: {  	_ = 	snop  }
0x5: {  	_ = 	snop  }
0x6: {  	_ = 	snop  }
0x7: {  	_ = 	snop  }
__scs_overlays_trampoline_lowered:
0x8: {  	[smem:$0x3FA4] =	sst s0  }
0x9: {  	[smem:$0x3FA5] =	sst s1  }
0xa: {  	[smem:$0x3FA6] =	sst s2  }
0xb: {  	[smem:$0x3FA7] =	sst s3  }
0xc: {  	[smem:$0x3FA8] =	sst s4  }
0xd: {  	[smem:$0x3FA9] =	sst s5  }
0xe: {  	[smem:$0x3FAA] =	sst s6  }
0xf: {  	[smem:$0x3FAB] =	sst s7  }
0x10: {  	[smem:$0x3FAC] =	sst s8  }
0x11: {  	[smem:$0x3FAD] =	sst s9;
	s0 =	simm.s32 @!p0 $0x0  }
0x12: {  	s1 =	sld [smem:$0x3F93];
	s0 =	simm.s32 @p0 $0x1  }
0x13: {  	[smem:$0x3FAE] =	sst s0;
	s0 =	simm.s32 @!p1 $0x0  }
0x14: {  	s2 =	sld [smem:$0x3F92];
	s0 =	simm.s32 @p1 $0x1  }
0x15: {  	[smem:$0x3FAF] =	sst s0;
	s0 =	simm.s32 @!p2 $0x0  }
0x16: {  	s3 =	sld [smem:$0x3FDB];
	s0 =	simm.s32 @p2 $0x1  }
0x17: {  	s4 =	simm.s32 $0x1BF5;
	[smem:$0x3FB1] =	sst s0  }
0x18: {  	s0 =	sld [smem:$0x3F94];
	_ =	swait.ge [sflag:s4], $0x0  }
0x19: {  	s7 =	sld [smem:$0x3F95]  }
0x1a: {  	s8 =	sadd.s32 $0xFFFFE003, lr  }
0x1b: {  	s9 =	sadd.s32 $0xFFFFFEF7, lr;
	s5 =	simm.s32 $0xFFFFFFFF;
	p2 =	slt.u32 s8, $0xFFFFF086  }
0x1c: {  	p1 =	slt.u32 s9, $0xF7A;
	s5 =	simm.s32 @!p2 $0x0  }
0x1d: {  	s5 =	simm.s32 @p1 $0x1;
	p0 =	seq.s32 s7, s2  }
0x1e: {  	s7 =	smul.u32 @!p0 $0xF7A, s2;
	p2 =	seq.s32 @!p0 s5, $0x0  }
0x1f: {  	s9 =	smul.u32 $0xF7A, s1;
	s8 =	simm.s32 @!p0 $0x1BF5;
	p2 =	por !p2, p0  }
0x20: {  	[sflag:s8] =	ssyncset.s32 @!p0 $0xFFFFF086;
	s6 =	sadd.s32 @!p0 s3, s7;
	s7 =	simm.s32 @!p0 $0x108  }
0x21: {  	s3 =	sadd.s32 s3, s9;
	s6 =	sadd.s32 @!p0 $0x88, s6;
	s7 =	simm.s32 @p2 $0x1082  }
0x22: {  	[simem:s7], [sflag:s8] =	dma.local @!p0 [hbm:s6], $0xF7A  }
0x23: {  	s9 =	sor.u32 $0xD0000000, s2;
	s6 =	simm.s32 $0x108;
	_ =	swait.ge @!p0 [sflag:s8], $0x0  }
0x24: {  	s3 =	sadd.s32 $0x88, s3;
	s6 =	simm.s32 @!p1 $0x1082;
	[sflag:s4] =	ssyncset.s32 $0xFFFFF086  }
0x25: {  	[simem:s6], [sflag:s4] =	dma.local [hbm:s3], $0xF7A  }
0x26: {  	[smem:$0x3F95] =	sst s1;
	(tag) =	ssettag s2;
	_ =	strace s9  }
0x27: {  	s1 =	sld [smem:$0x3FA5]  }
0x28: {  	s2 =	sld [smem:$0x3FA6]  }
0x29: {  	s4 =	sld [smem:$0x3FA8]  }
0x2a: {  	p0 =	seq.s32 s5, $0x0;
	s5 =	sld [smem:$0x3FA9]  }
0x2b: {  	s6 =	sld [smem:$0x3FAA]  }
0x2c: {  	s7 =	sld [smem:$0x3FAB]  }
0x2d: {  	s3 =	simm.s32 $0x108;
	s8 =	sld [smem:$0x3FAC]  }
0x2e: {  	s3 =	simm.s32 @!p0 $0x1082;
	s9 =	sld [smem:$0x3FAD]  }
0x2f: {  	lr =	sadd.s32 s0, s3;
	s0 =	sld [smem:$0x3FA4]  }
0x30: {  	s3 =	sld [smem:$0x3FA7]  }
0x31: {  	[smem:$0x3FB0] =	sst s10  }
0x32: {  	s10 =	sld [smem:$0x3FAE];
	_ =	sdelay $0x3  }
0x33: {  	p0 =	seq.s32 s10, $0x1;
	s10 =	sld [smem:$0x3FB0];
	_ =	sdelay $0x3  }
0x34: {  	[smem:$0x3FB0] =	sst s10  }
0x35: {  	s10 =	sld [smem:$0x3FAF];
	_ =	sdelay $0x3  }
0x36: {  	p1 =	seq.s32 s10, $0x1;
	s10 =	sld [smem:$0x3FB0];
	_ =	sdelay $0x3  }
0x37: {  	[smem:$0x3FB0] =	sst s10  }
0x38: {  	s10 =	sld [smem:$0x3FB1]  }
0x39: {  	_ = 	snop;
	(pc) =	sbr.ind lr, $3  }
0x3a: {  	_ = 	snop  }
0x3b: {  	_ = 	snop  }
0x3c: {  	p2 =	seq.s32 s10, $0x1;
	s10 =	sld [smem:$0x3FB0]  }
0x3d: {  	_ =	shalt  }
0x3e: {  	_ =	shalt  }
0x3f: {  	_ =	shalt  }
0x40: {  	_ =	shalt  }
0x41: {  	_ =	shalt  }
0x42: {  	_ =	shalt  }
0x43: {  	_ =	shalt  }
0x44: {  	_ =	shalt  }
0x45: {  	_ =	shalt  }
0x46: {  	_ =	shalt  }
0x47: {  	_ =	shalt  }
0x48: {  	_ =	shalt  }
0x49: {  	_ =	shalt  }
0x4a: {  	_ =	shalt  }
0x4b: {  	_ =	shalt  }
0x4c: {  	_ =	shalt  }
0x4d: {  	_ =	shalt  }
0x4e: {  	_ =	shalt  }
0x4f: {  	_ =	shalt  }
0x50: {  	_ =	shalt  }
0x51: {  	_ =	shalt  }
0x52: {  	_ =	shalt  }
0x53: {  	_ =	shalt  }
0x54: {  	_ =	shalt  }
0x55: {  	_ =	shalt  }
0x56: {  	_ =	shalt  }
0x57: {  	_ =	shalt  }
0x58: {  	_ =	shalt  }
0x59: {  	_ =	shalt  }
0x5a: {  	_ =	shalt  }
0x5b: {  	_ =	shalt  }
0x5c: {  	_ =	shalt  }
0x5d: {  	_ =	shalt  }
0x5e: {  	_ =	shalt  }
0x5f: {  	_ =	shalt  }
0x60: {  	_ =	shalt  }
0x61: {  	_ =	shalt  }
0x62: {  	_ =	shalt  }
0x63: {  	_ =	shalt  }
0x64: {  	_ =	shalt  }
0x65: {  	_ =	shalt  }
0x66: {  	_ =	shalt  }
0x67: {  	_ =	shalt  }
0x68: {  	_ =	shalt  }
0x69: {  	_ =	shalt  }
0x6a: {  	_ =	shalt  }
0x6b: {  	_ =	shalt  }
0x6c: {  	_ =	shalt  }
0x6d: {  	_ =	shalt  }
0x6e: {  	_ =	shalt  }
0x6f: {  	_ =	shalt  }
0x70: {  	_ =	shalt  }
0x71: {  	_ =	shalt  }
0x72: {  	_ =	shalt  }
0x73: {  	_ =	shalt  }
0x74: {  	_ =	shalt  }
0x75: {  	_ =	shalt  }
0x76: {  	_ =	shalt  }
0x77: {  	_ =	shalt  }
0x78: {  	_ =	shalt  }
0x79: {  	_ =	shalt  }
0x7a: {  	_ =	shalt  }
0x7b: {  	_ =	shalt  }
0x7c: {  	_ =	shalt  }
0x7d: {  	_ =	shalt  }
0x7e: {  	_ =	shalt  }
0x7f: {  	_ =	shalt  }
0x80: {  	_ =	shalt  }
0x81: {  	_ =	shalt  }
0x82: {  	_ =	shalt  }
0x83: {  	_ =	shalt  }
0x84: {  	_ =	shalt  }
0x85: {  	_ =	shalt  }
0x86: {  	_ =	shalt  }
0x87: {  	_ =	shalt  }
.Lfunc_end0:
.L_simem_size_0:
called_computation.3_lowered:
.L_overlay_start_0:
0x88: {  	s2 =	sld [smem:$0x3FD9]  }
0x89: {  	s3 =	sld [smem:$0x3FFE];
	_ =	sdelay $0x1  }
0x8a: {  	s1 =	srdreg.scid  }
0x8b: {  	s0 =	sand.u32 $0x1, s1  }
0x8c: {  	s15 =	sshll.u32 s0, $0xA;
	s2 =	sadd.s32 s3, s2  }
0x8d: {  	s2 =	sadd.s32 s2, s15  }
0x8e: {  	[smem:$0x3FBC] =	sst s2  }
0x8f: {  	_ = 	snop  }
0x90: {  	s2 =	sld [smem:$0x3FD0];
	_ =	sdelay $0x2  }
0x91: {  	s16 =	simm.s32 $0xB;
	s4 =	simm.s32 $0x10  }
0x92: {  	[smem:s4], [sflag:s16] =	dma.local [hbm:s2], $0x1  }
0x93: {  	_ =	swait.eq [sflag:s16], $0x1  }
0x94: {  	[sflag:s16] =	ssyncset.done $0x0  }
0x95: {  	[sflag:s16] =	ssyncadd.s32 $0xFFFFFFFF  }
0x96: {  	s17 =	sld [smem:$0x11];
	(tm) =	ssettm $0x1  }
0x97: {  	s18 =	sld [smem:$0x3FFB];
	_ =	sdelay $0x3  }
0x98: {  	_ =	strace s18  }
0x99: {  	s2 =	sld [smem:$0x3FFC];
	_ =	sdelay $0x3  }
0x9a: {  	_ =	strace s2  }
0x9b: {  	s2 =	sld [smem:$0x3FFD];
	_ =	sdelay $0x3  }
0x9c: {  	_ =	strace s2  }
0x9d: {  	_ =	strace $0x8FFFFFFF  }
0x9e: {  	s19 =	sld [smem:$0x3FDB];
	_ =	sdelay $0x1  }
0x9f: {  	s20 =	simm.s32 $_scs_section_size  }
0xa0: {  	s5 =	simm.s32 $_size__tile_overlayer_lowered;
	s6 =	simm.s32 $_tile_overlayer_lowered  }
0xa1: {  	s7 =	simm.s32 $0x1BFF;
	s21 =	sshll.u32 s6, $0x1;
	s4 =	sadd.s32 s20, s19  }
0xa2: {  	s22 =	simm.s32 $0x0;
	s5 =	sshll.u32 s5, $0x1;
	s6 =	sadd.s32 s21, s4  }
0xa3: {  	[timem:s22], [sflag:s7] =	dma.local [hbm:s6], s5  }
0xa4: {  	_ =	swait.ge [sflag:s7], s5  }
0xa5: {  	s5 =	ssub.s32 $0x0, s5;
	[sflag:s7] =	ssyncset.done $0x0  }
0xa6: {  	[sflag:s7] =	ssyncadd.s32 s5;
	_ =	sdelay $0x1  }
0xa7: {  	s23 =	simm.s32 $0x1B8B  }
0xa8: {  	_ =	swait.ge [sflag:s23], $0x1  }
0xa9: {  	[sflag:s23] =	ssyncset.done $0x0  }
0xaa: {  	[sflag:s23] =	ssyncadd.s32 $0xFFFFFFFF  }
0xab: {  	s5 =	sld [smem:$0x0]  }
0xac: {  	s6 =	sand.u32 $0xFFFFFFFE, s1  }
0xad: {  	p0 =	sne.s32 s1, s6  }
0xae: {  	s6 =	sshll.u32 @p0 s6, $0xE  }
0xaf: {  	s6 =	sadd.s32 @p0 $0x11B8D, s6;
	s7 =	sshll.u32 @p0 s5, $0x11  }
0xb0: {  	s6 =	sor.u32 @p0 s7, s6  }
0xb1: {  	[sflag:s6] =	ssyncadd.remote.s32 @p0 $0x1;
	_ =	sdelay $0x1  }
0xb2: {  	s6 =	simm.s32 @p0 $0x1B8D  }
0xb3: {  	_ =	swait.eq @p0 [sflag:s6], $0x1  }
0xb4: {  	[sflag:s6] =	ssyncadd.s32 @p0 $0xFFFFFFFF  }
0xb5: {  	s7 =	sshll.u32 @!p0 s1, $0xE  }
0xb6: {  	s7 =	sor.u32 @!p0 $0x4000, s7;
	s6 =	simm.s32 @!p0 $0x1B8D  }
0xb7: {  	s5 =	sshll.u32 @!p0 s5, $0x11;
	s7 =	sadd.s32 @!p0 $0x11B8D, s7;
	_ =	swait.eq @!p0 [sflag:s6], $0x1  }
0xb8: {  	s5 =	sor.u32 @!p0 s5, s7;
	[sflag:s6] =	ssyncadd.s32 @!p0 $0xFFFFFFFF  }
0xb9: {  	s25 =	simm.s32 $0x1B8E;
	s24 =	sld [smem:$0x3FFE];
	[sflag:s5] =	ssyncadd.remote.s32 @!p0 $0x1  }
0xba: {  	s26 =	simm.s32 $execute0_lowered;
	[smem:$0x3FD2] =	sst s25  }
0xbb: {  	s6 =	sshll.u32 s26, $0x1;
	_ =	strace $0x80000052;
	[dreg:$0x1] =	wrdreg $0xFFFFFFFF  }
0xbc: {  	s28 =	simm.s32 $_size_execute0_lowered;
	s4 =	sadd.s32 s4, s6;
	[dreg:$0x0] =	wrdreg $0x0  }
0xbd: {  	s6 =	sshll.u32 s28, $0x1;
	[dreg:$0x2] =	wrdreg s4  }
0xbe: {  	[dreg:$0x3] =	wrdreg s6  }
0xbf: {  	[dreg:$0x4] =	wrdreg $0xC0  }
0xc0: {  	_ =	task [dreg:s22], $0x5FFFF  }
0xc1: {  	[dreg:$0x1] =	wrdreg $0xFFFFFFFF  }
0xc2: {  	[dreg:$0x0] =	wrdreg $0x60  }
0xc3: {  	[dreg:$0x2] =	wrdreg s24  }
0xc4: {  	[dreg:$0x3] =	wrdreg s17  }
0xc5: {  	[dreg:$0x4] =	wrdreg $0xB1000  }
0xc6: {  	[dreg:$0x5] =	wrdreg $0x14F000  }
0xc7: {  	[dreg:$0x6] =	wrdreg $0x9  }
0xc8: {  	_ =	task.clear_ibuf [dreg:s22], $0x7FFFF;
	_ =	strace $0x90000052  }
0xc9: {  	s29 =	simm.s32 $0x9;
	_ =	strace $0x80000054  }
0xca: {  	_ =	swait.ge [sflag:s29], $0x1  }
0xcb: {  	[sflag:s29] =	ssyncadd.s32 $0xFFFFFFFF  }
0xcc: {  	_ =	strace $0x90000054  }
0xcd: {  	_ =	sfence  }
0xce: {  	s30 =	sld [smem:$0x0];
	_ =	sdelay $0x2  }
0xcf: {  	s31 =	sshll.u32 s1, $0xD;
	s1 =	sshrl.u32 s1, $0x2  }
0xd0: {  	s4 =	sand.u32 $0x4000, s31;
	s1 =	sadd.s32 s1, s30  }
0xd1: {  	s0 =	sor.u32 s4, s0;
	s1 =	sshll.u32 s1, $0x11  }
0xd2: {  	s0 =	sor.u32 s1, s0  }
0xd3: {  	s0 =	sadd.s32 $0x8F2B, s0  }
0xd4: {  	[sflag:s0] =	ssyncadd.remote.s32 $0x1  }
0xd5: {  	_ =	sfence.sel $0xFFFF  }
0xd6: {  	[dreg:$0x0] =	wrdreg $0xFFFFFFFF;
	(pc) =	sbr.abs _section_cstart, $3  }
0xd7: {  	[dreg:$0x1] =	wrdreg $0xFFFFFFFF  }
0xd8: {  	_ =	task.clear_ibuf [dreg:s22], $0x2FFFF;
	_ =	strace $0x9FFFFFFF  }
0xd9: {  	(tm) =	ssettm $0x7FFFFFFF  }
tec
execute0_lowered:
.L_overlay_start_1:
0x0: {  	(tag) =	ssettag $0x1  }
0x1: {  	s0 =	rddreg [dreg:$0x0]  }
0x2: {  	s1 =	rddreg [dreg:$0x1]  }
0x3: {  	s2 =	rddreg [dreg:$0x2]  }
0x4: {  	s3 =	rddreg [dreg:$0x3]  }
0x5: {  	s15 =	stileid.u32;
	s4 =	srdreg.scid  }
0x6: {  	s16 =	simm.s32 $0x80;
	s17 =	simm.s32 $0x5100;
	s18 =	simm.s32 $0x7100  }
0x7: {  	s19 =	simm.s32 $0x100;
	s20 =	simm.s32 $0x9100;
	s28 =	simm.s32 $0x4F80  }
0x8: {  	s29 =	simm.s32 $0x5000;
	s30 =	simm.s32 $0x5080;
	s8 =	smul.u32 $0x9C40, s15  }
0x9: {  	s31 =	simm.s32 $0x0;
	s5 =	sand.u32 $0x1, s4;
	s9 =	smul.u32 $0x9E00, s15  }
0xa: {  	s6 =	sshll.u32 s15, $0x1;
	s4 =	simm.s32 $0x0;
	s13 =	smul.u32 $0x13C0, s15  }
0xb: {  	s26 =	sshll.u32 s15, $0x6;
	s6 =	sor.u32 s5, s6;
	s23 =	smul.u32 $0x13C00, s5  }
0xc: {  	[smem:$0x7FF] =	sst s4;
	s21 =	ssub.s32 $0x2, s5;
	s6 =	smul.u32 $0x510, s6  }
0xd: {  	_ =	strace $0x80000053;
	s7 =	sshrl.u32 s8, $0x3;
	s11 =	sshrl.u32 s9, $0x3  }
0xe: {  	s12 =	sshrl.u32 s21, $0x1;
	s14 =	sadd.s32 s9, s2;
	s24 =	sadd.s32 s8, s3  }
0xf: {  	s10 =	sadd.s32 s7, s0;
	s22 =	ssub.s32 s21, s12;
	s25 =	sadd.s32 s13, s23  }
0x10: {  	s13 =	sor.u32 $0x1C07, s26;
	s14 =	sshrl.u32 s14, $0x3;
	s15 =	sshrl.u32 s24, $0x3  }
0x11: {  	s21 =	simm.s32 $0x1;
	s23 =	simm.s32 $0x2;
	s24 =	simm.s32 $0x5  }
0x12: {  	s26 =	simm.s32 $0x6;
	s6 =	sadd.s32 s6, s0;
	s0 =	sadd.s32 s11, s0  }
0x13: {  	s8 =	sadd.s32 $0x41800, s10;
	s9 =	sadd.s32 s1, s25;
	s10 =	smax.u32 s22, $0x1  }
0x14: {  	s11 =	simm.s32 $0x7;
	s22 =	simm.s32 $0x4;
	s25 =	simm.s32 $0x3  }
0x15: {  	s5 =	sadd.s32 $0x10400, s6;
	s6 =	sadd.s32 $0x6200, s6;
	s7 =	sadd.s32 $0x55200, s0  }
.LBB2_1:
0x16: {  	[tilespmem:s4], [sflag:$0x7] =	stream.linear.gather [hbm4b:s5+s4], $0x2880, $0x38;
	[tilespmem:$0x1EB40] =	vst v63  }
0x17: {  	_ =	swait.ge [sflag:s11], $0x2880  }
0x18: {  	[sflag:s11] =	ssyncset.done $0x0  }
0x19: {  	s0 =	simm.s32 $0x2880;
	[sflag:s11] =	ssyncadd.s32 $0xFFFFD780  }
0x1a: {  	[tilespmem:s0], [sflag:$0x7] =	stream.linear.gather [hbm4b:s6+s4], $0x2880, $0x38;
	[tilespmem:$0x1EB40] =	vst v63  }
0x1b: {  	_ =	swait.ge [sflag:s11], $0x2880  }
0x1c: {  	[sflag:s11] =	ssyncset.done $0x0  }
0x1d: {  	[sflag:s11] =	ssyncadd.s32 $0xFFFFD780  }
0x1e: {  	[spmem:s14], [sflag:s13] =	dma.local [hbm:s7], $0x13C0  }
0x1f: {  	_ =	swait.ge [sflag:s11], $0x13C0  }
0x20: {  	[sflag:s11] =	ssyncset.done $0x0  }
0x21: {  	[sflag:s11] =	ssyncadd.s32 $0xFFFFEC40  }
0x22: {  	[spmem:s15], [sflag:s13] =	dma.local [hbm:s8], $0x1388  }
0x23: {  	_ =	swait.ge [sflag:s11], $0x1388  }
0x24: {  	[sflag:s11] =	ssyncset.done $0x0  }
0x25: {  	[sflag:s11] =	ssyncadd.s32 $0xFFFFEC78  }
0x26: {  	[bflag:$0x0] =	sbarrier.arrive $0xFFFF  }
0x27: {  	[tilespmem:s17], [sflag:$0x1] =	stream.indirect.gather [spmem:s3], $0x40, s4, s16, $0xb8;
	[tilespmem:$0x1EB40] =	vst v63  }
0x28: {  	_ = 	snop  }
0x29: {  	[tilespmem:s18], [sflag:$0x2] =	stream.indirect.gather [spmem:s3], $0x40, s16, s16, $0xb8;
	[tilespmem:$0x1EB40] =	vst v63  }
0x2a: {  	_ = 	snop  }
0x2b: {  	[tilespmem:s20], [sflag:$0x3] =	stream.indirect.gather [spmem:s3], $0x40, s19, s16, $0xb8;
	[tilespmem:$0x1EB40] =	vst v63  }
0x2c: {  	_ =	swait.ge [sflag:s21], $0x2000  }
0x2d: {  	[sflag:s21] =	ssyncset.done $0x0  }
0x2e: {  	s12 =	simm.s32 $0x2880;
	[sflag:s21] =	ssyncadd.s32 $0xFFFFE000  }
0x2f: {  	[spmem:s2] =	stream.indirect.scatter.add.f32 [tilespmem:s17], [sflag:$0x4], $0x40, s12, s16, $0xb8;
	[tilespmem:$0x1EB40] =	vst v63  }
0x30: {  	_ =	swait.ge [sflag:s22], $0x2000  }
0x31: {  	[sflag:s22] =	ssyncset.done $0x0  }
0x32: {  	s1 =	simm.s32 $0x180;
	[sflag:s22] =	ssyncadd.s32 $0xFFFFE000  }
0x33: {  	[tilespmem:s17], [sflag:$0x1] =	stream.indirect.gather [spmem:s3], $0x40, s1, s16, $0xb8;
	[tilespmem:$0x1EB40] =	vst v63  }
0x34: {  	_ =	swait.ge [sflag:s23], $0x2000  }
0x35: {  	[sflag:s23] =	ssyncset.done $0x0  }
0x36: {  	s12 =	simm.s32 $0x2900;
	[sflag:s23] =	ssyncadd.s32 $0xFFFFE000  }
0x37: {  	[spmem:s2] =	stream.indirect.scatter.add.f32 [tilespmem:s18], [sflag:$0x5], $0x40, s12, s16, $0xb8;
	[tilespmem:$0x1EB40] =	vst v63  }
0x38: {  	_ =	swait.ge [sflag:s24], $0x2000  }
0x39: {  	[sflag:s24] =	ssyncset.done $0x0  }
0x3a: {  	s1 =	simm.s32 $0x200;
	[sflag:s24] =	ssyncadd.s32 $0xFFFFE000  }
0x3b: {  	[tilespmem:s18], [sflag:$0x2] =	stream.indirect.gather [spmem:s3], $0x40, s1, s16, $0xb8;
	[tilespmem:$0x1EB40] =	vst v63  }
0x3c: {  	_ =	swait.ge [sflag:s25], $0x2000  }
0x3d: {  	[sflag:s25] =	ssyncset.done $0x0  }
0x3e: {  	s12 =	simm.s32 $0x2980;
	[sflag:s25] =	ssyncadd.s32 $0xFFFFE000  }
0x3f: {  	[spmem:s2] =	stream.indirect.scatter.add.f32 [tilespmem:s20], [sflag:$0x6], $0x40, s12, s16, $0xb8;
	[tilespmem:$0x1EB40] =	vst v63  }
0x40: {  	_ =	swait.ge [sflag:s26], $0x2000  }
0x41: {  	[sflag:s26] =	ssyncset.done $0x0  }
0x42: {  	s0 =	simm.s32 $0x600;
	s1 =	simm.s32 $0x280;
	[sflag:s26] =	ssyncadd.s32 $0xFFFFE000  }
.LBB2_2:
0x43: {  	[tilespmem:s20], [sflag:$0x3] =	stream.indirect.gather [spmem:s3], $0x40, s1, s16, $0xb8;
	[tilespmem:$0x1EB40] =	vst v63  }
0x44: {  	s1 =	smov.u32 s0  }
0x45: {  	p0 =	sne.s32 s0, $0x9600;
	s0 =	sadd.s32 $0x600, s0;
	_ =	swait.ge [sflag:s21], $0x2000  }
0x46: {  	s1 =	sshra.s32 s1, $0x2;
	[sflag:s21] =	ssyncset.done $0x0  }
0x47: {  	s12 =	sadd.s32 $0x2880, s1;
	[sflag:s21] =	ssyncadd.s32 $0xFFFFE000  }
0x48: {  	[spmem:s2] =	stream.indirect.scatter.add.f32 [tilespmem:s17], [sflag:$0x4], $0x40, s12, s16, $0xb8;
	[tilespmem:$0x1EB40] =	vst v63  }
0x49: {  	_ =	swait.ge [sflag:s22], $0x2000  }
0x4a: {  	[sflag:s22] =	ssyncset.done $0x0  }
0x4b: {  	s12 =	sadd.s32 $0x180, s1;
	[sflag:s22] =	ssyncadd.s32 $0xFFFFE000  }
0x4c: {  	[tilespmem:s17], [sflag:$0x1] =	stream.indirect.gather [spmem:s3], $0x40, s12, s16, $0xb8;
	[tilespmem:$0x1EB40] =	vst v63  }
0x4d: {  	_ =	swait.ge [sflag:s23], $0x2000  }
0x4e: {  	[sflag:s23] =	ssyncset.done $0x0  }
0x4f: {  	s12 =	sadd.s32 $0x2900, s1;
	[sflag:s23] =	ssyncadd.s32 $0xFFFFE000  }
0x50: {  	[spmem:s2] =	stream.indirect.scatter.add.f32 [tilespmem:s18], [sflag:$0x5], $0x40, s12, s16, $0xb8;
	[tilespmem:$0x1EB40] =	vst v63  }
0x51: {  	_ =	swait.ge [sflag:s24], $0x2000  }
0x52: {  	[sflag:s24] =	ssyncset.done $0x0  }
0x53: {  	s12 =	sadd.s32 $0x200, s1;
	[sflag:s24] =	ssyncadd.s32 $0xFFFFE000  }
0x54: {  	[tilespmem:s18], [sflag:$0x2] =	stream.indirect.gather [spmem:s3], $0x40, s12, s16, $0xb8;
	[tilespmem:$0x1EB40] =	vst v63  }
0x55: {  	_ =	swait.ge [sflag:s25], $0x2000  }
0x56: {  	[sflag:s25] =	ssyncset.done $0x0  }
.Ltmp0:
0x57: {  	s12 =	sadd.s32 $0x2980, s1;
	[sflag:s25] =	ssyncadd.s32 $0xFFFFE000;
	(pc) =	sbr.rel @p0 .LBB2_2-.Ltmp0, $4  }
0x58: {  	[spmem:s2] =	stream.indirect.scatter.add.f32 [tilespmem:s20], [sflag:$0x6], $0x40, s12, s16, $0xb8;
	[tilespmem:$0x1EB40] =	vst v63  }
0x59: {  	_ =	swait.ge [sflag:s26], $0x2000  }
0x5a: {  	[sflag:s26] =	ssyncset.done $0x0  }
0x5b: {  	s1 =	sadd.s32 $0x280, s1;
	[sflag:s26] =	ssyncadd.s32 $0xFFFFE000  }
0x5c: {  	[tilespmem:s20], [sflag:$0x3] =	stream.indirect.gather [spmem:s3], $0x40, s1, s16, $0xb8;
	[tilespmem:$0x1EB40] =	vst v63  }
0x5d: {  	_ =	swait.ge [sflag:s21], $0x2000  }
0x5e: {  	[sflag:s21] =	ssyncset.done $0x0  }
0x5f: {  	[sflag:s21] =	ssyncadd.s32 $0xFFFFE000  }
0x60: {  	[spmem:s2] =	stream.indirect.scatter.add.f32 [tilespmem:s17], [sflag:$0x4], $0x40, s28, s16, $0xb8;
	[tilespmem:$0x1EB40] =	vst v63  }
0x61: {  	_ =	swait.ge [sflag:s22], $0x2000  }
0x62: {  	[sflag:s22] =	ssyncset.done $0x0  }
0x63: {  	[sflag:s22] =	ssyncadd.s32 $0xFFFFE000  }
0x64: {  	_ =	swait.ge [sflag:s23], $0x2000  }
0x65: {  	[sflag:s23] =	ssyncset.done $0x0  }
0x66: {  	[sflag:s23] =	ssyncadd.s32 $0xFFFFE000  }
0x67: {  	[spmem:s2] =	stream.indirect.scatter.add.f32 [tilespmem:s18], [sflag:$0x5], $0x40, s29, s16, $0xb8;
	[tilespmem:$0x1EB40] =	vst v63  }
0x68: {  	_ =	swait.ge [sflag:s24], $0x2000  }
0x69: {  	[sflag:s24] =	ssyncset.done $0x0  }
0x6a: {  	[sflag:s24] =	ssyncadd.s32 $0xFFFFE000  }
0x6b: {  	_ =	swait.ge [sflag:s25], $0x2000  }
0x6c: {  	[sflag:s25] =	ssyncset.done $0x0  }
0x6d: {  	[sflag:s25] =	ssyncadd.s32 $0xFFFFE000  }
0x6e: {  	[spmem:s2] =	stream.indirect.scatter.add.f32 [tilespmem:s20], [sflag:$0x6], $0x40, s30, s16, $0xb8;
	[tilespmem:$0x1EB40] =	vst v63  }
0x6f: {  	_ =	swait.ge [sflag:s26], $0x2000  }
0x70: {  	s31 =	sadd.s32 $0x1, s31;
	[sflag:s26] =	ssyncset.done $0x0  }
0x71: {  	p0 =	sne.s32 s31, s10;
	[sflag:s26] =	ssyncadd.s32 $0xFFFFE000  }
.Ltmp1:
0x72: {  	[bflag:$0x0] =	sbarrier.arrive $0xFFFF;
	(pc) =	sbr.rel @p0 .LBB2_1-.Ltmp1, $4  }
0x73: {  	[hbm:s9], [sflag:s13] =	dma.local [spmem:s14], $0x13C0  }
0x74: {  	_ =	swait.ge [sflag:s11], $0x13C0  }
0x75: {  	[sflag:s11] =	ssyncset.done $0x0  }
0x76: {  	[sflag:s11] =	ssyncadd.s32 $0xFFFFEC40  }
0x77: {  	_ =	sfence.sel $0x180000  }
0x78: {  	[bflag:$0x0] =	sbarrier.arrive $0xFFFF  }
0x79: {  	_ =	strace $0x90000053  }
0x7a: {  	s0 =	stileid.u32;
	[bflag:$0x2] =	sbarrier.arrive $0xFFFF  }
0x7b: {  	p0 =	sne.s32 s0, $0x0;
	s0 =	rddreg [dreg:$0x4]  }
0x7c: {  	s0 =	sadd.s32 @!p0 $0x100000, s0  }
0x7d: {  	[sflag:s0] =	ssyncadd.tile.s32 @!p0 $0x1;
	_ =	shalt  }
.Lfunc_end2:
_tile_overlayer_lowered:
.L_overlay_start_2:
0x7e: {  	(tag) =	ssettag $0x2  }
0x7f: {  	s0 =	rddreg [dreg:$0x0];
	s2 =	stileid.u32  }
0x80: {  	s1 =	rddreg [dreg:$0x1];
	p0 =	sne.s32 s2, $0x0  }
0x81: {  	s3 =	rddreg [dreg:$0x2];
	[bflag:$0x3] =	sbarrier.arrive $0xFFFF;
	s2 =	simm.s32 @!p0 $0x1C07  }
0x82: {  	[timem:s3], [sflag:s2] =	dma.local @!p0 [hbm:s0], s1  }
0x83: {  	s0 =	simm.s32 @!p0 $0x7  }
0x84: {  	_ =	swait.ge @!p0 [sflag:s0], s1  }
0x85: {  	s1 =	ssub.s32 @!p0 $0x0, s1;
	[sflag:s0] =	ssyncset.done @!p0 $0x0  }
0x86: {  	[sflag:s0] =	ssyncadd.s32 @!p0 s1  }
0x87: {  	[bflag:$0x3] =	sbarrier.arrive $0xFFFF  }
0x88: {  	_ =	shalt  }

// kernel: kernel.28.cloned.1.call-start
scs
__scs_entry_jumppad:
0x0: {  	(pc) =	sbr.rel $0x88, $3  }
0x1: {  	(tag) =	ssettag $0x0;
	lr =	simm.s32 $0x1  }
0x2: {  	[smem:$0x3F95] =	sst lr;
	_ =	strace $0xD0000000  }
0x3: {  	_ = 	snop  }
0x4: {  	_ = 	snop  }
0x5: {  	_ = 	snop  }
0x6: {  	_ = 	snop  }
0x7: {  	_ = 	snop  }
__scs_overlays_trampoline_lowered:
0x8: {  	[smem:$0x3FA4] =	sst s0  }
0x9: {  	[smem:$0x3FA5] =	sst s1  }
0xa: {  	[smem:$0x3FA6] =	sst s2  }
0xb: {  	[smem:$0x3FA7] =	sst s3  }
0xc: {  	[smem:$0x3FA8] =	sst s4  }
0xd: {  	[smem:$0x3FA9] =	sst s5  }
0xe: {  	[smem:$0x3FAA] =	sst s6  }
0xf: {  	[smem:$0x3FAB] =	sst s7  }
0x10: {  	[smem:$0x3FAC] =	sst s8  }
0x11: {  	[smem:$0x3FAD] =	sst s9;
	s0 =	simm.s32 @!p0 $0x0  }
0x12: {  	s1 =	sld [smem:$0x3F93];
	s0 =	simm.s32 @p0 $0x1  }
0x13: {  	[smem:$0x3FAE] =	sst s0;
	s0 =	simm.s32 @!p1 $0x0  }
0x14: {  	s2 =	sld [smem:$0x3F92];
	s0 =	simm.s32 @p1 $0x1  }
0x15: {  	[smem:$0x3FAF] =	sst s0;
	s0 =	simm.s32 @!p2 $0x0  }
0x16: {  	s3 =	sld [smem:$0x3FDB];
	s0 =	simm.s32 @p2 $0x1  }
0x17: {  	s4 =	simm.s32 $0x1BF5;
	[smem:$0x3FB1] =	sst s0  }
0x18: {  	s0 =	sld [smem:$0x3F94];
	_ =	swait.ge [sflag:s4], $0x0  }
0x19: {  	s7 =	sld [smem:$0x3F95]  }
0x1a: {  	s8 =	sadd.s32 $0xFFFFE003, lr  }
0x1b: {  	s9 =	sadd.s32 $0xFFFFFEF7, lr;
	s5 =	simm.s32 $0xFFFFFFFF;
	p2 =	slt.u32 s8, $0xFFFFF086  }
0x1c: {  	p1 =	slt.u32 s9, $0xF7A;
	s5 =	simm.s32 @!p2 $0x0  }
0x1d: {  	s5 =	simm.s32 @p1 $0x1;
	p0 =	seq.s32 s7, s2  }
0x1e: {  	s7 =	smul.u32 @!p0 $0xF7A, s2;
	p2 =	seq.s32 @!p0 s5, $0x0  }
0x1f: {  	s9 =	smul.u32 $0xF7A, s1;
	s8 =	simm.s32 @!p0 $0x1BF5;
	p2 =	por !p2, p0  }
0x20: {  	[sflag:s8] =	ssyncset.s32 @!p0 $0xFFFFF086;
	s6 =	sadd.s32 @!p0 s3, s7;
	s7 =	simm.s32 @!p0 $0x108  }
0x21: {  	s3 =	sadd.s32 s3, s9;
	s6 =	sadd.s32 @!p0 $0x88, s6;
	s7 =	simm.s32 @p2 $0x1082  }
0x22: {  	[simem:s7], [sflag:s8] =	dma.local @!p0 [hbm:s6], $0xF7A  }
0x23: {  	s9 =	sor.u32 $0xD0000000, s2;
	s6 =	simm.s32 $0x108;
	_ =	swait.ge @!p0 [sflag:s8], $0x0  }
0x24: {  	s3 =	sadd.s32 $0x88, s3;
	s6 =	simm.s32 @!p1 $0x1082;
	[sflag:s4] =	ssyncset.s32 $0xFFFFF086  }
0x25: {  	[simem:s6], [sflag:s4] =	dma.local [hbm:s3], $0xF7A  }
0x26: {  	[smem:$0x3F95] =	sst s1;
	(tag) =	ssettag s2;
	_ =	strace s9  }
0x27: {  	s1 =	sld [smem:$0x3FA5]  }
0x28: {  	s2 =	sld [smem:$0x3FA6]  }
0x29: {  	s4 =	sld [smem:$0x3FA8]  }
0x2a: {  	p0 =	seq.s32 s5, $0x0;
	s5 =	sld [smem:$0x3FA9]  }
0x2b: {  	s6 =	sld [smem:$0x3FAA]  }
0x2c: {  	s7 =	sld [smem:$0x3FAB]  }
0x2d: {  	s3 =	simm.s32 $0x108;
	s8 =	sld [smem:$0x3FAC]  }
0x2e: {  	s3 =	simm.s32 @!p0 $0x1082;
	s9 =	sld [smem:$0x3FAD]  }
0x2f: {  	lr =	sadd.s32 s0, s3;
	s0 =	sld [smem:$0x3FA4]  }
0x30: {  	s3 =	sld [smem:$0x3FA7]  }
0x31: {  	[smem:$0x3FB0] =	sst s10  }
0x32: {  	s10 =	sld [smem:$0x3FAE];
	_ =	sdelay $0x3  }
0x33: {  	p0 =	seq.s32 s10, $0x1;
	s10 =	sld [smem:$0x3FB0];
	_ =	sdelay $0x3  }
0x34: {  	[smem:$0x3FB0] =	sst s10  }
0x35: {  	s10 =	sld [smem:$0x3FAF];
	_ =	sdelay $0x3  }
0x36: {  	p1 =	seq.s32 s10, $0x1;
	s10 =	sld [smem:$0x3FB0];
	_ =	sdelay $0x3  }
0x37: {  	[smem:$0x3FB0] =	sst s10  }
0x38: {  	s10 =	sld [smem:$0x3FB1]  }
0x39: {  	_ = 	snop;
	(pc) =	sbr.ind lr, $3  }
0x3a: {  	_ = 	snop  }
0x3b: {  	_ = 	snop  }
0x3c: {  	p2 =	seq.s32 s10, $0x1;
	s10 =	sld [smem:$0x3FB0]  }
0x3d: {  	_ =	shalt  }
0x3e: {  	_ =	shalt  }
0x3f: {  	_ =	shalt  }
0x40: {  	_ =	shalt  }
0x41: {  	_ =	shalt  }
0x42: {  	_ =	shalt  }
0x43: {  	_ =	shalt  }
0x44: {  	_ =	shalt  }
0x45: {  	_ =	shalt  }
0x46: {  	_ =	shalt  }
0x47: {  	_ =	shalt  }
0x48: {  	_ =	shalt  }
0x49: {  	_ =	shalt  }
0x4a: {  	_ =	shalt  }
0x4b: {  	_ =	shalt  }
0x4c: {  	_ =	shalt  }
0x4d: {  	_ =	shalt  }
0x4e: {  	_ =	shalt  }
0x4f: {  	_ =	shalt  }
0x50: {  	_ =	shalt  }
0x51: {  	_ =	shalt  }
0x52: {  	_ =	shalt  }
0x53: {  	_ =	shalt  }
0x54: {  	_ =	shalt  }
0x55: {  	_ =	shalt  }
0x56: {  	_ =	shalt  }
0x57: {  	_ =	shalt  }
0x58: {  	_ =	shalt  }
0x59: {  	_ =	shalt  }
0x5a: {  	_ =	shalt  }
0x5b: {  	_ =	shalt  }
0x5c: {  	_ =	shalt  }
0x5d: {  	_ =	shalt  }
0x5e: {  	_ =	shalt  }
0x5f: {  	_ =	shalt  }
0x60: {  	_ =	shalt  }
0x61: {  	_ =	shalt  }
0x62: {  	_ =	shalt  }
0x63: {  	_ =	shalt  }
0x64: {  	_ =	shalt  }
0x65: {  	_ =	shalt  }
0x66: {  	_ =	shalt  }
0x67: {  	_ =	shalt  }
0x68: {  	_ =	shalt  }
0x69: {  	_ =	shalt  }
0x6a: {  	_ =	shalt  }
0x6b: {  	_ =	shalt  }
0x6c: {  	_ =	shalt  }
0x6d: {  	_ =	shalt  }
0x6e: {  	_ =	shalt  }
0x6f: {  	_ =	shalt  }
0x70: {  	_ =	shalt  }
0x71: {  	_ =	shalt  }
0x72: {  	_ =	shalt  }
0x73: {  	_ =	shalt  }
0x74: {  	_ =	shalt  }
0x75: {  	_ =	shalt  }
0x76: {  	_ =	shalt  }
0x77: {  	_ =	shalt  }
0x78: {  	_ =	shalt  }
0x79: {  	_ =	shalt  }
0x7a: {  	_ =	shalt  }
0x7b: {  	_ =	shalt  }
0x7c: {  	_ =	shalt  }
0x7d: {  	_ =	shalt  }
0x7e: {  	_ =	shalt  }
0x7f: {  	_ =	shalt  }
0x80: {  	_ =	shalt  }
0x81: {  	_ =	shalt  }
0x82: {  	_ =	shalt  }
0x83: {  	_ =	shalt  }
0x84: {  	_ =	shalt  }
0x85: {  	_ =	shalt  }
0x86: {  	_ =	shalt  }
0x87: {  	_ =	shalt  }
.Lfunc_end0:
.L_simem_size_0:
called_computation.4_lowered:
.L_overlay_start_0:
0x88: {  	s2 =	sld [smem:$0x3FD9]  }
0x89: {  	s3 =	sld [smem:$0x3FFE];
	_ =	sdelay $0x1  }
0x8a: {  	s1 =	srdreg.scid  }
0x8b: {  	s0 =	sand.u32 $0x1, s1  }
0x8c: {  	s14 =	sshll.u32 s0, $0xA;
	s2 =	sadd.s32 s3, s2  }
0x8d: {  	s2 =	sadd.s32 s2, s14  }
0x8e: {  	[smem:$0x3FBC] =	sst s2  }
0x8f: {  	_ = 	snop  }
0x90: {  	s2 =	sld [smem:$0x3FD0];
	_ =	sdelay $0x2  }
0x91: {  	s15 =	simm.s32 $0xB;
	s4 =	simm.s32 $0x10  }
0x92: {  	[smem:s4], [sflag:s15] =	dma.local [hbm:s2], $0x1  }
0x93: {  	_ =	swait.eq [sflag:s15], $0x1  }
0x94: {  	[sflag:s15] =	ssyncset.done $0x0  }
0x95: {  	[sflag:s15] =	ssyncadd.s32 $0xFFFFFFFF  }
0x96: {  	s16 =	sld [smem:$0x10];
	(tm) =	ssettm $0x1  }
0x97: {  	s17 =	sld [smem:$0x3FFB];
	_ =	sdelay $0x3  }
0x98: {  	_ =	strace s17  }
0x99: {  	s3 =	sld [smem:$0x3FFC];
	_ =	sdelay $0x3  }
0x9a: {  	_ =	strace s3  }
0x9b: {  	s3 =	sld [smem:$0x3FFD];
	_ =	sdelay $0x3  }
0x9c: {  	_ =	strace s3  }
0x9d: {  	_ =	strace $0x8FFFFFFF  }
0x9e: {  	s18 =	sld [smem:$0x3FDB];
	_ =	sdelay $0x1  }
0x9f: {  	s19 =	simm.s32 $_scs_section_size  }
0xa0: {  	s5 =	simm.s32 $_size__tile_overlayer_lowered;
	s6 =	simm.s32 $_tile_overlayer_lowered  }
0xa1: {  	s22 =	simm.s32 $0x1BFF;
	s21 =	sshll.u32 s6, $0x1;
	s3 =	sadd.s32 s19, s18  }
0xa2: {  	s7 =	simm.s32 $0x0;
	s20 =	sshll.u32 s5, $0x1;
	s5 =	sadd.s32 s21, s3  }
0xa3: {  	[timem:s7], [sflag:s22] =	dma.local [hbm:s5], s20  }
0xa4: {  	_ =	swait.ge [sflag:s22], s20  }
0xa5: {  	s4 =	ssub.s32 $0x0, s20;
	[sflag:s22] =	ssyncset.done $0x0  }
0xa6: {  	[sflag:s22] =	ssyncadd.s32 s4;
	_ =	sdelay $0x1  }
0xa7: {  	s23 =	simm.s32 $0x1B8B  }
0xa8: {  	_ =	swait.ge [sflag:s23], $0x1  }
0xa9: {  	[sflag:s23] =	ssyncset.done $0x0  }
0xaa: {  	s25 =	simm.s32 $0x1B8E;
	s24 =	sld [smem:$0x3FFE];
	[sflag:s23] =	ssyncadd.s32 $0xFFFFFFFF  }
0xab: {  	s26 =	simm.s32 $execute0_lowered;
	[smem:$0x3FD2] =	sst s25  }
0xac: {  	s5 =	sshll.u32 s26, $0x1;
	_ =	strace $0x8000004F;
	[dreg:$0x1] =	wrdreg $0xFFFFFFFF  }
0xad: {  	s28 =	simm.s32 $_size_execute0_lowered;
	s3 =	sadd.s32 s3, s5;
	[dreg:$0x0] =	wrdreg $0x0  }
0xae: {  	s5 =	sshll.u32 s28, $0x1;
	[dreg:$0x2] =	wrdreg s3  }
0xaf: {  	[dreg:$0x3] =	wrdreg s5  }
0xb0: {  	[dreg:$0x4] =	wrdreg $0xC0  }
0xb1: {  	_ =	task [dreg:s7], $0x5FFFF  }
0xb2: {  	[dreg:$0x1] =	wrdreg $0xFFFFFFFF  }
0xb3: {  	[dreg:$0x0] =	wrdreg $0x60  }
0xb4: {  	[dreg:$0x2] =	wrdreg s16  }
0xb5: {  	[dreg:$0x3] =	wrdreg s24  }
0xb6: {  	[dreg:$0x4] =	wrdreg $0xB1000  }
0xb7: {  	[dreg:$0x5] =	wrdreg $0x14F000  }
0xb8: {  	[dreg:$0x6] =	wrdreg $0xA  }
0xb9: {  	_ =	task.clear_ibuf [dreg:s7], $0x7FFFF;
	_ =	strace $0x9000004F  }
0xba: {  	s29 =	simm.s32 $0xA;
	_ =	strace $0x80000051  }
0xbb: {  	_ =	swait.ge [sflag:s29], $0x1  }
0xbc: {  	[sflag:s29] =	ssyncadd.s32 $0xFFFFFFFF  }
0xbd: {  	_ =	strace $0x90000051  }
0xbe: {  	_ =	sfence  }
0xbf: {  	s30 =	sld [smem:$0x0];
	_ =	sdelay $0x2  }
0xc0: {  	s31 =	sshll.u32 s1, $0xD;
	s1 =	sshrl.u32 s1, $0x2  }
0xc1: {  	s3 =	sand.u32 $0x4000, s31;
	s1 =	sadd.s32 s1, s30  }
0xc2: {  	s0 =	sor.u32 s3, s0;
	s1 =	sshll.u32 s1, $0x11  }
0xc3: {  	s0 =	sor.u32 s1, s0  }
0xc4: {  	s0 =	sadd.s32 $0x8F2B, s0  }
0xc5: {  	[sflag:s0] =	ssyncadd.remote.s32 $0x1  }
0xc6: {  	_ =	sfence.sel $0xFFFF  }
0xc7: {  	[dreg:$0x0] =	wrdreg $0xFFFFFFFF;
	(pc) =	sbr.abs _section_cstart, $3  }
0xc8: {  	[dreg:$0x1] =	wrdreg $0xFFFFFFFF  }
0xc9: {  	_ =	task.clear_ibuf [dreg:s7], $0x2FFFF;
	_ =	strace $0x9FFFFFFF  }
0xca: {  	(tm) =	ssettm $0x7FFFFFFF  }
0xcb: {  	_ =	shalt  }
tec
execute0_lowered:
.L_overlay_start_1:
0x0: {  	(tag) =	ssettag $0x1  }
0x1: {  	s0 =	rddreg [dreg:$0x0]  }
0x2: {  	s1 =	srdreg.scid;
	s5 =	rddreg [dreg:$0x1]  }
0x3: {  	s12 =	stileid.u32;
	s2 =	rddreg [dreg:$0x2];
	s16 =	simm.s32 $0x80  }
0x4: {  	s17 =	simm.s32 $0x5100;
	s18 =	simm.s32 $0x7100;
	s19 =	simm.s32 $0x100  }
0x5: {  	s20 =	simm.s32 $0x9100;
	s21 =	simm.s32 $0x1;
	s22 =	simm.s32 $0x4  }
0x6: {  	s23 =	simm.s32 $0x2;
	s28 =	simm.s32 $0x4F80;
	s29 =	simm.s32 $0x5000  }
0x7: {  	s30 =	simm.s32 $0x5080;
	s31 =	simm.s32 $0x0;
	s7 =	smul.u32 $0x9E00, s12  }
0x8: {  	s1 =	sand.u32 $0x1, s1;
	s3 =	sshll.u32 s12, $0x1;
	s8 =	smul.u32 $0x13C0, s12  }
0x9: {  	s25 =	smul.u32 $0x9C40, s12;
	s26 =	sshll.u32 s12, $0x6;
	s4 =	sor.u32 s1, s3  }
0xa: {  	s3 =	rddreg [dreg:$0x3];
	s9 =	smul.u32 $0x13C00, s1;
	s1 =	ssub.s32 $0x2, s1  }
0xb: {  	s13 =	sor.u32 $0x1C07, s26;
	s26 =	simm.s32 $0x6;
	s6 =	smul.u32 $0x510, s4  }
0xc: {  	s4 =	simm.s32 $0x0;
	s10 =	sshrl.u32 s7, $0x3;
	s24 =	sshrl.u32 s1, $0x1  }
0xd: {  	s14 =	sadd.s32 s7, s2;
	s15 =	sadd.s32 s25, s3;
	[smem:$0x7FF] =	sst s4  }
0xe: {  	s10 =	sadd.s32 s10, s5;
	s8 =	sadd.s32 s8, s9;
	s1 =	ssub.s32 s1, s24  }
0xf: {  	s14 =	sshrl.u32 s14, $0x3;
	s15 =	sshrl.u32 s15, $0x3;
	s24 =	simm.s32 $0x5  }
0x10: {  	_ =	strace $0x80000050;
	s6 =	sadd.s32 s6, s5;
	s11 =	sadd.s32 s8, s5  }
0x11: {  	s7 =	sadd.s32 $0x55200, s10;
	s8 =	sshrl.u32 s25, $0x3;
	s10 =	smax.u32 s1, $0x1  }
0x12: {  	s25 =	simm.s32 $0x3;
	s5 =	sadd.s32 $0x10400, s6;
	s6 =	sadd.s32 $0x6200, s6  }
0x13: {  	s8 =	sadd.s32 s0, s8;
	s9 =	sadd.s32 $0x90000, s11;
	s11 =	simm.s32 $0x7  }
.LBB2_1:
0x14: {  	[tilespmem:s4], [sflag:$0x7] =	stream.linear.gather [hbm4b:s5+s4], $0x2880, $0x38;
	[tilespmem:$0x1EB40] =	vst v63  }
0x15: {  	_ =	swait.ge [sflag:s11], $0x2880  }
0x16: {  	[sflag:s11] =	ssyncset.done $0x0  }
0x17: {  	s0 =	simm.s32 $0x2880;
	[sflag:s11] =	ssyncadd.s32 $0xFFFFD780  }
0x18: {  	[tilespmem:s0], [sflag:$0x7] =	stream.linear.gather [hbm4b:s6+s4], $0x2880, $0x38;
	[tilespmem:$0x1EB40] =	vst v63  }
0x19: {  	_ =	swait.ge [sflag:s11], $0x2880  }
0x1a: {  	[sflag:s11] =	ssyncset.done $0x0  }
0x1b: {  	[sflag:s11] =	ssyncadd.s32 $0xFFFFD780  }
0x1c: {  	[spmem:s14], [sflag:s13] =	dma.local [hbm:s7], $0x13C0  }
0x1d: {  	_ =	swait.ge [sflag:s11], $0x13C0  }
0x1e: {  	[sflag:s11] =	ssyncset.done $0x0  }
0x1f: {  	[sflag:s11] =	ssyncadd.s32 $0xFFFFEC40  }
0x20: {  	[spmem:s15], [sflag:s13] =	dma.local [hbm:s8], $0x1388  }
0x21: {  	_ =	swait.ge [sflag:s11], $0x1388  }
0x22: {  	[sflag:s11] =	ssyncset.done $0x0  }
0x23: {  	[sflag:s11] =	ssyncadd.s32 $0xFFFFEC78  }
0x24: {  	[bflag:$0x0] =	sbarrier.arrive $0xFFFF  }
0x25: {  	[tilespmem:s17], [sflag:$0x1] =	stream.indirect.gather [spmem:s3], $0x40, s4, s16, $0xb8;
	[tilespmem:$0x1EB40] =	vst v63  }
0x26: {  	_ = 	snop  }
0x27: {  	[tilespmem:s18], [sflag:$0x2] =	stream.indirect.gather [spmem:s3], $0x40, s16, s16, $0xb8;
	[tilespmem:$0x1EB40] =	vst v63  }
0x28: {  	_ = 	snop  }
0x29: {  	[tilespmem:s20], [sflag:$0x3] =	stream.indirect.gather [spmem:s3], $0x40, s19, s16, $0xb8;
	[tilespmem:$0x1EB40] =	vst v63  }
0x2a: {  	_ =	swait.ge [sflag:s21], $0x2000  }
0x2b: {  	[sflag:s21] =	ssyncset.done $0x0  }
0x2c: {  	s12 =	simm.s32 $0x2880;
	[sflag:s21] =	ssyncadd.s32 $0xFFFFE000  }
0x2d: {  	[spmem:s2] =	stream.indirect.scatter.add.f32 [tilespmem:s17], [sflag:$0x4], $0x40, s12, s16, $0xb8;
	[tilespmem:$0x1EB40] =	vst v63  }
0x2e: {  	_ =	swait.ge [sflag:s22], $0x2000  }
0x2f: {  	[sflag:s22] =	ssyncset.done $0x0  }
0x30: {  	s1 =	simm.s32 $0x180;
	[sflag:s22] =	ssyncadd.s32 $0xFFFFE000  }
0x31: {  	[tilespmem:s17], [sflag:$0x1] =	stream.indirect.gather [spmem:s3], $0x40, s1, s16, $0xb8;
	[tilespmem:$0x1EB40] =	vst v63  }
0x32: {  	_ =	swait.ge [sflag:s23], $0x2000  }
0x33: {  	[sflag:s23] =	ssyncset.done $0x0  }
0x34: {  	s12 =	simm.s32 $0x2900;
	[sflag:s23] =	ssyncadd.s32 $0xFFFFE000  }
0x35: {  	[spmem:s2] =	stream.indirect.scatter.add.f32 [tilespmem:s18], [sflag:$0x5], $0x40, s12, s16, $0xb8;
	[tilespmem:$0x1EB40] =	vst v63  }
0x36: {  	_ =	swait.ge [sflag:s24], $0x2000  }
0x37: {  	[sflag:s24] =	ssyncset.done $0x0  }
0x38: {  	s1 =	simm.s32 $0x200;
	[sflag:s24] =	ssyncadd.s32 $0xFFFFE000  }
0x39: {  	[tilespmem:s18], [sflag:$0x2] =	stream.indirect.gather [spmem:s3], $0x40, s1, s16, $0xb8;
	[tilespmem:$0x1EB40] =	vst v63  }
0x3a: {  	_ =	swait.ge [sflag:s25], $0x2000  }
0x3b: {  	[sflag:s25] =	ssyncset.done $0x0  }
0x3c: {  	s12 =	simm.s32 $0x2980;
	[sflag:s25] =	ssyncadd.s32 $0xFFFFE000  }
0x3d: {  	[spmem:s2] =	stream.indirect.scatter.add.f32 [tilespmem:s20], [sflag:$0x6], $0x40, s12, s16, $0xb8;
	[tilespmem:$0x1EB40] =	vst v63  }
0x3e: {  	_ =	swait.ge [sflag:s26], $0x2000  }
0x3f: {  	[sflag:s26] =	ssyncset.done $0x0  }
0x40: {  	s0 =	simm.s32 $0x280;
	s1 =	simm.s32 $0x600;
	[sflag:s26] =	ssyncadd.s32 $0xFFFFE000  }
.LBB2_2:
0x41: {  	[tilespmem:s20], [sflag:$0x3] =	stream.indirect.gather [spmem:s3], $0x40, s0, s16, $0xb8;
	[tilespmem:$0x1EB40] =	vst v63  }
0x42: {  	s0 =	smov.u32 s1  }
0x43: {  	p0 =	sne.s32 s1, $0x9600;
	s1 =	sadd.s32 $0x600, s1;
	_ =	swait.ge [sflag:s21], $0x2000  }
0x44: {  	s0 =	sshra.s32 s0, $0x2;
	[sflag:s21] =	ssyncset.done $0x0  }
0x45: {  	s12 =	sadd.s32 $0x2880, s0;
	[sflag:s21] =	ssyncadd.s32 $0xFFFFE000  }
0x46: {  	[spmem:s2] =	stream.indirect.scatter.add.f32 [tilespmem:s17], [sflag:$0x4], $0x40, s12, s16, $0xb8;
	[tilespmem:$0x1EB40] =	vst v63  }
0x47: {  	_ =	swait.ge [sflag:s22], $0x2000  }
0x48: {  	[sflag:s22] =	ssyncset.done $0x0  }
0x49: {  	s12 =	sadd.s32 $0x180, s0;
	[sflag:s22] =	ssyncadd.s32 $0xFFFFE000  }
0x4a: {  	[tilespmem:s17], [sflag:$0x1] =	stream.indirect.gather [spmem:s3], $0x40, s12, s16, $0xb8;
	[tilespmem:$0x1EB40] =	vst v63  }
0x4b: {  	_ =	swait.ge [sflag:s23], $0x2000  }
0x4c: {  	[sflag:s23] =	ssyncset.done $0x0  }
0x4d: {  	s12 =	sadd.s32 $0x2900, s0;
	[sflag:s23] =	ssyncadd.s32 $0xFFFFE000  }
0x4e: {  	[spmem:s2] =	stream.indirect.scatter.add.f32 [tilespmem:s18], [sflag:$0x5], $0x40, s12, s16, $0xb8;
	[tilespmem:$0x1EB40] =	vst v63  }
0x4f: {  	_ =	swait.ge [sflag:s24], $0x2000  }
0x50: {  	[sflag:s24] =	ssyncset.done $0x0  }
0x51: {  	s12 =	sadd.s32 $0x200, s0;
	[sflag:s24] =	ssyncadd.s32 $0xFFFFE000  }
0x52: {  	[tilespmem:s18], [sflag:$0x2] =	stream.indirect.gather [spmem:s3], $0x40, s12, s16, $0xb8;
	[tilespmem:$0x1EB40] =	vst v63  }
0x53: {  	_ =	swait.ge [sflag:s25], $0x2000  }
0x54: {  	[sflag:s25] =	ssyncset.done $0x0  }
.Ltmp0:
0x55: {  	s12 =	sadd.s32 $0x2980, s0;
	[sflag:s25] =	ssyncadd.s32 $0xFFFFE000;
	(pc) =	sbr.rel @p0 .LBB2_2-.Ltmp0, $4  }
0x56: {  	[spmem:s2] =	stream.indirect.scatter.add.f32 [tilespmem:s20], [sflag:$0x6], $0x40, s12, s16, $0xb8;
	[tilespmem:$0x1EB40] =	vst v63  }
0x57: {  	_ =	swait.ge [sflag:s26], $0x2000  }
0x58: {  	[sflag:s26] =	ssyncset.done $0x0  }
0x59: {  	s0 =	sadd.s32 $0x280, s0;
	[sflag:s26] =	ssyncadd.s32 $0xFFFFE000  }
0x5a: {  	[tilespmem:s20], [sflag:$0x3] =	stream.indirect.gather [spmem:s3], $0x40, s0, s16, $0xb8;
	[tilespmem:$0x1EB40] =	vst v63  }
0x5b: {  	_ =	swait.ge [sflag:s21], $0x2000  }
0x5c: {  	[sflag:s21] =	ssyncset.done $0x0  }
0x5d: {  	[sflag:s21] =	ssyncadd.s32 $0xFFFFE000  }
0x5e: {  	[spmem:s2] =	stream.indirect.scatter.add.f32 [tilespmem:s17], [sflag:$0x4], $0x40, s28, s16, $0xb8;
	[tilespmem:$0x1EB40] =	vst v63  }
0x5f: {  	_ =	swait.ge [sflag:s22], $0x2000  }
0x60: {  	[sflag:s22] =	ssyncset.done $0x0  }
0x61: {  	[sflag:s22] =	ssyncadd.s32 $0xFFFFE000  }
0x62: {  	_ =	swait.ge [sflag:s23], $0x2000  }
0x63: {  	[sflag:s23] =	ssyncset.done $0x0  }
0x64: {  	[sflag:s23] =	ssyncadd.s32 $0xFFFFE000  }
0x65: {  	[spmem:s2] =	stream.indirect.scatter.add.f32 [tilespmem:s18], [sflag:$0x5], $0x40, s29, s16, $0xb8;
	[tilespmem:$0x1EB40] =	vst v63  }
0x66: {  	_ =	swait.ge [sflag:s24], $0x2000  }
0x67: {  	[sflag:s24] =	ssyncset.done $0x0  }
0x68: {  	[sflag:s24] =	ssyncadd.s32 $0xFFFFE000  }
0x69: {  	_ =	swait.ge [sflag:s25], $0x2000  }
0x6a: {  	[sflag:s25] =	ssyncset.done $0x0  }
0x6b: {  	[sflag:s25] =	ssyncadd.s32 $0xFFFFE000  }
0x6c: {  	[spmem:s2] =	stream.indirect.scatter.add.f32 [tilespmem:s20], [sflag:$0x6], $0x40, s30, s16, $0xb8;
	[tilespmem:$0x1EB40] =	vst v63  }
0x6d: {  	_ =	swait.ge [sflag:s26], $0x2000  }
0x6e: {  	s31 =	sadd.s32 $0x1, s31;
	[sflag:s26] =	ssyncset.done $0x0  }
0x6f: {  	p0 =	sne.s32 s31, s10;
	[sflag:s26] =	ssyncadd.s32 $0xFFFFE000  }
.Ltmp1:
0x70: {  	[bflag:$0x0] =	sbarrier.arrive $0xFFFF;
	(pc) =	sbr.rel @p0 .LBB2_1-.Ltmp1, $4  }
0x71: {  	[hbm:s9], [sflag:s13] =	dma.local [spmem:s14], $0x13C0  }
0x72: {  	_ =	swait.ge [sflag:s11], $0x13C0  }
0x73: {  	[sflag:s11] =	ssyncset.done $0x0  }
0x74: {  	[sflag:s11] =	ssyncadd.s32 $0xFFFFEC40  }
0x75: {  	_ =	sfence.sel $0x180000  }
0x76: {  	[bflag:$0x0] =	sbarrier.arrive $0xFFFF  }
0x77: {  	_ =	strace $0x90000050  }
0x78: {  	s0 =	stileid.u32;
	[bflag:$0x2] =	sbarrier.arrive $0xFFFF  }
0x79: {  	p0 =	sne.s32 s0, $0x0;
	s0 =	rddreg [dreg:$0x4]  }
0x7a: {  	s0 =	sadd.s32 @!p0 $0x100000, s0  }
0x7b: {  	[sflag:s0] =	ssyncadd.tile.s32 @!p0 $0x1;
	_ =	shalt  }
.Lfunc_end2:
_tile_overlayer_lowered:
.L_overlay_start_2:
0x7c: {  	(tag) =	ssettag $0x2  }
0x7d: {  	s0 =	rddreg [dreg:$0x0];
	s2 =	stileid.u32  }
0x7e: {  	s1 =	rddreg [dreg:$0x1];
	p0 =	sne.s32 s2, $0x0  }
0x7f: {  	s3 =	rddreg [dreg:$0x2];
	[bflag:$0x3] =	sbarrier.arrive $0xFFFF;
	s2 =	simm.s32 @!p0 $0x1C07  }
0x80: {  	[timem:s3], [sflag:s2] =	dma.local @!p0 [hbm:s0], s1  }
0x81: {  	s0 =	simm.s32 @!p0 $0x7  }
0x82: {  	_ =	swait.ge @!p0 [sflag:s0], s1  }
0x83: {  	s1 =	ssub.s32 @!p0 $0x0, s1;
	[sflag:s0] =	ssyncset.done @!p0 $0x0  }
0x84: {  	[sflag:s0] =	ssyncadd.s32 @!p0 s1  }
0x85: {  	[bflag:$0x3] =	sbarrier.arrive $0xFFFF  }
0x86: {  	_ =	shalt  }

// kernel: kernel.31.cloned.1.call-start
scs
__scs_entry_jumppad:
0x0: {  	(pc) =	sbr.rel $0x88, $3  }
0x1: {  	(tag) =	ssettag $0x0;
	lr =	simm.s32 $0x1  }
0x2: {  	[smem:$0x3F95] =	sst lr;
	_ =	strace $0xD0000000  }
0x3: {  	_ = 	snop  }
0x4: {  	_ = 	snop  }
0x5: {  	_ = 	snop  }
0x6: {  	_ = 	snop  }
0x7: {  	_ = 	snop  }
__scs_overlays_trampoline_lowered:
0x8: {  	[smem:$0x3FA4] =	sst s0  }
0x9: {  	[smem:$0x3FA5] =	sst s1  }
0xa: {  	[smem:$0x3FA6] =	sst s2  }
0xb: {  	[smem:$0x3FA7] =	sst s3  }
0xc: {  	[smem:$0x3FA8] =	sst s4  }
0xd: {  	[smem:$0x3FA9] =	sst s5  }
0xe: {  	[smem:$0x3FAA] =	sst s6  }
0xf: {  	[smem:$0x3FAB] =	sst s7  }
0x10: {  	[smem:$0x3FAC] =	sst s8  }
0x11: {  	[smem:$0x3FAD] =	sst s9;
	s0 =	simm.s32 @!p0 $0x0  }
0x12: {  	s1 =	sld [smem:$0x3F93];
	s0 =	simm.s32 @p0 $0x1  }
0x13: {  	[smem:$0x3FAE] =	sst s0;
	s0 =	simm.s32 @!p1 $0x0  }
0x14: {  	s2 =	sld [smem:$0x3F92];
	s0 =	simm.s32 @p1 $0x1  }
0x15: {  	[smem:$0x3FAF] =	sst s0;
	s0 =	simm.s32 @!p2 $0x0  }
0x16: {  	s3 =	sld [smem:$0x3FDB];
	s0 =	simm.s32 @p2 $0x1  }
0x17: {  	s4 =	simm.s32 $0x1BF5;
	[smem:$0x3FB1] =	sst s0  }
0x18: {  	s0 =	sld [smem:$0x3F94];
	_ =	swait.ge [sflag:s4], $0x0  }
0x19: {  	s7 =	sld [smem:$0x3F95]  }
0x1a: {  	s8 =	sadd.s32 $0xFFFFE003, lr  }
0x1b: {  	s9 =	sadd.s32 $0xFFFFFEF7, lr;
	s5 =	simm.s32 $0xFFFFFFFF;
	p2 =	slt.u32 s8, $0xFFFFF086  }
0x1c: {  	p1 =	slt.u32 s9, $0xF7A;
	s5 =	simm.s32 @!p2 $0x0  }
0x1d: {  	s5 =	simm.s32 @p1 $0x1;
	p0 =	seq.s32 s7, s2  }
0x1e: {  	s7 =	smul.u32 @!p0 $0xF7A, s2;
	p2 =	seq.s32 @!p0 s5, $0x0  }
0x1f: {  	s9 =	smul.u32 $0xF7A, s1;
	s8 =	simm.s32 @!p0 $0x1BF5;
	p2 =	por !p2, p0  }
0x20: {  	[sflag:s8] =	ssyncset.s32 @!p0 $0xFFFFF086;
	s6 =	sadd.s32 @!p0 s3, s7;
	s7 =	simm.s32 @!p0 $0x108  }
0x21: {  	s3 =	sadd.s32 s3, s9;
	s6 =	sadd.s32 @!p0 $0x88, s6;
	s7 =	simm.s32 @p2 $0x1082  }
0x22: {  	[simem:s7], [sflag:s8] =	dma.local @!p0 [hbm:s6], $0xF7A  }
0x23: {  	s9 =	sor.u32 $0xD0000000, s2;
	s6 =	simm.s32 $0x108;
	_ =	swait.ge @!p0 [sflag:s8], $0x0  }
0x24: {  	s3 =	sadd.s32 $0x88, s3;
	s6 =	simm.s32 @!p1 $0x1082;
	[sflag:s4] =	ssyncset.s32 $0xFFFFF086  }
0x25: {  	[simem:s6], [sflag:s4] =	dma.local [hbm:s3], $0xF7A  }
0x26: {  	[smem:$0x3F95] =	sst s1;
	(tag) =	ssettag s2;
	_ =	strace s9  }
0x27: {  	s1 =	sld [smem:$0x3FA5]  }
0x28: {  	s2 =	sld [smem:$0x3FA6]  }
0x29: {  	s4 =	sld [smem:$0x3FA8]  }
0x2a: {  	p0 =	seq.s32 s5, $0x0;
	s5 =	sld [smem:$0x3FA9]  }
0x2b: {  	s6 =	sld [smem:$0x3FAA]  }
0x2c: {  	s7 =	sld [smem:$0x3FAB]  }
0x2d: {  	s3 =	simm.s32 $0x108;
	s8 =	sld [smem:$0x3FAC]  }
0x2e: {  	s3 =	simm.s32 @!p0 $0x1082;
	s9 =	sld [smem:$0x3FAD]  }
0x2f: {  	lr =	sadd.s32 s0, s3;
	s0 =	sld [smem:$0x3FA4]  }
0x30: {  	s3 =	sld [smem:$0x3FA7]  }
0x31: {  	[smem:$0x3FB0] =	sst s10  }
0x32: {  	s10 =	sld [smem:$0x3FAE];
	_ =	sdelay $0x3  }
0x33: {  	p0 =	seq.s32 s10, $0x1;
	s10 =	sld [smem:$0x3FB0];
	_ =	sdelay $0x3  }
0x34: {  	[smem:$0x3FB0] =	sst s10  }
0x35: {  	s10 =	sld [smem:$0x3FAF];
	_ =	sdelay $0x3  }
0x36: {  	p1 =	seq.s32 s10, $0x1;
	s10 =	sld [smem:$0x3FB0];
	_ =	sdelay $0x3  }
0x37: {  	[smem:$0x3FB0] =	sst s10  }
0x38: {  	s10 =	sld [smem:$0x3FB1]  }
0x39: {  	_ = 	snop;
	(pc) =	sbr.ind lr, $3  }
0x3a: {  	_ = 	snop  }
0x3b: {  	_ = 	snop  }
0x3c: {  	p2 =	seq.s32 s10, $0x1;
	s10 =	sld [smem:$0x3FB0]  }
0x3d: {  	_ =	shalt  }
0x3e: {  	_ =	shalt  }
0x3f: {  	_ =	shalt  }
0x40: {  	_ =	shalt  }
0x41: {  	_ =	shalt  }
0x42: {  	_ =	shalt  }
0x43: {  	_ =	shalt  }
0x44: {  	_ =	shalt  }
0x45: {  	_ =	shalt  }
0x46: {  	_ =	shalt  }
0x47: {  	_ =	shalt  }
0x48: {  	_ =	shalt  }
0x49: {  	_ =	shalt  }
0x4a: {  	_ =	shalt  }
0x4b: {  	_ =	shalt  }
0x4c: {  	_ =	shalt  }
0x4d: {  	_ =	shalt  }
0x4e: {  	_ =	shalt  }
0x4f: {  	_ =	shalt  }
0x50: {  	_ =	shalt  }
0x51: {  	_ =	shalt  }
0x52: {  	_ =	shalt  }
0x53: {  	_ =	shalt  }
0x54: {  	_ =	shalt  }
0x55: {  	_ =	shalt  }
0x56: {  	_ =	shalt  }
0x57: {  	_ =	shalt  }
0x58: {  	_ =	shalt  }
0x59: {  	_ =	shalt  }
0x5a: {  	_ =	shalt  }
0x5b: {  	_ =	shalt  }
0x5c: {  	_ =	shalt  }
0x5d: {  	_ =	shalt  }
0x5e: {  	_ =	shalt  }
0x5f: {  	_ =	shalt  }
0x60: {  	_ =	shalt  }
0x61: {  	_ =	shalt  }
0x62: {  	_ =	shalt  }
0x63: {  	_ =	shalt  }
0x64: {  	_ =	shalt  }
0x65: {  	_ =	shalt  }
0x66: {  	_ =	shalt  }
0x67: {  	_ =	shalt  }
0x68: {  	_ =	shalt  }
0x69: {  	_ =	shalt  }
0x6a: {  	_ =	shalt  }
0x6b: {  	_ =	shalt  }
0x6c: {  	_ =	shalt  }
0x6d: {  	_ =	shalt  }
0x6e: {  	_ =	shalt  }
0x6f: {  	_ =	shalt  }
0x70: {  	_ =	shalt  }
0x71: {  	_ =	shalt  }
0x72: {  	_ =	shalt  }
0x73: {  	_ =	shalt  }
0x74: {  	_ =	shalt  }
0x75: {  	_ =	shalt  }
0x76: {  	_ =	shalt  }
0x77: {  	_ =	shalt  }
0x78: {  	_ =	shalt  }
0x79: {  	_ =	shalt  }
0x7a: {  	_ =	shalt  }
0x7b: {  	_ =	shalt  }
0x7c: {  	_ =	shalt  }
0x7d: {  	_ =	shalt  }
0x7e: {  	_ =	shalt  }
0x7f: {  	_ =	shalt  }
0x80: {  	_ =	shalt  }
0x81: {  	_ =	shalt  }
0x82: {  	_ =	shalt  }
0x83: {  	_ =	shalt  }
0x84: {  	_ =	shalt  }
0x85: {  	_ =	shalt  }
0x86: {  	_ =	shalt  }
0x87: {  	_ =	shalt  }
.Lfunc_end0:
.L_simem_size_0:
called_computation.5_lowered:
.L_overlay_start_0:
0x88: {  	s2 =	sld [smem:$0x3FD9]  }
0x89: {  	s3 =	sld [smem:$0x3FFE];
	_ =	sdelay $0x1  }
0x8a: {  	s1 =	srdreg.scid  }
0x8b: {  	s0 =	sand.u32 $0x1, s1  }
0x8c: {  	s17 =	sshll.u32 s0, $0xA;
	s2 =	sadd.s32 s3, s2  }
0x8d: {  	s2 =	sadd.s32 s2, s17  }
0x8e: {  	[smem:$0x3FBC] =	sst s2  }
0x8f: {  	_ = 	snop  }
0x90: {  	(tm) =	ssettm $0x1  }
0x91: {  	s18 =	sld [smem:$0x3FFB];
	_ =	sdelay $0x3  }
0x92: {  	_ =	strace s18  }
0x93: {  	s2 =	sld [smem:$0x3FFC];
	_ =	sdelay $0x3  }
0x94: {  	_ =	strace s2  }
0x95: {  	s2 =	sld [smem:$0x3FFD];
	_ =	sdelay $0x3  }
0x96: {  	_ =	strace s2  }
0x97: {  	_ =	strace $0x8FFFFFFF  }
0x98: {  	s19 =	sld [smem:$0x3FDB];
	_ =	sdelay $0x1  }
0x99: {  	s20 =	simm.s32 $_scs_section_size  }
0x9a: {  	s4 =	simm.s32 $_size__tile_overlayer_lowered;
	s5 =	simm.s32 $_tile_overlayer_lowered  }
0x9b: {  	s6 =	simm.s32 $0x1BFF;
	s21 =	sshll.u32 s5, $0x1;
	s3 =	sadd.s32 s20, s19  }
0x9c: {  	s22 =	simm.s32 $0x0;
	s4 =	sshll.u32 s4, $0x1;
	s5 =	sadd.s32 s21, s3  }
0x9d: {  	[timem:s22], [sflag:s6] =	dma.local [hbm:s5], s4  }
0x9e: {  	_ =	swait.ge [sflag:s6], s4  }
0x9f: {  	s4 =	ssub.s32 $0x0, s4;
	[sflag:s6] =	ssyncset.done $0x0  }
0xa0: {  	[sflag:s6] =	ssyncadd.s32 s4;
	_ =	sdelay $0x1  }
0xa1: {  	s23 =	simm.s32 $0x1B8B  }
0xa2: {  	_ =	swait.ge [sflag:s23], $0x1  }
0xa3: {  	[sflag:s23] =	ssyncset.done $0x0  }
0xa4: {  	[sflag:s23] =	ssyncadd.s32 $0xFFFFFFFF  }
0xa5: {  	s4 =	sld [smem:$0x0]  }
0xa6: {  	s5 =	sand.u32 $0xFFFFFFFE, s1  }
0xa7: {  	p0 =	sne.s32 s1, s5  }
0xa8: {  	s5 =	sshll.u32 @p0 s5, $0xE  }
0xa9: {  	s5 =	sadd.s32 @p0 $0x11B8D, s5;
	s6 =	sshll.u32 @p0 s4, $0x11  }
0xaa: {  	s5 =	sor.u32 @p0 s6, s5  }
0xab: {  	[sflag:s5] =	ssyncadd.remote.s32 @p0 $0x1;
	_ =	sdelay $0x1  }
0xac: {  	s5 =	simm.s32 @p0 $0x1B8D  }
0xad: {  	_ =	swait.eq @p0 [sflag:s5], $0x1  }
0xae: {  	[sflag:s5] =	ssyncadd.s32 @p0 $0xFFFFFFFF  }
0xaf: {  	s6 =	sshll.u32 @!p0 s1, $0xE  }
0xb0: {  	s6 =	sor.u32 @!p0 $0x4000, s6;
	s5 =	simm.s32 @!p0 $0x1B8D  }
0xb1: {  	s4 =	sshll.u32 @!p0 s4, $0x11;
	s6 =	sadd.s32 @!p0 $0x11B8D, s6;
	_ =	swait.eq @!p0 [sflag:s5], $0x1  }
0xb2: {  	s4 =	sor.u32 @!p0 s4, s6;
	[sflag:s5] =	ssyncadd.s32 @!p0 $0xFFFFFFFF  }
0xb3: {  	s25 =	simm.s32 $0x1B8E;
	s24 =	sld [smem:$0x3FFE];
	[sflag:s4] =	ssyncadd.remote.s32 @!p0 $0x1  }
0xb4: {  	s26 =	simm.s32 $execute0_lowered;
	[smem:$0x3FD2] =	sst s25  }
0xb5: {  	s5 =	sshll.u32 s26, $0x1;
	_ =	strace $0x80000055;
	[dreg:$0x1] =	wrdreg $0xFFFFFFFF  }
0xb6: {  	s28 =	simm.s32 $_size_execute0_lowered;
	s3 =	sadd.s32 s3, s5;
	[dreg:$0x0] =	wrdreg $0x0  }
0xb7: {  	s5 =	sshll.u32 s28, $0x1;
	[dreg:$0x2] =	wrdreg s3  }
0xb8: {  	[dreg:$0x3] =	wrdreg s5  }
0xb9: {  	[dreg:$0x4] =	wrdreg $0xC0  }
0xba: {  	_ =	task [dreg:s22], $0x5FFFF  }
0xbb: {  	[dreg:$0x1] =	wrdreg $0xFFFFFFFF  }
0xbc: {  	[dreg:$0x0] =	wrdreg $0x60  }
0xbd: {  	[dreg:$0x2] =	wrdreg s24  }
0xbe: {  	[dreg:$0x3] =	wrdreg $0xB1000  }
0xbf: {  	[dreg:$0x4] =	wrdreg $0x14F000  }
0xc0: {  	[dreg:$0x5] =	wrdreg $0xA  }
0xc1: {  	_ =	task.clear_ibuf [dreg:s22], $0x6FFFF;
	_ =	strace $0x90000055  }
0xc2: {  	s29 =	simm.s32 $0xA;
	_ =	strace $0x80000057  }
0xc3: {  	_ =	swait.ge [sflag:s29], $0x1  }
0xc4: {  	[sflag:s29] =	ssyncadd.s32 $0xFFFFFFFF  }
0xc5: {  	_ =	strace $0x90000057  }
0xc6: {  	_ =	sfence  }
0xc7: {  	s30 =	sld [smem:$0x0];
	_ =	sdelay $0x2  }
0xc8: {  	s31 =	sshll.u32 s1, $0xD;
	s1 =	sshrl.u32 s1, $0x2  }
0xc9: {  	s4 =	sand.u32 $0x4000, s31;
	s1 =	sadd.s32 s1, s30  }
0xca: {  	s0 =	sor.u32 s4, s0;
	s1 =	sshll.u32 s1, $0x11  }
0xcb: {  	s0 =	sor.u32 s1, s0  }
0xcc: {  	s0 =	sadd.s32 $0x8F2B, s0  }
0xcd: {  	[sflag:s0] =	ssyncadd.remote.s32 $0x1  }
0xce: {  	_ =	sfence.sel $0xFFFF  }
0xcf: {  	[dreg:$0x0] =	wrdreg $0xFFFFFFFF;
	(pc) =	sbr.abs _section_cstart, $3  }
0xd0: {  	[dreg:$0x1] =	wrdreg $0xFFFFFFFF  }
0xd1: {  	_ =	task.clear_ibuf [dreg:s22], $0x2FFFF;
	_ =	strace $0x9FFFFFFF  }
0xd2: {  	(tm) =	ssettm $0x7FFFFFFF  }
0xd3: {  	_ =	shalt  }
tec
execute0_lowered:
.L_overlay_start_1:
0x0: {  	(tag) =	ssettag $0x1  }
0x1: {  	s5 =	rddreg [dreg:$0x0]  }
0x2: {  	s12 =	stileid.u32;
	s2 =	rddreg [dreg:$0x1]  }
0x3: {  	s0 =	srdreg.scid;
	s3 =	rddreg [dreg:$0x2];
	s4 =	simm.s32 $0x0  }
0x4: {  	s16 =	simm.s32 $0x80;
	s17 =	simm.s32 $0x5100;
	s18 =	simm.s32 $0x7100  }
0x5: {  	s19 =	simm.s32 $0x100;
	s20 =	simm.s32 $0x9100;
	s21 =	simm.s32 $0x1  }
0x6: {  	s28 =	simm.s32 $0x4F80;
	s29 =	simm.s32 $0x5000;
	s8 =	smul.u32 $0x9C40, s12  }
0x7: {  	s30 =	simm.s32 $0x5080;
	s31 =	simm.s32 $0x0;
	s7 =	smul.u32 $0x9E00, s12  }
0x8: {  	s0 =	sand.u32 $0x1, s0;
	s1 =	sshll.u32 s12, $0x1;
	s6 =	smul.u32 $0x13C0, s12  }
0x9: {  	[smem:$0x7FF] =	sst s4;
	s26 =	sshll.u32 s12, $0x6;
	s1 =	sor.u32 s0, s1  }
0xa: {  	s10 =	smul.u32 $0x13C00, s0;
	_ =	strace $0x80000056;
	s0 =	ssub.s32 $0x2, s0  }
0xb: {  	s13 =	sor.u32 $0x1C07, s26;
	s26 =	simm.s32 $0x6;
	s1 =	smul.u32 $0x510, s1  }
0xc: {  	s9 =	sshrl.u32 s8, $0x3;
	s11 =	sshrl.u32 s7, $0x3;
	s24 =	sshrl.u32 s0, $0x1  }
0xd: {  	s25 =	sadd.s32 s7, s2;
	s15 =	sadd.s32 s8, s3;
	s9 =	sadd.s32 s9, s5  }
0xe: {  	s6 =	sadd.s32 s6, s10;
	s22 =	sadd.s32 s11, s5;
	s0 =	ssub.s32 s0, s24  }
0xf: {  	s11 =	simm.s32 $0x7;
	s14 =	sshrl.u32 s25, $0x3;
	s15 =	sshrl.u32 s15, $0x3  }
0x10: {  	s24 =	simm.s32 $0x5;
	s25 =	simm.s32 $0x3;
	s1 =	sadd.s32 s1, s5  }
0x11: {  	s23 =	sadd.s32 s6, s5;
	s7 =	sadd.s32 $0x55200, s22;
	s8 =	sadd.s32 $0x90000, s9  }
0x12: {  	s10 =	smax.u32 s0, $0x1;
	s22 =	simm.s32 $0x4;
	s5 =	sadd.s32 $0x10400, s1  }
0x13: {  	s6 =	sadd.s32 $0x6200, s1;
	s9 =	sadd.s32 $0xA3A00, s23;
	s23 =	simm.s32 $0x2  }
.LBB2_1:
0x14: {  	[tilespmem:s4], [sflag:$0x7] =	stream.linear.gather [hbm4b:s5+s4], $0x2880, $0x38;
	[tilespmem:$0x1EB40] =	vst v63  }
0x15: {  	_ =	swait.ge [sflag:s11], $0x2880  }
0x16: {  	[sflag:s11] =	ssyncset.done $0x0  }
0x17: {  	s0 =	simm.s32 $0x2880;
	[sflag:s11] =	ssyncadd.s32 $0xFFFFD780  }
0x18: {  	[tilespmem:s0], [sflag:$0x7] =	stream.linear.gather [hbm4b:s6+s4], $0x2880, $0x38;
	[tilespmem:$0x1EB40] =	vst v63  }
0x19: {  	_ =	swait.ge [sflag:s11], $0x2880  }
0x1a: {  	[sflag:s11] =	ssyncset.done $0x0  }
0x1b: {  	[sflag:s11] =	ssyncadd.s32 $0xFFFFD780  }
0x1c: {  	[spmem:s14], [sflag:s13] =	dma.local [hbm:s7], $0x13C0  }
0x1d: {  	_ =	swait.ge [sflag:s11], $0x13C0  }
0x1e: {  	[sflag:s11] =	ssyncset.done $0x0  }
0x1f: {  	[sflag:s11] =	ssyncadd.s32 $0xFFFFEC40  }
0x20: {  	[spmem:s15], [sflag:s13] =	dma.local [hbm:s8], $0x1388  }
0x21: {  	_ =	swait.ge [sflag:s11], $0x1388  }
0x22: {  	[sflag:s11] =	ssyncset.done $0x0  }
0x23: {  	[sflag:s11] =	ssyncadd.s32 $0xFFFFEC78  }
0x24: {  	[bflag:$0x0] =	sbarrier.arrive $0xFFFF  }
0x25: {  	[tilespmem:s17], [sflag:$0x1] =	stream.indirect.gather [spmem:s3], $0x40, s4, s16, $0xb8;
	[tilespmem:$0x1EB40] =	vst v63  }
0x26: {  	_ = 	snop  }
0x27: {  	[tilespmem:s18], [sflag:$0x2] =	stream.indirect.gather [spmem:s3], $0x40, s16, s16, $0xb8;
	[tilespmem:$0x1EB40] =	vst v63  }
0x28: {  	_ = 	snop  }
0x29: {  	[tilespmem:s20], [sflag:$0x3] =	stream.indirect.gather [spmem:s3], $0x40, s19, s16, $0xb8;
	[tilespmem:$0x1EB40] =	vst v63  }
0x2a: {  	_ =	swait.ge [sflag:s21], $0x2000  }
0x2b: {  	[sflag:s21] =	ssyncset.done $0x0  }
0x2c: {  	s12 =	simm.s32 $0x2880;
	[sflag:s21] =	ssyncadd.s32 $0xFFFFE000  }
0x2d: {  	[spmem:s2] =	stream.indirect.scatter.add.f32 [tilespmem:s17], [sflag:$0x4], $0x40, s12, s16, $0xb8;
	[tilespmem:$0x1EB40] =	vst v63  }
0x2e: {  	_ =	swait.ge [sflag:s22], $0x2000  }
0x2f: {  	[sflag:s22] =	ssyncset.done $0x0  }
0x30: {  	s1 =	simm.s32 $0x180;
	[sflag:s22] =	ssyncadd.s32 $0xFFFFE000  }
0x31: {  	[tilespmem:s17], [sflag:$0x1] =	stream.indirect.gather [spmem:s3], $0x40, s1, s16, $0xb8;
	[tilespmem:$0x1EB40] =	vst v63  }
0x32: {  	_ =	swait.ge [sflag:s23], $0x2000  }
0x33: {  	[sflag:s23] =	ssyncset.done $0x0  }
0x34: {  	s12 =	simm.s32 $0x2900;
	[sflag:s23] =	ssyncadd.s32 $0xFFFFE000  }
0x35: {  	[spmem:s2] =	stream.indirect.scatter.add.f32 [tilespmem:s18], [sflag:$0x5], $0x40, s12, s16, $0xb8;
	[tilespmem:$0x1EB40] =	vst v63  }
0x36: {  	_ =	swait.ge [sflag:s24], $0x2000  }
0x37: {  	[sflag:s24] =	ssyncset.done $0x0  }
0x38: {  	s1 =	simm.s32 $0x200;
	[sflag:s24] =	ssyncadd.s32 $0xFFFFE000  }
0x39: {  	[tilespmem:s18], [sflag:$0x2] =	stream.indirect.gather [spmem:s3], $0x40, s1, s16, $0xb8;
	[tilespmem:$0x1EB40] =	vst v63  }
0x3a: {  	_ =	swait.ge [sflag:s25], $0x2000  }
0x3b: {  	[sflag:s25] =	ssyncset.done $0x0  }
0x3c: {  	s12 =	simm.s32 $0x2980;
	[sflag:s25] =	ssyncadd.s32 $0xFFFFE000  }
0x3d: {  	[spmem:s2] =	stream.indirect.scatter.add.f32 [tilespmem:s20], [sflag:$0x6], $0x40, s12, s16, $0xb8;
	[tilespmem:$0x1EB40] =	vst v63  }
0x3e: {  	_ =	swait.ge [sflag:s26], $0x2000  }
0x3f: {  	[sflag:s26] =	ssyncset.done $0x0  }
0x40: {  	s0 =	simm.s32 $0x280;
	s1 =	simm.s32 $0x600;
	[sflag:s26] =	ssyncadd.s32 $0xFFFFE000  }
.LBB2_2:
0x41: {  	[tilespmem:s20], [sflag:$0x3] =	stream.indirect.gather [spmem:s3], $0x40, s0, s16, $0xb8;
	[tilespmem:$0x1EB40] =	vst v63  }
0x42: {  	s0 =	smov.u32 s1  }
0x43: {  	p0 =	sne.s32 s1, $0x9600;
	s1 =	sadd.s32 $0x600, s1;
	_ =	swait.ge [sflag:s21], $0x2000  }
0x44: {  	s0 =	sshra.s32 s0, $0x2;
	[sflag:s21] =	ssyncset.done $0x0  }
0x45: {  	s12 =	sadd.s32 $0x2880, s0;
	[sflag:s21] =	ssyncadd.s32 $0xFFFFE000  }
0x46: {  	[spmem:s2] =	stream.indirect.scatter.add.f32 [tilespmem:s17], [sflag:$0x4], $0x40, s12, s16, $0xb8;
	[tilespmem:$0x1EB40] =	vst v63  }
0x47: {  	_ =	swait.ge [sflag:s22], $0x2000  }
0x48: {  	[sflag:s22] =	ssyncset.done $0x0  }
0x49: {  	s12 =	sadd.s32 $0x180, s0;
	[sflag:s22] =	ssyncadd.s32 $0xFFFFE000  }
0x4a: {  	[tilespmem:s17], [sflag:$0x1] =	stream.indirect.gather [spmem:s3], $0x40, s12, s16, $0xb8;
	[tilespmem:$0x1EB40] =	vst v63  }
0x4b: {  	_ =	swait.ge [sflag:s23], $0x2000  }
0x4c: {  	[sflag:s23] =	ssyncset.done $0x0  }
0x4d: {  	s12 =	sadd.s32 $0x2900, s0;
	[sflag:s23] =	ssyncadd.s32 $0xFFFFE000  }
0x4e: {  	[spmem:s2] =	stream.indirect.scatter.add.f32 [tilespmem:s18], [sflag:$0x5], $0x40, s12, s16, $0xb8;
	[tilespmem:$0x1EB40] =	vst v63  }
0x4f: {  	_ =	swait.ge [sflag:s24], $0x2000  }
0x50: {  	[sflag:s24] =	ssyncset.done $0x0  }
0x51: {  	s12 =	sadd.s32 $0x200, s0;
	[sflag:s24] =	ssyncadd.s32 $0xFFFFE000  }
0x52: {  	[tilespmem:s18], [sflag:$0x2] =	stream.indirect.gather [spmem:s3], $0x40, s12, s16, $0xb8;
	[tilespmem:$0x1EB40] =	vst v63  }
0x53: {  	_ =	swait.ge [sflag:s25], $0x2000  }
0x54: {  	[sflag:s25] =	ssyncset.done $0x0  }
.Ltmp0:
0x55: {  	s12 =	sadd.s32 $0x2980, s0;
	[sflag:s25] =	ssyncadd.s32 $0xFFFFE000;
	(pc) =	sbr.rel @p0 .LBB2_2-.Ltmp0, $4  }
0x56: {  	[spmem:s2] =	stream.indirect.scatter.add.f32 [tilespmem:s20], [sflag:$0x6], $0x40, s12, s16, $0xb8;
	[tilespmem:$0x1EB40] =	vst v63  }
0x57: {  	_ =	swait.ge [sflag:s26], $0x2000  }
0x58: {  	[sflag:s26] =	ssyncset.done $0x0  }
0x59: {  	s0 =	sadd.s32 $0x280, s0;
	[sflag:s26] =	ssyncadd.s32 $0xFFFFE000  }
0x5a: {  	[tilespmem:s20], [sflag:$0x3] =	stream.indirect.gather [spmem:s3], $0x40, s0, s16, $0xb8;
	[tilespmem:$0x1EB40] =	vst v63  }
0x5b: {  	_ =	swait.ge [sflag:s21], $0x2000  }
0x5c: {  	[sflag:s21] =	ssyncset.done $0x0  }
0x5d: {  	[sflag:s21] =	ssyncadd.s32 $0xFFFFE000  }
0x5e: {  	[spmem:s2] =	stream.indirect.scatter.add.f32 [tilespmem:s17], [sflag:$0x4], $0x40, s28, s16, $0xb8;
	[tilespmem:$0x1EB40] =	vst v63  }
0x5f: {  	_ =	swait.ge [sflag:s22], $0x2000  }
0x60: {  	[sflag:s22] =	ssyncset.done $0x0  }
0x61: {  	[sflag:s22] =	ssyncadd.s32 $0xFFFFE000  }
0x62: {  	_ =	swait.ge [sflag:s23], $0x2000  }
0x63: {  	[sflag:s23] =	ssyncset.done $0x0  }
0x64: {  	[sflag:s23] =	ssyncadd.s32 $0xFFFFE000  }
0x65: {  	[spmem:s2] =	stream.indirect.scatter.add.f32 [tilespmem:s18], [sflag:$0x5], $0x40, s29, s16, $0xb8;
	[tilespmem:$0x1EB40] =	vst v63  }
0x66: {  	_ =	swait.ge [sflag:s24], $0x2000  }
0x67: {  	[sflag:s24] =	ssyncset.done $0x0  }
0x68: {  	[sflag:s24] =	ssyncadd.s32 $0xFFFFE000  }
0x69: {  	_ =	swait.ge [sflag:s25], $0x2000  }
0x6a: {  	[sflag:s25] =	ssyncset.done $0x0  }
0x6b: {  	[sflag:s25] =	ssyncadd.s32 $0xFFFFE000  }
0x6c: {  	[spmem:s2] =	stream.indirect.scatter.add.f32 [tilespmem:s20], [sflag:$0x6], $0x40, s30, s16, $0xb8;
	[tilespmem:$0x1EB40] =	vst v63  }
0x6d: {  	_ =	swait.ge [sflag:s26], $0x2000  }
0x6e: {  	s31 =	sadd.s32 $0x1, s31;
	[sflag:s26] =	ssyncset.done $0x0  }
0x6f: {  	p0 =	sne.s32 s31, s10;
	[sflag:s26] =	ssyncadd.s32 $0xFFFFE000  }
.Ltmp1:
0x70: {  	[bflag:$0x0] =	sbarrier.arrive $0xFFFF;
	(pc) =	sbr.rel @p0 .LBB2_1-.Ltmp1, $4  }
0x71: {  	[hbm:s9], [sflag:s13] =	dma.local [spmem:s14], $0x13C0  }
0x72: {  	_ =	swait.ge [sflag:s11], $0x13C0  }
0x73: {  	[sflag:s11] =	ssyncset.done $0x0  }
0x74: {  	[sflag:s11] =	ssyncadd.s32 $0xFFFFEC40  }
0x75: {  	_ =	sfence.sel $0x180000  }
0x76: {  	[bflag:$0x0] =	sbarrier.arrive $0xFFFF  }
0x77: {  	_ =	strace $0x90000056  }
0x78: {  	s0 =	stileid.u32;
	[bflag:$0x2] =	sbarrier.arrive $0xFFFF  }
0x79: {  	p0 =	sne.s32 s0, $0x0;
	s0 =	rddreg [dreg:$0x3]  }
0x7a: {  	s0 =	sadd.s32 @!p0 $0x100000, s0  }
0x7b: {  	[sflag:s0] =	ssyncadd.tile.s32 @!p0 $0x1;
	_ =	shalt  }
.Lfunc_end2:
_tile_overlayer_lowered:
.L_overlay_start_2:
0x7c: {  	(tag) =	ssettag $0x2  }
0x7d: {  	s0 =	rddreg [dreg:$0x0];
	s2 =	stileid.u32  }
0x7e: {  	s1 =	rddreg [dreg:$0x1];
	p0 =	sne.s32 s2, $0x0  }
0x7f: {  	s3 =	rddreg [dreg:$0x2];
	[bflag:$0x3] =	sbarrier.arrive $0xFFFF;
	s2 =	simm.s32 @!p0 $0x1C07  }
0x80: {  	[timem:s3], [sflag:s2] =	dma.local @!p0 [hbm:s0], s1  }
0x81: {  	s0 =	simm.s32 @!p0 $0x7  }
0x82: {  	_ =	swait.ge @!p0 [sflag:s0], s1  }
0x83: {  	s1 =	ssub.s32 @!p0 $0x0, s1;
	[sflag:s0] =	ssyncset.done @!p0 $0x0  }
0x84: {  	[sflag:s0] =	ssyncadd.s32 @!p0 s1  }
0x85: {  	[bflag:$0x3] =	sbarrier.arrive $0xFFFF  }
0x86: {  	_ =	shalt  }

</sc_bundles>
